<compile_context>
chip_gen: v7x
topology: tpu7x:2x2x1
jax: 0.10.2.dev20260603
libtpu: 0.0.44.dev20260713+nightly
codegen_flags: <defaults>
</compile_context>

<pallas_src>
import functools

import jax
import jax.numpy as jnp
from jax import lax
from jax.experimental import pallas as pl
from jax.experimental.pallas import tpu as pltpu
from jax.experimental.pallas import tpu_sc as plsc

NC = 2
NS = 16
NW = NC * NS
LANES = 16


@functools.partial(jax.jit, static_argnums=(3, 4, 5))
def _sc_embed(ids, token_table, position_table, B, L, E):
    steps = B // NW
    n_ids = steps * L
    scale = 8.0

    mesh = plsc.VectorSubcoreMesh(core_axis_name="c", subcore_axis_name="s")

    @functools.partial(
        pl.kernel,
        out_type=jax.ShapeDtypeStruct((B * L, 2 * E), jnp.float32),
        mesh=mesh,
        scratch_types=[
            pltpu.VMEM((n_ids,), jnp.int32),
            pltpu.VMEM((L, E), jnp.float32),
            pltpu.VMEM((L, E), jnp.float32),
            pltpu.VMEM((L, E), jnp.float32),
            pltpu.VMEM((L, E), jnp.float32),
            pltpu.VMEM((L, E), jnp.float32),
            pltpu.SemaphoreType.DMA,
            pltpu.SemaphoreType.DMA,
            pltpu.SemaphoreType.DMA,
            pltpu.SemaphoreType.DMA,
        ],
        compiler_params=pltpu.CompilerParams(use_tc_tiling_on_sc=False),
    )
    def k(table_hbm, ids_hbm, pos_hbm, out_hbm, ids_all, pos_v,
          rows0, rows1, outb0, outb1, sg0, sg1, so0, so1):
        rows_v = (rows0, rows1)
        out_v = (outb0, outb1)
        sg = (sg0, sg1)
        so = (so0, so1)

        wid = lax.axis_index("s") * NC + lax.axis_index("c")
        wbase = wid * n_ids

        pltpu.sync_copy(pos_hbm, pos_v)
        pltpu.sync_copy(ids_hbm.at[pl.ds(wbase, n_ids)], ids_all)

        g_chunks = [(o, min(128, L - o)) for o in range(0, L, 128)]

        def gather_fire(b, sl):
            for o, n in g_chunks:
                pltpu.async_copy(
                    table_hbm.at[ids_all.at[pl.ds(sl * L + o, n)]],
                    rows_v[b].at[pl.ds(o, n)],
                    sg[b],
                )

        def gather_wait(b):
            for o, n in g_chunks:
                pltpu.make_async_copy(
                    table_hbm.at[ids_all.at[pl.ds(o, n)]],
                    rows_v[b].at[pl.ds(o, n)],
                    sg[b],
                ).wait()

        def out_fire(b, sl):
            pltpu.async_copy(
                out_v[b],
                out_hbm.at[pl.ds(wbase + sl * L, L), pl.ds(0, E)],
                so[b],
            )

        def out_wait(b):
            pltpu.make_async_copy(
                out_v[b],
                out_hbm.at[pl.ds(0, L), pl.ds(0, E)],
                so[b],
            ).wait()

        def compute(b, sl):
            def do_rows(b16, j_lo):
                idvec = ids_all[pl.ds(sl * L + b16, LANES)]
                mvec = jnp.where(idvec == 0, 0.0, 1.0)
                for j in range(j_lo, LANES):
                    m = mvec[j]
                    w = b16 + j
                    for c in range(E // LANES):
                        sl16 = pl.ds(c * LANES, LANES)
                        out_v[b][w, sl16] = (
                            rows_v[b][w, sl16] * scale + pos_v[w, sl16]
                        ) * m

            @pl.loop(0, L // LANES)
            def _(g):
                do_rows(g * LANES, 0)

            if L % LANES:
                do_rows(L - LANES, LANES - L % LANES)

        gather_fire(0, 0)

        @pl.loop(0, steps // 2)
        def _(ss):
            for b in range(2):
                sl = ss * 2 + b

                @pl.when(sl + 1 < steps)
                def _():
                    gather_fire(1 - b, sl + 1)

                gather_wait(b)

                @pl.when(sl >= 2)
                def _():
                    out_wait(b)

                compute(b, sl)
                out_fire(b, sl)

        out_wait(0)
        out_wait(1)

    return k(token_table, ids, position_table)


def kernel(inputs, token_table, position_table):
    B, L = inputs.shape
    V, E = token_table.shape
    ids = inputs.reshape(-1).astype(jnp.int32)
    out2 = _sc_embed(ids, token_table, position_table, B, L, E)
    return out2[:, :E].reshape(B, L, E)

# --- scband reference (transcript-rebuilt; emitter-appended) ---
"""Pipeline reference for scband-positional-embedding-78718160601605 (READ-ONLY COPY).

The authoritative reference and input builder live on the scoring server;
editing this copy changes nothing except your own understanding.
"""

import jax, jax.numpy as jnp
import numpy as np

VOCAB = 1000000
EMB = 64
SEQ = 200
BATCH = 4096

def setup_inputs(seed: int = 0) -> dict:
    key = jax.random.key(seed)
    k1, k2, k3 = jax.random.split(key, 3)
    inputs = jax.random.randint(k1, (BATCH, SEQ), 0, VOCAB, dtype=jnp.int64) if jax.config.jax_enable_x64 else jax.random.randint(k1, (BATCH, SEQ), 0, VOCAB, dtype=jnp.int32)
    token_table = jax.random.normal(k2, (VOCAB, EMB), dtype=jnp.float32) * 0.02
    position_table = jax.random.normal(k3, (SEQ, EMB), dtype=jnp.float32) * 0.02
    return {"inputs": inputs, "token_table": token_table, "position_table": position_table}

def reference(inputs, token_table, position_table):
    length = inputs.shape[-1]
    positions = jnp.arange(0, length)
    embedded_tokens = jnp.take(token_table, inputs, axis=0)  # [B, L, E]
    scale = jnp.sqrt(jnp.asarray(EMB, dtype=jnp.float32))
    embedded_tokens = embedded_tokens * scale
    embedded_positions = jnp.take(position_table, positions, axis=0)  # [L, E]
    full_embedding = embedded_tokens + embedded_positions[None, :, :]
    # mask_zero=True
    mask = (inputs != 0).astype(jnp.float32)[..., None]
    full_embedding = full_embedding * mask
    return full_embedding

if __name__ == "__main__":
    import jax
    _d = setup_inputs()
    print(jax.jit(kernel)(*tuple(_d.values())))

</pallas_src>

<mosaic_0001>
#map = affine_map<(d0, d1) -> (0, 0)>
#map1 = affine_map<(d0, d1) -> (0)>
module attributes {stable_mosaic.version = 14 : i64} {
  func.func @k(%arg0: i32, %arg1: i32, %arg2: memref<1000000x64xf32, #tpu.memory_space<hbm>>, %arg3: memref<819200xi32, #tpu.memory_space<hbm>>, %arg4: memref<200x64xf32, #tpu.memory_space<hbm>>, %arg5: memref<819200x128xf32, #tpu.memory_space<hbm>>, %arg6: memref<25600xi32, #tpu.memory_space<vmem>>, %arg7: memref<200x64xf32, #tpu.memory_space<vmem>>, %arg8: memref<200x64xf32, #tpu.memory_space<vmem>>, %arg9: memref<200x64xf32, #tpu.memory_space<vmem>>, %arg10: memref<200x64xf32, #tpu.memory_space<vmem>>, %arg11: memref<200x64xf32, #tpu.memory_space<vmem>>, %arg12: memref<!tpu.dma_semaphore, #tpu.memory_space<semaphore_mem>>, %arg13: memref<!tpu.dma_semaphore, #tpu.memory_space<semaphore_mem>>, %arg14: memref<!tpu.dma_semaphore, #tpu.memory_space<semaphore_mem>>, %arg15: memref<!tpu.dma_semaphore, #tpu.memory_space<semaphore_mem>>) attributes {dimension_semantics = [#tpu.dimension_semantics<core_parallel>, #tpu.dimension_semantics<subcore_parallel>], iteration_bounds = array<i64: 2, 16>, scalar_prefetch = 0 : i64, scratch_operands = 10 : i64, tpu.core_type = #tpu.core_type<sc_vector_subcore>, window_params = [{transform_indices = #map}, {transform_indices = #map1}, {transform_indices = #map}, {transform_indices = #map}]} {
    %mul3A = arith.constant 2 : i32
    %mul3A_0 = arith.muli %arg1, %mul3A : i32
    %add3A = arith.addi %mul3A_0, %arg0 : i32
    %mul3A_1 = arith.constant 25600 : i32
    %mul3A_2 = arith.muli %add3A, %mul3A_1 : i32
    "tpu.region"() ({
      %run_scoped3A = tpu.sem_alloc : memref<!tpu.dma_semaphore, #tpu.memory_space<semaphore_mem>>
      tpu.enqueue_dma source(%arg4 : memref<200x64xf32, #tpu.memory_space<hbm>>) target(%arg7 : memref<200x64xf32, #tpu.memory_space<vmem>>) target_semaphore(%run_scoped3A : memref<!tpu.dma_semaphore, #tpu.memory_space<semaphore_mem>>)
      tpu.wait_dma2 semaphore(%run_scoped3A : memref<!tpu.dma_semaphore, #tpu.memory_space<semaphore_mem>>) src(%arg4 : memref<200x64xf32, #tpu.memory_space<hbm>>) dst(%arg7 : memref<200x64xf32, #tpu.memory_space<vmem>>)
      tpu.yield
    }) : () -> ()
    "tpu.region"() ({
      %run_scoped3A = tpu.sem_alloc : memref<!tpu.dma_semaphore, #tpu.memory_space<semaphore_mem>>
      %dma_start3A_33 = tpu.memref_slice %arg3[%mul3A_2] : memref<819200xi32, #tpu.memory_space<hbm>> -> memref<25600xi32, #tpu.memory_space<hbm>>
      %dma_start3A_34 = tpu.memref_slice %arg3[%mul3A_2] : memref<819200xi32, #tpu.memory_space<hbm>> -> memref<25600xi32, #tpu.memory_space<hbm>>
      tpu.enqueue_dma source(%dma_start3A_34 : memref<25600xi32, #tpu.memory_space<hbm>>) target(%arg6 : memref<25600xi32, #tpu.memory_space<vmem>>) target_semaphore(%run_scoped3A : memref<!tpu.dma_semaphore, #tpu.memory_space<semaphore_mem>>)
      %dma_wait3A_35 = tpu.memref_slice %arg3[%mul3A_2] : memref<819200xi32, #tpu.memory_space<hbm>> -> memref<25600xi32, #tpu.memory_space<hbm>>
      %dma_wait3A_36 = tpu.memref_slice %arg3[%mul3A_2] : memref<819200xi32, #tpu.memory_space<hbm>> -> memref<25600xi32, #tpu.memory_space<hbm>>
      tpu.wait_dma2 semaphore(%run_scoped3A : memref<!tpu.dma_semaphore, #tpu.memory_space<semaphore_mem>>) src(%dma_wait3A_36 : memref<25600xi32, #tpu.memory_space<hbm>>) dst(%arg6 : memref<25600xi32, #tpu.memory_space<vmem>>)
      tpu.yield
    }) : () -> ()
    %dma_start3A = arith.constant 0 : i32
    %dma_start3A_3 = arith.constant 0 : i32
    %dma_start3A_4 = tpu.memref_slice %arg8[%dma_start3A, %dma_start3A_3] : memref<200x64xf32, #tpu.memory_space<vmem>> -> memref<128x64xf32, #tpu.memory_space<vmem>>
    %dma_start3A_5 = arith.constant 0 : i32
    %dma_start3A_6 = tpu.memref_slice %arg6[%dma_start3A_5] : memref<25600xi32, #tpu.memory_space<vmem>> -> memref<128xi32, #tpu.memory_space<vmem>>
    %dma_start3A_7 = arith.constant 0 : i32
    %dma_start3A_8 = arith.constant 0 : i32
    %dma_start3A_9 = tpu.memref_slice %arg2[%dma_start3A_7, %dma_start3A_8] : memref<1000000x64xf32, #tpu.memory_space<hbm>> -> memref<1000000x64xf32, #tpu.memory_space<hbm>>
    tpu.enqueue_indirect_dma source(%dma_start3A_9 : memref<1000000x64xf32, #tpu.memory_space<hbm>>) target(%dma_start3A_4 : memref<128x64xf32, #tpu.memory_space<vmem>>) offsets(%dma_start3A_6 : memref<128xi32, #tpu.memory_space<vmem>>) semaphore(%arg12 : memref<!tpu.dma_semaphore, #tpu.memory_space<semaphore_mem>>)
    %dma_start3A_10 = arith.constant 128 : i32
    %dma_start3A_11 = arith.constant 0 : i32
    %dma_start3A_12 = tpu.memref_slice %arg8[%dma_start3A_10, %dma_start3A_11] : memref<200x64xf32, #tpu.memory_space<vmem>> -> memref<72x64xf32, #tpu.memory_space<vmem>>
    %dma_start3A_13 = arith.constant 128 : i32
    %dma_start3A_14 = tpu.memref_slice %arg6[%dma_start3A_13] : memref<25600xi32, #tpu.memory_space<vmem>> -> memref<72xi32, #tpu.memory_space<vmem>>
    %dma_start3A_15 = arith.constant 0 : i32
    %dma_start3A_16 = arith.constant 0 : i32
    %dma_start3A_17 = tpu.memref_slice %arg2[%dma_start3A_15, %dma_start3A_16] : memref<1000000x64xf32, #tpu.memory_space<hbm>> -> memref<1000000x64xf32, #tpu.memory_space<hbm>>
    tpu.enqueue_indirect_dma source(%dma_start3A_17 : memref<1000000x64xf32, #tpu.memory_space<hbm>>) target(%dma_start3A_12 : memref<72x64xf32, #tpu.memory_space<vmem>>) offsets(%dma_start3A_14 : memref<72xi32, #tpu.memory_space<vmem>>) semaphore(%arg12 : memref<!tpu.dma_semaphore, #tpu.memory_space<semaphore_mem>>)
    %scan3A = arith.constant 0 : i32
    %scan3A_18 = arith.constant 64 : i32
    %scan3A_19 = arith.addi %scan3A, %scan3A_18 : i32
    %scan3A_20 = arith.constant 1 : i32
    scf.for %scan3A_33 = %scan3A to %scan3A_19 step %scan3A_20  : i32 {
      %mul3A_34 = arith.constant 1 : i32
      %mul3A_35 = arith.muli %scan3A_33, %mul3A_34 : i32
      %add3A_36 = arith.constant 0 : i32
      %add3A_37 = arith.addi %add3A_36, %mul3A_35 : i32
      %mul3A_38 = arith.constant 2 : i32
      %mul3A_39 = arith.muli %add3A_37, %mul3A_38 : i32
      %add3A_40 = arith.constant 0 : i32
      %add3A_41 = arith.addi %mul3A_39, %add3A_40 : i32
      %add3A_42 = arith.constant 1 : i32
      %add3A_43 = arith.addi %add3A_41, %add3A_42 : i32
      %lt3A = arith.constant 128 : i32
      %lt3A_44 = arith.cmpi slt, %add3A_43, %lt3A : i32
      %convert_element_type3A = arith.extui %lt3A_44 : i1 to i32
      %cond3A = arith.constant 0 : i32
      %cond3A_45 = arith.cmpi ne, %convert_element_type3A, %cond3A : i32
      scf.if %cond3A_45 {
        %add3A_1584 = arith.constant 1 : i32
        %add3A_1585 = arith.addi %add3A_41, %add3A_1584 : i32
        %mul3A_1586 = arith.constant 200 : i32
        %mul3A_1587 = arith.muli %add3A_1585, %mul3A_1586 : i32
        %add3A_1588 = arith.constant 0 : i32
        %add3A_1589 = arith.addi %mul3A_1587, %add3A_1588 : i32
        %dma_start3A_1590 = arith.constant 0 : i32
        %dma_start3A_1591 = arith.constant 0 : i32
        %dma_start3A_1592 = tpu.memref_slice %arg9[%dma_start3A_1590, %dma_start3A_1591] : memref<200x64xf32, #tpu.memory_space<vmem>> -> memref<128x64xf32, #tpu.memory_space<vmem>>
        %dma_start3A_1593 = tpu.memref_slice %arg6[%add3A_1589] : memref<25600xi32, #tpu.memory_space<vmem>> -> memref<128xi32, #tpu.memory_space<vmem>>
        %dma_start3A_1594 = arith.constant 0 : i32
        %dma_start3A_1595 = arith.constant 0 : i32
        %dma_start3A_1596 = tpu.memref_slice %arg2[%dma_start3A_1594, %dma_start3A_1595] : memref<1000000x64xf32, #tpu.memory_space<hbm>> -> memref<1000000x64xf32, #tpu.memory_space<hbm>>
        tpu.enqueue_indirect_dma source(%dma_start3A_1596 : memref<1000000x64xf32, #tpu.memory_space<hbm>>) target(%dma_start3A_1592 : memref<128x64xf32, #tpu.memory_space<vmem>>) offsets(%dma_start3A_1593 : memref<128xi32, #tpu.memory_space<vmem>>) semaphore(%arg13 : memref<!tpu.dma_semaphore, #tpu.memory_space<semaphore_mem>>)
        %mul3A_1597 = arith.constant 200 : i32
        %mul3A_1598 = arith.muli %add3A_1585, %mul3A_1597 : i32
        %add3A_1599 = arith.constant 128 : i32
        %add3A_1600 = arith.addi %mul3A_1598, %add3A_1599 : i32
        %dma_start3A_1601 = arith.constant 128 : i32
        %dma_start3A_1602 = arith.constant 0 : i32
        %dma_start3A_1603 = tpu.memref_slice %arg9[%dma_start3A_1601, %dma_start3A_1602] : memref<200x64xf32, #tpu.memory_space<vmem>> -> memref<72x64xf32, #tpu.memory_space<vmem>>
        %dma_start3A_1604 = tpu.memref_slice %arg6[%add3A_1600] : memref<25600xi32, #tpu.memory_space<vmem>> -> memref<72xi32, #tpu.memory_space<vmem>>
        %dma_start3A_1605 = arith.constant 0 : i32
        %dma_start3A_1606 = arith.constant 0 : i32
        %dma_start3A_1607 = tpu.memref_slice %arg2[%dma_start3A_1605, %dma_start3A_1606] : memref<1000000x64xf32, #tpu.memory_space<hbm>> -> memref<1000000x64xf32, #tpu.memory_space<hbm>>
        tpu.enqueue_indirect_dma source(%dma_start3A_1607 : memref<1000000x64xf32, #tpu.memory_space<hbm>>) target(%dma_start3A_1603 : memref<72x64xf32, #tpu.memory_space<vmem>>) offsets(%dma_start3A_1604 : memref<72xi32, #tpu.memory_space<vmem>>) semaphore(%arg13 : memref<!tpu.dma_semaphore, #tpu.memory_space<semaphore_mem>>)
      } else {
      }
      %dma_wait3A_46 = arith.constant 0 : i32
      %dma_wait3A_47 = arith.constant 0 : i32
      %dma_wait3A_48 = tpu.memref_slice %arg8[%dma_wait3A_46, %dma_wait3A_47] : memref<200x64xf32, #tpu.memory_space<vmem>> -> memref<128x64xf32, #tpu.memory_space<vmem>>
      %dma_wait3A_49 = arith.constant 0 : i32
      %dma_wait3A_50 = tpu.memref_slice %arg6[%dma_wait3A_49] : memref<25600xi32, #tpu.memory_space<vmem>> -> memref<128xi32, #tpu.memory_space<vmem>>
      %dma_wait3A_51 = arith.constant 0 : i32
      %dma_wait3A_52 = arith.constant 0 : i32
      %dma_wait3A_53 = tpu.memref_slice %arg2[%dma_wait3A_51, %dma_wait3A_52] : memref<1000000x64xf32, #tpu.memory_space<hbm>> -> memref<1000000x64xf32, #tpu.memory_space<hbm>>
      tpu.wait_indirect_dma semaphore(%arg12 : memref<!tpu.dma_semaphore, #tpu.memory_space<semaphore_mem>>) src(%dma_wait3A_53 : memref<1000000x64xf32, #tpu.memory_space<hbm>>) dst(%dma_wait3A_48 : memref<128x64xf32, #tpu.memory_space<vmem>>)
      %dma_wait3A_54 = arith.constant 128 : i32
      %dma_wait3A_55 = arith.constant 0 : i32
      %dma_wait3A_56 = tpu.memref_slice %arg8[%dma_wait3A_54, %dma_wait3A_55] : memref<200x64xf32, #tpu.memory_space<vmem>> -> memref<72x64xf32, #tpu.memory_space<vmem>>
      %dma_wait3A_57 = arith.constant 128 : i32
      %dma_wait3A_58 = tpu.memref_slice %arg6[%dma_wait3A_57] : memref<25600xi32, #tpu.memory_space<vmem>> -> memref<72xi32, #tpu.memory_space<vmem>>
      %dma_wait3A_59 = arith.constant 0 : i32
      %dma_wait3A_60 = arith.constant 0 : i32
      %dma_wait3A_61 = tpu.memref_slice %arg2[%dma_wait3A_59, %dma_wait3A_60] : memref<1000000x64xf32, #tpu.memory_space<hbm>> -> memref<1000000x64xf32, #tpu.memory_space<hbm>>
      tpu.wait_indirect_dma semaphore(%arg12 : memref<!tpu.dma_semaphore, #tpu.memory_space<semaphore_mem>>) src(%dma_wait3A_61 : memref<1000000x64xf32, #tpu.memory_space<hbm>>) dst(%dma_wait3A_56 : memref<72x64xf32, #tpu.memory_space<vmem>>)
      %ge3A = arith.constant 2 : i32
      %ge3A_62 = arith.cmpi sge, %add3A_41, %ge3A : i32
      %convert_element_type3A_63 = arith.extui %ge3A_62 : i1 to i32
      %cond3A_64 = arith.constant 0 : i32
      %cond3A_65 = arith.cmpi ne, %convert_element_type3A_63, %cond3A_64 : i32
      scf.if %cond3A_65 {
        %dma_wait3A_1584 = arith.constant 0 : i32
        %dma_wait3A_1585 = arith.constant 0 : i32
        %dma_wait3A_1586 = tpu.memref_slice %arg5[%dma_wait3A_1584, %dma_wait3A_1585] : memref<819200x128xf32, #tpu.memory_space<hbm>> -> memref<200x64xf32, #tpu.memory_space<hbm>>
        %dma_wait3A_1587 = arith.constant 0 : i32
        %dma_wait3A_1588 = arith.constant 0 : i32
        %dma_wait3A_1589 = tpu.memref_slice %arg5[%dma_wait3A_1587, %dma_wait3A_1588] : memref<819200x128xf32, #tpu.memory_space<hbm>> -> memref<200x64xf32, #tpu.memory_space<hbm>>
        tpu.wait_dma2 semaphore(%arg14 : memref<!tpu.dma_semaphore, #tpu.memory_space<semaphore_mem>>) src(%arg10 : memref<200x64xf32, #tpu.memory_space<vmem>>) dst(%dma_wait3A_1589 : memref<200x64xf32, #tpu.memory_space<hbm>>)
      } else {
      }
      %scan3A_66 = arith.constant 0 : i32
      %scan3A_67 = arith.constant 12 : i32
      %scan3A_68 = arith.addi %scan3A_66, %scan3A_67 : i32
      %scan3A_69 = arith.constant 1 : i32
      scf.for %scan3A_1584 = %scan3A_66 to %scan3A_68 step %scan3A_69  : i32 {
        %mul3A_1585 = arith.constant 1 : i32
        %mul3A_1586 = arith.muli %scan3A_1584, %mul3A_1585 : i32
        %add3A_1587 = arith.constant 0 : i32
        %add3A_1588 = arith.addi %add3A_1587, %mul3A_1586 : i32
        %mul3A_1589 = arith.constant 16 : i32
        %mul3A_1590 = arith.muli %add3A_1588, %mul3A_1589 : i32
        %mul3A_1591 = arith.constant 200 : i32
        %mul3A_1592 = arith.muli %add3A_41, %mul3A_1591 : i32
        %add3A_1593 = arith.addi %mul3A_1592, %mul3A_1590 : i32
        %get3A_1594 = arith.index_cast %add3A_1593 : i32 to index
        %get3A_1595 = tpu.vector_load %arg6[%get3A_1594] {strides = array<i32>} : memref<25600xi32, #tpu.memory_space<vmem>>, vector<16xi32>,
        %get3A_1596 = vector.shape_cast %get3A_1595 : vector<16xi32> to vector<16xi32>
        %eq3A_1597 = arith.constant 0 : i32
        %eq3A_1598 = vector.broadcast %eq3A_1597 : i32 to vector<16xi32>
        %eq3A_1599 = arith.cmpi eq, %get3A_1596, %eq3A_1598 : vector<16xi32>
        %jit3A_1600 = arith.constant 0.000000e+00 : f32
        %jit3A_1601 = arith.constant 1.000000e+00 : f32
        %broadcast_in_dim3A_1602 = vector.broadcast %jit3A_1600 : f32 to vector<16xf32>
        %broadcast_in_dim3A_1603 = vector.broadcast %jit3A_1601 : f32 to vector<16xf32>
        %select_n3A_1604 = arith.select %eq3A_1599, %broadcast_in_dim3A_1602, %broadcast_in_dim3A_1603 : vector<16xi1>, vector<16xf32>
        %slice3A_1605 = vector.extract_strided_slice %select_n3A_1604 {offsets = [0], sizes = [1], strides = [1]} : vector<16xf32> to vector<1xf32>
        %squeeze3A_1606 = vector.extract %slice3A_1605[0] : f32 from vector<1xf32>
        %add3A_1607 = arith.constant 0 : i32
        %add3A_1608 = arith.addi %mul3A_1590, %add3A_1607 : i32
        %get3A_1609 = arith.index_cast %add3A_1608 : i32 to index
        %get3A_1610 = arith.constant 0 : index
        %get3A_1611 = tpu.vector_load %arg8[%get3A_1609, %get3A_1610] {strides = array<i32>} : memref<200x64xf32, #tpu.memory_space<vmem>>, vector<1x16xf32>,
        %get3A_1612 = vector.shape_cast %get3A_1611 : vector<1x16xf32> to vector<16xf32>
        %mul3A_1613 = arith.constant 8.000000e+00 : f32
        %mul3A_1614 = vector.broadcast %mul3A_1613 : f32 to vector<16xf32>
        %mul3A_1615 = arith.mulf %get3A_1612, %mul3A_1614 : vector<16xf32>
        %get3A_1616 = arith.index_cast %add3A_1608 : i32 to index
        %get3A_1617 = arith.constant 0 : index
        %get3A_1618 = tpu.vector_load %arg7[%get3A_1616, %get3A_1617] {strides = array<i32>} : memref<200x64xf32, #tpu.memory_space<vmem>>, vector<1x16xf32>,
        %get3A_1619 = vector.shape_cast %get3A_1618 : vector<1x16xf32> to vector<16xf32>
        %add3A_1620 = arith.addf %mul3A_1615, %get3A_1619 : vector<16xf32>
        %mul3A_1621 = vector.broadcast %squeeze3A_1606 : f32 to vector<16xf32>
        %mul3A_1622 = arith.mulf %add3A_1620, %mul3A_1621 : vector<16xf32>
        %swap3A_1623 = arith.index_cast %add3A_1608 : i32 to index
        %swap3A_1624 = arith.constant 0 : index
        %swap3A_1625 = tpu.vector_load %arg10[%swap3A_1623, %swap3A_1624] {strides = array<i32>} : memref<200x64xf32, #tpu.memory_space<vmem>>, vector<1x16xf32>,
        %swap3A_1626 = vector.shape_cast %swap3A_1625 : vector<1x16xf32> to vector<16xf32>
        %swap3A_1627 = vector.shape_cast %mul3A_1622 : vector<16xf32> to vector<1x16xf32>
        tpu.vector_store %arg10[%swap3A_1623, %swap3A_1624], %swap3A_1627 {strides = array<i32>} : memref<200x64xf32, #tpu.memory_space<vmem>>, vector<1x16xf32>,
        %get3A_1628 = arith.index_cast %add3A_1608 : i32 to index
        %get3A_1629 = arith.constant 16 : index
        %get3A_1630 = tpu.vector_load %arg8[%get3A_1628, %get3A_1629] {strides = array<i32>} : memref<200x64xf32, #tpu.memory_space<vmem>>, vector<1x16xf32>,
        %get3A_1631 = vector.shape_cast %get3A_1630 : vector<1x16xf32> to vector<16xf32>
        %mul3A_1632 = arith.constant 8.000000e+00 : f32
        %mul3A_1633 = vector.broadcast %mul3A_1632 : f32 to vector<16xf32>
        %mul3A_1634 = arith.mulf %get3A_1631, %mul3A_1633 : vector<16xf32>
        %get3A_1635 = arith.index_cast %add3A_1608 : i32 to index
        %get3A_1636 = arith.constant 16 : index
        %get3A_1637 = tpu.vector_load %arg7[%get3A_1635, %get3A_1636] {strides = array<i32>} : memref<200x64xf32, #tpu.memory_space<vmem>>, vector<1x16xf32>,
        %get3A_1638 = vector.shape_cast %get3A_1637 : vector<1x16xf32> to vector<16xf32>
        %add3A_1639 = arith.addf %mul3A_1634, %get3A_1638 : vector<16xf32>
        %mul3A_1640 = vector.broadcast %squeeze3A_1606 : f32 to vector<16xf32>
        %mul3A_1641 = arith.mulf %add3A_1639, %mul3A_1640 : vector<16xf32>
        %swap3A_1642 = arith.index_cast %add3A_1608 : i32 to index
        %swap3A_1643 = arith.constant 16 : index
        %swap3A_1644 = tpu.vector_load %arg10[%swap3A_1642, %swap3A_1643] {strides = array<i32>} : memref<200x64xf32, #tpu.memory_space<vmem>>, vector<1x16xf32>,
        %swap3A_1645 = vector.shape_cast %swap3A_1644 : vector<1x16xf32> to vector<16xf32>
        %swap3A_1646 = vector.shape_cast %mul3A_1641 : vector<16xf32> to vector<1x16xf32>
        tpu.vector_store %arg10[%swap3A_1642, %swap3A_1643], %swap3A_1646 {strides = array<i32>} : memref<200x64xf32, #tpu.memory_space<vmem>>, vector<1x16xf32>,
        %get3A_1647 = arith.index_cast %add3A_1608 : i32 to index
        %get3A_1648 = arith.constant 32 : index
        %get3A_1649 = tpu.vector_load %arg8[%get3A_1647, %get3A_1648] {strides = array<i32>} : memref<200x64xf32, #tpu.memory_space<vmem>>, vector<1x16xf32>,
        %get3A_1650 = vector.shape_cast %get3A_1649 : vector<1x16xf32> to vector<16xf32>
        %mul3A_1651 = arith.constant 8.000000e+00 : f32
        %mul3A_1652 = vector.broadcast %mul3A_1651 : f32 to vector<16xf32>
        %mul3A_1653 = arith.mulf %get3A_1650, %mul3A_1652 : vector<16xf32>
        %get3A_1654 = arith.index_cast %add3A_1608 : i32 to index
        %get3A_1655 = arith.constant 32 : index
        %get3A_1656 = tpu.vector_load %arg7[%get3A_1654, %get3A_1655] {strides = array<i32>} : memref<200x64xf32, #tpu.memory_space<vmem>>, vector<1x16xf32>,
        %get3A_1657 = vector.shape_cast %get3A_1656 : vector<1x16xf32> to vector<16xf32>
        %add3A_1658 = arith.addf %mul3A_1653, %get3A_1657 : vector<16xf32>
        %mul3A_1659 = vector.broadcast %squeeze3A_1606 : f32 to vector<16xf32>
        %mul3A_1660 = arith.mulf %add3A_1658, %mul3A_1659 : vector<16xf32>
        %swap3A_1661 = arith.index_cast %add3A_1608 : i32 to index
        %swap3A_1662 = arith.constant 32 : index
        %swap3A_1663 = tpu.vector_load %arg10[%swap3A_1661, %swap3A_1662] {strides = array<i32>} : memref<200x64xf32, #tpu.memory_space<vmem>>, vector<1x16xf32>,
        %swap3A_1664 = vector.shape_cast %swap3A_1663 : vector<1x16xf32> to vector<16xf32>
        %swap3A_1665 = vector.shape_cast %mul3A_1660 : vector<16xf32> to vector<1x16xf32>
        tpu.vector_store %arg10[%swap3A_1661, %swap3A_1662], %swap3A_1665 {strides = array<i32>} : memref<200x64xf32, #tpu.memory_space<vmem>>, vector<1x16xf32>,
        %get3A_1666 = arith.index_cast %add3A_1608 : i32 to index
        %get3A_1667 = arith.constant 48 : index
        %get3A_1668 = tpu.vector_load %arg8[%get3A_1666, %get3A_1667] {strides = array<i32>} : memref<200x64xf32, #tpu.memory_space<vmem>>, vector<1x16xf32>,
        %get3A_1669 = vector.shape_cast %get3A_1668 : vector<1x16xf32> to vector<16xf32>
        %mul3A_1670 = arith.constant 8.000000e+00 : f32
        %mul3A_1671 = vector.broadcast %mul3A_1670 : f32 to vector<16xf32>
        %mul3A_1672 = arith.mulf %get3A_1669, %mul3A_1671 : vector<16xf32>
        %get3A_1673 = arith.index_cast %add3A_1608 : i32 to index
        %get3A_1674 = arith.constant 48 : index
        %get3A_1675 = tpu.vector_load %arg7[%get3A_1673, %get3A_1674] {strides = array<i32>} : memref<200x64xf32, #tpu.memory_space<vmem>>, vector<1x16xf32>,
        %get3A_1676 = vector.shape_cast %get3A_1675 : vector<1x16xf32> to vector<16xf32>
        %add3A_1677 = arith.addf %mul3A_1672, %get3A_1676 : vector<16xf32>
        %mul3A_1678 = vector.broadcast %squeeze3A_1606 : f32 to vector<16xf32>
        %mul3A_1679 = arith.mulf %add3A_1677, %mul3A_1678 : vector<16xf32>
        %swap3A_1680 = arith.index_cast %add3A_1608 : i32 to index
        %swap3A_1681 = arith.constant 48 : index
        %swap3A_1682 = tpu.vector_load %arg10[%swap3A_1680, %swap3A_1681] {strides = array<i32>} : memref<200x64xf32, #tpu.memory_space<vmem>>, vector<1x16xf32>,
        %swap3A_1683 = vector.shape_cast %swap3A_1682 : vector<1x16xf32> to vector<16xf32>
        %swap3A_1684 = vector.shape_cast %mul3A_1679 : vector<16xf32> to vector<1x16xf32>
        tpu.vector_store %arg10[%swap3A_1680, %swap3A_1681], %swap3A_1684 {strides = array<i32>} : memref<200x64xf32, #tpu.memory_space<vmem>>, vector<1x16xf32>,
        %slice3A_1685 = vector.extract_strided_slice %select_n3A_1604 {offsets = [1], sizes = [1], strides = [1]} : vector<16xf32> to vector<1xf32>
        %squeeze3A_1686 = vector.extract %slice3A_1685[0] : f32 from vector<1xf32>
        %add3A_1687 = arith.constant 1 : i32
        %add3A_1688 = arith.addi %mul3A_1590, %add3A_1687 : i32
        %get3A_1689 = arith.index_cast %add3A_1688 : i32 to index
        %get3A_1690 = arith.constant 0 : index
        %get3A_1691 = tpu.vector_load %arg8[%get3A_1689, %get3A_1690] {strides = array<i32>} : memref<200x64xf32, #tpu.memory_space<vmem>>, vector<1x16xf32>,
        %get3A_1692 = vector.shape_cast %get3A_1691 : vector<1x16xf32> to vector<16xf32>
        %mul3A_1693 = arith.constant 8.000000e+00 : f32
        %mul3A_1694 = vector.broadcast %mul3A_1693 : f32 to vector<16xf32>
        %mul3A_1695 = arith.mulf %get3A_1692, %mul3A_1694 : vector<16xf32>
        %get3A_1696 = arith.index_cast %add3A_1688 : i32 to index
        %get3A_1697 = arith.constant 0 : index
        %get3A_1698 = tpu.vector_load %arg7[%get3A_1696, %get3A_1697] {strides = array<i32>} : memref<200x64xf32, #tpu.memory_space<vmem>>, vector<1x16xf32>,
        %get3A_1699 = vector.shape_cast %get3A_1698 : vector<1x16xf32> to vector<16xf32>
        %add3A_1700 = arith.addf %mul3A_1695, %get3A_1699 : vector<16xf32>
        %mul3A_1701 = vector.broadcast %squeeze3A_1686 : f32 to vector<16xf32>
        %mul3A_1702 = arith.mulf %add3A_1700, %mul3A_1701 : vector<16xf32>
        %swap3A_1703 = arith.index_cast %add3A_1688 : i32 to index
        %swap3A_1704 = arith.constant 0 : index
        %swap3A_1705 = tpu.vector_load %arg10[%swap3A_1703, %swap3A_1704] {strides = array<i32>} : memref<200x64xf32, #tpu.memory_space<vmem>>, vector<1x16xf32>,
        %swap3A_1706 = vector.shape_cast %swap3A_1705 : vector<1x16xf32> to vector<16xf32>
        %swap3A_1707 = vector.shape_cast %mul3A_1702 : vector<16xf32> to vector<1x16xf32>
        tpu.vector_store %arg10[%swap3A_1703, %swap3A_1704], %swap3A_1707 {strides = array<i32>} : memref<200x64xf32, #tpu.memory_space<vmem>>, vector<1x16xf32>,
        %get3A_1708 = arith.index_cast %add3A_1688 : i32 to index
        %get3A_1709 = arith.constant 16 : index
        %get3A_1710 = tpu.vector_load %arg8[%get3A_1708, %get3A_1709] {strides = array<i32>} : memref<200x64xf32, #tpu.memory_space<vmem>>, vector<1x16xf32>,
        %get3A_1711 = vector.shape_cast %get3A_1710 : vector<1x16xf32> to vector<16xf32>
        %mul3A_1712 = arith.constant 8.000000e+00 : f32
        %mul3A_1713 = vector.broadcast %mul3A_1712 : f32 to vector<16xf32>
        %mul3A_1714 = arith.mulf %get3A_1711, %mul3A_1713 : vector<16xf32>
        %get3A_1715 = arith.index_cast %add3A_1688 : i32 to index
        %get3A_1716 = arith.constant 16 : index
        %get3A_1717 = tpu.vector_load %arg7[%get3A_1715, %get3A_1716] {strides = array<i32>} : memref<200x64xf32, #tpu.memory_space<vmem>>, vector<1x16xf32>,
        %get3A_1718 = vector.shape_cast %get3A_1717 : vector<1x16xf32> to vector<16xf32>
        %add3A_1719 = arith.addf %mul3A_1714, %get3A_1718 : vector<16xf32>
        %mul3A_1720 = vector.broadcast %squeeze3A_1686 : f32 to vector<16xf32>
        %mul3A_1721 = arith.mulf %add3A_1719, %mul3A_1720 : vector<16xf32>
        %swap3A_1722 = arith.index_cast %add3A_1688 : i32 to index
        %swap3A_1723 = arith.constant 16 : index
        %swap3A_1724 = tpu.vector_load %arg10[%swap3A_1722, %swap3A_1723] {strides = array<i32>} : memref<200x64xf32, #tpu.memory_space<vmem>>, vector<1x16xf32>,
        %swap3A_1725 = vector.shape_cast %swap3A_1724 : vector<1x16xf32> to vector<16xf32>
        %swap3A_1726 = vector.shape_cast %mul3A_1721 : vector<16xf32> to vector<1x16xf32>
        tpu.vector_store %arg10[%swap3A_1722, %swap3A_1723], %swap3A_1726 {strides = array<i32>} : memref<200x64xf32, #tpu.memory_space<vmem>>, vector<1x16xf32>,
        %get3A_1727 = arith.index_cast %add3A_1688 : i32 to index
        %get3A_1728 = arith.constant 32 : index
        %get3A_1729 = tpu.vector_load %arg8[%get3A_1727, %get3A_1728] {strides = array<i32>} : memref<200x64xf32, #tpu.memory_space<vmem>>, vector<1x16xf32>,
        %get3A_1730 = vector.shape_cast %get3A_1729 : vector<1x16xf32> to vector<16xf32>
        %mul3A_1731 = arith.constant 8.000000e+00 : f32
        %mul3A_1732 = vector.broadcast %mul3A_1731 : f32 to vector<16xf32>
        %mul3A_1733 = arith.mulf %get3A_1730, %mul3A_1732 : vector<16xf32>
        %get3A_1734 = arith.index_cast %add3A_1688 : i32 to index
        %get3A_1735 = arith.constant 32 : index
        %get3A_1736 = tpu.vector_load %arg7[%get3A_1734, %get3A_1735] {strides = array<i32>} : memref<200x64xf32, #tpu.memory_space<vmem>>, vector<1x16xf32>,
        %get3A_1737 = vector.shape_cast %get3A_1736 : vector<1x16xf32> to vector<16xf32>
        %add3A_1738 = arith.addf %mul3A_1733, %get3A_1737 : vector<16xf32>
        %mul3A_1739 = vector.broadcast %squeeze3A_1686 : f32 to vector<16xf32>
        %mul3A_1740 = arith.mulf %add3A_1738, %mul3A_1739 : vector<16xf32>
        %swap3A_1741 = arith.index_cast %add3A_1688 : i32 to index
        %swap3A_1742 = arith.constant 32 : index
        %swap3A_1743 = tpu.vector_load %arg10[%swap3A_1741, %swap3A_1742] {strides = array<i32>} : memref<200x64xf32, #tpu.memory_space<vmem>>, vector<1x16xf32>,
        %swap3A_1744 = vector.shape_cast %swap3A_1743 : vector<1x16xf32> to vector<16xf32>
        %swap3A_1745 = vector.shape_cast %mul3A_1740 : vector<16xf32> to vector<1x16xf32>
        tpu.vector_store %arg10[%swap3A_1741, %swap3A_1742], %swap3A_1745 {strides = array<i32>} : memref<200x64xf32, #tpu.memory_space<vmem>>, vector<1x16xf32>,
        %get3A_1746 = arith.index_cast %add3A_1688 : i32 to index
        %get3A_1747 = arith.constant 48 : index
        %get3A_1748 = tpu.vector_load %arg8[%get3A_1746, %get3A_1747] {strides = array<i32>} : memref<200x64xf32, #tpu.memory_space<vmem>>, vector<1x16xf32>,
        %get3A_1749 = vector.shape_cast %get3A_1748 : vector<1x16xf32> to vector<16xf32>
        %mul3A_1750 = arith.constant 8.000000e+00 : f32
        %mul3A_1751 = vector.broadcast %mul3A_1750 : f32 to vector<16xf32>
        %mul3A_1752 = arith.mulf %get3A_1749, %mul3A_1751 : vector<16xf32>
        %get3A_1753 = arith.index_cast %add3A_1688 : i32 to index
        %get3A_1754 = arith.constant 48 : index
        %get3A_1755 = tpu.vector_load %arg7[%get3A_1753, %get3A_1754] {strides = array<i32>} : memref<200x64xf32, #tpu.memory_space<vmem>>, vector<1x16xf32>,
        %get3A_1756 = vector.shape_cast %get3A_1755 : vector<1x16xf32> to vector<16xf32>
        %add3A_1757 = arith.addf %mul3A_1752, %get3A_1756 : vector<16xf32>
        %mul3A_1758 = vector.broadcast %squeeze3A_1686 : f32 to vector<16xf32>
        %mul3A_1759 = arith.mulf %add3A_1757, %mul3A_1758 : vector<16xf32>
        %swap3A_1760 = arith.index_cast %add3A_1688 : i32 to index
        %swap3A_1761 = arith.constant 48 : index
        %swap3A_1762 = tpu.vector_load %arg10[%swap3A_1760, %swap3A_1761] {strides = array<i32>} : memref<200x64xf32, #tpu.memory_space<vmem>>, vector<1x16xf32>,
        %swap3A_1763 = vector.shape_cast %swap3A_1762 : vector<1x16xf32> to vector<16xf32>
        %swap3A_1764 = vector.shape_cast %mul3A_1759 : vector<16xf32> to vector<1x16xf32>
        tpu.vector_store %arg10[%swap3A_1760, %swap3A_1761], %swap3A_1764 {strides = array<i32>} : memref<200x64xf32, #tpu.memory_space<vmem>>, vector<1x16xf32>,
        %slice3A_1765 = vector.extract_strided_slice %select_n3A_1604 {offsets = [2], sizes = [1], strides = [1]} : vector<16xf32> to vector<1xf32>
        %squeeze3A_1766 = vector.extract %slice3A_1765[0] : f32 from vector<1xf32>
        %add3A_1767 = arith.constant 2 : i32
        %add3A_1768 = arith.addi %mul3A_1590, %add3A_1767 : i32
        %get3A_1769 = arith.index_cast %add3A_1768 : i32 to index
        %get3A_1770 = arith.constant 0 : index
        %get3A_1771 = tpu.vector_load %arg8[%get3A_1769, %get3A_1770] {strides = array<i32>} : memref<200x64xf32, #tpu.memory_space<vmem>>, vector<1x16xf32>,
        %get3A_1772 = vector.shape_cast %get3A_1771 : vector<1x16xf32> to vector<16xf32>
        %mul3A_1773 = arith.constant 8.000000e+00 : f32
        %mul3A_1774 = vector.broadcast %mul3A_1773 : f32 to vector<16xf32>
        %mul3A_1775 = arith.mulf %get3A_1772, %mul3A_1774 : vector<16xf32>
        %get3A_1776 = arith.index_cast %add3A_1768 : i32 to index
        %get3A_1777 = arith.constant 0 : index
        %get3A_1778 = tpu.vector_load %arg7[%get3A_1776, %get3A_1777] {strides = array<i32>} : memref<200x64xf32, #tpu.memory_space<vmem>>, vector<1x16xf32>,
        %get3A_1779 = vector.shape_cast %get3A_1778 : vector<1x16xf32> to vector<16xf32>
        %add3A_1780 = arith.addf %mul3A_1775, %get3A_1779 : vector<16xf32>
        %mul3A_1781 = vector.broadcast %squeeze3A_1766 : f32 to vector<16xf32>
        %mul3A_1782 = arith.mulf %add3A_1780, %mul3A_1781 : vector<16xf32>
        %swap3A_1783 = arith.index_cast %add3A_1768 : i32 to index
        %swap3A_1784 = arith.constant 0 : index
        %swap3A_1785 = tpu.vector_load %arg10[%swap3A_1783, %swap3A_1784] {strides = array<i32>} : memref<200x64xf32, #tpu.memory_space<vmem>>, vector<1x16xf32>,
        %swap3A_1786 = vector.shape_cast %swap3A_1785 : vector<1x16xf32> to vector<16xf32>
        %swap3A_1787 = vector.shape_cast %mul3A_1782 : vector<16xf32> to vector<1x16xf32>
        tpu.vector_store %arg10[%swap3A_1783, %swap3A_1784], %swap3A_1787 {strides = array<i32>} : memref<200x64xf32, #tpu.memory_space<vmem>>, vector<1x16xf32>,
        %get3A_1788 = arith.index_cast %add3A_1768 : i32 to index
        %get3A_1789 = arith.constant 16 : index
        %get3A_1790 = tpu.vector_load %arg8[%get3A_1788, %get3A_1789] {strides = array<i32>} : memref<200x64xf32, #tpu.memory_space<vmem>>, vector<1x16xf32>,
        %get3A_1791 = vector.shape_cast %get3A_1790 : vector<1x16xf32> to vector<16xf32>
        %mul3A_1792 = arith.constant 8.000000e+00 : f32
        %mul3A_1793 = vector.broadcast %mul3A_1792 : f32 to vector<16xf32>
        %mul3A_1794 = arith.mulf %get3A_1791, %mul3A_1793 : vector<16xf32>
        %get3A_1795 = arith.index_cast %add3A_1768 : i32 to index
        %get3A_1796 = arith.constant 16 : index
        %get3A_1797 = tpu.vector_load %arg7[%get3A_1795, %get3A_1796] {strides = array<i32>} : memref<200x64xf32, #tpu.memory_space<vmem>>, vector<1x16xf32>,
        %get3A_1798 = vector.shape_cast %get3A_1797 : vector<1x16xf32> to vector<16xf32>
        %add3A_1799 = arith.addf %mul3A_1794, %get3A_1798 : vector<16xf32>
        %mul3A_1800 = vector.broadcast %squeeze3A_1766 : f32 to vector<16xf32>
        %mul3A_1801 = arith.mulf %add3A_1799, %mul3A_1800 : vector<16xf32>
        %swap3A_1802 = arith.index_cast %add3A_1768 : i32 to index
        %swap3A_1803 = arith.constant 16 : index
        %swap3A_1804 = tpu.vector_load %arg10[%swap3A_1802, %swap3A_1803] {strides = array<i32>} : memref<200x64xf32, #tpu.memory_space<vmem>>, vector<1x16xf32>,
        %swap3A_1805 = vector.shape_cast %swap3A_1804 : vector<1x16xf32> to vector<16xf32>
        %swap3A_1806 = vector.shape_cast %mul3A_1801 : vector<16xf32> to vector<1x16xf32>
        tpu.vector_store %arg10[%swap3A_1802, %swap3A_1803], %swap3A_1806 {strides = array<i32>} : memref<200x64xf32, #tpu.memory_space<vmem>>, vector<1x16xf32>,
        %get3A_1807 = arith.index_cast %add3A_1768 : i32 to index
        %get3A_1808 = arith.constant 32 : index
        %get3A_1809 = tpu.vector_load %arg8[%get3A_1807, %get3A_1808] {strides = array<i32>} : memref<200x64xf32, #tpu.memory_space<vmem>>, vector<1x16xf32>,
        %get3A_1810 = vector.shape_cast %get3A_1809 : vector<1x16xf32> to vector<16xf32>
        %mul3A_1811 = arith.constant 8.000000e+00 : f32
        %mul3A_1812 = vector.broadcast %mul3A_1811 : f32 to vector<16xf32>
        %mul3A_1813 = arith.mulf %get3A_1810, %mul3A_1812 : vector<16xf32>
        %get3A_1814 = arith.index_cast %add3A_1768 : i32 to index
        %get3A_1815 = arith.constant 32 : index
        %get3A_1816 = tpu.vector_load %arg7[%get3A_1814, %get3A_1815] {strides = array<i32>} : memref<200x64xf32, #tpu.memory_space<vmem>>, vector<1x16xf32>,
        %get3A_1817 = vector.shape_cast %get3A_1816 : vector<1x16xf32> to vector<16xf32>
        %add3A_1818 = arith.addf %mul3A_1813, %get3A_1817 : vector<16xf32>
        %mul3A_1819 = vector.broadcast %squeeze3A_1766 : f32 to vector<16xf32>
        %mul3A_1820 = arith.mulf %add3A_1818, %mul3A_1819 : vector<16xf32>
        %swap3A_1821 = arith.index_cast %add3A_1768 : i32 to index
        %swap3A_1822 = arith.constant 32 : index
        %swap3A_1823 = tpu.vector_load %arg10[%swap3A_1821, %swap3A_1822] {strides = array<i32>} : memref<200x64xf32, #tpu.memory_space<vmem>>, vector<1x16xf32>,
        %swap3A_1824 = vector.shape_cast %swap3A_1823 : vector<1x16xf32> to vector<16xf32>
        %swap3A_1825 = vector.shape_cast %mul3A_1820 : vector<16xf32> to vector<1x16xf32>
        tpu.vector_store %arg10[%swap3A_1821, %swap3A_1822], %swap3A_1825 {strides = array<i32>} : memref<200x64xf32, #tpu.memory_space<vmem>>, vector<1x16xf32>,
        %get3A_1826 = arith.index_cast %add3A_1768 : i32 to index
        %get3A_1827 = arith.constant 48 : index
        %get3A_1828 = tpu.vector_load %arg8[%get3A_1826, %get3A_1827] {strides = array<i32>} : memref<200x64xf32, #tpu.memory_space<vmem>>, vector<1x16xf32>,
        %get3A_1829 = vector.shape_cast %get3A_1828 : vector<1x16xf32> to vector<16xf32>
        %mul3A_1830 = arith.constant 8.000000e+00 : f32
        %mul3A_1831 = vector.broadcast %mul3A_1830 : f32 to vector<16xf32>
        %mul3A_1832 = arith.mulf %get3A_1829, %mul3A_1831 : vector<16xf32>
        %get3A_1833 = arith.index_cast %add3A_1768 : i32 to index
        %get3A_1834 = arith.constant 48 : index
        %get3A_1835 = tpu.vector_load %arg7[%get3A_1833, %get3A_1834] {strides = array<i32>} : memref<200x64xf32, #tpu.memory_space<vmem>>, vector<1x16xf32>,
        %get3A_1836 = vector.shape_cast %get3A_1835 : vector<1x16xf32> to vector<16xf32>
        %add3A_1837 = arith.addf %mul3A_1832, %get3A_1836 : vector<16xf32>
        %mul3A_1838 = vector.broadcast %squeeze3A_1766 : f32 to vector<16xf32>
        %mul3A_1839 = arith.mulf %add3A_1837, %mul3A_1838 : vector<16xf32>
        %swap3A_1840 = arith.index_cast %add3A_1768 : i32 to index
        %swap3A_1841 = arith.constant 48 : index
        %swap3A_1842 = tpu.vector_load %arg10[%swap3A_1840, %swap3A_1841] {strides = array<i32>} : memref<200x64xf32, #tpu.memory_space<vmem>>, vector<1x16xf32>,
        %swap3A_1843 = vector.shape_cast %swap3A_1842 : vector<1x16xf32> to vector<16xf32>
        %swap3A_1844 = vector.shape_cast %mul3A_1839 : vector<16xf32> to vector<1x16xf32>
        tpu.vector_store %arg10[%swap3A_1840, %swap3A_1841], %swap3A_1844 {strides = array<i32>} : memref<200x64xf32, #tpu.memory_space<vmem>>, vector<1x16xf32>,
        %slice3A_1845 = vector.extract_strided_slice %select_n3A_1604 {offsets = [3], sizes = [1], strides = [1]} : vector<16xf32> to vector<1xf32>
        %squeeze3A_1846 = vector.extract %slice3A_1845[0] : f32 from vector<1xf32>
        %add3A_1847 = arith.constant 3 : i32
        %add3A_1848 = arith.addi %mul3A_1590, %add3A_1847 : i32
        %get3A_1849 = arith.index_cast %add3A_1848 : i32 to index
        %get3A_1850 = arith.constant 0 : index
        %get3A_1851 = tpu.vector_load %arg8[%get3A_1849, %get3A_1850] {strides = array<i32>} : memref<200x64xf32, #tpu.memory_space<vmem>>, vector<1x16xf32>,
        %get3A_1852 = vector.shape_cast %get3A_1851 : vector<1x16xf32> to vector<16xf32>
        %mul3A_1853 = arith.constant 8.000000e+00 : f32
        %mul3A_1854 = vector.broadcast %mul3A_1853 : f32 to vector<16xf32>
        %mul3A_1855 = arith.mulf %get3A_1852, %mul3A_1854 : vector<16xf32>
        %get3A_1856 = arith.index_cast %add3A_1848 : i32 to index
        %get3A_1857 = arith.constant 0 : index
        %get3A_1858 = tpu.vector_load %arg7[%get3A_1856, %get3A_1857] {strides = array<i32>} : memref<200x64xf32, #tpu.memory_space<vmem>>, vector<1x16xf32>,
        %get3A_1859 = vector.shape_cast %get3A_1858 : vector<1x16xf32> to vector<16xf32>
        %add3A_1860 = arith.addf %mul3A_1855, %get3A_1859 : vector<16xf32>
        %mul3A_1861 = vector.broadcast %squeeze3A_1846 : f32 to vector<16xf32>
        %mul3A_1862 = arith.mulf %add3A_1860, %mul3A_1861 : vector<16xf32>
        %swap3A_1863 = arith.index_cast %add3A_1848 : i32 to index
        %swap3A_1864 = arith.constant 0 : index
        %swap3A_1865 = tpu.vector_load %arg10[%swap3A_1863, %swap3A_1864] {strides = array<i32>} : memref<200x64xf32, #tpu.memory_space<vmem>>, vector<1x16xf32>,
        %swap3A_1866 = vector.shape_cast %swap3A_1865 : vector<1x16xf32> to vector<16xf32>
        %swap3A_1867 = vector.shape_cast %mul3A_1862 : vector<16xf32> to vector<1x16xf32>
        tpu.vector_store %arg10[%swap3A_1863, %swap3A_1864], %swap3A_1867 {strides = array<i32>} : memref<200x64xf32, #tpu.memory_space<vmem>>, vector<1x16xf32>,
        %get3A_1868 = arith.index_cast %add3A_1848 : i32 to index
        %get3A_1869 = arith.constant 16 : index
        %get3A_1870 = tpu.vector_load %arg8[%get3A_1868, %get3A_1869] {strides = array<i32>} : memref<200x64xf32, #tpu.memory_space<vmem>>, vector<1x16xf32>,
        %get3A_1871 = vector.shape_cast %get3A_1870 : vector<1x16xf32> to vector<16xf32>
        %mul3A_1872 = arith.constant 8.000000e+00 : f32
        %mul3A_1873 = vector.broadcast %mul3A_1872 : f32 to vector<16xf32>
        %mul3A_1874 = arith.mulf %get3A_1871, %mul3A_1873 : vector<16xf32>
        %get3A_1875 = arith.index_cast %add3A_1848 : i32 to index
        %get3A_1876 = arith.constant 16 : index
        %get3A_1877 = tpu.vector_load %arg7[%get3A_1875, %get3A_1876] {strides = array<i32>} : memref<200x64xf32, #tpu.memory_space<vmem>>, vector<1x16xf32>,
        %get3A_1878 = vector.shape_cast %get3A_1877 : vector<1x16xf32> to vector<16xf32>
        %add3A_1879 = arith.addf %mul3A_1874, %get3A_1878 : vector<16xf32>
        %mul3A_1880 = vector.broadcast %squeeze3A_1846 : f32 to vector<16xf32>
        %mul3A_1881 = arith.mulf %add3A_1879, %mul3A_1880 : vector<16xf32>
        %swap3A_1882 = arith.index_cast %add3A_1848 : i32 to index
        %swap3A_1883 = arith.constant 16 : index
        %swap3A_1884 = tpu.vector_load %arg10[%swap3A_1882, %swap3A_1883] {strides = array<i32>} : memref<200x64xf32, #tpu.memory_space<vmem>>, vector<1x16xf32>,
        %swap3A_1885 = vector.shape_cast %swap3A_1884 : vector<1x16xf32> to vector<16xf32>
        %swap3A_1886 = vector.shape_cast %mul3A_1881 : vector<16xf32> to vector<1x16xf32>
        tpu.vector_store %arg10[%swap3A_1882, %swap3A_1883], %swap3A_1886 {strides = array<i32>} : memref<200x64xf32, #tpu.memory_space<vmem>>, vector<1x16xf32>,
        %get3A_1887 = arith.index_cast %add3A_1848 : i32 to index
        %get3A_1888 = arith.constant 32 : index
        %get3A_1889 = tpu.vector_load %arg8[%get3A_1887, %get3A_1888] {strides = array<i32>} : memref<200x64xf32, #tpu.memory_space<vmem>>, vector<1x16xf32>,
        %get3A_1890 = vector.shape_cast %get3A_1889 : vector<1x16xf32> to vector<16xf32>
        %mul3A_1891 = arith.constant 8.000000e+00 : f32
        %mul3A_1892 = vector.broadcast %mul3A_1891 : f32 to vector<16xf32>
        %mul3A_1893 = arith.mulf %get3A_1890, %mul3A_1892 : vector<16xf32>
        %get3A_1894 = arith.index_cast %add3A_1848 : i32 to index
        %get3A_1895 = arith.constant 32 : index
        %get3A_1896 = tpu.vector_load %arg7[%get3A_1894, %get3A_1895] {strides = array<i32>} : memref<200x64xf32, #tpu.memory_space<vmem>>, vector<1x16xf32>,
        %get3A_1897 = vector.shape_cast %get3A_1896 : vector<1x16xf32> to vector<16xf32>
        %add3A_1898 = arith.addf %mul3A_1893, %get3A_1897 : vector<16xf32>
        %mul3A_1899 = vector.broadcast %squeeze3A_1846 : f32 to vector<16xf32>
        %mul3A_1900 = arith.mulf %add3A_1898, %mul3A_1899 : vector<16xf32>
        %swap3A_1901 = arith.index_cast %add3A_1848 : i32 to index
        %swap3A_1902 = arith.constant 32 : index
        %swap3A_1903 = tpu.vector_load %arg10[%swap3A_1901, %swap3A_1902] {strides = array<i32>} : memref<200x64xf32, #tpu.memory_space<vmem>>, vector<1x16xf32>,
        %swap3A_1904 = vector.shape_cast %swap3A_1903 : vector<1x16xf32> to vector<16xf32>
        %swap3A_1905 = vector.shape_cast %mul3A_1900 : vector<16xf32> to vector<1x16xf32>
        tpu.vector_store %arg10[%swap3A_1901, %swap3A_1902], %swap3A_1905 {strides = array<i32>} : memref<200x64xf32, #tpu.memory_space<vmem>>, vector<1x16xf32>,
        %get3A_1906 = arith.index_cast %add3A_1848 : i32 to index
        %get3A_1907 = arith.constant 48 : index
        %get3A_1908 = tpu.vector_load %arg8[%get3A_1906, %get3A_1907] {strides = array<i32>} : memref<200x64xf32, #tpu.memory_space<vmem>>, vector<1x16xf32>,
        %get3A_1909 = vector.shape_cast %get3A_1908 : vector<1x16xf32> to vector<16xf32>
        %mul3A_1910 = arith.constant 8.000000e+00 : f32
        %mul3A_1911 = vector.broadcast %mul3A_1910 : f32 to vector<16xf32>
        %mul3A_1912 = arith.mulf %get3A_1909, %mul3A_1911 : vector<16xf32>
        %get3A_1913 = arith.index_cast %add3A_1848 : i32 to index
        %get3A_1914 = arith.constant 48 : index
        %get3A_1915 = tpu.vector_load %arg7[%get3A_1913, %get3A_1914] {strides = array<i32>} : memref<200x64xf32, #tpu.memory_space<vmem>>, vector<1x16xf32>,
        %get3A_1916 = vector.shape_cast %get3A_1915 : vector<1x16xf32> to vector<16xf32>
        %add3A_1917 = arith.addf %mul3A_1912, %get3A_1916 : vector<16xf32>
        %mul3A_1918 = vector.broadcast %squeeze3A_1846 : f32 to vector<16xf32>
        %mul3A_1919 = arith.mulf %add3A_1917, %mul3A_1918 : vector<16xf32>
        %swap3A_1920 = arith.index_cast %add3A_1848 : i32 to index
        %swap3A_1921 = arith.constant 48 : index
        %swap3A_1922 = tpu.vector_load %arg10[%swap3A_1920, %swap3A_1921] {strides = array<i32>} : memref<200x64xf32, #tpu.memory_space<vmem>>, vector<1x16xf32>,
        %swap3A_1923 = vector.shape_cast %swap3A_1922 : vector<1x16xf32> to vector<16xf32>
        %swap3A_1924 = vector.shape_cast %mul3A_1919 : vector<16xf32> to vector<1x16xf32>
        tpu.vector_store %arg10[%swap3A_1920, %swap3A_1921], %swap3A_1924 {strides = array<i32>} : memref<200x64xf32, #tpu.memory_space<vmem>>, vector<1x16xf32>,
        %slice3A_1925 = vector.extract_strided_slice %select_n3A_1604 {offsets = [4], sizes = [1], strides = [1]} : vector<16xf32> to vector<1xf32>
        %squeeze3A_1926 = vector.extract %slice3A_1925[0] : f32 from vector<1xf32>
        %add3A_1927 = arith.constant 4 : i32
        %add3A_1928 = arith.addi %mul3A_1590, %add3A_1927 : i32
        %get3A_1929 = arith.index_cast %add3A_1928 : i32 to index
        %get3A_1930 = arith.constant 0 : index
        %get3A_1931 = tpu.vector_load %arg8[%get3A_1929, %get3A_1930] {strides = array<i32>} : memref<200x64xf32, #tpu.memory_space<vmem>>, vector<1x16xf32>,
        %get3A_1932 = vector.shape_cast %get3A_1931 : vector<1x16xf32> to vector<16xf32>
        %mul3A_1933 = arith.constant 8.000000e+00 : f32
        %mul3A_1934 = vector.broadcast %mul3A_1933 : f32 to vector<16xf32>
        %mul3A_1935 = arith.mulf %get3A_1932, %mul3A_1934 : vector<16xf32>
        %get3A_1936 = arith.index_cast %add3A_1928 : i32 to index
        %get3A_1937 = arith.constant 0 : index
        %get3A_1938 = tpu.vector_load %arg7[%get3A_1936, %get3A_1937] {strides = array<i32>} : memref<200x64xf32, #tpu.memory_space<vmem>>, vector<1x16xf32>,
        %get3A_1939 = vector.shape_cast %get3A_1938 : vector<1x16xf32> to vector<16xf32>
        %add3A_1940 = arith.addf %mul3A_1935, %get3A_1939 : vector<16xf32>
        %mul3A_1941 = vector.broadcast %squeeze3A_1926 : f32 to vector<16xf32>
        %mul3A_1942 = arith.mulf %add3A_1940, %mul3A_1941 : vector<16xf32>
        %swap3A_1943 = arith.index_cast %add3A_1928 : i32 to index
        %swap3A_1944 = arith.constant 0 : index
        %swap3A_1945 = tpu.vector_load %arg10[%swap3A_1943, %swap3A_1944] {strides = array<i32>} : memref<200x64xf32, #tpu.memory_space<vmem>>, vector<1x16xf32>,
        %swap3A_1946 = vector.shape_cast %swap3A_1945 : vector<1x16xf32> to vector<16xf32>
        %swap3A_1947 = vector.shape_cast %mul3A_1942 : vector<16xf32> to vector<1x16xf32>
        tpu.vector_store %arg10[%swap3A_1943, %swap3A_1944], %swap3A_1947 {strides = array<i32>} : memref<200x64xf32, #tpu.memory_space<vmem>>, vector<1x16xf32>,
        %get3A_1948 = arith.index_cast %add3A_1928 : i32 to index
        %get3A_1949 = arith.constant 16 : index
        %get3A_1950 = tpu.vector_load %arg8[%get3A_1948, %get3A_1949] {strides = array<i32>} : memref<200x64xf32, #tpu.memory_space<vmem>>, vector<1x16xf32>,
        %get3A_1951 = vector.shape_cast %get3A_1950 : vector<1x16xf32> to vector<16xf32>
        %mul3A_1952 = arith.constant 8.000000e+00 : f32
        %mul3A_1953 = vector.broadcast %mul3A_1952 : f32 to vector<16xf32>
        %mul3A_1954 = arith.mulf %get3A_1951, %mul3A_1953 : vector<16xf32>
        %get3A_1955 = arith.index_cast %add3A_1928 : i32 to index
        %get3A_1956 = arith.constant 16 : index
        %get3A_1957 = tpu.vector_load %arg7[%get3A_1955, %get3A_1956] {strides = array<i32>} : memref<200x64xf32, #tpu.memory_space<vmem>>, vector<1x16xf32>,
        %get3A_1958 = vector.shape_cast %get3A_1957 : vector<1x16xf32> to vector<16xf32>
        %add3A_1959 = arith.addf %mul3A_1954, %get3A_1958 : vector<16xf32>
        %mul3A_1960 = vector.broadcast %squeeze3A_1926 : f32 to vector<16xf32>
        %mul3A_1961 = arith.mulf %add3A_1959, %mul3A_1960 : vector<16xf32>
        %swap3A_1962 = arith.index_cast %add3A_1928 : i32 to index
        %swap3A_1963 = arith.constant 16 : index
        %swap3A_1964 = tpu.vector_load %arg10[%swap3A_1962, %swap3A_1963] {strides = array<i32>} : memref<200x64xf32, #tpu.memory_space<vmem>>, vector<1x16xf32>,
        %swap3A_1965 = vector.shape_cast %swap3A_1964 : vector<1x16xf32> to vector<16xf32>
        %swap3A_1966 = vector.shape_cast %mul3A_1961 : vector<16xf32> to vector<1x16xf32>
        tpu.vector_store %arg10[%swap3A_1962, %swap3A_1963], %swap3A_1966 {strides = array<i32>} : memref<200x64xf32, #tpu.memory_space<vmem>>, vector<1x16xf32>,
        %get3A_1967 = arith.index_cast %add3A_1928 : i32 to index
        %get3A_1968 = arith.constant 32 : index
        %get3A_1969 = tpu.vector_load %arg8[%get3A_1967, %get3A_1968] {strides = array<i32>} : memref<200x64xf32, #tpu.memory_space<vmem>>, vector<1x16xf32>,
        %get3A_1970 = vector.shape_cast %get3A_1969 : vector<1x16xf32> to vector<16xf32>
        %mul3A_1971 = arith.constant 8.000000e+00 : f32
        %mul3A_1972 = vector.broadcast %mul3A_1971 : f32 to vector<16xf32>
        %mul3A_1973 = arith.mulf %get3A_1970, %mul3A_1972 : vector<16xf32>
        %get3A_1974 = arith.index_cast %add3A_1928 : i32 to index
        %get3A_1975 = arith.constant 32 : index
        %get3A_1976 = tpu.vector_load %arg7[%get3A_1974, %get3A_1975] {strides = array<i32>} : memref<200x64xf32, #tpu.memory_space<vmem>>, vector<1x16xf32>,
        %get3A_1977 = vector.shape_cast %get3A_1976 : vector<1x16xf32> to vector<16xf32>
        %add3A_1978 = arith.addf %mul3A_1973, %get3A_1977 : vector<16xf32>
        %mul3A_1979 = vector.broadcast %squeeze3A_1926 : f32 to vector<16xf32>
        %mul3A_1980 = arith.mulf %add3A_1978, %mul3A_1979 : vector<16xf32>
        %swap3A_1981 = arith.index_cast %add3A_1928 : i32 to index
        %swap3A_1982 = arith.constant 32 : index
        %swap3A_1983 = tpu.vector_load %arg10[%swap3A_1981, %swap3A_1982] {strides = array<i32>} : memref<200x64xf32, #tpu.memory_space<vmem>>, vector<1x16xf32>,
        %swap3A_1984 = vector.shape_cast %swap3A_1983 : vector<1x16xf32> to vector<16xf32>
        %swap3A_1985 = vector.shape_cast %mul3A_1980 : vector<16xf32> to vector<1x16xf32>
        tpu.vector_store %arg10[%swap3A_1981, %swap3A_1982], %swap3A_1985 {strides = array<i32>} : memref<200x64xf32, #tpu.memory_space<vmem>>, vector<1x16xf32>,
        %get3A_1986 = arith.index_cast %add3A_1928 : i32 to index
        %get3A_1987 = arith.constant 48 : index
        %get3A_1988 = tpu.vector_load %arg8[%get3A_1986, %get3A_1987] {strides = array<i32>} : memref<200x64xf32, #tpu.memory_space<vmem>>, vector<1x16xf32>,
        %get3A_1989 = vector.shape_cast %get3A_1988 : vector<1x16xf32> to vector<16xf32>
        %mul3A_1990 = arith.constant 8.000000e+00 : f32
        %mul3A_1991 = vector.broadcast %mul3A_1990 : f32 to vector<16xf32>
        %mul3A_1992 = arith.mulf %get3A_1989, %mul3A_1991 : vector<16xf32>
        %get3A_1993 = arith.index_cast %add3A_1928 : i32 to index
        %get3A_1994 = arith.constant 48 : index
        %get3A_1995 = tpu.vector_load %arg7[%get3A_1993, %get3A_1994] {strides = array<i32>} : memref<200x64xf32, #tpu.memory_space<vmem>>, vector<1x16xf32>,
        %get3A_1996 = vector.shape_cast %get3A_1995 : vector<1x16xf32> to vector<16xf32>
        %add3A_1997 = arith.addf %mul3A_1992, %get3A_1996 : vector<16xf32>
        %mul3A_1998 = vector.broadcast %squeeze3A_1926 : f32 to vector<16xf32>
        %mul3A_1999 = arith.mulf %add3A_1997, %mul3A_1998 : vector<16xf32>
        %swap3A_2000 = arith.index_cast %add3A_1928 : i32 to index
        %swap3A_2001 = arith.constant 48 : index
        %swap3A_2002 = tpu.vector_load %arg10[%swap3A_2000, %swap3A_2001] {strides = array<i32>} : memref<200x64xf32, #tpu.memory_space<vmem>>, vector<1x16xf32>,
        %swap3A_2003 = vector.shape_cast %swap3A_2002 : vector<1x16xf32> to vector<16xf32>
        %swap3A_2004 = vector.shape_cast %mul3A_1999 : vector<16xf32> to vector<1x16xf32>
        tpu.vector_store %arg10[%swap3A_2000, %swap3A_2001], %swap3A_2004 {strides = array<i32>} : memref<200x64xf32, #tpu.memory_space<vmem>>, vector<1x16xf32>,
        %slice3A_2005 = vector.extract_strided_slice %select_n3A_1604 {offsets = [5], sizes = [1], strides = [1]} : vector<16xf32> to vector<1xf32>
        %squeeze3A_2006 = vector.extract %slice3A_2005[0] : f32 from vector<1xf32>
        %add3A_2007 = arith.constant 5 : i32
        %add3A_2008 = arith.addi %mul3A_1590, %add3A_2007 : i32
        %get3A_2009 = arith.index_cast %add3A_2008 : i32 to index
        %get3A_2010 = arith.constant 0 : index
        %get3A_2011 = tpu.vector_load %arg8[%get3A_2009, %get3A_2010] {strides = array<i32>} : memref<200x64xf32, #tpu.memory_space<vmem>>, vector<1x16xf32>,
        %get3A_2012 = vector.shape_cast %get3A_2011 : vector<1x16xf32> to vector<16xf32>
        %mul3A_2013 = arith.constant 8.000000e+00 : f32
        %mul3A_2014 = vector.broadcast %mul3A_2013 : f32 to vector<16xf32>
        %mul3A_2015 = arith.mulf %get3A_2012, %mul3A_2014 : vector<16xf32>
        %get3A_2016 = arith.index_cast %add3A_2008 : i32 to index
        %get3A_2017 = arith.constant 0 : index
        %get3A_2018 = tpu.vector_load %arg7[%get3A_2016, %get3A_2017] {strides = array<i32>} : memref<200x64xf32, #tpu.memory_space<vmem>>, vector<1x16xf32>,
        %get3A_2019 = vector.shape_cast %get3A_2018 : vector<1x16xf32> to vector<16xf32>
        %add3A_2020 = arith.addf %mul3A_2015, %get3A_2019 : vector<16xf32>
        %mul3A_2021 = vector.broadcast %squeeze3A_2006 : f32 to vector<16xf32>
        %mul3A_2022 = arith.mulf %add3A_2020, %mul3A_2021 : vector<16xf32>
        %swap3A_2023 = arith.index_cast %add3A_2008 : i32 to index
        %swap3A_2024 = arith.constant 0 : index
        %swap3A_2025 = tpu.vector_load %arg10[%swap3A_2023, %swap3A_2024] {strides = array<i32>} : memref<200x64xf32, #tpu.memory_space<vmem>>, vector<1x16xf32>,
        %swap3A_2026 = vector.shape_cast %swap3A_2025 : vector<1x16xf32> to vector<16xf32>
        %swap3A_2027 = vector.shape_cast %mul3A_2022 : vector<16xf32> to vector<1x16xf32>
        tpu.vector_store %arg10[%swap3A_2023, %swap3A_2024], %swap3A_2027 {strides = array<i32>} : memref<200x64xf32, #tpu.memory_space<vmem>>, vector<1x16xf32>,
        %get3A_2028 = arith.index_cast %add3A_2008 : i32 to index
        %get3A_2029 = arith.constant 16 : index
        %get3A_2030 = tpu.vector_load %arg8[%get3A_2028, %get3A_2029] {strides = array<i32>} : memref<200x64xf32, #tpu.memory_space<vmem>>, vector<1x16xf32>,
        %get3A_2031 = vector.shape_cast %get3A_2030 : vector<1x16xf32> to vector<16xf32>
        %mul3A_2032 = arith.constant 8.000000e+00 : f32
        %mul3A_2033 = vector.broadcast %mul3A_2032 : f32 to vector<16xf32>
        %mul3A_2034 = arith.mulf %get3A_2031, %mul3A_2033 : vector<16xf32>
        %get3A_2035 = arith.index_cast %add3A_2008 : i32 to index
        %get3A_2036 = arith.constant 16 : index
        %get3A_2037 = tpu.vector_load %arg7[%get3A_2035, %get3A_2036] {strides = array<i32>} : memref<200x64xf32, #tpu.memory_space<vmem>>, vector<1x16xf32>,
        %get3A_2038 = vector.shape_cast %get3A_2037 : vector<1x16xf32> to vector<16xf32>
        %add3A_2039 = arith.addf %mul3A_2034, %get3A_2038 : vector<16xf32>
        %mul3A_2040 = vector.broadcast %squeeze3A_2006 : f32 to vector<16xf32>
        %mul3A_2041 = arith.mulf %add3A_2039, %mul3A_2040 : vector<16xf32>
        %swap3A_2042 = arith.index_cast %add3A_2008 : i32 to index
        %swap3A_2043 = arith.constant 16 : index
        %swap3A_2044 = tpu.vector_load %arg10[%swap3A_2042, %swap3A_2043] {strides = array<i32>} : memref<200x64xf32, #tpu.memory_space<vmem>>, vector<1x16xf32>,
        %swap3A_2045 = vector.shape_cast %swap3A_2044 : vector<1x16xf32> to vector<16xf32>
        %swap3A_2046 = vector.shape_cast %mul3A_2041 : vector<16xf32> to vector<1x16xf32>
        tpu.vector_store %arg10[%swap3A_2042, %swap3A_2043], %swap3A_2046 {strides = array<i32>} : memref<200x64xf32, #tpu.memory_space<vmem>>, vector<1x16xf32>,
        %get3A_2047 = arith.index_cast %add3A_2008 : i32 to index
        %get3A_2048 = arith.constant 32 : index
        %get3A_2049 = tpu.vector_load %arg8[%get3A_2047, %get3A_2048] {strides = array<i32>} : memref<200x64xf32, #tpu.memory_space<vmem>>, vector<1x16xf32>,
        %get3A_2050 = vector.shape_cast %get3A_2049 : vector<1x16xf32> to vector<16xf32>
        %mul3A_2051 = arith.constant 8.000000e+00 : f32
        %mul3A_2052 = vector.broadcast %mul3A_2051 : f32 to vector<16xf32>
        %mul3A_2053 = arith.mulf %get3A_2050, %mul3A_2052 : vector<16xf32>
        %get3A_2054 = arith.index_cast %add3A_2008 : i32 to index
        %get3A_2055 = arith.constant 32 : index
        %get3A_2056 = tpu.vector_load %arg7[%get3A_2054, %get3A_2055] {strides = array<i32>} : memref<200x64xf32, #tpu.memory_space<vmem>>, vector<1x16xf32>,
        %get3A_2057 = vector.shape_cast %get3A_2056 : vector<1x16xf32> to vector<16xf32>
        %add3A_2058 = arith.addf %mul3A_2053, %get3A_2057 : vector<16xf32>
        %mul3A_2059 = vector.broadcast %squeeze3A_2006 : f32 to vector<16xf32>
        %mul3A_2060 = arith.mulf %add3A_2058, %mul3A_2059 : vector<16xf32>
        %swap3A_2061 = arith.index_cast %add3A_2008 : i32 to index
        %swap3A_2062 = arith.constant 32 : index
        %swap3A_2063 = tpu.vector_load %arg10[%swap3A_2061, %swap3A_2062] {strides = array<i32>} : memref<200x64xf32, #tpu.memory_space<vmem>>, vector<1x16xf32>,
        %swap3A_2064 = vector.shape_cast %swap3A_2063 : vector<1x16xf32> to vector<16xf32>
        %swap3A_2065 = vector.shape_cast %mul3A_2060 : vector<16xf32> to vector<1x16xf32>
        tpu.vector_store %arg10[%swap3A_2061, %swap3A_2062], %swap3A_2065 {strides = array<i32>} : memref<200x64xf32, #tpu.memory_space<vmem>>, vector<1x16xf32>,
        %get3A_2066 = arith.index_cast %add3A_2008 : i32 to index
        %get3A_2067 = arith.constant 48 : index
        %get3A_2068 = tpu.vector_load %arg8[%get3A_2066, %get3A_2067] {strides = array<i32>} : memref<200x64xf32, #tpu.memory_space<vmem>>, vector<1x16xf32>,
        %get3A_2069 = vector.shape_cast %get3A_2068 : vector<1x16xf32> to vector<16xf32>
        %mul3A_2070 = arith.constant 8.000000e+00 : f32
        %mul3A_2071 = vector.broadcast %mul3A_2070 : f32 to vector<16xf32>
        %mul3A_2072 = arith.mulf %get3A_2069, %mul3A_2071 : vector<16xf32>
        %get3A_2073 = arith.index_cast %add3A_2008 : i32 to index
        %get3A_2074 = arith.constant 48 : index
        %get3A_2075 = tpu.vector_load %arg7[%get3A_2073, %get3A_2074] {strides = array<i32>} : memref<200x64xf32, #tpu.memory_space<vmem>>, vector<1x16xf32>,
        %get3A_2076 = vector.shape_cast %get3A_2075 : vector<1x16xf32> to vector<16xf32>
        %add3A_2077 = arith.addf %mul3A_2072, %get3A_2076 : vector<16xf32>
        %mul3A_2078 = vector.broadcast %squeeze3A_2006 : f32 to vector<16xf32>
        %mul3A_2079 = arith.mulf %add3A_2077, %mul3A_2078 : vector<16xf32>
        %swap3A_2080 = arith.index_cast %add3A_2008 : i32 to index
        %swap3A_2081 = arith.constant 48 : index
        %swap3A_2082 = tpu.vector_load %arg10[%swap3A_2080, %swap3A_2081] {strides = array<i32>} : memref<200x64xf32, #tpu.memory_space<vmem>>, vector<1x16xf32>,
        %swap3A_2083 = vector.shape_cast %swap3A_2082 : vector<1x16xf32> to vector<16xf32>
        %swap3A_2084 = vector.shape_cast %mul3A_2079 : vector<16xf32> to vector<1x16xf32>
        tpu.vector_store %arg10[%swap3A_2080, %swap3A_2081], %swap3A_2084 {strides = array<i32>} : memref<200x64xf32, #tpu.memory_space<vmem>>, vector<1x16xf32>,
        %slice3A_2085 = vector.extract_strided_slice %select_n3A_1604 {offsets = [6], sizes = [1], strides = [1]} : vector<16xf32> to vector<1xf32>
        %squeeze3A_2086 = vector.extract %slice3A_2085[0] : f32 from vector<1xf32>
        %add3A_2087 = arith.constant 6 : i32
        %add3A_2088 = arith.addi %mul3A_1590, %add3A_2087 : i32
        %get3A_2089 = arith.index_cast %add3A_2088 : i32 to index
        %get3A_2090 = arith.constant 0 : index
        %get3A_2091 = tpu.vector_load %arg8[%get3A_2089, %get3A_2090] {strides = array<i32>} : memref<200x64xf32, #tpu.memory_space<vmem>>, vector<1x16xf32>,
        %get3A_2092 = vector.shape_cast %get3A_2091 : vector<1x16xf32> to vector<16xf32>
        %mul3A_2093 = arith.constant 8.000000e+00 : f32
        %mul3A_2094 = vector.broadcast %mul3A_2093 : f32 to vector<16xf32>
        %mul3A_2095 = arith.mulf %get3A_2092, %mul3A_2094 : vector<16xf32>
        %get3A_2096 = arith.index_cast %add3A_2088 : i32 to index
        %get3A_2097 = arith.constant 0 : index
        %get3A_2098 = tpu.vector_load %arg7[%get3A_2096, %get3A_2097] {strides = array<i32>} : memref<200x64xf32, #tpu.memory_space<vmem>>, vector<1x16xf32>,
        %get3A_2099 = vector.shape_cast %get3A_2098 : vector<1x16xf32> to vector<16xf32>
        %add3A_2100 = arith.addf %mul3A_2095, %get3A_2099 : vector<16xf32>
        %mul3A_2101 = vector.broadcast %squeeze3A_2086 : f32 to vector<16xf32>
        %mul3A_2102 = arith.mulf %add3A_2100, %mul3A_2101 : vector<16xf32>
        %swap3A_2103 = arith.index_cast %add3A_2088 : i32 to index
        %swap3A_2104 = arith.constant 0 : index
        %swap3A_2105 = tpu.vector_load %arg10[%swap3A_2103, %swap3A_2104] {strides = array<i32>} : memref<200x64xf32, #tpu.memory_space<vmem>>, vector<1x16xf32>,
        %swap3A_2106 = vector.shape_cast %swap3A_2105 : vector<1x16xf32> to vector<16xf32>
        %swap3A_2107 = vector.shape_cast %mul3A_2102 : vector<16xf32> to vector<1x16xf32>
        tpu.vector_store %arg10[%swap3A_2103, %swap3A_2104], %swap3A_2107 {strides = array<i32>} : memref<200x64xf32, #tpu.memory_space<vmem>>, vector<1x16xf32>,
        %get3A_2108 = arith.index_cast %add3A_2088 : i32 to index
        %get3A_2109 = arith.constant 16 : index
        %get3A_2110 = tpu.vector_load %arg8[%get3A_2108, %get3A_2109] {strides = array<i32>} : memref<200x64xf32, #tpu.memory_space<vmem>>, vector<1x16xf32>,
        %get3A_2111 = vector.shape_cast %get3A_2110 : vector<1x16xf32> to vector<16xf32>
        %mul3A_2112 = arith.constant 8.000000e+00 : f32
        %mul3A_2113 = vector.broadcast %mul3A_2112 : f32 to vector<16xf32>
        %mul3A_2114 = arith.mulf %get3A_2111, %mul3A_2113 : vector<16xf32>
        %get3A_2115 = arith.index_cast %add3A_2088 : i32 to index
        %get3A_2116 = arith.constant 16 : index
        %get3A_2117 = tpu.vector_load %arg7[%get3A_2115, %get3A_2116] {strides = array<i32>} : memref<200x64xf32, #tpu.memory_space<vmem>>, vector<1x16xf32>,
        %get3A_2118 = vector.shape_cast %get3A_2117 : vector<1x16xf32> to vector<16xf32>
        %add3A_2119 = arith.addf %mul3A_2114, %get3A_2118 : vector<16xf32>
        %mul3A_2120 = vector.broadcast %squeeze3A_2086 : f32 to vector<16xf32>
        %mul3A_2121 = arith.mulf %add3A_2119, %mul3A_2120 : vector<16xf32>
        %swap3A_2122 = arith.index_cast %add3A_2088 : i32 to index
        %swap3A_2123 = arith.constant 16 : index
        %swap3A_2124 = tpu.vector_load %arg10[%swap3A_2122, %swap3A_2123] {strides = array<i32>} : memref<200x64xf32, #tpu.memory_space<vmem>>, vector<1x16xf32>,
        %swap3A_2125 = vector.shape_cast %swap3A_2124 : vector<1x16xf32> to vector<16xf32>
        %swap3A_2126 = vector.shape_cast %mul3A_2121 : vector<16xf32> to vector<1x16xf32>
        tpu.vector_store %arg10[%swap3A_2122, %swap3A_2123], %swap3A_2126 {strides = array<i32>} : memref<200x64xf32, #tpu.memory_space<vmem>>, vector<1x16xf32>,
        %get3A_2127 = arith.index_cast %add3A_2088 : i32 to index
        %get3A_2128 = arith.constant 32 : index
        %get3A_2129 = tpu.vector_load %arg8[%get3A_2127, %get3A_2128] {strides = array<i32>} : memref<200x64xf32, #tpu.memory_space<vmem>>, vector<1x16xf32>,
        %get3A_2130 = vector.shape_cast %get3A_2129 : vector<1x16xf32> to vector<16xf32>
        %mul3A_2131 = arith.constant 8.000000e+00 : f32
        %mul3A_2132 = vector.broadcast %mul3A_2131 : f32 to vector<16xf32>
        %mul3A_2133 = arith.mulf %get3A_2130, %mul3A_2132 : vector<16xf32>
        %get3A_2134 = arith.index_cast %add3A_2088 : i32 to index
        %get3A_2135 = arith.constant 32 : index
        %get3A_2136 = tpu.vector_load %arg7[%get3A_2134, %get3A_2135] {strides = array<i32>} : memref<200x64xf32, #tpu.memory_space<vmem>>, vector<1x16xf32>,
        %get3A_2137 = vector.shape_cast %get3A_2136 : vector<1x16xf32> to vector<16xf32>
        %add3A_2138 = arith.addf %mul3A_2133, %get3A_2137 : vector<16xf32>
        %mul3A_2139 = vector.broadcast %squeeze3A_2086 : f32 to vector<16xf32>
        %mul3A_2140 = arith.mulf %add3A_2138, %mul3A_2139 : vector<16xf32>
        %swap3A_2141 = arith.index_cast %add3A_2088 : i32 to index
        %swap3A_2142 = arith.constant 32 : index
        %swap3A_2143 = tpu.vector_load %arg10[%swap3A_2141, %swap3A_2142] {strides = array<i32>} : memref<200x64xf32, #tpu.memory_space<vmem>>, vector<1x16xf32>,
        %swap3A_2144 = vector.shape_cast %swap3A_2143 : vector<1x16xf32> to vector<16xf32>
        %swap3A_2145 = vector.shape_cast %mul3A_2140 : vector<16xf32> to vector<1x16xf32>
        tpu.vector_store %arg10[%swap3A_2141, %swap3A_2142], %swap3A_2145 {strides = array<i32>} : memref<200x64xf32, #tpu.memory_space<vmem>>, vector<1x16xf32>,
        %get3A_2146 = arith.index_cast %add3A_2088 : i32 to index
        %get3A_2147 = arith.constant 48 : index
        %get3A_2148 = tpu.vector_load %arg8[%get3A_2146, %get3A_2147] {strides = array<i32>} : memref<200x64xf32, #tpu.memory_space<vmem>>, vector<1x16xf32>,
        %get3A_2149 = vector.shape_cast %get3A_2148 : vector<1x16xf32> to vector<16xf32>
        %mul3A_2150 = arith.constant 8.000000e+00 : f32
        %mul3A_2151 = vector.broadcast %mul3A_2150 : f32 to vector<16xf32>
        %mul3A_2152 = arith.mulf %get3A_2149, %mul3A_2151 : vector<16xf32>
        %get3A_2153 = arith.index_cast %add3A_2088 : i32 to index
        %get3A_2154 = arith.constant 48 : index
        %get3A_2155 = tpu.vector_load %arg7[%get3A_2153, %get3A_2154] {strides = array<i32>} : memref<200x64xf32, #tpu.memory_space<vmem>>, vector<1x16xf32>,
        %get3A_2156 = vector.shape_cast %get3A_2155 : vector<1x16xf32> to vector<16xf32>
        %add3A_2157 = arith.addf %mul3A_2152, %get3A_2156 : vector<16xf32>
        %mul3A_2158 = vector.broadcast %squeeze3A_2086 : f32 to vector<16xf32>
        %mul3A_2159 = arith.mulf %add3A_2157, %mul3A_2158 : vector<16xf32>
        %swap3A_2160 = arith.index_cast %add3A_2088 : i32 to index
        %swap3A_2161 = arith.constant 48 : index
        %swap3A_2162 = tpu.vector_load %arg10[%swap3A_2160, %swap3A_2161] {strides = array<i32>} : memref<200x64xf32, #tpu.memory_space<vmem>>, vector<1x16xf32>,
        %swap3A_2163 = vector.shape_cast %swap3A_2162 : vector<1x16xf32> to vector<16xf32>
        %swap3A_2164 = vector.shape_cast %mul3A_2159 : vector<16xf32> to vector<1x16xf32>
        tpu.vector_store %arg10[%swap3A_2160, %swap3A_2161], %swap3A_2164 {strides = array<i32>} : memref<200x64xf32, #tpu.memory_space<vmem>>, vector<1x16xf32>,
        %slice3A_2165 = vector.extract_strided_slice %select_n3A_1604 {offsets = [7], sizes = [1], strides = [1]} : vector<16xf32> to vector<1xf32>
        %squeeze3A_2166 = vector.extract %slice3A_2165[0] : f32 from vector<1xf32>
        %add3A_2167 = arith.constant 7 : i32
        %add3A_2168 = arith.addi %mul3A_1590, %add3A_2167 : i32
        %get3A_2169 = arith.index_cast %add3A_2168 : i32 to index
        %get3A_2170 = arith.constant 0 : index
        %get3A_2171 = tpu.vector_load %arg8[%get3A_2169, %get3A_2170] {strides = array<i32>} : memref<200x64xf32, #tpu.memory_space<vmem>>, vector<1x16xf32>,
        %get3A_2172 = vector.shape_cast %get3A_2171 : vector<1x16xf32> to vector<16xf32>
        %mul3A_2173 = arith.constant 8.000000e+00 : f32
        %mul3A_2174 = vector.broadcast %mul3A_2173 : f32 to vector<16xf32>
        %mul3A_2175 = arith.mulf %get3A_2172, %mul3A_2174 : vector<16xf32>
        %get3A_2176 = arith.index_cast %add3A_2168 : i32 to index
        %get3A_2177 = arith.constant 0 : index
        %get3A_2178 = tpu.vector_load %arg7[%get3A_2176, %get3A_2177] {strides = array<i32>} : memref<200x64xf32, #tpu.memory_space<vmem>>, vector<1x16xf32>,
        %get3A_2179 = vector.shape_cast %get3A_2178 : vector<1x16xf32> to vector<16xf32>
        %add3A_2180 = arith.addf %mul3A_2175, %get3A_2179 : vector<16xf32>
        %mul3A_2181 = vector.broadcast %squeeze3A_2166 : f32 to vector<16xf32>
        %mul3A_2182 = arith.mulf %add3A_2180, %mul3A_2181 : vector<16xf32>
        %swap3A_2183 = arith.index_cast %add3A_2168 : i32 to index
        %swap3A_2184 = arith.constant 0 : index
        %swap3A_2185 = tpu.vector_load %arg10[%swap3A_2183, %swap3A_2184] {strides = array<i32>} : memref<200x64xf32, #tpu.memory_space<vmem>>, vector<1x16xf32>,
        %swap3A_2186 = vector.shape_cast %swap3A_2185 : vector<1x16xf32> to vector<16xf32>
        %swap3A_2187 = vector.shape_cast %mul3A_2182 : vector<16xf32> to vector<1x16xf32>
        tpu.vector_store %arg10[%swap3A_2183, %swap3A_2184], %swap3A_2187 {strides = array<i32>} : memref<200x64xf32, #tpu.memory_space<vmem>>, vector<1x16xf32>,
        %get3A_2188 = arith.index_cast %add3A_2168 : i32 to index
        %get3A_2189 = arith.constant 16 : index
        %get3A_2190 = tpu.vector_load %arg8[%get3A_2188, %get3A_2189] {strides = array<i32>} : memref<200x64xf32, #tpu.memory_space<vmem>>, vector<1x16xf32>,
        %get3A_2191 = vector.shape_cast %get3A_2190 : vector<1x16xf32> to vector<16xf32>
        %mul3A_2192 = arith.constant 8.000000e+00 : f32
        %mul3A_2193 = vector.broadcast %mul3A_2192 : f32 to vector<16xf32>
        %mul3A_2194 = arith.mulf %get3A_2191, %mul3A_2193 : vector<16xf32>
        %get3A_2195 = arith.index_cast %add3A_2168 : i32 to index
        %get3A_2196 = arith.constant 16 : index
        %get3A_2197 = tpu.vector_load %arg7[%get3A_2195, %get3A_2196] {strides = array<i32>} : memref<200x64xf32, #tpu.memory_space<vmem>>, vector<1x16xf32>,
        %get3A_2198 = vector.shape_cast %get3A_2197 : vector<1x16xf32> to vector<16xf32>
        %add3A_2199 = arith.addf %mul3A_2194, %get3A_2198 : vector<16xf32>
        %mul3A_2200 = vector.broadcast %squeeze3A_2166 : f32 to vector<16xf32>
        %mul3A_2201 = arith.mulf %add3A_2199, %mul3A_2200 : vector<16xf32>
        %swap3A_2202 = arith.index_cast %add3A_2168 : i32 to index
        %swap3A_2203 = arith.constant 16 : index
        %swap3A_2204 = tpu.vector_load %arg10[%swap3A_2202, %swap3A_2203] {strides = array<i32>} : memref<200x64xf32, #tpu.memory_space<vmem>>, vector<1x16xf32>,
        %swap3A_2205 = vector.shape_cast %swap3A_2204 : vector<1x16xf32> to vector<16xf32>
        %swap3A_2206 = vector.shape_cast %mul3A_2201 : vector<16xf32> to vector<1x16xf32>
        tpu.vector_store %arg10[%swap3A_2202, %swap3A_2203], %swap3A_2206 {strides = array<i32>} : memref<200x64xf32, #tpu.memory_space<vmem>>, vector<1x16xf32>,
        %get3A_2207 = arith.index_cast %add3A_2168 : i32 to index
        %get3A_2208 = arith.constant 32 : index
        %get3A_2209 = tpu.vector_load %arg8[%get3A_2207, %get3A_2208] {strides = array<i32>} : memref<200x64xf32, #tpu.memory_space<vmem>>, vector<1x16xf32>,
        %get3A_2210 = vector.shape_cast %get3A_2209 : vector<1x16xf32> to vector<16xf32>
        %mul3A_2211 = arith.constant 8.000000e+00 : f32
        %mul3A_2212 = vector.broadcast %mul3A_2211 : f32 to vector<16xf32>
        %mul3A_2213 = arith.mulf %get3A_2210, %mul3A_2212 : vector<16xf32>
        %get3A_2214 = arith.index_cast %add3A_2168 : i32 to index
        %get3A_2215 = arith.constant 32 : index
        %get3A_2216 = tpu.vector_load %arg7[%get3A_2214, %get3A_2215] {strides = array<i32>} : memref<200x64xf32, #tpu.memory_space<vmem>>, vector<1x16xf32>,
        %get3A_2217 = vector.shape_cast %get3A_2216 : vector<1x16xf32> to vector<16xf32>
        %add3A_2218 = arith.addf %mul3A_2213, %get3A_2217 : vector<16xf32>
        %mul3A_2219 = vector.broadcast %squeeze3A_2166 : f32 to vector<16xf32>
        %mul3A_2220 = arith.mulf %add3A_2218, %mul3A_2219 : vector<16xf32>
        %swap3A_2221 = arith.index_cast %add3A_2168 : i32 to index
        %swap3A_2222 = arith.constant 32 : index
        %swap3A_2223 = tpu.vector_load %arg10[%swap3A_2221, %swap3A_2222] {strides = array<i32>} : memref<200x64xf32, #tpu.memory_space<vmem>>, vector<1x16xf32>,
        %swap3A_2224 = vector.shape_cast %swap3A_2223 : vector<1x16xf32> to vector<16xf32>
        %swap3A_2225 = vector.shape_cast %mul3A_2220 : vector<16xf32> to vector<1x16xf32>
        tpu.vector_store %arg10[%swap3A_2221, %swap3A_2222], %swap3A_2225 {strides = array<i32>} : memref<200x64xf32, #tpu.memory_space<vmem>>, vector<1x16xf32>,
        %get3A_2226 = arith.index_cast %add3A_2168 : i32 to index
        %get3A_2227 = arith.constant 48 : index
        %get3A_2228 = tpu.vector_load %arg8[%get3A_2226, %get3A_2227] {strides = array<i32>} : memref<200x64xf32, #tpu.memory_space<vmem>>, vector<1x16xf32>,
        %get3A_2229 = vector.shape_cast %get3A_2228 : vector<1x16xf32> to vector<16xf32>
        %mul3A_2230 = arith.constant 8.000000e+00 : f32
        %mul3A_2231 = vector.broadcast %mul3A_2230 : f32 to vector<16xf32>
        %mul3A_2232 = arith.mulf %get3A_2229, %mul3A_2231 : vector<16xf32>
        %get3A_2233 = arith.index_cast %add3A_2168 : i32 to index
        %get3A_2234 = arith.constant 48 : index
        %get3A_2235 = tpu.vector_load %arg7[%get3A_2233, %get3A_2234] {strides = array<i32>} : memref<200x64xf32, #tpu.memory_space<vmem>>, vector<1x16xf32>,
        %get3A_2236 = vector.shape_cast %get3A_2235 : vector<1x16xf32> to vector<16xf32>
        %add3A_2237 = arith.addf %mul3A_2232, %get3A_2236 : vector<16xf32>
        %mul3A_2238 = vector.broadcast %squeeze3A_2166 : f32 to vector<16xf32>
        %mul3A_2239 = arith.mulf %add3A_2237, %mul3A_2238 : vector<16xf32>
        %swap3A_2240 = arith.index_cast %add3A_2168 : i32 to index
        %swap3A_2241 = arith.constant 48 : index
        %swap3A_2242 = tpu.vector_load %arg10[%swap3A_2240, %swap3A_2241] {strides = array<i32>} : memref<200x64xf32, #tpu.memory_space<vmem>>, vector<1x16xf32>,
        %swap3A_2243 = vector.shape_cast %swap3A_2242 : vector<1x16xf32> to vector<16xf32>
        %swap3A_2244 = vector.shape_cast %mul3A_2239 : vector<16xf32> to vector<1x16xf32>
        tpu.vector_store %arg10[%swap3A_2240, %swap3A_2241], %swap3A_2244 {strides = array<i32>} : memref<200x64xf32, #tpu.memory_space<vmem>>, vector<1x16xf32>,
        %slice3A_2245 = vector.extract_strided_slice %select_n3A_1604 {offsets = [8], sizes = [1], strides = [1]} : vector<16xf32> to vector<1xf32>
        %squeeze3A_2246 = vector.extract %slice3A_2245[0] : f32 from vector<1xf32>
        %add3A_2247 = arith.constant 8 : i32
        %add3A_2248 = arith.addi %mul3A_1590, %add3A_2247 : i32
        %get3A_2249 = arith.index_cast %add3A_2248 : i32 to index
        %get3A_2250 = arith.constant 0 : index
        %get3A_2251 = tpu.vector_load %arg8[%get3A_2249, %get3A_2250] {strides = array<i32>} : memref<200x64xf32, #tpu.memory_space<vmem>>, vector<1x16xf32>,
        %get3A_2252 = vector.shape_cast %get3A_2251 : vector<1x16xf32> to vector<16xf32>
        %mul3A_2253 = arith.constant 8.000000e+00 : f32
        %mul3A_2254 = vector.broadcast %mul3A_2253 : f32 to vector<16xf32>
        %mul3A_2255 = arith.mulf %get3A_2252, %mul3A_2254 : vector<16xf32>
        %get3A_2256 = arith.index_cast %add3A_2248 : i32 to index
        %get3A_2257 = arith.constant 0 : index
        %get3A_2258 = tpu.vector_load %arg7[%get3A_2256, %get3A_2257] {strides = array<i32>} : memref<200x64xf32, #tpu.memory_space<vmem>>, vector<1x16xf32>,
        %get3A_2259 = vector.shape_cast %get3A_2258 : vector<1x16xf32> to vector<16xf32>
        %add3A_2260 = arith.addf %mul3A_2255, %get3A_2259 : vector<16xf32>
        %mul3A_2261 = vector.broadcast %squeeze3A_2246 : f32 to vector<16xf32>
        %mul3A_2262 = arith.mulf %add3A_2260, %mul3A_2261 : vector<16xf32>
        %swap3A_2263 = arith.index_cast %add3A_2248 : i32 to index
        %swap3A_2264 = arith.constant 0 : index
        %swap3A_2265 = tpu.vector_load %arg10[%swap3A_2263, %swap3A_2264] {strides = array<i32>} : memref<200x64xf32, #tpu.memory_space<vmem>>, vector<1x16xf32>,
        %swap3A_2266 = vector.shape_cast %swap3A_2265 : vector<1x16xf32> to vector<16xf32>
        %swap3A_2267 = vector.shape_cast %mul3A_2262 : vector<16xf32> to vector<1x16xf32>
        tpu.vector_store %arg10[%swap3A_2263, %swap3A_2264], %swap3A_2267 {strides = array<i32>} : memref<200x64xf32, #tpu.memory_space<vmem>>, vector<1x16xf32>,
        %get3A_2268 = arith.index_cast %add3A_2248 : i32 to index
        %get3A_2269 = arith.constant 16 : index
        %get3A_2270 = tpu.vector_load %arg8[%get3A_2268, %get3A_2269] {strides = array<i32>} : memref<200x64xf32, #tpu.memory_space<vmem>>, vector<1x16xf32>,
        %get3A_2271 = vector.shape_cast %get3A_2270 : vector<1x16xf32> to vector<16xf32>
        %mul3A_2272 = arith.constant 8.000000e+00 : f32
        %mul3A_2273 = vector.broadcast %mul3A_2272 : f32 to vector<16xf32>
        %mul3A_2274 = arith.mulf %get3A_2271, %mul3A_2273 : vector<16xf32>
        %get3A_2275 = arith.index_cast %add3A_2248 : i32 to index
        %get3A_2276 = arith.constant 16 : index
        %get3A_2277 = tpu.vector_load %arg7[%get3A_2275, %get3A_2276] {strides = array<i32>} : memref<200x64xf32, #tpu.memory_space<vmem>>, vector<1x16xf32>,
        %get3A_2278 = vector.shape_cast %get3A_2277 : vector<1x16xf32> to vector<16xf32>
        %add3A_2279 = arith.addf %mul3A_2274, %get3A_2278 : vector<16xf32>
        %mul3A_2280 = vector.broadcast %squeeze3A_2246 : f32 to vector<16xf32>
        %mul3A_2281 = arith.mulf %add3A_2279, %mul3A_2280 : vector<16xf32>
        %swap3A_2282 = arith.index_cast %add3A_2248 : i32 to index
        %swap3A_2283 = arith.constant 16 : index
        %swap3A_2284 = tpu.vector_load %arg10[%swap3A_2282, %swap3A_2283] {strides = array<i32>} : memref<200x64xf32, #tpu.memory_space<vmem>>, vector<1x16xf32>,
        %swap3A_2285 = vector.shape_cast %swap3A_2284 : vector<1x16xf32> to vector<16xf32>
        %swap3A_2286 = vector.shape_cast %mul3A_2281 : vector<16xf32> to vector<1x16xf32>
        tpu.vector_store %arg10[%swap3A_2282, %swap3A_2283], %swap3A_2286 {strides = array<i32>} : memref<200x64xf32, #tpu.memory_space<vmem>>, vector<1x16xf32>,
        %get3A_2287 = arith.index_cast %add3A_2248 : i32 to index
        %get3A_2288 = arith.constant 32 : index
        %get3A_2289 = tpu.vector_load %arg8[%get3A_2287, %get3A_2288] {strides = array<i32>} : memref<200x64xf32, #tpu.memory_space<vmem>>, vector<1x16xf32>,
        %get3A_2290 = vector.shape_cast %get3A_2289 : vector<1x16xf32> to vector<16xf32>
        %mul3A_2291 = arith.constant 8.000000e+00 : f32
        %mul3A_2292 = vector.broadcast %mul3A_2291 : f32 to vector<16xf32>
        %mul3A_2293 = arith.mulf %get3A_2290, %mul3A_2292 : vector<16xf32>
        %get3A_2294 = arith.index_cast %add3A_2248 : i32 to index
        %get3A_2295 = arith.constant 32 : index
        %get3A_2296 = tpu.vector_load %arg7[%get3A_2294, %get3A_2295] {strides = array<i32>} : memref<200x64xf32, #tpu.memory_space<vmem>>, vector<1x16xf32>,
        %get3A_2297 = vector.shape_cast %get3A_2296 : vector<1x16xf32> to vector<16xf32>
        %add3A_2298 = arith.addf %mul3A_2293, %get3A_2297 : vector<16xf32>
        %mul3A_2299 = vector.broadcast %squeeze3A_2246 : f32 to vector<16xf32>
        %mul3A_2300 = arith.mulf %add3A_2298, %mul3A_2299 : vector<16xf32>
        %swap3A_2301 = arith.index_cast %add3A_2248 : i32 to index
        %swap3A_2302 = arith.constant 32 : index
        %swap3A_2303 = tpu.vector_load %arg10[%swap3A_2301, %swap3A_2302] {strides = array<i32>} : memref<200x64xf32, #tpu.memory_space<vmem>>, vector<1x16xf32>,
        %swap3A_2304 = vector.shape_cast %swap3A_2303 : vector<1x16xf32> to vector<16xf32>
        %swap3A_2305 = vector.shape_cast %mul3A_2300 : vector<16xf32> to vector<1x16xf32>
        tpu.vector_store %arg10[%swap3A_2301, %swap3A_2302], %swap3A_2305 {strides = array<i32>} : memref<200x64xf32, #tpu.memory_space<vmem>>, vector<1x16xf32>,
        %get3A_2306 = arith.index_cast %add3A_2248 : i32 to index
        %get3A_2307 = arith.constant 48 : index
        %get3A_2308 = tpu.vector_load %arg8[%get3A_2306, %get3A_2307] {strides = array<i32>} : memref<200x64xf32, #tpu.memory_space<vmem>>, vector<1x16xf32>,
        %get3A_2309 = vector.shape_cast %get3A_2308 : vector<1x16xf32> to vector<16xf32>
        %mul3A_2310 = arith.constant 8.000000e+00 : f32
        %mul3A_2311 = vector.broadcast %mul3A_2310 : f32 to vector<16xf32>
        %mul3A_2312 = arith.mulf %get3A_2309, %mul3A_2311 : vector<16xf32>
        %get3A_2313 = arith.index_cast %add3A_2248 : i32 to index
        %get3A_2314 = arith.constant 48 : index
        %get3A_2315 = tpu.vector_load %arg7[%get3A_2313, %get3A_2314] {strides = array<i32>} : memref<200x64xf32, #tpu.memory_space<vmem>>, vector<1x16xf32>,
        %get3A_2316 = vector.shape_cast %get3A_2315 : vector<1x16xf32> to vector<16xf32>
        %add3A_2317 = arith.addf %mul3A_2312, %get3A_2316 : vector<16xf32>
        %mul3A_2318 = vector.broadcast %squeeze3A_2246 : f32 to vector<16xf32>
        %mul3A_2319 = arith.mulf %add3A_2317, %mul3A_2318 : vector<16xf32>
        %swap3A_2320 = arith.index_cast %add3A_2248 : i32 to index
        %swap3A_2321 = arith.constant 48 : index
        %swap3A_2322 = tpu.vector_load %arg10[%swap3A_2320, %swap3A_2321] {strides = array<i32>} : memref<200x64xf32, #tpu.memory_space<vmem>>, vector<1x16xf32>,
        %swap3A_2323 = vector.shape_cast %swap3A_2322 : vector<1x16xf32> to vector<16xf32>
        %swap3A_2324 = vector.shape_cast %mul3A_2319 : vector<16xf32> to vector<1x16xf32>
        tpu.vector_store %arg10[%swap3A_2320, %swap3A_2321], %swap3A_2324 {strides = array<i32>} : memref<200x64xf32, #tpu.memory_space<vmem>>, vector<1x16xf32>,
        %slice3A_2325 = vector.extract_strided_slice %select_n3A_1604 {offsets = [9], sizes = [1], strides = [1]} : vector<16xf32> to vector<1xf32>
        %squeeze3A_2326 = vector.extract %slice3A_2325[0] : f32 from vector<1xf32>
        %add3A_2327 = arith.constant 9 : i32
        %add3A_2328 = arith.addi %mul3A_1590, %add3A_2327 : i32
        %get3A_2329 = arith.index_cast %add3A_2328 : i32 to index
        %get3A_2330 = arith.constant 0 : index
        %get3A_2331 = tpu.vector_load %arg8[%get3A_2329, %get3A_2330] {strides = array<i32>} : memref<200x64xf32, #tpu.memory_space<vmem>>, vector<1x16xf32>,
        %get3A_2332 = vector.shape_cast %get3A_2331 : vector<1x16xf32> to vector<16xf32>
        %mul3A_2333 = arith.constant 8.000000e+00 : f32
        %mul3A_2334 = vector.broadcast %mul3A_2333 : f32 to vector<16xf32>
        %mul3A_2335 = arith.mulf %get3A_2332, %mul3A_2334 : vector<16xf32>
        %get3A_2336 = arith.index_cast %add3A_2328 : i32 to index
        %get3A_2337 = arith.constant 0 : index
        %get3A_2338 = tpu.vector_load %arg7[%get3A_2336, %get3A_2337] {strides = array<i32>} : memref<200x64xf32, #tpu.memory_space<vmem>>, vector<1x16xf32>,
        %get3A_2339 = vector.shape_cast %get3A_2338 : vector<1x16xf32> to vector<16xf32>
        %add3A_2340 = arith.addf %mul3A_2335, %get3A_2339 : vector<16xf32>
        %mul3A_2341 = vector.broadcast %squeeze3A_2326 : f32 to vector<16xf32>
        %mul3A_2342 = arith.mulf %add3A_2340, %mul3A_2341 : vector<16xf32>
        %swap3A_2343 = arith.index_cast %add3A_2328 : i32 to index
        %swap3A_2344 = arith.constant 0 : index
        %swap3A_2345 = tpu.vector_load %arg10[%swap3A_2343, %swap3A_2344] {strides = array<i32>} : memref<200x64xf32, #tpu.memory_space<vmem>>, vector<1x16xf32>,
        %swap3A_2346 = vector.shape_cast %swap3A_2345 : vector<1x16xf32> to vector<16xf32>
        %swap3A_2347 = vector.shape_cast %mul3A_2342 : vector<16xf32> to vector<1x16xf32>
        tpu.vector_store %arg10[%swap3A_2343, %swap3A_2344], %swap3A_2347 {strides = array<i32>} : memref<200x64xf32, #tpu.memory_space<vmem>>, vector<1x16xf32>,
        %get3A_2348 = arith.index_cast %add3A_2328 : i32 to index
        %get3A_2349 = arith.constant 16 : index
        %get3A_2350 = tpu.vector_load %arg8[%get3A_2348, %get3A_2349] {strides = array<i32>} : memref<200x64xf32, #tpu.memory_space<vmem>>, vector<1x16xf32>,
        %get3A_2351 = vector.shape_cast %get3A_2350 : vector<1x16xf32> to vector<16xf32>
        %mul3A_2352 = arith.constant 8.000000e+00 : f32
        %mul3A_2353 = vector.broadcast %mul3A_2352 : f32 to vector<16xf32>
        %mul3A_2354 = arith.mulf %get3A_2351, %mul3A_2353 : vector<16xf32>
        %get3A_2355 = arith.index_cast %add3A_2328 : i32 to index
        %get3A_2356 = arith.constant 16 : index
        %get3A_2357 = tpu.vector_load %arg7[%get3A_2355, %get3A_2356] {strides = array<i32>} : memref<200x64xf32, #tpu.memory_space<vmem>>, vector<1x16xf32>,
        %get3A_2358 = vector.shape_cast %get3A_2357 : vector<1x16xf32> to vector<16xf32>
        %add3A_2359 = arith.addf %mul3A_2354, %get3A_2358 : vector<16xf32>
        %mul3A_2360 = vector.broadcast %squeeze3A_2326 : f32 to vector<16xf32>
        %mul3A_2361 = arith.mulf %add3A_2359, %mul3A_2360 : vector<16xf32>
        %swap3A_2362 = arith.index_cast %add3A_2328 : i32 to index
        %swap3A_2363 = arith.constant 16 : index
        %swap3A_2364 = tpu.vector_load %arg10[%swap3A_2362, %swap3A_2363] {strides = array<i32>} : memref<200x64xf32, #tpu.memory_space<vmem>>, vector<1x16xf32>,
        %swap3A_2365 = vector.shape_cast %swap3A_2364 : vector<1x16xf32> to vector<16xf32>
        %swap3A_2366 = vector.shape_cast %mul3A_2361 : vector<16xf32> to vector<1x16xf32>
        tpu.vector_store %arg10[%swap3A_2362, %swap3A_2363], %swap3A_2366 {strides = array<i32>} : memref<200x64xf32, #tpu.memory_space<vmem>>, vector<1x16xf32>,
        %get3A_2367 = arith.index_cast %add3A_2328 : i32 to index
        %get3A_2368 = arith.constant 32 : index
        %get3A_2369 = tpu.vector_load %arg8[%get3A_2367, %get3A_2368] {strides = array<i32>} : memref<200x64xf32, #tpu.memory_space<vmem>>, vector<1x16xf32>,
        %get3A_2370 = vector.shape_cast %get3A_2369 : vector<1x16xf32> to vector<16xf32>
        %mul3A_2371 = arith.constant 8.000000e+00 : f32
        %mul3A_2372 = vector.broadcast %mul3A_2371 : f32 to vector<16xf32>
        %mul3A_2373 = arith.mulf %get3A_2370, %mul3A_2372 : vector<16xf32>
        %get3A_2374 = arith.index_cast %add3A_2328 : i32 to index
        %get3A_2375 = arith.constant 32 : index
        %get3A_2376 = tpu.vector_load %arg7[%get3A_2374, %get3A_2375] {strides = array<i32>} : memref<200x64xf32, #tpu.memory_space<vmem>>, vector<1x16xf32>,
        %get3A_2377 = vector.shape_cast %get3A_2376 : vector<1x16xf32> to vector<16xf32>
        %add3A_2378 = arith.addf %mul3A_2373, %get3A_2377 : vector<16xf32>
        %mul3A_2379 = vector.broadcast %squeeze3A_2326 : f32 to vector<16xf32>
        %mul3A_2380 = arith.mulf %add3A_2378, %mul3A_2379 : vector<16xf32>
        %swap3A_2381 = arith.index_cast %add3A_2328 : i32 to index
        %swap3A_2382 = arith.constant 32 : index
        %swap3A_2383 = tpu.vector_load %arg10[%swap3A_2381, %swap3A_2382] {strides = array<i32>} : memref<200x64xf32, #tpu.memory_space<vmem>>, vector<1x16xf32>,
        %swap3A_2384 = vector.shape_cast %swap3A_2383 : vector<1x16xf32> to vector<16xf32>
        %swap3A_2385 = vector.shape_cast %mul3A_2380 : vector<16xf32> to vector<1x16xf32>
        tpu.vector_store %arg10[%swap3A_2381, %swap3A_2382], %swap3A_2385 {strides = array<i32>} : memref<200x64xf32, #tpu.memory_space<vmem>>, vector<1x16xf32>,
        %get3A_2386 = arith.index_cast %add3A_2328 : i32 to index
        %get3A_2387 = arith.constant 48 : index
        %get3A_2388 = tpu.vector_load %arg8[%get3A_2386, %get3A_2387] {strides = array<i32>} : memref<200x64xf32, #tpu.memory_space<vmem>>, vector<1x16xf32>,
        %get3A_2389 = vector.shape_cast %get3A_2388 : vector<1x16xf32> to vector<16xf32>
        %mul3A_2390 = arith.constant 8.000000e+00 : f32
        %mul3A_2391 = vector.broadcast %mul3A_2390 : f32 to vector<16xf32>
        %mul3A_2392 = arith.mulf %get3A_2389, %mul3A_2391 : vector<16xf32>
        %get3A_2393 = arith.index_cast %add3A_2328 : i32 to index
        %get3A_2394 = arith.constant 48 : index
        %get3A_2395 = tpu.vector_load %arg7[%get3A_2393, %get3A_2394] {strides = array<i32>} : memref<200x64xf32, #tpu.memory_space<vmem>>, vector<1x16xf32>,
        %get3A_2396 = vector.shape_cast %get3A_2395 : vector<1x16xf32> to vector<16xf32>
        %add3A_2397 = arith.addf %mul3A_2392, %get3A_2396 : vector<16xf32>
        %mul3A_2398 = vector.broadcast %squeeze3A_2326 : f32 to vector<16xf32>
        %mul3A_2399 = arith.mulf %add3A_2397, %mul3A_2398 : vector<16xf32>
        %swap3A_2400 = arith.index_cast %add3A_2328 : i32 to index
        %swap3A_2401 = arith.constant 48 : index
        %swap3A_2402 = tpu.vector_load %arg10[%swap3A_2400, %swap3A_2401] {strides = array<i32>} : memref<200x64xf32, #tpu.memory_space<vmem>>, vector<1x16xf32>,
        %swap3A_2403 = vector.shape_cast %swap3A_2402 : vector<1x16xf32> to vector<16xf32>
        %swap3A_2404 = vector.shape_cast %mul3A_2399 : vector<16xf32> to vector<1x16xf32>
        tpu.vector_store %arg10[%swap3A_2400, %swap3A_2401], %swap3A_2404 {strides = array<i32>} : memref<200x64xf32, #tpu.memory_space<vmem>>, vector<1x16xf32>,
        %slice3A_2405 = vector.extract_strided_slice %select_n3A_1604 {offsets = [10], sizes = [1], strides = [1]} : vector<16xf32> to vector<1xf32>
        %squeeze3A_2406 = vector.extract %slice3A_2405[0] : f32 from vector<1xf32>
        %add3A_2407 = arith.constant 10 : i32
        %add3A_2408 = arith.addi %mul3A_1590, %add3A_2407 : i32
        %get3A_2409 = arith.index_cast %add3A_2408 : i32 to index
        %get3A_2410 = arith.constant 0 : index
        %get3A_2411 = tpu.vector_load %arg8[%get3A_2409, %get3A_2410] {strides = array<i32>} : memref<200x64xf32, #tpu.memory_space<vmem>>, vector<1x16xf32>,
        %get3A_2412 = vector.shape_cast %get3A_2411 : vector<1x16xf32> to vector<16xf32>
        %mul3A_2413 = arith.constant 8.000000e+00 : f32
        %mul3A_2414 = vector.broadcast %mul3A_2413 : f32 to vector<16xf32>
        %mul3A_2415 = arith.mulf %get3A_2412, %mul3A_2414 : vector<16xf32>
        %get3A_2416 = arith.index_cast %add3A_2408 : i32 to index
        %get3A_2417 = arith.constant 0 : index
        %get3A_2418 = tpu.vector_load %arg7[%get3A_2416, %get3A_2417] {strides = array<i32>} : memref<200x64xf32, #tpu.memory_space<vmem>>, vector<1x16xf32>,
        %get3A_2419 = vector.shape_cast %get3A_2418 : vector<1x16xf32> to vector<16xf32>
        %add3A_2420 = arith.addf %mul3A_2415, %get3A_2419 : vector<16xf32>
        %mul3A_2421 = vector.broadcast %squeeze3A_2406 : f32 to vector<16xf32>
        %mul3A_2422 = arith.mulf %add3A_2420, %mul3A_2421 : vector<16xf32>
        %swap3A_2423 = arith.index_cast %add3A_2408 : i32 to index
        %swap3A_2424 = arith.constant 0 : index
        %swap3A_2425 = tpu.vector_load %arg10[%swap3A_2423, %swap3A_2424] {strides = array<i32>} : memref<200x64xf32, #tpu.memory_space<vmem>>, vector<1x16xf32>,
        %swap3A_2426 = vector.shape_cast %swap3A_2425 : vector<1x16xf32> to vector<16xf32>
        %swap3A_2427 = vector.shape_cast %mul3A_2422 : vector<16xf32> to vector<1x16xf32>
        tpu.vector_store %arg10[%swap3A_2423, %swap3A_2424], %swap3A_2427 {strides = array<i32>} : memref<200x64xf32, #tpu.memory_space<vmem>>, vector<1x16xf32>,
        %get3A_2428 = arith.index_cast %add3A_2408 : i32 to index
        %get3A_2429 = arith.constant 16 : index
        %get3A_2430 = tpu.vector_load %arg8[%get3A_2428, %get3A_2429] {strides = array<i32>} : memref<200x64xf32, #tpu.memory_space<vmem>>, vector<1x16xf32>,
        %get3A_2431 = vector.shape_cast %get3A_2430 : vector<1x16xf32> to vector<16xf32>
        %mul3A_2432 = arith.constant 8.000000e+00 : f32
        %mul3A_2433 = vector.broadcast %mul3A_2432 : f32 to vector<16xf32>
        %mul3A_2434 = arith.mulf %get3A_2431, %mul3A_2433 : vector<16xf32>
        %get3A_2435 = arith.index_cast %add3A_2408 : i32 to index
        %get3A_2436 = arith.constant 16 : index
        %get3A_2437 = tpu.vector_load %arg7[%get3A_2435, %get3A_2436] {strides = array<i32>} : memref<200x64xf32, #tpu.memory_space<vmem>>, vector<1x16xf32>,
        %get3A_2438 = vector.shape_cast %get3A_2437 : vector<1x16xf32> to vector<16xf32>
        %add3A_2439 = arith.addf %mul3A_2434, %get3A_2438 : vector<16xf32>
        %mul3A_2440 = vector.broadcast %squeeze3A_2406 : f32 to vector<16xf32>
        %mul3A_2441 = arith.mulf %add3A_2439, %mul3A_2440 : vector<16xf32>
        %swap3A_2442 = arith.index_cast %add3A_2408 : i32 to index
        %swap3A_2443 = arith.constant 16 : index
        %swap3A_2444 = tpu.vector_load %arg10[%swap3A_2442, %swap3A_2443] {strides = array<i32>} : memref<200x64xf32, #tpu.memory_space<vmem>>, vector<1x16xf32>,
        %swap3A_2445 = vector.shape_cast %swap3A_2444 : vector<1x16xf32> to vector<16xf32>
        %swap3A_2446 = vector.shape_cast %mul3A_2441 : vector<16xf32> to vector<1x16xf32>
        tpu.vector_store %arg10[%swap3A_2442, %swap3A_2443], %swap3A_2446 {strides = array<i32>} : memref<200x64xf32, #tpu.memory_space<vmem>>, vector<1x16xf32>,
        %get3A_2447 = arith.index_cast %add3A_2408 : i32 to index
        %get3A_2448 = arith.constant 32 : index
        %get3A_2449 = tpu.vector_load %arg8[%get3A_2447, %get3A_2448] {strides = array<i32>} : memref<200x64xf32, #tpu.memory_space<vmem>>, vector<1x16xf32>,
        %get3A_2450 = vector.shape_cast %get3A_2449 : vector<1x16xf32> to vector<16xf32>
        %mul3A_2451 = arith.constant 8.000000e+00 : f32
        %mul3A_2452 = vector.broadcast %mul3A_2451 : f32 to vector<16xf32>
        %mul3A_2453 = arith.mulf %get3A_2450, %mul3A_2452 : vector<16xf32>
        %get3A_2454 = arith.index_cast %add3A_2408 : i32 to index
        %get3A_2455 = arith.constant 32 : index
        %get3A_2456 = tpu.vector_load %arg7[%get3A_2454, %get3A_2455] {strides = array<i32>} : memref<200x64xf32, #tpu.memory_space<vmem>>, vector<1x16xf32>,
        %get3A_2457 = vector.shape_cast %get3A_2456 : vector<1x16xf32> to vector<16xf32>
        %add3A_2458 = arith.addf %mul3A_2453, %get3A_2457 : vector<16xf32>
        %mul3A_2459 = vector.broadcast %squeeze3A_2406 : f32 to vector<16xf32>
        %mul3A_2460 = arith.mulf %add3A_2458, %mul3A_2459 : vector<16xf32>
        %swap3A_2461 = arith.index_cast %add3A_2408 : i32 to index
        %swap3A_2462 = arith.constant 32 : index
        %swap3A_2463 = tpu.vector_load %arg10[%swap3A_2461, %swap3A_2462] {strides = array<i32>} : memref<200x64xf32, #tpu.memory_space<vmem>>, vector<1x16xf32>,
        %swap3A_2464 = vector.shape_cast %swap3A_2463 : vector<1x16xf32> to vector<16xf32>
        %swap3A_2465 = vector.shape_cast %mul3A_2460 : vector<16xf32> to vector<1x16xf32>
        tpu.vector_store %arg10[%swap3A_2461, %swap3A_2462], %swap3A_2465 {strides = array<i32>} : memref<200x64xf32, #tpu.memory_space<vmem>>, vector<1x16xf32>,
        %get3A_2466 = arith.index_cast %add3A_2408 : i32 to index
        %get3A_2467 = arith.constant 48 : index
        %get3A_2468 = tpu.vector_load %arg8[%get3A_2466, %get3A_2467] {strides = array<i32>} : memref<200x64xf32, #tpu.memory_space<vmem>>, vector<1x16xf32>,
        %get3A_2469 = vector.shape_cast %get3A_2468 : vector<1x16xf32> to vector<16xf32>
        %mul3A_2470 = arith.constant 8.000000e+00 : f32
        %mul3A_2471 = vector.broadcast %mul3A_2470 : f32 to vector<16xf32>
        %mul3A_2472 = arith.mulf %get3A_2469, %mul3A_2471 : vector<16xf32>
        %get3A_2473 = arith.index_cast %add3A_2408 : i32 to index
        %get3A_2474 = arith.constant 48 : index
        %get3A_2475 = tpu.vector_load %arg7[%get3A_2473, %get3A_2474] {strides = array<i32>} : memref<200x64xf32, #tpu.memory_space<vmem>>, vector<1x16xf32>,
        %get3A_2476 = vector.shape_cast %get3A_2475 : vector<1x16xf32> to vector<16xf32>
        %add3A_2477 = arith.addf %mul3A_2472, %get3A_2476 : vector<16xf32>
        %mul3A_2478 = vector.broadcast %squeeze3A_2406 : f32 to vector<16xf32>
        %mul3A_2479 = arith.mulf %add3A_2477, %mul3A_2478 : vector<16xf32>
        %swap3A_2480 = arith.index_cast %add3A_2408 : i32 to index
        %swap3A_2481 = arith.constant 48 : index
        %swap3A_2482 = tpu.vector_load %arg10[%swap3A_2480, %swap3A_2481] {strides = array<i32>} : memref<200x64xf32, #tpu.memory_space<vmem>>, vector<1x16xf32>,
        %swap3A_2483 = vector.shape_cast %swap3A_2482 : vector<1x16xf32> to vector<16xf32>
        %swap3A_2484 = vector.shape_cast %mul3A_2479 : vector<16xf32> to vector<1x16xf32>
        tpu.vector_store %arg10[%swap3A_2480, %swap3A_2481], %swap3A_2484 {strides = array<i32>} : memref<200x64xf32, #tpu.memory_space<vmem>>, vector<1x16xf32>,
        %slice3A_2485 = vector.extract_strided_slice %select_n3A_1604 {offsets = [11], sizes = [1], strides = [1]} : vector<16xf32> to vector<1xf32>
        %squeeze3A_2486 = vector.extract %slice3A_2485[0] : f32 from vector<1xf32>
        %add3A_2487 = arith.constant 11 : i32
        %add3A_2488 = arith.addi %mul3A_1590, %add3A_2487 : i32
        %get3A_2489 = arith.index_cast %add3A_2488 : i32 to index
        %get3A_2490 = arith.constant 0 : index
        %get3A_2491 = tpu.vector_load %arg8[%get3A_2489, %get3A_2490] {strides = array<i32>} : memref<200x64xf32, #tpu.memory_space<vmem>>, vector<1x16xf32>,
        %get3A_2492 = vector.shape_cast %get3A_2491 : vector<1x16xf32> to vector<16xf32>
        %mul3A_2493 = arith.constant 8.000000e+00 : f32
        %mul3A_2494 = vector.broadcast %mul3A_2493 : f32 to vector<16xf32>
        %mul3A_2495 = arith.mulf %get3A_2492, %mul3A_2494 : vector<16xf32>
        %get3A_2496 = arith.index_cast %add3A_2488 : i32 to index
        %get3A_2497 = arith.constant 0 : index
        %get3A_2498 = tpu.vector_load %arg7[%get3A_2496, %get3A_2497] {strides = array<i32>} : memref<200x64xf32, #tpu.memory_space<vmem>>, vector<1x16xf32>,
        %get3A_2499 = vector.shape_cast %get3A_2498 : vector<1x16xf32> to vector<16xf32>
        %add3A_2500 = arith.addf %mul3A_2495, %get3A_2499 : vector<16xf32>
        %mul3A_2501 = vector.broadcast %squeeze3A_2486 : f32 to vector<16xf32>
        %mul3A_2502 = arith.mulf %add3A_2500, %mul3A_2501 : vector<16xf32>
        %swap3A_2503 = arith.index_cast %add3A_2488 : i32 to index
        %swap3A_2504 = arith.constant 0 : index
        %swap3A_2505 = tpu.vector_load %arg10[%swap3A_2503, %swap3A_2504] {strides = array<i32>} : memref<200x64xf32, #tpu.memory_space<vmem>>, vector<1x16xf32>,
        %swap3A_2506 = vector.shape_cast %swap3A_2505 : vector<1x16xf32> to vector<16xf32>
        %swap3A_2507 = vector.shape_cast %mul3A_2502 : vector<16xf32> to vector<1x16xf32>
        tpu.vector_store %arg10[%swap3A_2503, %swap3A_2504], %swap3A_2507 {strides = array<i32>} : memref<200x64xf32, #tpu.memory_space<vmem>>, vector<1x16xf32>,
        %get3A_2508 = arith.index_cast %add3A_2488 : i32 to index
        %get3A_2509 = arith.constant 16 : index
        %get3A_2510 = tpu.vector_load %arg8[%get3A_2508, %get3A_2509] {strides = array<i32>} : memref<200x64xf32, #tpu.memory_space<vmem>>, vector<1x16xf32>,
        %get3A_2511 = vector.shape_cast %get3A_2510 : vector<1x16xf32> to vector<16xf32>
        %mul3A_2512 = arith.constant 8.000000e+00 : f32
        %mul3A_2513 = vector.broadcast %mul3A_2512 : f32 to vector<16xf32>
        %mul3A_2514 = arith.mulf %get3A_2511, %mul3A_2513 : vector<16xf32>
        %get3A_2515 = arith.index_cast %add3A_2488 : i32 to index
        %get3A_2516 = arith.constant 16 : index
        %get3A_2517 = tpu.vector_load %arg7[%get3A_2515, %get3A_2516] {strides = array<i32>} : memref<200x64xf32, #tpu.memory_space<vmem>>, vector<1x16xf32>,
        %get3A_2518 = vector.shape_cast %get3A_2517 : vector<1x16xf32> to vector<16xf32>
        %add3A_2519 = arith.addf %mul3A_2514, %get3A_2518 : vector<16xf32>
        %mul3A_2520 = vector.broadcast %squeeze3A_2486 : f32 to vector<16xf32>
        %mul3A_2521 = arith.mulf %add3A_2519, %mul3A_2520 : vector<16xf32>
        %swap3A_2522 = arith.index_cast %add3A_2488 : i32 to index
        %swap3A_2523 = arith.constant 16 : index
        %swap3A_2524 = tpu.vector_load %arg10[%swap3A_2522, %swap3A_2523] {strides = array<i32>} : memref<200x64xf32, #tpu.memory_space<vmem>>, vector<1x16xf32>,
        %swap3A_2525 = vector.shape_cast %swap3A_2524 : vector<1x16xf32> to vector<16xf32>
        %swap3A_2526 = vector.shape_cast %mul3A_2521 : vector<16xf32> to vector<1x16xf32>
        tpu.vector_store %arg10[%swap3A_2522, %swap3A_2523], %swap3A_2526 {strides = array<i32>} : memref<200x64xf32, #tpu.memory_space<vmem>>, vector<1x16xf32>,
        %get3A_2527 = arith.index_cast %add3A_2488 : i32 to index
        %get3A_2528 = arith.constant 32 : index
        %get3A_2529 = tpu.vector_load %arg8[%get3A_2527, %get3A_2528] {strides = array<i32>} : memref<200x64xf32, #tpu.memory_space<vmem>>, vector<1x16xf32>,
        %get3A_2530 = vector.shape_cast %get3A_2529 : vector<1x16xf32> to vector<16xf32>
        %mul3A_2531 = arith.constant 8.000000e+00 : f32
        %mul3A_2532 = vector.broadcast %mul3A_2531 : f32 to vector<16xf32>
        %mul3A_2533 = arith.mulf %get3A_2530, %mul3A_2532 : vector<16xf32>
        %get3A_2534 = arith.index_cast %add3A_2488 : i32 to index
        %get3A_2535 = arith.constant 32 : index
        %get3A_2536 = tpu.vector_load %arg7[%get3A_2534, %get3A_2535] {strides = array<i32>} : memref<200x64xf32, #tpu.memory_space<vmem>>, vector<1x16xf32>,
        %get3A_2537 = vector.shape_cast %get3A_2536 : vector<1x16xf32> to vector<16xf32>
        %add3A_2538 = arith.addf %mul3A_2533, %get3A_2537 : vector<16xf32>
        %mul3A_2539 = vector.broadcast %squeeze3A_2486 : f32 to vector<16xf32>
        %mul3A_2540 = arith.mulf %add3A_2538, %mul3A_2539 : vector<16xf32>
        %swap3A_2541 = arith.index_cast %add3A_2488 : i32 to index
        %swap3A_2542 = arith.constant 32 : index
        %swap3A_2543 = tpu.vector_load %arg10[%swap3A_2541, %swap3A_2542] {strides = array<i32>} : memref<200x64xf32, #tpu.memory_space<vmem>>, vector<1x16xf32>,
        %swap3A_2544 = vector.shape_cast %swap3A_2543 : vector<1x16xf32> to vector<16xf32>
        %swap3A_2545 = vector.shape_cast %mul3A_2540 : vector<16xf32> to vector<1x16xf32>
        tpu.vector_store %arg10[%swap3A_2541, %swap3A_2542], %swap3A_2545 {strides = array<i32>} : memref<200x64xf32, #tpu.memory_space<vmem>>, vector<1x16xf32>,
        %get3A_2546 = arith.index_cast %add3A_2488 : i32 to index
        %get3A_2547 = arith.constant 48 : index
        %get3A_2548 = tpu.vector_load %arg8[%get3A_2546, %get3A_2547] {strides = array<i32>} : memref<200x64xf32, #tpu.memory_space<vmem>>, vector<1x16xf32>,
        %get3A_2549 = vector.shape_cast %get3A_2548 : vector<1x16xf32> to vector<16xf32>
        %mul3A_2550 = arith.constant 8.000000e+00 : f32
        %mul3A_2551 = vector.broadcast %mul3A_2550 : f32 to vector<16xf32>
        %mul3A_2552 = arith.mulf %get3A_2549, %mul3A_2551 : vector<16xf32>
        %get3A_2553 = arith.index_cast %add3A_2488 : i32 to index
        %get3A_2554 = arith.constant 48 : index
        %get3A_2555 = tpu.vector_load %arg7[%get3A_2553, %get3A_2554] {strides = array<i32>} : memref<200x64xf32, #tpu.memory_space<vmem>>, vector<1x16xf32>,
        %get3A_2556 = vector.shape_cast %get3A_2555 : vector<1x16xf32> to vector<16xf32>
        %add3A_2557 = arith.addf %mul3A_2552, %get3A_2556 : vector<16xf32>
        %mul3A_2558 = vector.broadcast %squeeze3A_2486 : f32 to vector<16xf32>
        %mul3A_2559 = arith.mulf %add3A_2557, %mul3A_2558 : vector<16xf32>
        %swap3A_2560 = arith.index_cast %add3A_2488 : i32 to index
        %swap3A_2561 = arith.constant 48 : index
        %swap3A_2562 = tpu.vector_load %arg10[%swap3A_2560, %swap3A_2561] {strides = array<i32>} : memref<200x64xf32, #tpu.memory_space<vmem>>, vector<1x16xf32>,
        %swap3A_2563 = vector.shape_cast %swap3A_2562 : vector<1x16xf32> to vector<16xf32>
        %swap3A_2564 = vector.shape_cast %mul3A_2559 : vector<16xf32> to vector<1x16xf32>
        tpu.vector_store %arg10[%swap3A_2560, %swap3A_2561], %swap3A_2564 {strides = array<i32>} : memref<200x64xf32, #tpu.memory_space<vmem>>, vector<1x16xf32>,
        %slice3A_2565 = vector.extract_strided_slice %select_n3A_1604 {offsets = [12], sizes = [1], strides = [1]} : vector<16xf32> to vector<1xf32>
        %squeeze3A_2566 = vector.extract %slice3A_2565[0] : f32 from vector<1xf32>
        %add3A_2567 = arith.constant 12 : i32
        %add3A_2568 = arith.addi %mul3A_1590, %add3A_2567 : i32
        %get3A_2569 = arith.index_cast %add3A_2568 : i32 to index
        %get3A_2570 = arith.constant 0 : index
        %get3A_2571 = tpu.vector_load %arg8[%get3A_2569, %get3A_2570] {strides = array<i32>} : memref<200x64xf32, #tpu.memory_space<vmem>>, vector<1x16xf32>,
        %get3A_2572 = vector.shape_cast %get3A_2571 : vector<1x16xf32> to vector<16xf32>
        %mul3A_2573 = arith.constant 8.000000e+00 : f32
        %mul3A_2574 = vector.broadcast %mul3A_2573 : f32 to vector<16xf32>
        %mul3A_2575 = arith.mulf %get3A_2572, %mul3A_2574 : vector<16xf32>
        %get3A_2576 = arith.index_cast %add3A_2568 : i32 to index
        %get3A_2577 = arith.constant 0 : index
        %get3A_2578 = tpu.vector_load %arg7[%get3A_2576, %get3A_2577] {strides = array<i32>} : memref<200x64xf32, #tpu.memory_space<vmem>>, vector<1x16xf32>,
        %get3A_2579 = vector.shape_cast %get3A_2578 : vector<1x16xf32> to vector<16xf32>
        %add3A_2580 = arith.addf %mul3A_2575, %get3A_2579 : vector<16xf32>
        %mul3A_2581 = vector.broadcast %squeeze3A_2566 : f32 to vector<16xf32>
        %mul3A_2582 = arith.mulf %add3A_2580, %mul3A_2581 : vector<16xf32>
        %swap3A_2583 = arith.index_cast %add3A_2568 : i32 to index
        %swap3A_2584 = arith.constant 0 : index
        %swap3A_2585 = tpu.vector_load %arg10[%swap3A_2583, %swap3A_2584] {strides = array<i32>} : memref<200x64xf32, #tpu.memory_space<vmem>>, vector<1x16xf32>,
        %swap3A_2586 = vector.shape_cast %swap3A_2585 : vector<1x16xf32> to vector<16xf32>
        %swap3A_2587 = vector.shape_cast %mul3A_2582 : vector<16xf32> to vector<1x16xf32>
        tpu.vector_store %arg10[%swap3A_2583, %swap3A_2584], %swap3A_2587 {strides = array<i32>} : memref<200x64xf32, #tpu.memory_space<vmem>>, vector<1x16xf32>,
        %get3A_2588 = arith.index_cast %add3A_2568 : i32 to index
        %get3A_2589 = arith.constant 16 : index
        %get3A_2590 = tpu.vector_load %arg8[%get3A_2588, %get3A_2589] {strides = array<i32>} : memref<200x64xf32, #tpu.memory_space<vmem>>, vector<1x16xf32>,
        %get3A_2591 = vector.shape_cast %get3A_2590 : vector<1x16xf32> to vector<16xf32>
        %mul3A_2592 = arith.constant 8.000000e+00 : f32
        %mul3A_2593 = vector.broadcast %mul3A_2592 : f32 to vector<16xf32>
        %mul3A_2594 = arith.mulf %get3A_2591, %mul3A_2593 : vector<16xf32>
        %get3A_2595 = arith.index_cast %add3A_2568 : i32 to index
        %get3A_2596 = arith.constant 16 : index
        %get3A_2597 = tpu.vector_load %arg7[%get3A_2595, %get3A_2596] {strides = array<i32>} : memref<200x64xf32, #tpu.memory_space<vmem>>, vector<1x16xf32>,
        %get3A_2598 = vector.shape_cast %get3A_2597 : vector<1x16xf32> to vector<16xf32>
        %add3A_2599 = arith.addf %mul3A_2594, %get3A_2598 : vector<16xf32>
        %mul3A_2600 = vector.broadcast %squeeze3A_2566 : f32 to vector<16xf32>
        %mul3A_2601 = arith.mulf %add3A_2599, %mul3A_2600 : vector<16xf32>
        %swap3A_2602 = arith.index_cast %add3A_2568 : i32 to index
        %swap3A_2603 = arith.constant 16 : index
        %swap3A_2604 = tpu.vector_load %arg10[%swap3A_2602, %swap3A_2603] {strides = array<i32>} : memref<200x64xf32, #tpu.memory_space<vmem>>, vector<1x16xf32>,
        %swap3A_2605 = vector.shape_cast %swap3A_2604 : vector<1x16xf32> to vector<16xf32>
        %swap3A_2606 = vector.shape_cast %mul3A_2601 : vector<16xf32> to vector<1x16xf32>
        tpu.vector_store %arg10[%swap3A_2602, %swap3A_2603], %swap3A_2606 {strides = array<i32>} : memref<200x64xf32, #tpu.memory_space<vmem>>, vector<1x16xf32>,
        %get3A_2607 = arith.index_cast %add3A_2568 : i32 to index
        %get3A_2608 = arith.constant 32 : index
        %get3A_2609 = tpu.vector_load %arg8[%get3A_2607, %get3A_2608] {strides = array<i32>} : memref<200x64xf32, #tpu.memory_space<vmem>>, vector<1x16xf32>,
        %get3A_2610 = vector.shape_cast %get3A_2609 : vector<1x16xf32> to vector<16xf32>
        %mul3A_2611 = arith.constant 8.000000e+00 : f32
        %mul3A_2612 = vector.broadcast %mul3A_2611 : f32 to vector<16xf32>
        %mul3A_2613 = arith.mulf %get3A_2610, %mul3A_2612 : vector<16xf32>
        %get3A_2614 = arith.index_cast %add3A_2568 : i32 to index
        %get3A_2615 = arith.constant 32 : index
        %get3A_2616 = tpu.vector_load %arg7[%get3A_2614, %get3A_2615] {strides = array<i32>} : memref<200x64xf32, #tpu.memory_space<vmem>>, vector<1x16xf32>,
        %get3A_2617 = vector.shape_cast %get3A_2616 : vector<1x16xf32> to vector<16xf32>
        %add3A_2618 = arith.addf %mul3A_2613, %get3A_2617 : vector<16xf32>
        %mul3A_2619 = vector.broadcast %squeeze3A_2566 : f32 to vector<16xf32>
        %mul3A_2620 = arith.mulf %add3A_2618, %mul3A_2619 : vector<16xf32>
        %swap3A_2621 = arith.index_cast %add3A_2568 : i32 to index
        %swap3A_2622 = arith.constant 32 : index
        %swap3A_2623 = tpu.vector_load %arg10[%swap3A_2621, %swap3A_2622] {strides = array<i32>} : memref<200x64xf32, #tpu.memory_space<vmem>>, vector<1x16xf32>,
        %swap3A_2624 = vector.shape_cast %swap3A_2623 : vector<1x16xf32> to vector<16xf32>
        %swap3A_2625 = vector.shape_cast %mul3A_2620 : vector<16xf32> to vector<1x16xf32>
        tpu.vector_store %arg10[%swap3A_2621, %swap3A_2622], %swap3A_2625 {strides = array<i32>} : memref<200x64xf32, #tpu.memory_space<vmem>>, vector<1x16xf32>,
        %get3A_2626 = arith.index_cast %add3A_2568 : i32 to index
        %get3A_2627 = arith.constant 48 : index
        %get3A_2628 = tpu.vector_load %arg8[%get3A_2626, %get3A_2627] {strides = array<i32>} : memref<200x64xf32, #tpu.memory_space<vmem>>, vector<1x16xf32>,
        %get3A_2629 = vector.shape_cast %get3A_2628 : vector<1x16xf32> to vector<16xf32>
        %mul3A_2630 = arith.constant 8.000000e+00 : f32
        %mul3A_2631 = vector.broadcast %mul3A_2630 : f32 to vector<16xf32>
        %mul3A_2632 = arith.mulf %get3A_2629, %mul3A_2631 : vector<16xf32>
        %get3A_2633 = arith.index_cast %add3A_2568 : i32 to index
        %get3A_2634 = arith.constant 48 : index
        %get3A_2635 = tpu.vector_load %arg7[%get3A_2633, %get3A_2634] {strides = array<i32>} : memref<200x64xf32, #tpu.memory_space<vmem>>, vector<1x16xf32>,
        %get3A_2636 = vector.shape_cast %get3A_2635 : vector<1x16xf32> to vector<16xf32>
        %add3A_2637 = arith.addf %mul3A_2632, %get3A_2636 : vector<16xf32>
        %mul3A_2638 = vector.broadcast %squeeze3A_2566 : f32 to vector<16xf32>
        %mul3A_2639 = arith.mulf %add3A_2637, %mul3A_2638 : vector<16xf32>
        %swap3A_2640 = arith.index_cast %add3A_2568 : i32 to index
        %swap3A_2641 = arith.constant 48 : index
        %swap3A_2642 = tpu.vector_load %arg10[%swap3A_2640, %swap3A_2641] {strides = array<i32>} : memref<200x64xf32, #tpu.memory_space<vmem>>, vector<1x16xf32>,
        %swap3A_2643 = vector.shape_cast %swap3A_2642 : vector<1x16xf32> to vector<16xf32>
        %swap3A_2644 = vector.shape_cast %mul3A_2639 : vector<16xf32> to vector<1x16xf32>
        tpu.vector_store %arg10[%swap3A_2640, %swap3A_2641], %swap3A_2644 {strides = array<i32>} : memref<200x64xf32, #tpu.memory_space<vmem>>, vector<1x16xf32>,
        %slice3A_2645 = vector.extract_strided_slice %select_n3A_1604 {offsets = [13], sizes = [1], strides = [1]} : vector<16xf32> to vector<1xf32>
        %squeeze3A_2646 = vector.extract %slice3A_2645[0] : f32 from vector<1xf32>
        %add3A_2647 = arith.constant 13 : i32
        %add3A_2648 = arith.addi %mul3A_1590, %add3A_2647 : i32
        %get3A_2649 = arith.index_cast %add3A_2648 : i32 to index
        %get3A_2650 = arith.constant 0 : index
        %get3A_2651 = tpu.vector_load %arg8[%get3A_2649, %get3A_2650] {strides = array<i32>} : memref<200x64xf32, #tpu.memory_space<vmem>>, vector<1x16xf32>,
        %get3A_2652 = vector.shape_cast %get3A_2651 : vector<1x16xf32> to vector<16xf32>
        %mul3A_2653 = arith.constant 8.000000e+00 : f32
        %mul3A_2654 = vector.broadcast %mul3A_2653 : f32 to vector<16xf32>
        %mul3A_2655 = arith.mulf %get3A_2652, %mul3A_2654 : vector<16xf32>
        %get3A_2656 = arith.index_cast %add3A_2648 : i32 to index
        %get3A_2657 = arith.constant 0 : index
        %get3A_2658 = tpu.vector_load %arg7[%get3A_2656, %get3A_2657] {strides = array<i32>} : memref<200x64xf32, #tpu.memory_space<vmem>>, vector<1x16xf32>,
        %get3A_2659 = vector.shape_cast %get3A_2658 : vector<1x16xf32> to vector<16xf32>
        %add3A_2660 = arith.addf %mul3A_2655, %get3A_2659 : vector<16xf32>
        %mul3A_2661 = vector.broadcast %squeeze3A_2646 : f32 to vector<16xf32>
        %mul3A_2662 = arith.mulf %add3A_2660, %mul3A_2661 : vector<16xf32>
        %swap3A_2663 = arith.index_cast %add3A_2648 : i32 to index
        %swap3A_2664 = arith.constant 0 : index
        %swap3A_2665 = tpu.vector_load %arg10[%swap3A_2663, %swap3A_2664] {strides = array<i32>} : memref<200x64xf32, #tpu.memory_space<vmem>>, vector<1x16xf32>,
        %swap3A_2666 = vector.shape_cast %swap3A_2665 : vector<1x16xf32> to vector<16xf32>
        %swap3A_2667 = vector.shape_cast %mul3A_2662 : vector<16xf32> to vector<1x16xf32>
        tpu.vector_store %arg10[%swap3A_2663, %swap3A_2664], %swap3A_2667 {strides = array<i32>} : memref<200x64xf32, #tpu.memory_space<vmem>>, vector<1x16xf32>,
        %get3A_2668 = arith.index_cast %add3A_2648 : i32 to index
        %get3A_2669 = arith.constant 16 : index
        %get3A_2670 = tpu.vector_load %arg8[%get3A_2668, %get3A_2669] {strides = array<i32>} : memref<200x64xf32, #tpu.memory_space<vmem>>, vector<1x16xf32>,
        %get3A_2671 = vector.shape_cast %get3A_2670 : vector<1x16xf32> to vector<16xf32>
        %mul3A_2672 = arith.constant 8.000000e+00 : f32
        %mul3A_2673 = vector.broadcast %mul3A_2672 : f32 to vector<16xf32>
        %mul3A_2674 = arith.mulf %get3A_2671, %mul3A_2673 : vector<16xf32>
        %get3A_2675 = arith.index_cast %add3A_2648 : i32 to index
        %get3A_2676 = arith.constant 16 : index
        %get3A_2677 = tpu.vector_load %arg7[%get3A_2675, %get3A_2676] {strides = array<i32>} : memref<200x64xf32, #tpu.memory_space<vmem>>, vector<1x16xf32>,
        %get3A_2678 = vector.shape_cast %get3A_2677 : vector<1x16xf32> to vector<16xf32>
        %add3A_2679 = arith.addf %mul3A_2674, %get3A_2678 : vector<16xf32>
        %mul3A_2680 = vector.broadcast %squeeze3A_2646 : f32 to vector<16xf32>
        %mul3A_2681 = arith.mulf %add3A_2679, %mul3A_2680 : vector<16xf32>
        %swap3A_2682 = arith.index_cast %add3A_2648 : i32 to index
        %swap3A_2683 = arith.constant 16 : index
        %swap3A_2684 = tpu.vector_load %arg10[%swap3A_2682, %swap3A_2683] {strides = array<i32>} : memref<200x64xf32, #tpu.memory_space<vmem>>, vector<1x16xf32>,
        %swap3A_2685 = vector.shape_cast %swap3A_2684 : vector<1x16xf32> to vector<16xf32>
        %swap3A_2686 = vector.shape_cast %mul3A_2681 : vector<16xf32> to vector<1x16xf32>
        tpu.vector_store %arg10[%swap3A_2682, %swap3A_2683], %swap3A_2686 {strides = array<i32>} : memref<200x64xf32, #tpu.memory_space<vmem>>, vector<1x16xf32>,
        %get3A_2687 = arith.index_cast %add3A_2648 : i32 to index
        %get3A_2688 = arith.constant 32 : index
        %get3A_2689 = tpu.vector_load %arg8[%get3A_2687, %get3A_2688] {strides = array<i32>} : memref<200x64xf32, #tpu.memory_space<vmem>>, vector<1x16xf32>,
        %get3A_2690 = vector.shape_cast %get3A_2689 : vector<1x16xf32> to vector<16xf32>
        %mul3A_2691 = arith.constant 8.000000e+00 : f32
        %mul3A_2692 = vector.broadcast %mul3A_2691 : f32 to vector<16xf32>
        %mul3A_2693 = arith.mulf %get3A_2690, %mul3A_2692 : vector<16xf32>
        %get3A_2694 = arith.index_cast %add3A_2648 : i32 to index
        %get3A_2695 = arith.constant 32 : index
        %get3A_2696 = tpu.vector_load %arg7[%get3A_2694, %get3A_2695] {strides = array<i32>} : memref<200x64xf32, #tpu.memory_space<vmem>>, vector<1x16xf32>,
        %get3A_2697 = vector.shape_cast %get3A_2696 : vector<1x16xf32> to vector<16xf32>
        %add3A_2698 = arith.addf %mul3A_2693, %get3A_2697 : vector<16xf32>
        %mul3A_2699 = vector.broadcast %squeeze3A_2646 : f32 to vector<16xf32>
        %mul3A_2700 = arith.mulf %add3A_2698, %mul3A_2699 : vector<16xf32>
        %swap3A_2701 = arith.index_cast %add3A_2648 : i32 to index
        %swap3A_2702 = arith.constant 32 : index
        %swap3A_2703 = tpu.vector_load %arg10[%swap3A_2701, %swap3A_2702] {strides = array<i32>} : memref<200x64xf32, #tpu.memory_space<vmem>>, vector<1x16xf32>,
        %swap3A_2704 = vector.shape_cast %swap3A_2703 : vector<1x16xf32> to vector<16xf32>
        %swap3A_2705 = vector.shape_cast %mul3A_2700 : vector<16xf32> to vector<1x16xf32>
        tpu.vector_store %arg10[%swap3A_2701, %swap3A_2702], %swap3A_2705 {strides = array<i32>} : memref<200x64xf32, #tpu.memory_space<vmem>>, vector<1x16xf32>,
        %get3A_2706 = arith.index_cast %add3A_2648 : i32 to index
        %get3A_2707 = arith.constant 48 : index
        %get3A_2708 = tpu.vector_load %arg8[%get3A_2706, %get3A_2707] {strides = array<i32>} : memref<200x64xf32, #tpu.memory_space<vmem>>, vector<1x16xf32>,
        %get3A_2709 = vector.shape_cast %get3A_2708 : vector<1x16xf32> to vector<16xf32>
        %mul3A_2710 = arith.constant 8.000000e+00 : f32
        %mul3A_2711 = vector.broadcast %mul3A_2710 : f32 to vector<16xf32>
        %mul3A_2712 = arith.mulf %get3A_2709, %mul3A_2711 : vector<16xf32>
        %get3A_2713 = arith.index_cast %add3A_2648 : i32 to index
        %get3A_2714 = arith.constant 48 : index
        %get3A_2715 = tpu.vector_load %arg7[%get3A_2713, %get3A_2714] {strides = array<i32>} : memref<200x64xf32, #tpu.memory_space<vmem>>, vector<1x16xf32>,
        %get3A_2716 = vector.shape_cast %get3A_2715 : vector<1x16xf32> to vector<16xf32>
        %add3A_2717 = arith.addf %mul3A_2712, %get3A_2716 : vector<16xf32>
        %mul3A_2718 = vector.broadcast %squeeze3A_2646 : f32 to vector<16xf32>
        %mul3A_2719 = arith.mulf %add3A_2717, %mul3A_2718 : vector<16xf32>
        %swap3A_2720 = arith.index_cast %add3A_2648 : i32 to index
        %swap3A_2721 = arith.constant 48 : index
        %swap3A_2722 = tpu.vector_load %arg10[%swap3A_2720, %swap3A_2721] {strides = array<i32>} : memref<200x64xf32, #tpu.memory_space<vmem>>, vector<1x16xf32>,
        %swap3A_2723 = vector.shape_cast %swap3A_2722 : vector<1x16xf32> to vector<16xf32>
        %swap3A_2724 = vector.shape_cast %mul3A_2719 : vector<16xf32> to vector<1x16xf32>
        tpu.vector_store %arg10[%swap3A_2720, %swap3A_2721], %swap3A_2724 {strides = array<i32>} : memref<200x64xf32, #tpu.memory_space<vmem>>, vector<1x16xf32>,
        %slice3A_2725 = vector.extract_strided_slice %select_n3A_1604 {offsets = [14], sizes = [1], strides = [1]} : vector<16xf32> to vector<1xf32>
        %squeeze3A_2726 = vector.extract %slice3A_2725[0] : f32 from vector<1xf32>
        %add3A_2727 = arith.constant 14 : i32
        %add3A_2728 = arith.addi %mul3A_1590, %add3A_2727 : i32
        %get3A_2729 = arith.index_cast %add3A_2728 : i32 to index
        %get3A_2730 = arith.constant 0 : index
        %get3A_2731 = tpu.vector_load %arg8[%get3A_2729, %get3A_2730] {strides = array<i32>} : memref<200x64xf32, #tpu.memory_space<vmem>>, vector<1x16xf32>,
        %get3A_2732 = vector.shape_cast %get3A_2731 : vector<1x16xf32> to vector<16xf32>
        %mul3A_2733 = arith.constant 8.000000e+00 : f32
        %mul3A_2734 = vector.broadcast %mul3A_2733 : f32 to vector<16xf32>
        %mul3A_2735 = arith.mulf %get3A_2732, %mul3A_2734 : vector<16xf32>
        %get3A_2736 = arith.index_cast %add3A_2728 : i32 to index
        %get3A_2737 = arith.constant 0 : index
        %get3A_2738 = tpu.vector_load %arg7[%get3A_2736, %get3A_2737] {strides = array<i32>} : memref<200x64xf32, #tpu.memory_space<vmem>>, vector<1x16xf32>,
        %get3A_2739 = vector.shape_cast %get3A_2738 : vector<1x16xf32> to vector<16xf32>
        %add3A_2740 = arith.addf %mul3A_2735, %get3A_2739 : vector<16xf32>
        %mul3A_2741 = vector.broadcast %squeeze3A_2726 : f32 to vector<16xf32>
        %mul3A_2742 = arith.mulf %add3A_2740, %mul3A_2741 : vector<16xf32>
        %swap3A_2743 = arith.index_cast %add3A_2728 : i32 to index
        %swap3A_2744 = arith.constant 0 : index
        %swap3A_2745 = tpu.vector_load %arg10[%swap3A_2743, %swap3A_2744] {strides = array<i32>} : memref<200x64xf32, #tpu.memory_space<vmem>>, vector<1x16xf32>,
        %swap3A_2746 = vector.shape_cast %swap3A_2745 : vector<1x16xf32> to vector<16xf32>
        %swap3A_2747 = vector.shape_cast %mul3A_2742 : vector<16xf32> to vector<1x16xf32>
        tpu.vector_store %arg10[%swap3A_2743, %swap3A_2744], %swap3A_2747 {strides = array<i32>} : memref<200x64xf32, #tpu.memory_space<vmem>>, vector<1x16xf32>,
        %get3A_2748 = arith.index_cast %add3A_2728 : i32 to index
        %get3A_2749 = arith.constant 16 : index
        %get3A_2750 = tpu.vector_load %arg8[%get3A_2748, %get3A_2749] {strides = array<i32>} : memref<200x64xf32, #tpu.memory_space<vmem>>, vector<1x16xf32>,
        %get3A_2751 = vector.shape_cast %get3A_2750 : vector<1x16xf32> to vector<16xf32>
        %mul3A_2752 = arith.constant 8.000000e+00 : f32
        %mul3A_2753 = vector.broadcast %mul3A_2752 : f32 to vector<16xf32>
        %mul3A_2754 = arith.mulf %get3A_2751, %mul3A_2753 : vector<16xf32>
        %get3A_2755 = arith.index_cast %add3A_2728 : i32 to index
        %get3A_2756 = arith.constant 16 : index
        %get3A_2757 = tpu.vector_load %arg7[%get3A_2755, %get3A_2756] {strides = array<i32>} : memref<200x64xf32, #tpu.memory_space<vmem>>, vector<1x16xf32>,
        %get3A_2758 = vector.shape_cast %get3A_2757 : vector<1x16xf32> to vector<16xf32>
        %add3A_2759 = arith.addf %mul3A_2754, %get3A_2758 : vector<16xf32>
        %mul3A_2760 = vector.broadcast %squeeze3A_2726 : f32 to vector<16xf32>
        %mul3A_2761 = arith.mulf %add3A_2759, %mul3A_2760 : vector<16xf32>
        %swap3A_2762 = arith.index_cast %add3A_2728 : i32 to index
        %swap3A_2763 = arith.constant 16 : index
        %swap3A_2764 = tpu.vector_load %arg10[%swap3A_2762, %swap3A_2763] {strides = array<i32>} : memref<200x64xf32, #tpu.memory_space<vmem>>, vector<1x16xf32>,
        %swap3A_2765 = vector.shape_cast %swap3A_2764 : vector<1x16xf32> to vector<16xf32>
        %swap3A_2766 = vector.shape_cast %mul3A_2761 : vector<16xf32> to vector<1x16xf32>
        tpu.vector_store %arg10[%swap3A_2762, %swap3A_2763], %swap3A_2766 {strides = array<i32>} : memref<200x64xf32, #tpu.memory_space<vmem>>, vector<1x16xf32>,
        %get3A_2767 = arith.index_cast %add3A_2728 : i32 to index
        %get3A_2768 = arith.constant 32 : index
        %get3A_2769 = tpu.vector_load %arg8[%get3A_2767, %get3A_2768] {strides = array<i32>} : memref<200x64xf32, #tpu.memory_space<vmem>>, vector<1x16xf32>,
        %get3A_2770 = vector.shape_cast %get3A_2769 : vector<1x16xf32> to vector<16xf32>
        %mul3A_2771 = arith.constant 8.000000e+00 : f32
        %mul3A_2772 = vector.broadcast %mul3A_2771 : f32 to vector<16xf32>
        %mul3A_2773 = arith.mulf %get3A_2770, %mul3A_2772 : vector<16xf32>
        %get3A_2774 = arith.index_cast %add3A_2728 : i32 to index
        %get3A_2775 = arith.constant 32 : index
        %get3A_2776 = tpu.vector_load %arg7[%get3A_2774, %get3A_2775] {strides = array<i32>} : memref<200x64xf32, #tpu.memory_space<vmem>>, vector<1x16xf32>,
        %get3A_2777 = vector.shape_cast %get3A_2776 : vector<1x16xf32> to vector<16xf32>
        %add3A_2778 = arith.addf %mul3A_2773, %get3A_2777 : vector<16xf32>
        %mul3A_2779 = vector.broadcast %squeeze3A_2726 : f32 to vector<16xf32>
        %mul3A_2780 = arith.mulf %add3A_2778, %mul3A_2779 : vector<16xf32>
        %swap3A_2781 = arith.index_cast %add3A_2728 : i32 to index
        %swap3A_2782 = arith.constant 32 : index
        %swap3A_2783 = tpu.vector_load %arg10[%swap3A_2781, %swap3A_2782] {strides = array<i32>} : memref<200x64xf32, #tpu.memory_space<vmem>>, vector<1x16xf32>,
        %swap3A_2784 = vector.shape_cast %swap3A_2783 : vector<1x16xf32> to vector<16xf32>
        %swap3A_2785 = vector.shape_cast %mul3A_2780 : vector<16xf32> to vector<1x16xf32>
        tpu.vector_store %arg10[%swap3A_2781, %swap3A_2782], %swap3A_2785 {strides = array<i32>} : memref<200x64xf32, #tpu.memory_space<vmem>>, vector<1x16xf32>,
        %get3A_2786 = arith.index_cast %add3A_2728 : i32 to index
        %get3A_2787 = arith.constant 48 : index
        %get3A_2788 = tpu.vector_load %arg8[%get3A_2786, %get3A_2787] {strides = array<i32>} : memref<200x64xf32, #tpu.memory_space<vmem>>, vector<1x16xf32>,
        %get3A_2789 = vector.shape_cast %get3A_2788 : vector<1x16xf32> to vector<16xf32>
        %mul3A_2790 = arith.constant 8.000000e+00 : f32
        %mul3A_2791 = vector.broadcast %mul3A_2790 : f32 to vector<16xf32>
        %mul3A_2792 = arith.mulf %get3A_2789, %mul3A_2791 : vector<16xf32>
        %get3A_2793 = arith.index_cast %add3A_2728 : i32 to index
        %get3A_2794 = arith.constant 48 : index
        %get3A_2795 = tpu.vector_load %arg7[%get3A_2793, %get3A_2794] {strides = array<i32>} : memref<200x64xf32, #tpu.memory_space<vmem>>, vector<1x16xf32>,
        %get3A_2796 = vector.shape_cast %get3A_2795 : vector<1x16xf32> to vector<16xf32>
        %add3A_2797 = arith.addf %mul3A_2792, %get3A_2796 : vector<16xf32>
        %mul3A_2798 = vector.broadcast %squeeze3A_2726 : f32 to vector<16xf32>
        %mul3A_2799 = arith.mulf %add3A_2797, %mul3A_2798 : vector<16xf32>
        %swap3A_2800 = arith.index_cast %add3A_2728 : i32 to index
        %swap3A_2801 = arith.constant 48 : index
        %swap3A_2802 = tpu.vector_load %arg10[%swap3A_2800, %swap3A_2801] {strides = array<i32>} : memref<200x64xf32, #tpu.memory_space<vmem>>, vector<1x16xf32>,
        %swap3A_2803 = vector.shape_cast %swap3A_2802 : vector<1x16xf32> to vector<16xf32>
        %swap3A_2804 = vector.shape_cast %mul3A_2799 : vector<16xf32> to vector<1x16xf32>
        tpu.vector_store %arg10[%swap3A_2800, %swap3A_2801], %swap3A_2804 {strides = array<i32>} : memref<200x64xf32, #tpu.memory_space<vmem>>, vector<1x16xf32>,
        %slice3A_2805 = vector.extract_strided_slice %select_n3A_1604 {offsets = [15], sizes = [1], strides = [1]} : vector<16xf32> to vector<1xf32>
        %squeeze3A_2806 = vector.extract %slice3A_2805[0] : f32 from vector<1xf32>
        %add3A_2807 = arith.constant 15 : i32
        %add3A_2808 = arith.addi %mul3A_1590, %add3A_2807 : i32
        %get3A_2809 = arith.index_cast %add3A_2808 : i32 to index
        %get3A_2810 = arith.constant 0 : index
        %get3A_2811 = tpu.vector_load %arg8[%get3A_2809, %get3A_2810] {strides = array<i32>} : memref<200x64xf32, #tpu.memory_space<vmem>>, vector<1x16xf32>,
        %get3A_2812 = vector.shape_cast %get3A_2811 : vector<1x16xf32> to vector<16xf32>
        %mul3A_2813 = arith.constant 8.000000e+00 : f32
        %mul3A_2814 = vector.broadcast %mul3A_2813 : f32 to vector<16xf32>
        %mul3A_2815 = arith.mulf %get3A_2812, %mul3A_2814 : vector<16xf32>
        %get3A_2816 = arith.index_cast %add3A_2808 : i32 to index
        %get3A_2817 = arith.constant 0 : index
        %get3A_2818 = tpu.vector_load %arg7[%get3A_2816, %get3A_2817] {strides = array<i32>} : memref<200x64xf32, #tpu.memory_space<vmem>>, vector<1x16xf32>,
        %get3A_2819 = vector.shape_cast %get3A_2818 : vector<1x16xf32> to vector<16xf32>
        %add3A_2820 = arith.addf %mul3A_2815, %get3A_2819 : vector<16xf32>
        %mul3A_2821 = vector.broadcast %squeeze3A_2806 : f32 to vector<16xf32>
        %mul3A_2822 = arith.mulf %add3A_2820, %mul3A_2821 : vector<16xf32>
        %swap3A_2823 = arith.index_cast %add3A_2808 : i32 to index
        %swap3A_2824 = arith.constant 0 : index
        %swap3A_2825 = tpu.vector_load %arg10[%swap3A_2823, %swap3A_2824] {strides = array<i32>} : memref<200x64xf32, #tpu.memory_space<vmem>>, vector<1x16xf32>,
        %swap3A_2826 = vector.shape_cast %swap3A_2825 : vector<1x16xf32> to vector<16xf32>
        %swap3A_2827 = vector.shape_cast %mul3A_2822 : vector<16xf32> to vector<1x16xf32>
        tpu.vector_store %arg10[%swap3A_2823, %swap3A_2824], %swap3A_2827 {strides = array<i32>} : memref<200x64xf32, #tpu.memory_space<vmem>>, vector<1x16xf32>,
        %get3A_2828 = arith.index_cast %add3A_2808 : i32 to index
        %get3A_2829 = arith.constant 16 : index
        %get3A_2830 = tpu.vector_load %arg8[%get3A_2828, %get3A_2829] {strides = array<i32>} : memref<200x64xf32, #tpu.memory_space<vmem>>, vector<1x16xf32>,
        %get3A_2831 = vector.shape_cast %get3A_2830 : vector<1x16xf32> to vector<16xf32>
        %mul3A_2832 = arith.constant 8.000000e+00 : f32
        %mul3A_2833 = vector.broadcast %mul3A_2832 : f32 to vector<16xf32>
        %mul3A_2834 = arith.mulf %get3A_2831, %mul3A_2833 : vector<16xf32>
        %get3A_2835 = arith.index_cast %add3A_2808 : i32 to index
        %get3A_2836 = arith.constant 16 : index
        %get3A_2837 = tpu.vector_load %arg7[%get3A_2835, %get3A_2836] {strides = array<i32>} : memref<200x64xf32, #tpu.memory_space<vmem>>, vector<1x16xf32>,
        %get3A_2838 = vector.shape_cast %get3A_2837 : vector<1x16xf32> to vector<16xf32>
        %add3A_2839 = arith.addf %mul3A_2834, %get3A_2838 : vector<16xf32>
        %mul3A_2840 = vector.broadcast %squeeze3A_2806 : f32 to vector<16xf32>
        %mul3A_2841 = arith.mulf %add3A_2839, %mul3A_2840 : vector<16xf32>
        %swap3A_2842 = arith.index_cast %add3A_2808 : i32 to index
        %swap3A_2843 = arith.constant 16 : index
        %swap3A_2844 = tpu.vector_load %arg10[%swap3A_2842, %swap3A_2843] {strides = array<i32>} : memref<200x64xf32, #tpu.memory_space<vmem>>, vector<1x16xf32>,
        %swap3A_2845 = vector.shape_cast %swap3A_2844 : vector<1x16xf32> to vector<16xf32>
        %swap3A_2846 = vector.shape_cast %mul3A_2841 : vector<16xf32> to vector<1x16xf32>
        tpu.vector_store %arg10[%swap3A_2842, %swap3A_2843], %swap3A_2846 {strides = array<i32>} : memref<200x64xf32, #tpu.memory_space<vmem>>, vector<1x16xf32>,
        %get3A_2847 = arith.index_cast %add3A_2808 : i32 to index
        %get3A_2848 = arith.constant 32 : index
        %get3A_2849 = tpu.vector_load %arg8[%get3A_2847, %get3A_2848] {strides = array<i32>} : memref<200x64xf32, #tpu.memory_space<vmem>>, vector<1x16xf32>,
        %get3A_2850 = vector.shape_cast %get3A_2849 : vector<1x16xf32> to vector<16xf32>
        %mul3A_2851 = arith.constant 8.000000e+00 : f32
        %mul3A_2852 = vector.broadcast %mul3A_2851 : f32 to vector<16xf32>
        %mul3A_2853 = arith.mulf %get3A_2850, %mul3A_2852 : vector<16xf32>
        %get3A_2854 = arith.index_cast %add3A_2808 : i32 to index
        %get3A_2855 = arith.constant 32 : index
        %get3A_2856 = tpu.vector_load %arg7[%get3A_2854, %get3A_2855] {strides = array<i32>} : memref<200x64xf32, #tpu.memory_space<vmem>>, vector<1x16xf32>,
        %get3A_2857 = vector.shape_cast %get3A_2856 : vector<1x16xf32> to vector<16xf32>
        %add3A_2858 = arith.addf %mul3A_2853, %get3A_2857 : vector<16xf32>
        %mul3A_2859 = vector.broadcast %squeeze3A_2806 : f32 to vector<16xf32>
        %mul3A_2860 = arith.mulf %add3A_2858, %mul3A_2859 : vector<16xf32>
        %swap3A_2861 = arith.index_cast %add3A_2808 : i32 to index
        %swap3A_2862 = arith.constant 32 : index
        %swap3A_2863 = tpu.vector_load %arg10[%swap3A_2861, %swap3A_2862] {strides = array<i32>} : memref<200x64xf32, #tpu.memory_space<vmem>>, vector<1x16xf32>,
        %swap3A_2864 = vector.shape_cast %swap3A_2863 : vector<1x16xf32> to vector<16xf32>
        %swap3A_2865 = vector.shape_cast %mul3A_2860 : vector<16xf32> to vector<1x16xf32>
        tpu.vector_store %arg10[%swap3A_2861, %swap3A_2862], %swap3A_2865 {strides = array<i32>} : memref<200x64xf32, #tpu.memory_space<vmem>>, vector<1x16xf32>,
        %get3A_2866 = arith.index_cast %add3A_2808 : i32 to index
        %get3A_2867 = arith.constant 48 : index
        %get3A_2868 = tpu.vector_load %arg8[%get3A_2866, %get3A_2867] {strides = array<i32>} : memref<200x64xf32, #tpu.memory_space<vmem>>, vector<1x16xf32>,
        %get3A_2869 = vector.shape_cast %get3A_2868 : vector<1x16xf32> to vector<16xf32>
        %mul3A_2870 = arith.constant 8.000000e+00 : f32
        %mul3A_2871 = vector.broadcast %mul3A_2870 : f32 to vector<16xf32>
        %mul3A_2872 = arith.mulf %get3A_2869, %mul3A_2871 : vector<16xf32>
        %get3A_2873 = arith.index_cast %add3A_2808 : i32 to index
        %get3A_2874 = arith.constant 48 : index
        %get3A_2875 = tpu.vector_load %arg7[%get3A_2873, %get3A_2874] {strides = array<i32>} : memref<200x64xf32, #tpu.memory_space<vmem>>, vector<1x16xf32>,
        %get3A_2876 = vector.shape_cast %get3A_2875 : vector<1x16xf32> to vector<16xf32>
        %add3A_2877 = arith.addf %mul3A_2872, %get3A_2876 : vector<16xf32>
        %mul3A_2878 = vector.broadcast %squeeze3A_2806 : f32 to vector<16xf32>
        %mul3A_2879 = arith.mulf %add3A_2877, %mul3A_2878 : vector<16xf32>
        %swap3A_2880 = arith.index_cast %add3A_2808 : i32 to index
        %swap3A_2881 = arith.constant 48 : index
        %swap3A_2882 = tpu.vector_load %arg10[%swap3A_2880, %swap3A_2881] {strides = array<i32>} : memref<200x64xf32, #tpu.memory_space<vmem>>, vector<1x16xf32>,
        %swap3A_2883 = vector.shape_cast %swap3A_2882 : vector<1x16xf32> to vector<16xf32>
        %swap3A_2884 = vector.shape_cast %mul3A_2879 : vector<16xf32> to vector<1x16xf32>
        tpu.vector_store %arg10[%swap3A_2880, %swap3A_2881], %swap3A_2884 {strides = array<i32>} : memref<200x64xf32, #tpu.memory_space<vmem>>, vector<1x16xf32>,
      }
      %scan3A_70 = arith.constant 12 : i32
      %mul3A_71 = arith.constant 200 : i32
      %mul3A_72 = arith.muli %add3A_41, %mul3A_71 : i32
      %add3A_73 = arith.constant 184 : i32
      %add3A_74 = arith.addi %mul3A_72, %add3A_73 : i32
      %get3A = arith.index_cast %add3A_74 : i32 to index
      %get3A_75 = tpu.vector_load %arg6[%get3A] {strides = array<i32>} : memref<25600xi32, #tpu.memory_space<vmem>>, vector<16xi32>,
      %get3A_76 = vector.shape_cast %get3A_75 : vector<16xi32> to vector<16xi32>
      %eq3A = arith.constant 0 : i32
      %eq3A_77 = vector.broadcast %eq3A : i32 to vector<16xi32>
      %eq3A_78 = arith.cmpi eq, %get3A_76, %eq3A_77 : vector<16xi32>
      %jit3A = arith.constant 0.000000e+00 : f32
      %jit3A_79 = arith.constant 1.000000e+00 : f32
      %broadcast_in_dim3A = vector.broadcast %jit3A : f32 to vector<16xf32>
      %broadcast_in_dim3A_80 = vector.broadcast %jit3A_79 : f32 to vector<16xf32>
      %select_n3A = arith.select %eq3A_78, %broadcast_in_dim3A, %broadcast_in_dim3A_80 : vector<16xi1>, vector<16xf32>
      %slice3A = vector.extract_strided_slice %select_n3A {offsets = [8], sizes = [1], strides = [1]} : vector<16xf32> to vector<1xf32>
      %squeeze3A = vector.extract %slice3A[0] : f32 from vector<1xf32>
      %get3A_81 = arith.constant 192 : i32
      %get3A_82 = arith.index_cast %get3A_81 : i32 to index
      %get3A_83 = arith.constant 0 : index
      %get3A_84 = tpu.vector_load %arg8[%get3A_82, %get3A_83] {strides = array<i32>} : memref<200x64xf32, #tpu.memory_space<vmem>>, vector<1x16xf32>,
      %get3A_85 = vector.shape_cast %get3A_84 : vector<1x16xf32> to vector<16xf32>
      %mul3A_86 = arith.constant 8.000000e+00 : f32
      %mul3A_87 = vector.broadcast %mul3A_86 : f32 to vector<16xf32>
      %mul3A_88 = arith.mulf %get3A_85, %mul3A_87 : vector<16xf32>
      %get3A_89 = arith.constant 192 : i32
      %get3A_90 = arith.index_cast %get3A_89 : i32 to index
      %get3A_91 = arith.constant 0 : index
      %get3A_92 = tpu.vector_load %arg7[%get3A_90, %get3A_91] {strides = array<i32>} : memref<200x64xf32, #tpu.memory_space<vmem>>, vector<1x16xf32>,
      %get3A_93 = vector.shape_cast %get3A_92 : vector<1x16xf32> to vector<16xf32>
      %add3A_94 = arith.addf %mul3A_88, %get3A_93 : vector<16xf32>
      %mul3A_95 = vector.broadcast %squeeze3A : f32 to vector<16xf32>
      %mul3A_96 = arith.mulf %add3A_94, %mul3A_95 : vector<16xf32>
      %swap3A = arith.constant 192 : i32
      %swap3A_97 = arith.index_cast %swap3A : i32 to index
      %swap3A_98 = arith.constant 0 : index
      %swap3A_99 = tpu.vector_load %arg10[%swap3A_97, %swap3A_98] {strides = array<i32>} : memref<200x64xf32, #tpu.memory_space<vmem>>, vector<1x16xf32>,
      %swap3A_100 = vector.shape_cast %swap3A_99 : vector<1x16xf32> to vector<16xf32>
      %swap3A_101 = vector.shape_cast %mul3A_96 : vector<16xf32> to vector<1x16xf32>
      tpu.vector_store %arg10[%swap3A_97, %swap3A_98], %swap3A_101 {strides = array<i32>} : memref<200x64xf32, #tpu.memory_space<vmem>>, vector<1x16xf32>,
      %get3A_102 = arith.constant 192 : i32
      %get3A_103 = arith.index_cast %get3A_102 : i32 to index
      %get3A_104 = arith.constant 16 : index
      %get3A_105 = tpu.vector_load %arg8[%get3A_103, %get3A_104] {strides = array<i32>} : memref<200x64xf32, #tpu.memory_space<vmem>>, vector<1x16xf32>,
      %get3A_106 = vector.shape_cast %get3A_105 : vector<1x16xf32> to vector<16xf32>
      %mul3A_107 = arith.constant 8.000000e+00 : f32
      %mul3A_108 = vector.broadcast %mul3A_107 : f32 to vector<16xf32>
      %mul3A_109 = arith.mulf %get3A_106, %mul3A_108 : vector<16xf32>
      %get3A_110 = arith.constant 192 : i32
      %get3A_111 = arith.index_cast %get3A_110 : i32 to index
      %get3A_112 = arith.constant 16 : index
      %get3A_113 = tpu.vector_load %arg7[%get3A_111, %get3A_112] {strides = array<i32>} : memref<200x64xf32, #tpu.memory_space<vmem>>, vector<1x16xf32>,
      %get3A_114 = vector.shape_cast %get3A_113 : vector<1x16xf32> to vector<16xf32>
      %add3A_115 = arith.addf %mul3A_109, %get3A_114 : vector<16xf32>
      %mul3A_116 = vector.broadcast %squeeze3A : f32 to vector<16xf32>
      %mul3A_117 = arith.mulf %add3A_115, %mul3A_116 : vector<16xf32>
      %swap3A_118 = arith.constant 192 : i32
      %swap3A_119 = arith.index_cast %swap3A_118 : i32 to index
      %swap3A_120 = arith.constant 16 : index
      %swap3A_121 = tpu.vector_load %arg10[%swap3A_119, %swap3A_120] {strides = array<i32>} : memref<200x64xf32, #tpu.memory_space<vmem>>, vector<1x16xf32>,
      %swap3A_122 = vector.shape_cast %swap3A_121 : vector<1x16xf32> to vector<16xf32>
      %swap3A_123 = vector.shape_cast %mul3A_117 : vector<16xf32> to vector<1x16xf32>
      tpu.vector_store %arg10[%swap3A_119, %swap3A_120], %swap3A_123 {strides = array<i32>} : memref<200x64xf32, #tpu.memory_space<vmem>>, vector<1x16xf32>,
      %get3A_124 = arith.constant 192 : i32
      %get3A_125 = arith.index_cast %get3A_124 : i32 to index
      %get3A_126 = arith.constant 32 : index
      %get3A_127 = tpu.vector_load %arg8[%get3A_125, %get3A_126] {strides = array<i32>} : memref<200x64xf32, #tpu.memory_space<vmem>>, vector<1x16xf32>,
      %get3A_128 = vector.shape_cast %get3A_127 : vector<1x16xf32> to vector<16xf32>
      %mul3A_129 = arith.constant 8.000000e+00 : f32
      %mul3A_130 = vector.broadcast %mul3A_129 : f32 to vector<16xf32>
      %mul3A_131 = arith.mulf %get3A_128, %mul3A_130 : vector<16xf32>
      %get3A_132 = arith.constant 192 : i32
      %get3A_133 = arith.index_cast %get3A_132 : i32 to index
      %get3A_134 = arith.constant 32 : index
      %get3A_135 = tpu.vector_load %arg7[%get3A_133, %get3A_134] {strides = array<i32>} : memref<200x64xf32, #tpu.memory_space<vmem>>, vector<1x16xf32>,
      %get3A_136 = vector.shape_cast %get3A_135 : vector<1x16xf32> to vector<16xf32>
      %add3A_137 = arith.addf %mul3A_131, %get3A_136 : vector<16xf32>
      %mul3A_138 = vector.broadcast %squeeze3A : f32 to vector<16xf32>
      %mul3A_139 = arith.mulf %add3A_137, %mul3A_138 : vector<16xf32>
      %swap3A_140 = arith.constant 192 : i32
      %swap3A_141 = arith.index_cast %swap3A_140 : i32 to index
      %swap3A_142 = arith.constant 32 : index
      %swap3A_143 = tpu.vector_load %arg10[%swap3A_141, %swap3A_142] {strides = array<i32>} : memref<200x64xf32, #tpu.memory_space<vmem>>, vector<1x16xf32>,
      %swap3A_144 = vector.shape_cast %swap3A_143 : vector<1x16xf32> to vector<16xf32>
      %swap3A_145 = vector.shape_cast %mul3A_139 : vector<16xf32> to vector<1x16xf32>
      tpu.vector_store %arg10[%swap3A_141, %swap3A_142], %swap3A_145 {strides = array<i32>} : memref<200x64xf32, #tpu.memory_space<vmem>>, vector<1x16xf32>,
      %get3A_146 = arith.constant 192 : i32
      %get3A_147 = arith.index_cast %get3A_146 : i32 to index
      %get3A_148 = arith.constant 48 : index
      %get3A_149 = tpu.vector_load %arg8[%get3A_147, %get3A_148] {strides = array<i32>} : memref<200x64xf32, #tpu.memory_space<vmem>>, vector<1x16xf32>,
      %get3A_150 = vector.shape_cast %get3A_149 : vector<1x16xf32> to vector<16xf32>
      %mul3A_151 = arith.constant 8.000000e+00 : f32
      %mul3A_152 = vector.broadcast %mul3A_151 : f32 to vector<16xf32>
      %mul3A_153 = arith.mulf %get3A_150, %mul3A_152 : vector<16xf32>
      %get3A_154 = arith.constant 192 : i32
      %get3A_155 = arith.index_cast %get3A_154 : i32 to index
      %get3A_156 = arith.constant 48 : index
      %get3A_157 = tpu.vector_load %arg7[%get3A_155, %get3A_156] {strides = array<i32>} : memref<200x64xf32, #tpu.memory_space<vmem>>, vector<1x16xf32>,
      %get3A_158 = vector.shape_cast %get3A_157 : vector<1x16xf32> to vector<16xf32>
      %add3A_159 = arith.addf %mul3A_153, %get3A_158 : vector<16xf32>
      %mul3A_160 = vector.broadcast %squeeze3A : f32 to vector<16xf32>
      %mul3A_161 = arith.mulf %add3A_159, %mul3A_160 : vector<16xf32>
      %swap3A_162 = arith.constant 192 : i32
      %swap3A_163 = arith.index_cast %swap3A_162 : i32 to index
      %swap3A_164 = arith.constant 48 : index
      %swap3A_165 = tpu.vector_load %arg10[%swap3A_163, %swap3A_164] {strides = array<i32>} : memref<200x64xf32, #tpu.memory_space<vmem>>, vector<1x16xf32>,
      %swap3A_166 = vector.shape_cast %swap3A_165 : vector<1x16xf32> to vector<16xf32>
      %swap3A_167 = vector.shape_cast %mul3A_161 : vector<16xf32> to vector<1x16xf32>
      tpu.vector_store %arg10[%swap3A_163, %swap3A_164], %swap3A_167 {strides = array<i32>} : memref<200x64xf32, #tpu.memory_space<vmem>>, vector<1x16xf32>,
      %slice3A_168 = vector.extract_strided_slice %select_n3A {offsets = [9], sizes = [1], strides = [1]} : vector<16xf32> to vector<1xf32>
      %squeeze3A_169 = vector.extract %slice3A_168[0] : f32 from vector<1xf32>
      %get3A_170 = arith.constant 193 : i32
      %get3A_171 = arith.index_cast %get3A_170 : i32 to index
      %get3A_172 = arith.constant 0 : index
      %get3A_173 = tpu.vector_load %arg8[%get3A_171, %get3A_172] {strides = array<i32>} : memref<200x64xf32, #tpu.memory_space<vmem>>, vector<1x16xf32>,
      %get3A_174 = vector.shape_cast %get3A_173 : vector<1x16xf32> to vector<16xf32>
      %mul3A_175 = arith.constant 8.000000e+00 : f32
      %mul3A_176 = vector.broadcast %mul3A_175 : f32 to vector<16xf32>
      %mul3A_177 = arith.mulf %get3A_174, %mul3A_176 : vector<16xf32>
      %get3A_178 = arith.constant 193 : i32
      %get3A_179 = arith.index_cast %get3A_178 : i32 to index
      %get3A_180 = arith.constant 0 : index
      %get3A_181 = tpu.vector_load %arg7[%get3A_179, %get3A_180] {strides = array<i32>} : memref<200x64xf32, #tpu.memory_space<vmem>>, vector<1x16xf32>,
      %get3A_182 = vector.shape_cast %get3A_181 : vector<1x16xf32> to vector<16xf32>
      %add3A_183 = arith.addf %mul3A_177, %get3A_182 : vector<16xf32>
      %mul3A_184 = vector.broadcast %squeeze3A_169 : f32 to vector<16xf32>
      %mul3A_185 = arith.mulf %add3A_183, %mul3A_184 : vector<16xf32>
      %swap3A_186 = arith.constant 193 : i32
      %swap3A_187 = arith.index_cast %swap3A_186 : i32 to index
      %swap3A_188 = arith.constant 0 : index
      %swap3A_189 = tpu.vector_load %arg10[%swap3A_187, %swap3A_188] {strides = array<i32>} : memref<200x64xf32, #tpu.memory_space<vmem>>, vector<1x16xf32>,
      %swap3A_190 = vector.shape_cast %swap3A_189 : vector<1x16xf32> to vector<16xf32>
      %swap3A_191 = vector.shape_cast %mul3A_185 : vector<16xf32> to vector<1x16xf32>
      tpu.vector_store %arg10[%swap3A_187, %swap3A_188], %swap3A_191 {strides = array<i32>} : memref<200x64xf32, #tpu.memory_space<vmem>>, vector<1x16xf32>,
      %get3A_192 = arith.constant 193 : i32
      %get3A_193 = arith.index_cast %get3A_192 : i32 to index
      %get3A_194 = arith.constant 16 : index
      %get3A_195 = tpu.vector_load %arg8[%get3A_193, %get3A_194] {strides = array<i32>} : memref<200x64xf32, #tpu.memory_space<vmem>>, vector<1x16xf32>,
      %get3A_196 = vector.shape_cast %get3A_195 : vector<1x16xf32> to vector<16xf32>
      %mul3A_197 = arith.constant 8.000000e+00 : f32
      %mul3A_198 = vector.broadcast %mul3A_197 : f32 to vector<16xf32>
      %mul3A_199 = arith.mulf %get3A_196, %mul3A_198 : vector<16xf32>
      %get3A_200 = arith.constant 193 : i32
      %get3A_201 = arith.index_cast %get3A_200 : i32 to index
      %get3A_202 = arith.constant 16 : index
      %get3A_203 = tpu.vector_load %arg7[%get3A_201, %get3A_202] {strides = array<i32>} : memref<200x64xf32, #tpu.memory_space<vmem>>, vector<1x16xf32>,
      %get3A_204 = vector.shape_cast %get3A_203 : vector<1x16xf32> to vector<16xf32>
      %add3A_205 = arith.addf %mul3A_199, %get3A_204 : vector<16xf32>
      %mul3A_206 = vector.broadcast %squeeze3A_169 : f32 to vector<16xf32>
      %mul3A_207 = arith.mulf %add3A_205, %mul3A_206 : vector<16xf32>
      %swap3A_208 = arith.constant 193 : i32
      %swap3A_209 = arith.index_cast %swap3A_208 : i32 to index
      %swap3A_210 = arith.constant 16 : index
      %swap3A_211 = tpu.vector_load %arg10[%swap3A_209, %swap3A_210] {strides = array<i32>} : memref<200x64xf32, #tpu.memory_space<vmem>>, vector<1x16xf32>,
      %swap3A_212 = vector.shape_cast %swap3A_211 : vector<1x16xf32> to vector<16xf32>
      %swap3A_213 = vector.shape_cast %mul3A_207 : vector<16xf32> to vector<1x16xf32>
      tpu.vector_store %arg10[%swap3A_209, %swap3A_210], %swap3A_213 {strides = array<i32>} : memref<200x64xf32, #tpu.memory_space<vmem>>, vector<1x16xf32>,
      %get3A_214 = arith.constant 193 : i32
      %get3A_215 = arith.index_cast %get3A_214 : i32 to index
      %get3A_216 = arith.constant 32 : index
      %get3A_217 = tpu.vector_load %arg8[%get3A_215, %get3A_216] {strides = array<i32>} : memref<200x64xf32, #tpu.memory_space<vmem>>, vector<1x16xf32>,
      %get3A_218 = vector.shape_cast %get3A_217 : vector<1x16xf32> to vector<16xf32>
      %mul3A_219 = arith.constant 8.000000e+00 : f32
      %mul3A_220 = vector.broadcast %mul3A_219 : f32 to vector<16xf32>
      %mul3A_221 = arith.mulf %get3A_218, %mul3A_220 : vector<16xf32>
      %get3A_222 = arith.constant 193 : i32
      %get3A_223 = arith.index_cast %get3A_222 : i32 to index
      %get3A_224 = arith.constant 32 : index
      %get3A_225 = tpu.vector_load %arg7[%get3A_223, %get3A_224] {strides = array<i32>} : memref<200x64xf32, #tpu.memory_space<vmem>>, vector<1x16xf32>,
      %get3A_226 = vector.shape_cast %get3A_225 : vector<1x16xf32> to vector<16xf32>
      %add3A_227 = arith.addf %mul3A_221, %get3A_226 : vector<16xf32>
      %mul3A_228 = vector.broadcast %squeeze3A_169 : f32 to vector<16xf32>
      %mul3A_229 = arith.mulf %add3A_227, %mul3A_228 : vector<16xf32>
      %swap3A_230 = arith.constant 193 : i32
      %swap3A_231 = arith.index_cast %swap3A_230 : i32 to index
      %swap3A_232 = arith.constant 32 : index
      %swap3A_233 = tpu.vector_load %arg10[%swap3A_231, %swap3A_232] {strides = array<i32>} : memref<200x64xf32, #tpu.memory_space<vmem>>, vector<1x16xf32>,
      %swap3A_234 = vector.shape_cast %swap3A_233 : vector<1x16xf32> to vector<16xf32>
      %swap3A_235 = vector.shape_cast %mul3A_229 : vector<16xf32> to vector<1x16xf32>
      tpu.vector_store %arg10[%swap3A_231, %swap3A_232], %swap3A_235 {strides = array<i32>} : memref<200x64xf32, #tpu.memory_space<vmem>>, vector<1x16xf32>,
      %get3A_236 = arith.constant 193 : i32
      %get3A_237 = arith.index_cast %get3A_236 : i32 to index
      %get3A_238 = arith.constant 48 : index
      %get3A_239 = tpu.vector_load %arg8[%get3A_237, %get3A_238] {strides = array<i32>} : memref<200x64xf32, #tpu.memory_space<vmem>>, vector<1x16xf32>,
      %get3A_240 = vector.shape_cast %get3A_239 : vector<1x16xf32> to vector<16xf32>
      %mul3A_241 = arith.constant 8.000000e+00 : f32
      %mul3A_242 = vector.broadcast %mul3A_241 : f32 to vector<16xf32>
      %mul3A_243 = arith.mulf %get3A_240, %mul3A_242 : vector<16xf32>
      %get3A_244 = arith.constant 193 : i32
      %get3A_245 = arith.index_cast %get3A_244 : i32 to index
      %get3A_246 = arith.constant 48 : index
      %get3A_247 = tpu.vector_load %arg7[%get3A_245, %get3A_246] {strides = array<i32>} : memref<200x64xf32, #tpu.memory_space<vmem>>, vector<1x16xf32>,
      %get3A_248 = vector.shape_cast %get3A_247 : vector<1x16xf32> to vector<16xf32>
      %add3A_249 = arith.addf %mul3A_243, %get3A_248 : vector<16xf32>
      %mul3A_250 = vector.broadcast %squeeze3A_169 : f32 to vector<16xf32>
      %mul3A_251 = arith.mulf %add3A_249, %mul3A_250 : vector<16xf32>
      %swap3A_252 = arith.constant 193 : i32
      %swap3A_253 = arith.index_cast %swap3A_252 : i32 to index
      %swap3A_254 = arith.constant 48 : index
      %swap3A_255 = tpu.vector_load %arg10[%swap3A_253, %swap3A_254] {strides = array<i32>} : memref<200x64xf32, #tpu.memory_space<vmem>>, vector<1x16xf32>,
      %swap3A_256 = vector.shape_cast %swap3A_255 : vector<1x16xf32> to vector<16xf32>
      %swap3A_257 = vector.shape_cast %mul3A_251 : vector<16xf32> to vector<1x16xf32>
      tpu.vector_store %arg10[%swap3A_253, %swap3A_254], %swap3A_257 {strides = array<i32>} : memref<200x64xf32, #tpu.memory_space<vmem>>, vector<1x16xf32>,
      %slice3A_258 = vector.extract_strided_slice %select_n3A {offsets = [10], sizes = [1], strides = [1]} : vector<16xf32> to vector<1xf32>
      %squeeze3A_259 = vector.extract %slice3A_258[0] : f32 from vector<1xf32>
      %get3A_260 = arith.constant 194 : i32
      %get3A_261 = arith.index_cast %get3A_260 : i32 to index
      %get3A_262 = arith.constant 0 : index
      %get3A_263 = tpu.vector_load %arg8[%get3A_261, %get3A_262] {strides = array<i32>} : memref<200x64xf32, #tpu.memory_space<vmem>>, vector<1x16xf32>,
      %get3A_264 = vector.shape_cast %get3A_263 : vector<1x16xf32> to vector<16xf32>
      %mul3A_265 = arith.constant 8.000000e+00 : f32
      %mul3A_266 = vector.broadcast %mul3A_265 : f32 to vector<16xf32>
      %mul3A_267 = arith.mulf %get3A_264, %mul3A_266 : vector<16xf32>
      %get3A_268 = arith.constant 194 : i32
      %get3A_269 = arith.index_cast %get3A_268 : i32 to index
      %get3A_270 = arith.constant 0 : index
      %get3A_271 = tpu.vector_load %arg7[%get3A_269, %get3A_270] {strides = array<i32>} : memref<200x64xf32, #tpu.memory_space<vmem>>, vector<1x16xf32>,
      %get3A_272 = vector.shape_cast %get3A_271 : vector<1x16xf32> to vector<16xf32>
      %add3A_273 = arith.addf %mul3A_267, %get3A_272 : vector<16xf32>
      %mul3A_274 = vector.broadcast %squeeze3A_259 : f32 to vector<16xf32>
      %mul3A_275 = arith.mulf %add3A_273, %mul3A_274 : vector<16xf32>
      %swap3A_276 = arith.constant 194 : i32
      %swap3A_277 = arith.index_cast %swap3A_276 : i32 to index
      %swap3A_278 = arith.constant 0 : index
      %swap3A_279 = tpu.vector_load %arg10[%swap3A_277, %swap3A_278] {strides = array<i32>} : memref<200x64xf32, #tpu.memory_space<vmem>>, vector<1x16xf32>,
      %swap3A_280 = vector.shape_cast %swap3A_279 : vector<1x16xf32> to vector<16xf32>
      %swap3A_281 = vector.shape_cast %mul3A_275 : vector<16xf32> to vector<1x16xf32>
      tpu.vector_store %arg10[%swap3A_277, %swap3A_278], %swap3A_281 {strides = array<i32>} : memref<200x64xf32, #tpu.memory_space<vmem>>, vector<1x16xf32>,
      %get3A_282 = arith.constant 194 : i32
      %get3A_283 = arith.index_cast %get3A_282 : i32 to index
      %get3A_284 = arith.constant 16 : index
      %get3A_285 = tpu.vector_load %arg8[%get3A_283, %get3A_284] {strides = array<i32>} : memref<200x64xf32, #tpu.memory_space<vmem>>, vector<1x16xf32>,
      %get3A_286 = vector.shape_cast %get3A_285 : vector<1x16xf32> to vector<16xf32>
      %mul3A_287 = arith.constant 8.000000e+00 : f32
      %mul3A_288 = vector.broadcast %mul3A_287 : f32 to vector<16xf32>
      %mul3A_289 = arith.mulf %get3A_286, %mul3A_288 : vector<16xf32>
      %get3A_290 = arith.constant 194 : i32
      %get3A_291 = arith.index_cast %get3A_290 : i32 to index
      %get3A_292 = arith.constant 16 : index
      %get3A_293 = tpu.vector_load %arg7[%get3A_291, %get3A_292] {strides = array<i32>} : memref<200x64xf32, #tpu.memory_space<vmem>>, vector<1x16xf32>,
      %get3A_294 = vector.shape_cast %get3A_293 : vector<1x16xf32> to vector<16xf32>
      %add3A_295 = arith.addf %mul3A_289, %get3A_294 : vector<16xf32>
      %mul3A_296 = vector.broadcast %squeeze3A_259 : f32 to vector<16xf32>
      %mul3A_297 = arith.mulf %add3A_295, %mul3A_296 : vector<16xf32>
      %swap3A_298 = arith.constant 194 : i32
      %swap3A_299 = arith.index_cast %swap3A_298 : i32 to index
      %swap3A_300 = arith.constant 16 : index
      %swap3A_301 = tpu.vector_load %arg10[%swap3A_299, %swap3A_300] {strides = array<i32>} : memref<200x64xf32, #tpu.memory_space<vmem>>, vector<1x16xf32>,
      %swap3A_302 = vector.shape_cast %swap3A_301 : vector<1x16xf32> to vector<16xf32>
      %swap3A_303 = vector.shape_cast %mul3A_297 : vector<16xf32> to vector<1x16xf32>
      tpu.vector_store %arg10[%swap3A_299, %swap3A_300], %swap3A_303 {strides = array<i32>} : memref<200x64xf32, #tpu.memory_space<vmem>>, vector<1x16xf32>,
      %get3A_304 = arith.constant 194 : i32
      %get3A_305 = arith.index_cast %get3A_304 : i32 to index
      %get3A_306 = arith.constant 32 : index
      %get3A_307 = tpu.vector_load %arg8[%get3A_305, %get3A_306] {strides = array<i32>} : memref<200x64xf32, #tpu.memory_space<vmem>>, vector<1x16xf32>,
      %get3A_308 = vector.shape_cast %get3A_307 : vector<1x16xf32> to vector<16xf32>
      %mul3A_309 = arith.constant 8.000000e+00 : f32
      %mul3A_310 = vector.broadcast %mul3A_309 : f32 to vector<16xf32>
      %mul3A_311 = arith.mulf %get3A_308, %mul3A_310 : vector<16xf32>
      %get3A_312 = arith.constant 194 : i32
      %get3A_313 = arith.index_cast %get3A_312 : i32 to index
      %get3A_314 = arith.constant 32 : index
      %get3A_315 = tpu.vector_load %arg7[%get3A_313, %get3A_314] {strides = array<i32>} : memref<200x64xf32, #tpu.memory_space<vmem>>, vector<1x16xf32>,
      %get3A_316 = vector.shape_cast %get3A_315 : vector<1x16xf32> to vector<16xf32>
      %add3A_317 = arith.addf %mul3A_311, %get3A_316 : vector<16xf32>
      %mul3A_318 = vector.broadcast %squeeze3A_259 : f32 to vector<16xf32>
      %mul3A_319 = arith.mulf %add3A_317, %mul3A_318 : vector<16xf32>
      %swap3A_320 = arith.constant 194 : i32
      %swap3A_321 = arith.index_cast %swap3A_320 : i32 to index
      %swap3A_322 = arith.constant 32 : index
      %swap3A_323 = tpu.vector_load %arg10[%swap3A_321, %swap3A_322] {strides = array<i32>} : memref<200x64xf32, #tpu.memory_space<vmem>>, vector<1x16xf32>,
      %swap3A_324 = vector.shape_cast %swap3A_323 : vector<1x16xf32> to vector<16xf32>
      %swap3A_325 = vector.shape_cast %mul3A_319 : vector<16xf32> to vector<1x16xf32>
      tpu.vector_store %arg10[%swap3A_321, %swap3A_322], %swap3A_325 {strides = array<i32>} : memref<200x64xf32, #tpu.memory_space<vmem>>, vector<1x16xf32>,
      %get3A_326 = arith.constant 194 : i32
      %get3A_327 = arith.index_cast %get3A_326 : i32 to index
      %get3A_328 = arith.constant 48 : index
      %get3A_329 = tpu.vector_load %arg8[%get3A_327, %get3A_328] {strides = array<i32>} : memref<200x64xf32, #tpu.memory_space<vmem>>, vector<1x16xf32>,
      %get3A_330 = vector.shape_cast %get3A_329 : vector<1x16xf32> to vector<16xf32>
      %mul3A_331 = arith.constant 8.000000e+00 : f32
      %mul3A_332 = vector.broadcast %mul3A_331 : f32 to vector<16xf32>
      %mul3A_333 = arith.mulf %get3A_330, %mul3A_332 : vector<16xf32>
      %get3A_334 = arith.constant 194 : i32
      %get3A_335 = arith.index_cast %get3A_334 : i32 to index
      %get3A_336 = arith.constant 48 : index
      %get3A_337 = tpu.vector_load %arg7[%get3A_335, %get3A_336] {strides = array<i32>} : memref<200x64xf32, #tpu.memory_space<vmem>>, vector<1x16xf32>,
      %get3A_338 = vector.shape_cast %get3A_337 : vector<1x16xf32> to vector<16xf32>
      %add3A_339 = arith.addf %mul3A_333, %get3A_338 : vector<16xf32>
      %mul3A_340 = vector.broadcast %squeeze3A_259 : f32 to vector<16xf32>
      %mul3A_341 = arith.mulf %add3A_339, %mul3A_340 : vector<16xf32>
      %swap3A_342 = arith.constant 194 : i32
      %swap3A_343 = arith.index_cast %swap3A_342 : i32 to index
      %swap3A_344 = arith.constant 48 : index
      %swap3A_345 = tpu.vector_load %arg10[%swap3A_343, %swap3A_344] {strides = array<i32>} : memref<200x64xf32, #tpu.memory_space<vmem>>, vector<1x16xf32>,
      %swap3A_346 = vector.shape_cast %swap3A_345 : vector<1x16xf32> to vector<16xf32>
      %swap3A_347 = vector.shape_cast %mul3A_341 : vector<16xf32> to vector<1x16xf32>
      tpu.vector_store %arg10[%swap3A_343, %swap3A_344], %swap3A_347 {strides = array<i32>} : memref<200x64xf32, #tpu.memory_space<vmem>>, vector<1x16xf32>,
      %slice3A_348 = vector.extract_strided_slice %select_n3A {offsets = [11], sizes = [1], strides = [1]} : vector<16xf32> to vector<1xf32>
      %squeeze3A_349 = vector.extract %slice3A_348[0] : f32 from vector<1xf32>
      %get3A_350 = arith.constant 195 : i32
      %get3A_351 = arith.index_cast %get3A_350 : i32 to index
      %get3A_352 = arith.constant 0 : index
      %get3A_353 = tpu.vector_load %arg8[%get3A_351, %get3A_352] {strides = array<i32>} : memref<200x64xf32, #tpu.memory_space<vmem>>, vector<1x16xf32>,
      %get3A_354 = vector.shape_cast %get3A_353 : vector<1x16xf32> to vector<16xf32>
      %mul3A_355 = arith.constant 8.000000e+00 : f32
      %mul3A_356 = vector.broadcast %mul3A_355 : f32 to vector<16xf32>
      %mul3A_357 = arith.mulf %get3A_354, %mul3A_356 : vector<16xf32>
      %get3A_358 = arith.constant 195 : i32
      %get3A_359 = arith.index_cast %get3A_358 : i32 to index
      %get3A_360 = arith.constant 0 : index
      %get3A_361 = tpu.vector_load %arg7[%get3A_359, %get3A_360] {strides = array<i32>} : memref<200x64xf32, #tpu.memory_space<vmem>>, vector<1x16xf32>,
      %get3A_362 = vector.shape_cast %get3A_361 : vector<1x16xf32> to vector<16xf32>
      %add3A_363 = arith.addf %mul3A_357, %get3A_362 : vector<16xf32>
      %mul3A_364 = vector.broadcast %squeeze3A_349 : f32 to vector<16xf32>
      %mul3A_365 = arith.mulf %add3A_363, %mul3A_364 : vector<16xf32>
      %swap3A_366 = arith.constant 195 : i32
      %swap3A_367 = arith.index_cast %swap3A_366 : i32 to index
      %swap3A_368 = arith.constant 0 : index
      %swap3A_369 = tpu.vector_load %arg10[%swap3A_367, %swap3A_368] {strides = array<i32>} : memref<200x64xf32, #tpu.memory_space<vmem>>, vector<1x16xf32>,
      %swap3A_370 = vector.shape_cast %swap3A_369 : vector<1x16xf32> to vector<16xf32>
      %swap3A_371 = vector.shape_cast %mul3A_365 : vector<16xf32> to vector<1x16xf32>
      tpu.vector_store %arg10[%swap3A_367, %swap3A_368], %swap3A_371 {strides = array<i32>} : memref<200x64xf32, #tpu.memory_space<vmem>>, vector<1x16xf32>,
      %get3A_372 = arith.constant 195 : i32
      %get3A_373 = arith.index_cast %get3A_372 : i32 to index
      %get3A_374 = arith.constant 16 : index
      %get3A_375 = tpu.vector_load %arg8[%get3A_373, %get3A_374] {strides = array<i32>} : memref<200x64xf32, #tpu.memory_space<vmem>>, vector<1x16xf32>,
      %get3A_376 = vector.shape_cast %get3A_375 : vector<1x16xf32> to vector<16xf32>
      %mul3A_377 = arith.constant 8.000000e+00 : f32
      %mul3A_378 = vector.broadcast %mul3A_377 : f32 to vector<16xf32>
      %mul3A_379 = arith.mulf %get3A_376, %mul3A_378 : vector<16xf32>
      %get3A_380 = arith.constant 195 : i32
      %get3A_381 = arith.index_cast %get3A_380 : i32 to index
      %get3A_382 = arith.constant 16 : index
      %get3A_383 = tpu.vector_load %arg7[%get3A_381, %get3A_382] {strides = array<i32>} : memref<200x64xf32, #tpu.memory_space<vmem>>, vector<1x16xf32>,
      %get3A_384 = vector.shape_cast %get3A_383 : vector<1x16xf32> to vector<16xf32>
      %add3A_385 = arith.addf %mul3A_379, %get3A_384 : vector<16xf32>
      %mul3A_386 = vector.broadcast %squeeze3A_349 : f32 to vector<16xf32>
      %mul3A_387 = arith.mulf %add3A_385, %mul3A_386 : vector<16xf32>
      %swap3A_388 = arith.constant 195 : i32
      %swap3A_389 = arith.index_cast %swap3A_388 : i32 to index
      %swap3A_390 = arith.constant 16 : index
      %swap3A_391 = tpu.vector_load %arg10[%swap3A_389, %swap3A_390] {strides = array<i32>} : memref<200x64xf32, #tpu.memory_space<vmem>>, vector<1x16xf32>,
      %swap3A_392 = vector.shape_cast %swap3A_391 : vector<1x16xf32> to vector<16xf32>
      %swap3A_393 = vector.shape_cast %mul3A_387 : vector<16xf32> to vector<1x16xf32>
      tpu.vector_store %arg10[%swap3A_389, %swap3A_390], %swap3A_393 {strides = array<i32>} : memref<200x64xf32, #tpu.memory_space<vmem>>, vector<1x16xf32>,
      %get3A_394 = arith.constant 195 : i32
      %get3A_395 = arith.index_cast %get3A_394 : i32 to index
      %get3A_396 = arith.constant 32 : index
      %get3A_397 = tpu.vector_load %arg8[%get3A_395, %get3A_396] {strides = array<i32>} : memref<200x64xf32, #tpu.memory_space<vmem>>, vector<1x16xf32>,
      %get3A_398 = vector.shape_cast %get3A_397 : vector<1x16xf32> to vector<16xf32>
      %mul3A_399 = arith.constant 8.000000e+00 : f32
      %mul3A_400 = vector.broadcast %mul3A_399 : f32 to vector<16xf32>
      %mul3A_401 = arith.mulf %get3A_398, %mul3A_400 : vector<16xf32>
      %get3A_402 = arith.constant 195 : i32
      %get3A_403 = arith.index_cast %get3A_402 : i32 to index
      %get3A_404 = arith.constant 32 : index
      %get3A_405 = tpu.vector_load %arg7[%get3A_403, %get3A_404] {strides = array<i32>} : memref<200x64xf32, #tpu.memory_space<vmem>>, vector<1x16xf32>,
      %get3A_406 = vector.shape_cast %get3A_405 : vector<1x16xf32> to vector<16xf32>
      %add3A_407 = arith.addf %mul3A_401, %get3A_406 : vector<16xf32>
      %mul3A_408 = vector.broadcast %squeeze3A_349 : f32 to vector<16xf32>
      %mul3A_409 = arith.mulf %add3A_407, %mul3A_408 : vector<16xf32>
      %swap3A_410 = arith.constant 195 : i32
      %swap3A_411 = arith.index_cast %swap3A_410 : i32 to index
      %swap3A_412 = arith.constant 32 : index
      %swap3A_413 = tpu.vector_load %arg10[%swap3A_411, %swap3A_412] {strides = array<i32>} : memref<200x64xf32, #tpu.memory_space<vmem>>, vector<1x16xf32>,
      %swap3A_414 = vector.shape_cast %swap3A_413 : vector<1x16xf32> to vector<16xf32>
      %swap3A_415 = vector.shape_cast %mul3A_409 : vector<16xf32> to vector<1x16xf32>
      tpu.vector_store %arg10[%swap3A_411, %swap3A_412], %swap3A_415 {strides = array<i32>} : memref<200x64xf32, #tpu.memory_space<vmem>>, vector<1x16xf32>,
      %get3A_416 = arith.constant 195 : i32
      %get3A_417 = arith.index_cast %get3A_416 : i32 to index
      %get3A_418 = arith.constant 48 : index
      %get3A_419 = tpu.vector_load %arg8[%get3A_417, %get3A_418] {strides = array<i32>} : memref<200x64xf32, #tpu.memory_space<vmem>>, vector<1x16xf32>,
      %get3A_420 = vector.shape_cast %get3A_419 : vector<1x16xf32> to vector<16xf32>
      %mul3A_421 = arith.constant 8.000000e+00 : f32
      %mul3A_422 = vector.broadcast %mul3A_421 : f32 to vector<16xf32>
      %mul3A_423 = arith.mulf %get3A_420, %mul3A_422 : vector<16xf32>
      %get3A_424 = arith.constant 195 : i32
      %get3A_425 = arith.index_cast %get3A_424 : i32 to index
      %get3A_426 = arith.constant 48 : index
      %get3A_427 = tpu.vector_load %arg7[%get3A_425, %get3A_426] {strides = array<i32>} : memref<200x64xf32, #tpu.memory_space<vmem>>, vector<1x16xf32>,
      %get3A_428 = vector.shape_cast %get3A_427 : vector<1x16xf32> to vector<16xf32>
      %add3A_429 = arith.addf %mul3A_423, %get3A_428 : vector<16xf32>
      %mul3A_430 = vector.broadcast %squeeze3A_349 : f32 to vector<16xf32>
      %mul3A_431 = arith.mulf %add3A_429, %mul3A_430 : vector<16xf32>
      %swap3A_432 = arith.constant 195 : i32
      %swap3A_433 = arith.index_cast %swap3A_432 : i32 to index
      %swap3A_434 = arith.constant 48 : index
      %swap3A_435 = tpu.vector_load %arg10[%swap3A_433, %swap3A_434] {strides = array<i32>} : memref<200x64xf32, #tpu.memory_space<vmem>>, vector<1x16xf32>,
      %swap3A_436 = vector.shape_cast %swap3A_435 : vector<1x16xf32> to vector<16xf32>
      %swap3A_437 = vector.shape_cast %mul3A_431 : vector<16xf32> to vector<1x16xf32>
      tpu.vector_store %arg10[%swap3A_433, %swap3A_434], %swap3A_437 {strides = array<i32>} : memref<200x64xf32, #tpu.memory_space<vmem>>, vector<1x16xf32>,
      %slice3A_438 = vector.extract_strided_slice %select_n3A {offsets = [12], sizes = [1], strides = [1]} : vector<16xf32> to vector<1xf32>
      %squeeze3A_439 = vector.extract %slice3A_438[0] : f32 from vector<1xf32>
      %get3A_440 = arith.constant 196 : i32
      %get3A_441 = arith.index_cast %get3A_440 : i32 to index
      %get3A_442 = arith.constant 0 : index
      %get3A_443 = tpu.vector_load %arg8[%get3A_441, %get3A_442] {strides = array<i32>} : memref<200x64xf32, #tpu.memory_space<vmem>>, vector<1x16xf32>,
      %get3A_444 = vector.shape_cast %get3A_443 : vector<1x16xf32> to vector<16xf32>
      %mul3A_445 = arith.constant 8.000000e+00 : f32
      %mul3A_446 = vector.broadcast %mul3A_445 : f32 to vector<16xf32>
      %mul3A_447 = arith.mulf %get3A_444, %mul3A_446 : vector<16xf32>
      %get3A_448 = arith.constant 196 : i32
      %get3A_449 = arith.index_cast %get3A_448 : i32 to index
      %get3A_450 = arith.constant 0 : index
      %get3A_451 = tpu.vector_load %arg7[%get3A_449, %get3A_450] {strides = array<i32>} : memref<200x64xf32, #tpu.memory_space<vmem>>, vector<1x16xf32>,
      %get3A_452 = vector.shape_cast %get3A_451 : vector<1x16xf32> to vector<16xf32>
      %add3A_453 = arith.addf %mul3A_447, %get3A_452 : vector<16xf32>
      %mul3A_454 = vector.broadcast %squeeze3A_439 : f32 to vector<16xf32>
      %mul3A_455 = arith.mulf %add3A_453, %mul3A_454 : vector<16xf32>
      %swap3A_456 = arith.constant 196 : i32
      %swap3A_457 = arith.index_cast %swap3A_456 : i32 to index
      %swap3A_458 = arith.constant 0 : index
      %swap3A_459 = tpu.vector_load %arg10[%swap3A_457, %swap3A_458] {strides = array<i32>} : memref<200x64xf32, #tpu.memory_space<vmem>>, vector<1x16xf32>,
      %swap3A_460 = vector.shape_cast %swap3A_459 : vector<1x16xf32> to vector<16xf32>
      %swap3A_461 = vector.shape_cast %mul3A_455 : vector<16xf32> to vector<1x16xf32>
      tpu.vector_store %arg10[%swap3A_457, %swap3A_458], %swap3A_461 {strides = array<i32>} : memref<200x64xf32, #tpu.memory_space<vmem>>, vector<1x16xf32>,
      %get3A_462 = arith.constant 196 : i32
      %get3A_463 = arith.index_cast %get3A_462 : i32 to index
      %get3A_464 = arith.constant 16 : index
      %get3A_465 = tpu.vector_load %arg8[%get3A_463, %get3A_464] {strides = array<i32>} : memref<200x64xf32, #tpu.memory_space<vmem>>, vector<1x16xf32>,
      %get3A_466 = vector.shape_cast %get3A_465 : vector<1x16xf32> to vector<16xf32>
      %mul3A_467 = arith.constant 8.000000e+00 : f32
      %mul3A_468 = vector.broadcast %mul3A_467 : f32 to vector<16xf32>
      %mul3A_469 = arith.mulf %get3A_466, %mul3A_468 : vector<16xf32>
      %get3A_470 = arith.constant 196 : i32
      %get3A_471 = arith.index_cast %get3A_470 : i32 to index
      %get3A_472 = arith.constant 16 : index
      %get3A_473 = tpu.vector_load %arg7[%get3A_471, %get3A_472] {strides = array<i32>} : memref<200x64xf32, #tpu.memory_space<vmem>>, vector<1x16xf32>,
      %get3A_474 = vector.shape_cast %get3A_473 : vector<1x16xf32> to vector<16xf32>
      %add3A_475 = arith.addf %mul3A_469, %get3A_474 : vector<16xf32>
      %mul3A_476 = vector.broadcast %squeeze3A_439 : f32 to vector<16xf32>
      %mul3A_477 = arith.mulf %add3A_475, %mul3A_476 : vector<16xf32>
      %swap3A_478 = arith.constant 196 : i32
      %swap3A_479 = arith.index_cast %swap3A_478 : i32 to index
      %swap3A_480 = arith.constant 16 : index
      %swap3A_481 = tpu.vector_load %arg10[%swap3A_479, %swap3A_480] {strides = array<i32>} : memref<200x64xf32, #tpu.memory_space<vmem>>, vector<1x16xf32>,
      %swap3A_482 = vector.shape_cast %swap3A_481 : vector<1x16xf32> to vector<16xf32>
      %swap3A_483 = vector.shape_cast %mul3A_477 : vector<16xf32> to vector<1x16xf32>
      tpu.vector_store %arg10[%swap3A_479, %swap3A_480], %swap3A_483 {strides = array<i32>} : memref<200x64xf32, #tpu.memory_space<vmem>>, vector<1x16xf32>,
      %get3A_484 = arith.constant 196 : i32
      %get3A_485 = arith.index_cast %get3A_484 : i32 to index
      %get3A_486 = arith.constant 32 : index
      %get3A_487 = tpu.vector_load %arg8[%get3A_485, %get3A_486] {strides = array<i32>} : memref<200x64xf32, #tpu.memory_space<vmem>>, vector<1x16xf32>,
      %get3A_488 = vector.shape_cast %get3A_487 : vector<1x16xf32> to vector<16xf32>
      %mul3A_489 = arith.constant 8.000000e+00 : f32
      %mul3A_490 = vector.broadcast %mul3A_489 : f32 to vector<16xf32>
      %mul3A_491 = arith.mulf %get3A_488, %mul3A_490 : vector<16xf32>
      %get3A_492 = arith.constant 196 : i32
      %get3A_493 = arith.index_cast %get3A_492 : i32 to index
      %get3A_494 = arith.constant 32 : index
      %get3A_495 = tpu.vector_load %arg7[%get3A_493, %get3A_494] {strides = array<i32>} : memref<200x64xf32, #tpu.memory_space<vmem>>, vector<1x16xf32>,
      %get3A_496 = vector.shape_cast %get3A_495 : vector<1x16xf32> to vector<16xf32>
      %add3A_497 = arith.addf %mul3A_491, %get3A_496 : vector<16xf32>
      %mul3A_498 = vector.broadcast %squeeze3A_439 : f32 to vector<16xf32>
      %mul3A_499 = arith.mulf %add3A_497, %mul3A_498 : vector<16xf32>
      %swap3A_500 = arith.constant 196 : i32
      %swap3A_501 = arith.index_cast %swap3A_500 : i32 to index
      %swap3A_502 = arith.constant 32 : index
      %swap3A_503 = tpu.vector_load %arg10[%swap3A_501, %swap3A_502] {strides = array<i32>} : memref<200x64xf32, #tpu.memory_space<vmem>>, vector<1x16xf32>,
      %swap3A_504 = vector.shape_cast %swap3A_503 : vector<1x16xf32> to vector<16xf32>
      %swap3A_505 = vector.shape_cast %mul3A_499 : vector<16xf32> to vector<1x16xf32>
      tpu.vector_store %arg10[%swap3A_501, %swap3A_502], %swap3A_505 {strides = array<i32>} : memref<200x64xf32, #tpu.memory_space<vmem>>, vector<1x16xf32>,
      %get3A_506 = arith.constant 196 : i32
      %get3A_507 = arith.index_cast %get3A_506 : i32 to index
      %get3A_508 = arith.constant 48 : index
      %get3A_509 = tpu.vector_load %arg8[%get3A_507, %get3A_508] {strides = array<i32>} : memref<200x64xf32, #tpu.memory_space<vmem>>, vector<1x16xf32>,
      %get3A_510 = vector.shape_cast %get3A_509 : vector<1x16xf32> to vector<16xf32>
      %mul3A_511 = arith.constant 8.000000e+00 : f32
      %mul3A_512 = vector.broadcast %mul3A_511 : f32 to vector<16xf32>
      %mul3A_513 = arith.mulf %get3A_510, %mul3A_512 : vector<16xf32>
      %get3A_514 = arith.constant 196 : i32
      %get3A_515 = arith.index_cast %get3A_514 : i32 to index
      %get3A_516 = arith.constant 48 : index
      %get3A_517 = tpu.vector_load %arg7[%get3A_515, %get3A_516] {strides = array<i32>} : memref<200x64xf32, #tpu.memory_space<vmem>>, vector<1x16xf32>,
      %get3A_518 = vector.shape_cast %get3A_517 : vector<1x16xf32> to vector<16xf32>
      %add3A_519 = arith.addf %mul3A_513, %get3A_518 : vector<16xf32>
      %mul3A_520 = vector.broadcast %squeeze3A_439 : f32 to vector<16xf32>
      %mul3A_521 = arith.mulf %add3A_519, %mul3A_520 : vector<16xf32>
      %swap3A_522 = arith.constant 196 : i32
      %swap3A_523 = arith.index_cast %swap3A_522 : i32 to index
      %swap3A_524 = arith.constant 48 : index
      %swap3A_525 = tpu.vector_load %arg10[%swap3A_523, %swap3A_524] {strides = array<i32>} : memref<200x64xf32, #tpu.memory_space<vmem>>, vector<1x16xf32>,
      %swap3A_526 = vector.shape_cast %swap3A_525 : vector<1x16xf32> to vector<16xf32>
      %swap3A_527 = vector.shape_cast %mul3A_521 : vector<16xf32> to vector<1x16xf32>
      tpu.vector_store %arg10[%swap3A_523, %swap3A_524], %swap3A_527 {strides = array<i32>} : memref<200x64xf32, #tpu.memory_space<vmem>>, vector<1x16xf32>,
      %slice3A_528 = vector.extract_strided_slice %select_n3A {offsets = [13], sizes = [1], strides = [1]} : vector<16xf32> to vector<1xf32>
      %squeeze3A_529 = vector.extract %slice3A_528[0] : f32 from vector<1xf32>
      %get3A_530 = arith.constant 197 : i32
      %get3A_531 = arith.index_cast %get3A_530 : i32 to index
      %get3A_532 = arith.constant 0 : index
      %get3A_533 = tpu.vector_load %arg8[%get3A_531, %get3A_532] {strides = array<i32>} : memref<200x64xf32, #tpu.memory_space<vmem>>, vector<1x16xf32>,
      %get3A_534 = vector.shape_cast %get3A_533 : vector<1x16xf32> to vector<16xf32>
      %mul3A_535 = arith.constant 8.000000e+00 : f32
      %mul3A_536 = vector.broadcast %mul3A_535 : f32 to vector<16xf32>
      %mul3A_537 = arith.mulf %get3A_534, %mul3A_536 : vector<16xf32>
      %get3A_538 = arith.constant 197 : i32
      %get3A_539 = arith.index_cast %get3A_538 : i32 to index
      %get3A_540 = arith.constant 0 : index
      %get3A_541 = tpu.vector_load %arg7[%get3A_539, %get3A_540] {strides = array<i32>} : memref<200x64xf32, #tpu.memory_space<vmem>>, vector<1x16xf32>,
      %get3A_542 = vector.shape_cast %get3A_541 : vector<1x16xf32> to vector<16xf32>
      %add3A_543 = arith.addf %mul3A_537, %get3A_542 : vector<16xf32>
      %mul3A_544 = vector.broadcast %squeeze3A_529 : f32 to vector<16xf32>
      %mul3A_545 = arith.mulf %add3A_543, %mul3A_544 : vector<16xf32>
      %swap3A_546 = arith.constant 197 : i32
      %swap3A_547 = arith.index_cast %swap3A_546 : i32 to index
      %swap3A_548 = arith.constant 0 : index
      %swap3A_549 = tpu.vector_load %arg10[%swap3A_547, %swap3A_548] {strides = array<i32>} : memref<200x64xf32, #tpu.memory_space<vmem>>, vector<1x16xf32>,
      %swap3A_550 = vector.shape_cast %swap3A_549 : vector<1x16xf32> to vector<16xf32>
      %swap3A_551 = vector.shape_cast %mul3A_545 : vector<16xf32> to vector<1x16xf32>
      tpu.vector_store %arg10[%swap3A_547, %swap3A_548], %swap3A_551 {strides = array<i32>} : memref<200x64xf32, #tpu.memory_space<vmem>>, vector<1x16xf32>,
      %get3A_552 = arith.constant 197 : i32
      %get3A_553 = arith.index_cast %get3A_552 : i32 to index
      %get3A_554 = arith.constant 16 : index
      %get3A_555 = tpu.vector_load %arg8[%get3A_553, %get3A_554] {strides = array<i32>} : memref<200x64xf32, #tpu.memory_space<vmem>>, vector<1x16xf32>,
      %get3A_556 = vector.shape_cast %get3A_555 : vector<1x16xf32> to vector<16xf32>
      %mul3A_557 = arith.constant 8.000000e+00 : f32
      %mul3A_558 = vector.broadcast %mul3A_557 : f32 to vector<16xf32>
      %mul3A_559 = arith.mulf %get3A_556, %mul3A_558 : vector<16xf32>
      %get3A_560 = arith.constant 197 : i32
      %get3A_561 = arith.index_cast %get3A_560 : i32 to index
      %get3A_562 = arith.constant 16 : index
      %get3A_563 = tpu.vector_load %arg7[%get3A_561, %get3A_562] {strides = array<i32>} : memref<200x64xf32, #tpu.memory_space<vmem>>, vector<1x16xf32>,
      %get3A_564 = vector.shape_cast %get3A_563 : vector<1x16xf32> to vector<16xf32>
      %add3A_565 = arith.addf %mul3A_559, %get3A_564 : vector<16xf32>
      %mul3A_566 = vector.broadcast %squeeze3A_529 : f32 to vector<16xf32>
      %mul3A_567 = arith.mulf %add3A_565, %mul3A_566 : vector<16xf32>
      %swap3A_568 = arith.constant 197 : i32
      %swap3A_569 = arith.index_cast %swap3A_568 : i32 to index
      %swap3A_570 = arith.constant 16 : index
      %swap3A_571 = tpu.vector_load %arg10[%swap3A_569, %swap3A_570] {strides = array<i32>} : memref<200x64xf32, #tpu.memory_space<vmem>>, vector<1x16xf32>,
      %swap3A_572 = vector.shape_cast %swap3A_571 : vector<1x16xf32> to vector<16xf32>
      %swap3A_573 = vector.shape_cast %mul3A_567 : vector<16xf32> to vector<1x16xf32>
      tpu.vector_store %arg10[%swap3A_569, %swap3A_570], %swap3A_573 {strides = array<i32>} : memref<200x64xf32, #tpu.memory_space<vmem>>, vector<1x16xf32>,
      %get3A_574 = arith.constant 197 : i32
      %get3A_575 = arith.index_cast %get3A_574 : i32 to index
      %get3A_576 = arith.constant 32 : index
      %get3A_577 = tpu.vector_load %arg8[%get3A_575, %get3A_576] {strides = array<i32>} : memref<200x64xf32, #tpu.memory_space<vmem>>, vector<1x16xf32>,
      %get3A_578 = vector.shape_cast %get3A_577 : vector<1x16xf32> to vector<16xf32>
      %mul3A_579 = arith.constant 8.000000e+00 : f32
      %mul3A_580 = vector.broadcast %mul3A_579 : f32 to vector<16xf32>
      %mul3A_581 = arith.mulf %get3A_578, %mul3A_580 : vector<16xf32>
      %get3A_582 = arith.constant 197 : i32
      %get3A_583 = arith.index_cast %get3A_582 : i32 to index
      %get3A_584 = arith.constant 32 : index
      %get3A_585 = tpu.vector_load %arg7[%get3A_583, %get3A_584] {strides = array<i32>} : memref<200x64xf32, #tpu.memory_space<vmem>>, vector<1x16xf32>,
      %get3A_586 = vector.shape_cast %get3A_585 : vector<1x16xf32> to vector<16xf32>
      %add3A_587 = arith.addf %mul3A_581, %get3A_586 : vector<16xf32>
      %mul3A_588 = vector.broadcast %squeeze3A_529 : f32 to vector<16xf32>
      %mul3A_589 = arith.mulf %add3A_587, %mul3A_588 : vector<16xf32>
      %swap3A_590 = arith.constant 197 : i32
      %swap3A_591 = arith.index_cast %swap3A_590 : i32 to index
      %swap3A_592 = arith.constant 32 : index
      %swap3A_593 = tpu.vector_load %arg10[%swap3A_591, %swap3A_592] {strides = array<i32>} : memref<200x64xf32, #tpu.memory_space<vmem>>, vector<1x16xf32>,
      %swap3A_594 = vector.shape_cast %swap3A_593 : vector<1x16xf32> to vector<16xf32>
      %swap3A_595 = vector.shape_cast %mul3A_589 : vector<16xf32> to vector<1x16xf32>
      tpu.vector_store %arg10[%swap3A_591, %swap3A_592], %swap3A_595 {strides = array<i32>} : memref<200x64xf32, #tpu.memory_space<vmem>>, vector<1x16xf32>,
      %get3A_596 = arith.constant 197 : i32
      %get3A_597 = arith.index_cast %get3A_596 : i32 to index
      %get3A_598 = arith.constant 48 : index
      %get3A_599 = tpu.vector_load %arg8[%get3A_597, %get3A_598] {strides = array<i32>} : memref<200x64xf32, #tpu.memory_space<vmem>>, vector<1x16xf32>,
      %get3A_600 = vector.shape_cast %get3A_599 : vector<1x16xf32> to vector<16xf32>
      %mul3A_601 = arith.constant 8.000000e+00 : f32
      %mul3A_602 = vector.broadcast %mul3A_601 : f32 to vector<16xf32>
      %mul3A_603 = arith.mulf %get3A_600, %mul3A_602 : vector<16xf32>
      %get3A_604 = arith.constant 197 : i32
      %get3A_605 = arith.index_cast %get3A_604 : i32 to index
      %get3A_606 = arith.constant 48 : index
      %get3A_607 = tpu.vector_load %arg7[%get3A_605, %get3A_606] {strides = array<i32>} : memref<200x64xf32, #tpu.memory_space<vmem>>, vector<1x16xf32>,
      %get3A_608 = vector.shape_cast %get3A_607 : vector<1x16xf32> to vector<16xf32>
      %add3A_609 = arith.addf %mul3A_603, %get3A_608 : vector<16xf32>
      %mul3A_610 = vector.broadcast %squeeze3A_529 : f32 to vector<16xf32>
      %mul3A_611 = arith.mulf %add3A_609, %mul3A_610 : vector<16xf32>
      %swap3A_612 = arith.constant 197 : i32
      %swap3A_613 = arith.index_cast %swap3A_612 : i32 to index
      %swap3A_614 = arith.constant 48 : index
      %swap3A_615 = tpu.vector_load %arg10[%swap3A_613, %swap3A_614] {strides = array<i32>} : memref<200x64xf32, #tpu.memory_space<vmem>>, vector<1x16xf32>,
      %swap3A_616 = vector.shape_cast %swap3A_615 : vector<1x16xf32> to vector<16xf32>
      %swap3A_617 = vector.shape_cast %mul3A_611 : vector<16xf32> to vector<1x16xf32>
      tpu.vector_store %arg10[%swap3A_613, %swap3A_614], %swap3A_617 {strides = array<i32>} : memref<200x64xf32, #tpu.memory_space<vmem>>, vector<1x16xf32>,
      %slice3A_618 = vector.extract_strided_slice %select_n3A {offsets = [14], sizes = [1], strides = [1]} : vector<16xf32> to vector<1xf32>
      %squeeze3A_619 = vector.extract %slice3A_618[0] : f32 from vector<1xf32>
      %get3A_620 = arith.constant 198 : i32
      %get3A_621 = arith.index_cast %get3A_620 : i32 to index
      %get3A_622 = arith.constant 0 : index
      %get3A_623 = tpu.vector_load %arg8[%get3A_621, %get3A_622] {strides = array<i32>} : memref<200x64xf32, #tpu.memory_space<vmem>>, vector<1x16xf32>,
      %get3A_624 = vector.shape_cast %get3A_623 : vector<1x16xf32> to vector<16xf32>
      %mul3A_625 = arith.constant 8.000000e+00 : f32
      %mul3A_626 = vector.broadcast %mul3A_625 : f32 to vector<16xf32>
      %mul3A_627 = arith.mulf %get3A_624, %mul3A_626 : vector<16xf32>
      %get3A_628 = arith.constant 198 : i32
      %get3A_629 = arith.index_cast %get3A_628 : i32 to index
      %get3A_630 = arith.constant 0 : index
      %get3A_631 = tpu.vector_load %arg7[%get3A_629, %get3A_630] {strides = array<i32>} : memref<200x64xf32, #tpu.memory_space<vmem>>, vector<1x16xf32>,
      %get3A_632 = vector.shape_cast %get3A_631 : vector<1x16xf32> to vector<16xf32>
      %add3A_633 = arith.addf %mul3A_627, %get3A_632 : vector<16xf32>
      %mul3A_634 = vector.broadcast %squeeze3A_619 : f32 to vector<16xf32>
      %mul3A_635 = arith.mulf %add3A_633, %mul3A_634 : vector<16xf32>
      %swap3A_636 = arith.constant 198 : i32
      %swap3A_637 = arith.index_cast %swap3A_636 : i32 to index
      %swap3A_638 = arith.constant 0 : index
      %swap3A_639 = tpu.vector_load %arg10[%swap3A_637, %swap3A_638] {strides = array<i32>} : memref<200x64xf32, #tpu.memory_space<vmem>>, vector<1x16xf32>,
      %swap3A_640 = vector.shape_cast %swap3A_639 : vector<1x16xf32> to vector<16xf32>
      %swap3A_641 = vector.shape_cast %mul3A_635 : vector<16xf32> to vector<1x16xf32>
      tpu.vector_store %arg10[%swap3A_637, %swap3A_638], %swap3A_641 {strides = array<i32>} : memref<200x64xf32, #tpu.memory_space<vmem>>, vector<1x16xf32>,
      %get3A_642 = arith.constant 198 : i32
      %get3A_643 = arith.index_cast %get3A_642 : i32 to index
      %get3A_644 = arith.constant 16 : index
      %get3A_645 = tpu.vector_load %arg8[%get3A_643, %get3A_644] {strides = array<i32>} : memref<200x64xf32, #tpu.memory_space<vmem>>, vector<1x16xf32>,
      %get3A_646 = vector.shape_cast %get3A_645 : vector<1x16xf32> to vector<16xf32>
      %mul3A_647 = arith.constant 8.000000e+00 : f32
      %mul3A_648 = vector.broadcast %mul3A_647 : f32 to vector<16xf32>
      %mul3A_649 = arith.mulf %get3A_646, %mul3A_648 : vector<16xf32>
      %get3A_650 = arith.constant 198 : i32
      %get3A_651 = arith.index_cast %get3A_650 : i32 to index
      %get3A_652 = arith.constant 16 : index
      %get3A_653 = tpu.vector_load %arg7[%get3A_651, %get3A_652] {strides = array<i32>} : memref<200x64xf32, #tpu.memory_space<vmem>>, vector<1x16xf32>,
      %get3A_654 = vector.shape_cast %get3A_653 : vector<1x16xf32> to vector<16xf32>
      %add3A_655 = arith.addf %mul3A_649, %get3A_654 : vector<16xf32>
      %mul3A_656 = vector.broadcast %squeeze3A_619 : f32 to vector<16xf32>
      %mul3A_657 = arith.mulf %add3A_655, %mul3A_656 : vector<16xf32>
      %swap3A_658 = arith.constant 198 : i32
      %swap3A_659 = arith.index_cast %swap3A_658 : i32 to index
      %swap3A_660 = arith.constant 16 : index
      %swap3A_661 = tpu.vector_load %arg10[%swap3A_659, %swap3A_660] {strides = array<i32>} : memref<200x64xf32, #tpu.memory_space<vmem>>, vector<1x16xf32>,
      %swap3A_662 = vector.shape_cast %swap3A_661 : vector<1x16xf32> to vector<16xf32>
      %swap3A_663 = vector.shape_cast %mul3A_657 : vector<16xf32> to vector<1x16xf32>
      tpu.vector_store %arg10[%swap3A_659, %swap3A_660], %swap3A_663 {strides = array<i32>} : memref<200x64xf32, #tpu.memory_space<vmem>>, vector<1x16xf32>,
      %get3A_664 = arith.constant 198 : i32
      %get3A_665 = arith.index_cast %get3A_664 : i32 to index
      %get3A_666 = arith.constant 32 : index
      %get3A_667 = tpu.vector_load %arg8[%get3A_665, %get3A_666] {strides = array<i32>} : memref<200x64xf32, #tpu.memory_space<vmem>>, vector<1x16xf32>,
      %get3A_668 = vector.shape_cast %get3A_667 : vector<1x16xf32> to vector<16xf32>
      %mul3A_669 = arith.constant 8.000000e+00 : f32
      %mul3A_670 = vector.broadcast %mul3A_669 : f32 to vector<16xf32>
      %mul3A_671 = arith.mulf %get3A_668, %mul3A_670 : vector<16xf32>
      %get3A_672 = arith.constant 198 : i32
      %get3A_673 = arith.index_cast %get3A_672 : i32 to index
      %get3A_674 = arith.constant 32 : index
      %get3A_675 = tpu.vector_load %arg7[%get3A_673, %get3A_674] {strides = array<i32>} : memref<200x64xf32, #tpu.memory_space<vmem>>, vector<1x16xf32>,
      %get3A_676 = vector.shape_cast %get3A_675 : vector<1x16xf32> to vector<16xf32>
      %add3A_677 = arith.addf %mul3A_671, %get3A_676 : vector<16xf32>
      %mul3A_678 = vector.broadcast %squeeze3A_619 : f32 to vector<16xf32>
      %mul3A_679 = arith.mulf %add3A_677, %mul3A_678 : vector<16xf32>
      %swap3A_680 = arith.constant 198 : i32
      %swap3A_681 = arith.index_cast %swap3A_680 : i32 to index
      %swap3A_682 = arith.constant 32 : index
      %swap3A_683 = tpu.vector_load %arg10[%swap3A_681, %swap3A_682] {strides = array<i32>} : memref<200x64xf32, #tpu.memory_space<vmem>>, vector<1x16xf32>,
      %swap3A_684 = vector.shape_cast %swap3A_683 : vector<1x16xf32> to vector<16xf32>
      %swap3A_685 = vector.shape_cast %mul3A_679 : vector<16xf32> to vector<1x16xf32>
      tpu.vector_store %arg10[%swap3A_681, %swap3A_682], %swap3A_685 {strides = array<i32>} : memref<200x64xf32, #tpu.memory_space<vmem>>, vector<1x16xf32>,
      %get3A_686 = arith.constant 198 : i32
      %get3A_687 = arith.index_cast %get3A_686 : i32 to index
      %get3A_688 = arith.constant 48 : index
      %get3A_689 = tpu.vector_load %arg8[%get3A_687, %get3A_688] {strides = array<i32>} : memref<200x64xf32, #tpu.memory_space<vmem>>, vector<1x16xf32>,
      %get3A_690 = vector.shape_cast %get3A_689 : vector<1x16xf32> to vector<16xf32>
      %mul3A_691 = arith.constant 8.000000e+00 : f32
      %mul3A_692 = vector.broadcast %mul3A_691 : f32 to vector<16xf32>
      %mul3A_693 = arith.mulf %get3A_690, %mul3A_692 : vector<16xf32>
      %get3A_694 = arith.constant 198 : i32
      %get3A_695 = arith.index_cast %get3A_694 : i32 to index
      %get3A_696 = arith.constant 48 : index
      %get3A_697 = tpu.vector_load %arg7[%get3A_695, %get3A_696] {strides = array<i32>} : memref<200x64xf32, #tpu.memory_space<vmem>>, vector<1x16xf32>,
      %get3A_698 = vector.shape_cast %get3A_697 : vector<1x16xf32> to vector<16xf32>
      %add3A_699 = arith.addf %mul3A_693, %get3A_698 : vector<16xf32>
      %mul3A_700 = vector.broadcast %squeeze3A_619 : f32 to vector<16xf32>
      %mul3A_701 = arith.mulf %add3A_699, %mul3A_700 : vector<16xf32>
      %swap3A_702 = arith.constant 198 : i32
      %swap3A_703 = arith.index_cast %swap3A_702 : i32 to index
      %swap3A_704 = arith.constant 48 : index
      %swap3A_705 = tpu.vector_load %arg10[%swap3A_703, %swap3A_704] {strides = array<i32>} : memref<200x64xf32, #tpu.memory_space<vmem>>, vector<1x16xf32>,
      %swap3A_706 = vector.shape_cast %swap3A_705 : vector<1x16xf32> to vector<16xf32>
      %swap3A_707 = vector.shape_cast %mul3A_701 : vector<16xf32> to vector<1x16xf32>
      tpu.vector_store %arg10[%swap3A_703, %swap3A_704], %swap3A_707 {strides = array<i32>} : memref<200x64xf32, #tpu.memory_space<vmem>>, vector<1x16xf32>,
      %slice3A_708 = vector.extract_strided_slice %select_n3A {offsets = [15], sizes = [1], strides = [1]} : vector<16xf32> to vector<1xf32>
      %squeeze3A_709 = vector.extract %slice3A_708[0] : f32 from vector<1xf32>
      %get3A_710 = arith.constant 199 : i32
      %get3A_711 = arith.index_cast %get3A_710 : i32 to index
      %get3A_712 = arith.constant 0 : index
      %get3A_713 = tpu.vector_load %arg8[%get3A_711, %get3A_712] {strides = array<i32>} : memref<200x64xf32, #tpu.memory_space<vmem>>, vector<1x16xf32>,
      %get3A_714 = vector.shape_cast %get3A_713 : vector<1x16xf32> to vector<16xf32>
      %mul3A_715 = arith.constant 8.000000e+00 : f32
      %mul3A_716 = vector.broadcast %mul3A_715 : f32 to vector<16xf32>
      %mul3A_717 = arith.mulf %get3A_714, %mul3A_716 : vector<16xf32>
      %get3A_718 = arith.constant 199 : i32
      %get3A_719 = arith.index_cast %get3A_718 : i32 to index
      %get3A_720 = arith.constant 0 : index
      %get3A_721 = tpu.vector_load %arg7[%get3A_719, %get3A_720] {strides = array<i32>} : memref<200x64xf32, #tpu.memory_space<vmem>>, vector<1x16xf32>,
      %get3A_722 = vector.shape_cast %get3A_721 : vector<1x16xf32> to vector<16xf32>
      %add3A_723 = arith.addf %mul3A_717, %get3A_722 : vector<16xf32>
      %mul3A_724 = vector.broadcast %squeeze3A_709 : f32 to vector<16xf32>
      %mul3A_725 = arith.mulf %add3A_723, %mul3A_724 : vector<16xf32>
      %swap3A_726 = arith.constant 199 : i32
      %swap3A_727 = arith.index_cast %swap3A_726 : i32 to index
      %swap3A_728 = arith.constant 0 : index
      %swap3A_729 = tpu.vector_load %arg10[%swap3A_727, %swap3A_728] {strides = array<i32>} : memref<200x64xf32, #tpu.memory_space<vmem>>, vector<1x16xf32>,
      %swap3A_730 = vector.shape_cast %swap3A_729 : vector<1x16xf32> to vector<16xf32>
      %swap3A_731 = vector.shape_cast %mul3A_725 : vector<16xf32> to vector<1x16xf32>
      tpu.vector_store %arg10[%swap3A_727, %swap3A_728], %swap3A_731 {strides = array<i32>} : memref<200x64xf32, #tpu.memory_space<vmem>>, vector<1x16xf32>,
      %get3A_732 = arith.constant 199 : i32
      %get3A_733 = arith.index_cast %get3A_732 : i32 to index
      %get3A_734 = arith.constant 16 : index
      %get3A_735 = tpu.vector_load %arg8[%get3A_733, %get3A_734] {strides = array<i32>} : memref<200x64xf32, #tpu.memory_space<vmem>>, vector<1x16xf32>,
      %get3A_736 = vector.shape_cast %get3A_735 : vector<1x16xf32> to vector<16xf32>
      %mul3A_737 = arith.constant 8.000000e+00 : f32
      %mul3A_738 = vector.broadcast %mul3A_737 : f32 to vector<16xf32>
      %mul3A_739 = arith.mulf %get3A_736, %mul3A_738 : vector<16xf32>
      %get3A_740 = arith.constant 199 : i32
      %get3A_741 = arith.index_cast %get3A_740 : i32 to index
      %get3A_742 = arith.constant 16 : index
      %get3A_743 = tpu.vector_load %arg7[%get3A_741, %get3A_742] {strides = array<i32>} : memref<200x64xf32, #tpu.memory_space<vmem>>, vector<1x16xf32>,
      %get3A_744 = vector.shape_cast %get3A_743 : vector<1x16xf32> to vector<16xf32>
      %add3A_745 = arith.addf %mul3A_739, %get3A_744 : vector<16xf32>
      %mul3A_746 = vector.broadcast %squeeze3A_709 : f32 to vector<16xf32>
      %mul3A_747 = arith.mulf %add3A_745, %mul3A_746 : vector<16xf32>
      %swap3A_748 = arith.constant 199 : i32
      %swap3A_749 = arith.index_cast %swap3A_748 : i32 to index
      %swap3A_750 = arith.constant 16 : index
      %swap3A_751 = tpu.vector_load %arg10[%swap3A_749, %swap3A_750] {strides = array<i32>} : memref<200x64xf32, #tpu.memory_space<vmem>>, vector<1x16xf32>,
      %swap3A_752 = vector.shape_cast %swap3A_751 : vector<1x16xf32> to vector<16xf32>
      %swap3A_753 = vector.shape_cast %mul3A_747 : vector<16xf32> to vector<1x16xf32>
      tpu.vector_store %arg10[%swap3A_749, %swap3A_750], %swap3A_753 {strides = array<i32>} : memref<200x64xf32, #tpu.memory_space<vmem>>, vector<1x16xf32>,
      %get3A_754 = arith.constant 199 : i32
      %get3A_755 = arith.index_cast %get3A_754 : i32 to index
      %get3A_756 = arith.constant 32 : index
      %get3A_757 = tpu.vector_load %arg8[%get3A_755, %get3A_756] {strides = array<i32>} : memref<200x64xf32, #tpu.memory_space<vmem>>, vector<1x16xf32>,
      %get3A_758 = vector.shape_cast %get3A_757 : vector<1x16xf32> to vector<16xf32>
      %mul3A_759 = arith.constant 8.000000e+00 : f32
      %mul3A_760 = vector.broadcast %mul3A_759 : f32 to vector<16xf32>
      %mul3A_761 = arith.mulf %get3A_758, %mul3A_760 : vector<16xf32>
      %get3A_762 = arith.constant 199 : i32
      %get3A_763 = arith.index_cast %get3A_762 : i32 to index
      %get3A_764 = arith.constant 32 : index
      %get3A_765 = tpu.vector_load %arg7[%get3A_763, %get3A_764] {strides = array<i32>} : memref<200x64xf32, #tpu.memory_space<vmem>>, vector<1x16xf32>,
      %get3A_766 = vector.shape_cast %get3A_765 : vector<1x16xf32> to vector<16xf32>
      %add3A_767 = arith.addf %mul3A_761, %get3A_766 : vector<16xf32>
      %mul3A_768 = vector.broadcast %squeeze3A_709 : f32 to vector<16xf32>
      %mul3A_769 = arith.mulf %add3A_767, %mul3A_768 : vector<16xf32>
      %swap3A_770 = arith.constant 199 : i32
      %swap3A_771 = arith.index_cast %swap3A_770 : i32 to index
      %swap3A_772 = arith.constant 32 : index
      %swap3A_773 = tpu.vector_load %arg10[%swap3A_771, %swap3A_772] {strides = array<i32>} : memref<200x64xf32, #tpu.memory_space<vmem>>, vector<1x16xf32>,
      %swap3A_774 = vector.shape_cast %swap3A_773 : vector<1x16xf32> to vector<16xf32>
      %swap3A_775 = vector.shape_cast %mul3A_769 : vector<16xf32> to vector<1x16xf32>
      tpu.vector_store %arg10[%swap3A_771, %swap3A_772], %swap3A_775 {strides = array<i32>} : memref<200x64xf32, #tpu.memory_space<vmem>>, vector<1x16xf32>,
      %get3A_776 = arith.constant 199 : i32
      %get3A_777 = arith.index_cast %get3A_776 : i32 to index
      %get3A_778 = arith.constant 48 : index
      %get3A_779 = tpu.vector_load %arg8[%get3A_777, %get3A_778] {strides = array<i32>} : memref<200x64xf32, #tpu.memory_space<vmem>>, vector<1x16xf32>,
      %get3A_780 = vector.shape_cast %get3A_779 : vector<1x16xf32> to vector<16xf32>
      %mul3A_781 = arith.constant 8.000000e+00 : f32
      %mul3A_782 = vector.broadcast %mul3A_781 : f32 to vector<16xf32>
      %mul3A_783 = arith.mulf %get3A_780, %mul3A_782 : vector<16xf32>
      %get3A_784 = arith.constant 199 : i32
      %get3A_785 = arith.index_cast %get3A_784 : i32 to index
      %get3A_786 = arith.constant 48 : index
      %get3A_787 = tpu.vector_load %arg7[%get3A_785, %get3A_786] {strides = array<i32>} : memref<200x64xf32, #tpu.memory_space<vmem>>, vector<1x16xf32>,
      %get3A_788 = vector.shape_cast %get3A_787 : vector<1x16xf32> to vector<16xf32>
      %add3A_789 = arith.addf %mul3A_783, %get3A_788 : vector<16xf32>
      %mul3A_790 = vector.broadcast %squeeze3A_709 : f32 to vector<16xf32>
      %mul3A_791 = arith.mulf %add3A_789, %mul3A_790 : vector<16xf32>
      %swap3A_792 = arith.constant 199 : i32
      %swap3A_793 = arith.index_cast %swap3A_792 : i32 to index
      %swap3A_794 = arith.constant 48 : index
      %swap3A_795 = tpu.vector_load %arg10[%swap3A_793, %swap3A_794] {strides = array<i32>} : memref<200x64xf32, #tpu.memory_space<vmem>>, vector<1x16xf32>,
      %swap3A_796 = vector.shape_cast %swap3A_795 : vector<1x16xf32> to vector<16xf32>
      %swap3A_797 = vector.shape_cast %mul3A_791 : vector<16xf32> to vector<1x16xf32>
      tpu.vector_store %arg10[%swap3A_793, %swap3A_794], %swap3A_797 {strides = array<i32>} : memref<200x64xf32, #tpu.memory_space<vmem>>, vector<1x16xf32>,
      %mul3A_798 = arith.constant 200 : i32
      %mul3A_799 = arith.muli %add3A_41, %mul3A_798 : i32
      %add3A_800 = arith.addi %mul3A_2, %mul3A_799 : i32
      %dma_start3A_801 = arith.constant 0 : i32
      %dma_start3A_802 = tpu.memref_slice %arg5[%add3A_800, %dma_start3A_801] : memref<819200x128xf32, #tpu.memory_space<hbm>> -> memref<200x64xf32, #tpu.memory_space<hbm>>
      %dma_start3A_803 = arith.constant 0 : i32
      %dma_start3A_804 = tpu.memref_slice %arg5[%add3A_800, %dma_start3A_803] : memref<819200x128xf32, #tpu.memory_space<hbm>> -> memref<200x64xf32, #tpu.memory_space<hbm>>
      tpu.enqueue_dma source(%arg10 : memref<200x64xf32, #tpu.memory_space<vmem>>) target(%dma_start3A_804 : memref<200x64xf32, #tpu.memory_space<hbm>>) target_semaphore(%arg14 : memref<!tpu.dma_semaphore, #tpu.memory_space<semaphore_mem>>)
      %mul3A_805 = arith.constant 2 : i32
      %mul3A_806 = arith.muli %add3A_37, %mul3A_805 : i32
      %add3A_807 = arith.constant 1 : i32
      %add3A_808 = arith.addi %mul3A_806, %add3A_807 : i32
      %add3A_809 = arith.constant 1 : i32
      %add3A_810 = arith.addi %add3A_808, %add3A_809 : i32
      %lt3A_811 = arith.constant 128 : i32
      %lt3A_812 = arith.cmpi slt, %add3A_810, %lt3A_811 : i32
      %convert_element_type3A_813 = arith.extui %lt3A_812 : i1 to i32
      %cond3A_814 = arith.constant 0 : i32
      %cond3A_815 = arith.cmpi ne, %convert_element_type3A_813, %cond3A_814 : i32
      scf.if %cond3A_815 {
        %add3A_1584 = arith.constant 1 : i32
        %add3A_1585 = arith.addi %add3A_808, %add3A_1584 : i32
        %mul3A_1586 = arith.constant 200 : i32
        %mul3A_1587 = arith.muli %add3A_1585, %mul3A_1586 : i32
        %add3A_1588 = arith.constant 0 : i32
        %add3A_1589 = arith.addi %mul3A_1587, %add3A_1588 : i32
        %dma_start3A_1590 = arith.constant 0 : i32
        %dma_start3A_1591 = arith.constant 0 : i32
        %dma_start3A_1592 = tpu.memref_slice %arg8[%dma_start3A_1590, %dma_start3A_1591] : memref<200x64xf32, #tpu.memory_space<vmem>> -> memref<128x64xf32, #tpu.memory_space<vmem>>
        %dma_start3A_1593 = tpu.memref_slice %arg6[%add3A_1589] : memref<25600xi32, #tpu.memory_space<vmem>> -> memref<128xi32, #tpu.memory_space<vmem>>
        %dma_start3A_1594 = arith.constant 0 : i32
        %dma_start3A_1595 = arith.constant 0 : i32
        %dma_start3A_1596 = tpu.memref_slice %arg2[%dma_start3A_1594, %dma_start3A_1595] : memref<1000000x64xf32, #tpu.memory_space<hbm>> -> memref<1000000x64xf32, #tpu.memory_space<hbm>>
        tpu.enqueue_indirect_dma source(%dma_start3A_1596 : memref<1000000x64xf32, #tpu.memory_space<hbm>>) target(%dma_start3A_1592 : memref<128x64xf32, #tpu.memory_space<vmem>>) offsets(%dma_start3A_1593 : memref<128xi32, #tpu.memory_space<vmem>>) semaphore(%arg12 : memref<!tpu.dma_semaphore, #tpu.memory_space<semaphore_mem>>)
        %mul3A_1597 = arith.constant 200 : i32
        %mul3A_1598 = arith.muli %add3A_1585, %mul3A_1597 : i32
        %add3A_1599 = arith.constant 128 : i32
        %add3A_1600 = arith.addi %mul3A_1598, %add3A_1599 : i32
        %dma_start3A_1601 = arith.constant 128 : i32
        %dma_start3A_1602 = arith.constant 0 : i32
        %dma_start3A_1603 = tpu.memref_slice %arg8[%dma_start3A_1601, %dma_start3A_1602] : memref<200x64xf32, #tpu.memory_space<vmem>> -> memref<72x64xf32, #tpu.memory_space<vmem>>
        %dma_start3A_1604 = tpu.memref_slice %arg6[%add3A_1600] : memref<25600xi32, #tpu.memory_space<vmem>> -> memref<72xi32, #tpu.memory_space<vmem>>
        %dma_start3A_1605 = arith.constant 0 : i32
        %dma_start3A_1606 = arith.constant 0 : i32
        %dma_start3A_1607 = tpu.memref_slice %arg2[%dma_start3A_1605, %dma_start3A_1606] : memref<1000000x64xf32, #tpu.memory_space<hbm>> -> memref<1000000x64xf32, #tpu.memory_space<hbm>>
        tpu.enqueue_indirect_dma source(%dma_start3A_1607 : memref<1000000x64xf32, #tpu.memory_space<hbm>>) target(%dma_start3A_1603 : memref<72x64xf32, #tpu.memory_space<vmem>>) offsets(%dma_start3A_1604 : memref<72xi32, #tpu.memory_space<vmem>>) semaphore(%arg12 : memref<!tpu.dma_semaphore, #tpu.memory_space<semaphore_mem>>)
      } else {
      }
      %dma_wait3A_816 = arith.constant 0 : i32
      %dma_wait3A_817 = arith.constant 0 : i32
      %dma_wait3A_818 = tpu.memref_slice %arg9[%dma_wait3A_816, %dma_wait3A_817] : memref<200x64xf32, #tpu.memory_space<vmem>> -> memref<128x64xf32, #tpu.memory_space<vmem>>
      %dma_wait3A_819 = arith.constant 0 : i32
      %dma_wait3A_820 = tpu.memref_slice %arg6[%dma_wait3A_819] : memref<25600xi32, #tpu.memory_space<vmem>> -> memref<128xi32, #tpu.memory_space<vmem>>
      %dma_wait3A_821 = arith.constant 0 : i32
      %dma_wait3A_822 = arith.constant 0 : i32
      %dma_wait3A_823 = tpu.memref_slice %arg2[%dma_wait3A_821, %dma_wait3A_822] : memref<1000000x64xf32, #tpu.memory_space<hbm>> -> memref<1000000x64xf32, #tpu.memory_space<hbm>>
      tpu.wait_indirect_dma semaphore(%arg13 : memref<!tpu.dma_semaphore, #tpu.memory_space<semaphore_mem>>) src(%dma_wait3A_823 : memref<1000000x64xf32, #tpu.memory_space<hbm>>) dst(%dma_wait3A_818 : memref<128x64xf32, #tpu.memory_space<vmem>>)
      %dma_wait3A_824 = arith.constant 128 : i32
      %dma_wait3A_825 = arith.constant 0 : i32
      %dma_wait3A_826 = tpu.memref_slice %arg9[%dma_wait3A_824, %dma_wait3A_825] : memref<200x64xf32, #tpu.memory_space<vmem>> -> memref<72x64xf32, #tpu.memory_space<vmem>>
      %dma_wait3A_827 = arith.constant 128 : i32
      %dma_wait3A_828 = tpu.memref_slice %arg6[%dma_wait3A_827] : memref<25600xi32, #tpu.memory_space<vmem>> -> memref<72xi32, #tpu.memory_space<vmem>>
      %dma_wait3A_829 = arith.constant 0 : i32
      %dma_wait3A_830 = arith.constant 0 : i32
      %dma_wait3A_831 = tpu.memref_slice %arg2[%dma_wait3A_829, %dma_wait3A_830] : memref<1000000x64xf32, #tpu.memory_space<hbm>> -> memref<1000000x64xf32, #tpu.memory_space<hbm>>
      tpu.wait_indirect_dma semaphore(%arg13 : memref<!tpu.dma_semaphore, #tpu.memory_space<semaphore_mem>>) src(%dma_wait3A_831 : memref<1000000x64xf32, #tpu.memory_space<hbm>>) dst(%dma_wait3A_826 : memref<72x64xf32, #tpu.memory_space<vmem>>)
      %ge3A_832 = arith.constant 2 : i32
      %ge3A_833 = arith.cmpi sge, %add3A_808, %ge3A_832 : i32
      %convert_element_type3A_834 = arith.extui %ge3A_833 : i1 to i32
      %cond3A_835 = arith.constant 0 : i32
      %cond3A_836 = arith.cmpi ne, %convert_element_type3A_834, %cond3A_835 : i32
      scf.if %cond3A_836 {
        %dma_wait3A_1584 = arith.constant 0 : i32
        %dma_wait3A_1585 = arith.constant 0 : i32
        %dma_wait3A_1586 = tpu.memref_slice %arg5[%dma_wait3A_1584, %dma_wait3A_1585] : memref<819200x128xf32, #tpu.memory_space<hbm>> -> memref<200x64xf32, #tpu.memory_space<hbm>>
        %dma_wait3A_1587 = arith.constant 0 : i32
        %dma_wait3A_1588 = arith.constant 0 : i32
        %dma_wait3A_1589 = tpu.memref_slice %arg5[%dma_wait3A_1587, %dma_wait3A_1588] : memref<819200x128xf32, #tpu.memory_space<hbm>> -> memref<200x64xf32, #tpu.memory_space<hbm>>
        tpu.wait_dma2 semaphore(%arg15 : memref<!tpu.dma_semaphore, #tpu.memory_space<semaphore_mem>>) src(%arg11 : memref<200x64xf32, #tpu.memory_space<vmem>>) dst(%dma_wait3A_1589 : memref<200x64xf32, #tpu.memory_space<hbm>>)
      } else {
      }
      %scan3A_837 = arith.constant 0 : i32
      %scan3A_838 = arith.constant 12 : i32
      %scan3A_839 = arith.addi %scan3A_837, %scan3A_838 : i32
      %scan3A_840 = arith.constant 1 : i32
      scf.for %scan3A_1584 = %scan3A_837 to %scan3A_839 step %scan3A_840  : i32 {
        %mul3A_1585 = arith.constant 1 : i32
        %mul3A_1586 = arith.muli %scan3A_1584, %mul3A_1585 : i32
        %add3A_1587 = arith.constant 0 : i32
        %add3A_1588 = arith.addi %add3A_1587, %mul3A_1586 : i32
        %mul3A_1589 = arith.constant 16 : i32
        %mul3A_1590 = arith.muli %add3A_1588, %mul3A_1589 : i32
        %mul3A_1591 = arith.constant 200 : i32
        %mul3A_1592 = arith.muli %add3A_808, %mul3A_1591 : i32
        %add3A_1593 = arith.addi %mul3A_1592, %mul3A_1590 : i32
        %get3A_1594 = arith.index_cast %add3A_1593 : i32 to index
        %get3A_1595 = tpu.vector_load %arg6[%get3A_1594] {strides = array<i32>} : memref<25600xi32, #tpu.memory_space<vmem>>, vector<16xi32>,
        %get3A_1596 = vector.shape_cast %get3A_1595 : vector<16xi32> to vector<16xi32>
        %eq3A_1597 = arith.constant 0 : i32
        %eq3A_1598 = vector.broadcast %eq3A_1597 : i32 to vector<16xi32>
        %eq3A_1599 = arith.cmpi eq, %get3A_1596, %eq3A_1598 : vector<16xi32>
        %jit3A_1600 = arith.constant 0.000000e+00 : f32
        %jit3A_1601 = arith.constant 1.000000e+00 : f32
        %broadcast_in_dim3A_1602 = vector.broadcast %jit3A_1600 : f32 to vector<16xf32>
        %broadcast_in_dim3A_1603 = vector.broadcast %jit3A_1601 : f32 to vector<16xf32>
        %select_n3A_1604 = arith.select %eq3A_1599, %broadcast_in_dim3A_1602, %broadcast_in_dim3A_1603 : vector<16xi1>, vector<16xf32>
        %slice3A_1605 = vector.extract_strided_slice %select_n3A_1604 {offsets = [0], sizes = [1], strides = [1]} : vector<16xf32> to vector<1xf32>
        %squeeze3A_1606 = vector.extract %slice3A_1605[0] : f32 from vector<1xf32>
        %add3A_1607 = arith.constant 0 : i32
        %add3A_1608 = arith.addi %mul3A_1590, %add3A_1607 : i32
        %get3A_1609 = arith.index_cast %add3A_1608 : i32 to index
        %get3A_1610 = arith.constant 0 : index
        %get3A_1611 = tpu.vector_load %arg9[%get3A_1609, %get3A_1610] {strides = array<i32>} : memref<200x64xf32, #tpu.memory_space<vmem>>, vector<1x16xf32>,
        %get3A_1612 = vector.shape_cast %get3A_1611 : vector<1x16xf32> to vector<16xf32>
        %mul3A_1613 = arith.constant 8.000000e+00 : f32
        %mul3A_1614 = vector.broadcast %mul3A_1613 : f32 to vector<16xf32>
        %mul3A_1615 = arith.mulf %get3A_1612, %mul3A_1614 : vector<16xf32>
        %get3A_1616 = arith.index_cast %add3A_1608 : i32 to index
        %get3A_1617 = arith.constant 0 : index
        %get3A_1618 = tpu.vector_load %arg7[%get3A_1616, %get3A_1617] {strides = array<i32>} : memref<200x64xf32, #tpu.memory_space<vmem>>, vector<1x16xf32>,
        %get3A_1619 = vector.shape_cast %get3A_1618 : vector<1x16xf32> to vector<16xf32>
        %add3A_1620 = arith.addf %mul3A_1615, %get3A_1619 : vector<16xf32>
        %mul3A_1621 = vector.broadcast %squeeze3A_1606 : f32 to vector<16xf32>
        %mul3A_1622 = arith.mulf %add3A_1620, %mul3A_1621 : vector<16xf32>
        %swap3A_1623 = arith.index_cast %add3A_1608 : i32 to index
        %swap3A_1624 = arith.constant 0 : index
        %swap3A_1625 = tpu.vector_load %arg11[%swap3A_1623, %swap3A_1624] {strides = array<i32>} : memref<200x64xf32, #tpu.memory_space<vmem>>, vector<1x16xf32>,
        %swap3A_1626 = vector.shape_cast %swap3A_1625 : vector<1x16xf32> to vector<16xf32>
        %swap3A_1627 = vector.shape_cast %mul3A_1622 : vector<16xf32> to vector<1x16xf32>
        tpu.vector_store %arg11[%swap3A_1623, %swap3A_1624], %swap3A_1627 {strides = array<i32>} : memref<200x64xf32, #tpu.memory_space<vmem>>, vector<1x16xf32>,
        %get3A_1628 = arith.index_cast %add3A_1608 : i32 to index
        %get3A_1629 = arith.constant 16 : index
        %get3A_1630 = tpu.vector_load %arg9[%get3A_1628, %get3A_1629] {strides = array<i32>} : memref<200x64xf32, #tpu.memory_space<vmem>>, vector<1x16xf32>,
        %get3A_1631 = vector.shape_cast %get3A_1630 : vector<1x16xf32> to vector<16xf32>
        %mul3A_1632 = arith.constant 8.000000e+00 : f32
        %mul3A_1633 = vector.broadcast %mul3A_1632 : f32 to vector<16xf32>
        %mul3A_1634 = arith.mulf %get3A_1631, %mul3A_1633 : vector<16xf32>
        %get3A_1635 = arith.index_cast %add3A_1608 : i32 to index
        %get3A_1636 = arith.constant 16 : index
        %get3A_1637 = tpu.vector_load %arg7[%get3A_1635, %get3A_1636] {strides = array<i32>} : memref<200x64xf32, #tpu.memory_space<vmem>>, vector<1x16xf32>,
        %get3A_1638 = vector.shape_cast %get3A_1637 : vector<1x16xf32> to vector<16xf32>
        %add3A_1639 = arith.addf %mul3A_1634, %get3A_1638 : vector<16xf32>
        %mul3A_1640 = vector.broadcast %squeeze3A_1606 : f32 to vector<16xf32>
        %mul3A_1641 = arith.mulf %add3A_1639, %mul3A_1640 : vector<16xf32>
        %swap3A_1642 = arith.index_cast %add3A_1608 : i32 to index
        %swap3A_1643 = arith.constant 16 : index
        %swap3A_1644 = tpu.vector_load %arg11[%swap3A_1642, %swap3A_1643] {strides = array<i32>} : memref<200x64xf32, #tpu.memory_space<vmem>>, vector<1x16xf32>,
        %swap3A_1645 = vector.shape_cast %swap3A_1644 : vector<1x16xf32> to vector<16xf32>
        %swap3A_1646 = vector.shape_cast %mul3A_1641 : vector<16xf32> to vector<1x16xf32>
        tpu.vector_store %arg11[%swap3A_1642, %swap3A_1643], %swap3A_1646 {strides = array<i32>} : memref<200x64xf32, #tpu.memory_space<vmem>>, vector<1x16xf32>,
        %get3A_1647 = arith.index_cast %add3A_1608 : i32 to index
        %get3A_1648 = arith.constant 32 : index
        %get3A_1649 = tpu.vector_load %arg9[%get3A_1647, %get3A_1648] {strides = array<i32>} : memref<200x64xf32, #tpu.memory_space<vmem>>, vector<1x16xf32>,
        %get3A_1650 = vector.shape_cast %get3A_1649 : vector<1x16xf32> to vector<16xf32>
        %mul3A_1651 = arith.constant 8.000000e+00 : f32
        %mul3A_1652 = vector.broadcast %mul3A_1651 : f32 to vector<16xf32>
        %mul3A_1653 = arith.mulf %get3A_1650, %mul3A_1652 : vector<16xf32>
        %get3A_1654 = arith.index_cast %add3A_1608 : i32 to index
        %get3A_1655 = arith.constant 32 : index
        %get3A_1656 = tpu.vector_load %arg7[%get3A_1654, %get3A_1655] {strides = array<i32>} : memref<200x64xf32, #tpu.memory_space<vmem>>, vector<1x16xf32>,
        %get3A_1657 = vector.shape_cast %get3A_1656 : vector<1x16xf32> to vector<16xf32>
        %add3A_1658 = arith.addf %mul3A_1653, %get3A_1657 : vector<16xf32>
        %mul3A_1659 = vector.broadcast %squeeze3A_1606 : f32 to vector<16xf32>
        %mul3A_1660 = arith.mulf %add3A_1658, %mul3A_1659 : vector<16xf32>
        %swap3A_1661 = arith.index_cast %add3A_1608 : i32 to index
        %swap3A_1662 = arith.constant 32 : index
        %swap3A_1663 = tpu.vector_load %arg11[%swap3A_1661, %swap3A_1662] {strides = array<i32>} : memref<200x64xf32, #tpu.memory_space<vmem>>, vector<1x16xf32>,
        %swap3A_1664 = vector.shape_cast %swap3A_1663 : vector<1x16xf32> to vector<16xf32>
        %swap3A_1665 = vector.shape_cast %mul3A_1660 : vector<16xf32> to vector<1x16xf32>
        tpu.vector_store %arg11[%swap3A_1661, %swap3A_1662], %swap3A_1665 {strides = array<i32>} : memref<200x64xf32, #tpu.memory_space<vmem>>, vector<1x16xf32>,
        %get3A_1666 = arith.index_cast %add3A_1608 : i32 to index
        %get3A_1667 = arith.constant 48 : index
        %get3A_1668 = tpu.vector_load %arg9[%get3A_1666, %get3A_1667] {strides = array<i32>} : memref<200x64xf32, #tpu.memory_space<vmem>>, vector<1x16xf32>,
        %get3A_1669 = vector.shape_cast %get3A_1668 : vector<1x16xf32> to vector<16xf32>
        %mul3A_1670 = arith.constant 8.000000e+00 : f32
        %mul3A_1671 = vector.broadcast %mul3A_1670 : f32 to vector<16xf32>
        %mul3A_1672 = arith.mulf %get3A_1669, %mul3A_1671 : vector<16xf32>
        %get3A_1673 = arith.index_cast %add3A_1608 : i32 to index
        %get3A_1674 = arith.constant 48 : index
        %get3A_1675 = tpu.vector_load %arg7[%get3A_1673, %get3A_1674] {strides = array<i32>} : memref<200x64xf32, #tpu.memory_space<vmem>>, vector<1x16xf32>,
        %get3A_1676 = vector.shape_cast %get3A_1675 : vector<1x16xf32> to vector<16xf32>
        %add3A_1677 = arith.addf %mul3A_1672, %get3A_1676 : vector<16xf32>
        %mul3A_1678 = vector.broadcast %squeeze3A_1606 : f32 to vector<16xf32>
        %mul3A_1679 = arith.mulf %add3A_1677, %mul3A_1678 : vector<16xf32>
        %swap3A_1680 = arith.index_cast %add3A_1608 : i32 to index
        %swap3A_1681 = arith.constant 48 : index
        %swap3A_1682 = tpu.vector_load %arg11[%swap3A_1680, %swap3A_1681] {strides = array<i32>} : memref<200x64xf32, #tpu.memory_space<vmem>>, vector<1x16xf32>,
        %swap3A_1683 = vector.shape_cast %swap3A_1682 : vector<1x16xf32> to vector<16xf32>
        %swap3A_1684 = vector.shape_cast %mul3A_1679 : vector<16xf32> to vector<1x16xf32>
        tpu.vector_store %arg11[%swap3A_1680, %swap3A_1681], %swap3A_1684 {strides = array<i32>} : memref<200x64xf32, #tpu.memory_space<vmem>>, vector<1x16xf32>,
        %slice3A_1685 = vector.extract_strided_slice %select_n3A_1604 {offsets = [1], sizes = [1], strides = [1]} : vector<16xf32> to vector<1xf32>
        %squeeze3A_1686 = vector.extract %slice3A_1685[0] : f32 from vector<1xf32>
        %add3A_1687 = arith.constant 1 : i32
        %add3A_1688 = arith.addi %mul3A_1590, %add3A_1687 : i32
        %get3A_1689 = arith.index_cast %add3A_1688 : i32 to index
        %get3A_1690 = arith.constant 0 : index
        %get3A_1691 = tpu.vector_load %arg9[%get3A_1689, %get3A_1690] {strides = array<i32>} : memref<200x64xf32, #tpu.memory_space<vmem>>, vector<1x16xf32>,
        %get3A_1692 = vector.shape_cast %get3A_1691 : vector<1x16xf32> to vector<16xf32>
        %mul3A_1693 = arith.constant 8.000000e+00 : f32
        %mul3A_1694 = vector.broadcast %mul3A_1693 : f32 to vector<16xf32>
        %mul3A_1695 = arith.mulf %get3A_1692, %mul3A_1694 : vector<16xf32>
        %get3A_1696 = arith.index_cast %add3A_1688 : i32 to index
        %get3A_1697 = arith.constant 0 : index
        %get3A_1698 = tpu.vector_load %arg7[%get3A_1696, %get3A_1697] {strides = array<i32>} : memref<200x64xf32, #tpu.memory_space<vmem>>, vector<1x16xf32>,
        %get3A_1699 = vector.shape_cast %get3A_1698 : vector<1x16xf32> to vector<16xf32>
        %add3A_1700 = arith.addf %mul3A_1695, %get3A_1699 : vector<16xf32>
        %mul3A_1701 = vector.broadcast %squeeze3A_1686 : f32 to vector<16xf32>
        %mul3A_1702 = arith.mulf %add3A_1700, %mul3A_1701 : vector<16xf32>
        %swap3A_1703 = arith.index_cast %add3A_1688 : i32 to index
        %swap3A_1704 = arith.constant 0 : index
        %swap3A_1705 = tpu.vector_load %arg11[%swap3A_1703, %swap3A_1704] {strides = array<i32>} : memref<200x64xf32, #tpu.memory_space<vmem>>, vector<1x16xf32>,
        %swap3A_1706 = vector.shape_cast %swap3A_1705 : vector<1x16xf32> to vector<16xf32>
        %swap3A_1707 = vector.shape_cast %mul3A_1702 : vector<16xf32> to vector<1x16xf32>
        tpu.vector_store %arg11[%swap3A_1703, %swap3A_1704], %swap3A_1707 {strides = array<i32>} : memref<200x64xf32, #tpu.memory_space<vmem>>, vector<1x16xf32>,
        %get3A_1708 = arith.index_cast %add3A_1688 : i32 to index
        %get3A_1709 = arith.constant 16 : index
        %get3A_1710 = tpu.vector_load %arg9[%get3A_1708, %get3A_1709] {strides = array<i32>} : memref<200x64xf32, #tpu.memory_space<vmem>>, vector<1x16xf32>,
        %get3A_1711 = vector.shape_cast %get3A_1710 : vector<1x16xf32> to vector<16xf32>
        %mul3A_1712 = arith.constant 8.000000e+00 : f32
        %mul3A_1713 = vector.broadcast %mul3A_1712 : f32 to vector<16xf32>
        %mul3A_1714 = arith.mulf %get3A_1711, %mul3A_1713 : vector<16xf32>
        %get3A_1715 = arith.index_cast %add3A_1688 : i32 to index
        %get3A_1716 = arith.constant 16 : index
        %get3A_1717 = tpu.vector_load %arg7[%get3A_1715, %get3A_1716] {strides = array<i32>} : memref<200x64xf32, #tpu.memory_space<vmem>>, vector<1x16xf32>,
        %get3A_1718 = vector.shape_cast %get3A_1717 : vector<1x16xf32> to vector<16xf32>
        %add3A_1719 = arith.addf %mul3A_1714, %get3A_1718 : vector<16xf32>
        %mul3A_1720 = vector.broadcast %squeeze3A_1686 : f32 to vector<16xf32>
        %mul3A_1721 = arith.mulf %add3A_1719, %mul3A_1720 : vector<16xf32>
        %swap3A_1722 = arith.index_cast %add3A_1688 : i32 to index
        %swap3A_1723 = arith.constant 16 : index
        %swap3A_1724 = tpu.vector_load %arg11[%swap3A_1722, %swap3A_1723] {strides = array<i32>} : memref<200x64xf32, #tpu.memory_space<vmem>>, vector<1x16xf32>,
        %swap3A_1725 = vector.shape_cast %swap3A_1724 : vector<1x16xf32> to vector<16xf32>
        %swap3A_1726 = vector.shape_cast %mul3A_1721 : vector<16xf32> to vector<1x16xf32>
        tpu.vector_store %arg11[%swap3A_1722, %swap3A_1723], %swap3A_1726 {strides = array<i32>} : memref<200x64xf32, #tpu.memory_space<vmem>>, vector<1x16xf32>,
        %get3A_1727 = arith.index_cast %add3A_1688 : i32 to index
        %get3A_1728 = arith.constant 32 : index
        %get3A_1729 = tpu.vector_load %arg9[%get3A_1727, %get3A_1728] {strides = array<i32>} : memref<200x64xf32, #tpu.memory_space<vmem>>, vector<1x16xf32>,
        %get3A_1730 = vector.shape_cast %get3A_1729 : vector<1x16xf32> to vector<16xf32>
        %mul3A_1731 = arith.constant 8.000000e+00 : f32
        %mul3A_1732 = vector.broadcast %mul3A_1731 : f32 to vector<16xf32>
        %mul3A_1733 = arith.mulf %get3A_1730, %mul3A_1732 : vector<16xf32>
        %get3A_1734 = arith.index_cast %add3A_1688 : i32 to index
        %get3A_1735 = arith.constant 32 : index
        %get3A_1736 = tpu.vector_load %arg7[%get3A_1734, %get3A_1735] {strides = array<i32>} : memref<200x64xf32, #tpu.memory_space<vmem>>, vector<1x16xf32>,
        %get3A_1737 = vector.shape_cast %get3A_1736 : vector<1x16xf32> to vector<16xf32>
        %add3A_1738 = arith.addf %mul3A_1733, %get3A_1737 : vector<16xf32>
        %mul3A_1739 = vector.broadcast %squeeze3A_1686 : f32 to vector<16xf32>
        %mul3A_1740 = arith.mulf %add3A_1738, %mul3A_1739 : vector<16xf32>
        %swap3A_1741 = arith.index_cast %add3A_1688 : i32 to index
        %swap3A_1742 = arith.constant 32 : index
        %swap3A_1743 = tpu.vector_load %arg11[%swap3A_1741, %swap3A_1742] {strides = array<i32>} : memref<200x64xf32, #tpu.memory_space<vmem>>, vector<1x16xf32>,
        %swap3A_1744 = vector.shape_cast %swap3A_1743 : vector<1x16xf32> to vector<16xf32>
        %swap3A_1745 = vector.shape_cast %mul3A_1740 : vector<16xf32> to vector<1x16xf32>
        tpu.vector_store %arg11[%swap3A_1741, %swap3A_1742], %swap3A_1745 {strides = array<i32>} : memref<200x64xf32, #tpu.memory_space<vmem>>, vector<1x16xf32>,
        %get3A_1746 = arith.index_cast %add3A_1688 : i32 to index
        %get3A_1747 = arith.constant 48 : index
        %get3A_1748 = tpu.vector_load %arg9[%get3A_1746, %get3A_1747] {strides = array<i32>} : memref<200x64xf32, #tpu.memory_space<vmem>>, vector<1x16xf32>,
        %get3A_1749 = vector.shape_cast %get3A_1748 : vector<1x16xf32> to vector<16xf32>
        %mul3A_1750 = arith.constant 8.000000e+00 : f32
        %mul3A_1751 = vector.broadcast %mul3A_1750 : f32 to vector<16xf32>
        %mul3A_1752 = arith.mulf %get3A_1749, %mul3A_1751 : vector<16xf32>
        %get3A_1753 = arith.index_cast %add3A_1688 : i32 to index
        %get3A_1754 = arith.constant 48 : index
        %get3A_1755 = tpu.vector_load %arg7[%get3A_1753, %get3A_1754] {strides = array<i32>} : memref<200x64xf32, #tpu.memory_space<vmem>>, vector<1x16xf32>,
        %get3A_1756 = vector.shape_cast %get3A_1755 : vector<1x16xf32> to vector<16xf32>
        %add3A_1757 = arith.addf %mul3A_1752, %get3A_1756 : vector<16xf32>
        %mul3A_1758 = vector.broadcast %squeeze3A_1686 : f32 to vector<16xf32>
        %mul3A_1759 = arith.mulf %add3A_1757, %mul3A_1758 : vector<16xf32>
        %swap3A_1760 = arith.index_cast %add3A_1688 : i32 to index
        %swap3A_1761 = arith.constant 48 : index
        %swap3A_1762 = tpu.vector_load %arg11[%swap3A_1760, %swap3A_1761] {strides = array<i32>} : memref<200x64xf32, #tpu.memory_space<vmem>>, vector<1x16xf32>,
        %swap3A_1763 = vector.shape_cast %swap3A_1762 : vector<1x16xf32> to vector<16xf32>
        %swap3A_1764 = vector.shape_cast %mul3A_1759 : vector<16xf32> to vector<1x16xf32>
        tpu.vector_store %arg11[%swap3A_1760, %swap3A_1761], %swap3A_1764 {strides = array<i32>} : memref<200x64xf32, #tpu.memory_space<vmem>>, vector<1x16xf32>,
        %slice3A_1765 = vector.extract_strided_slice %select_n3A_1604 {offsets = [2], sizes = [1], strides = [1]} : vector<16xf32> to vector<1xf32>
        %squeeze3A_1766 = vector.extract %slice3A_1765[0] : f32 from vector<1xf32>
        %add3A_1767 = arith.constant 2 : i32
        %add3A_1768 = arith.addi %mul3A_1590, %add3A_1767 : i32
        %get3A_1769 = arith.index_cast %add3A_1768 : i32 to index
        %get3A_1770 = arith.constant 0 : index
        %get3A_1771 = tpu.vector_load %arg9[%get3A_1769, %get3A_1770] {strides = array<i32>} : memref<200x64xf32, #tpu.memory_space<vmem>>, vector<1x16xf32>,
        %get3A_1772 = vector.shape_cast %get3A_1771 : vector<1x16xf32> to vector<16xf32>
        %mul3A_1773 = arith.constant 8.000000e+00 : f32
        %mul3A_1774 = vector.broadcast %mul3A_1773 : f32 to vector<16xf32>
        %mul3A_1775 = arith.mulf %get3A_1772, %mul3A_1774 : vector<16xf32>
        %get3A_1776 = arith.index_cast %add3A_1768 : i32 to index
        %get3A_1777 = arith.constant 0 : index
        %get3A_1778 = tpu.vector_load %arg7[%get3A_1776, %get3A_1777] {strides = array<i32>} : memref<200x64xf32, #tpu.memory_space<vmem>>, vector<1x16xf32>,
        %get3A_1779 = vector.shape_cast %get3A_1778 : vector<1x16xf32> to vector<16xf32>
        %add3A_1780 = arith.addf %mul3A_1775, %get3A_1779 : vector<16xf32>
        %mul3A_1781 = vector.broadcast %squeeze3A_1766 : f32 to vector<16xf32>
        %mul3A_1782 = arith.mulf %add3A_1780, %mul3A_1781 : vector<16xf32>
        %swap3A_1783 = arith.index_cast %add3A_1768 : i32 to index
        %swap3A_1784 = arith.constant 0 : index
        %swap3A_1785 = tpu.vector_load %arg11[%swap3A_1783, %swap3A_1784] {strides = array<i32>} : memref<200x64xf32, #tpu.memory_space<vmem>>, vector<1x16xf32>,
        %swap3A_1786 = vector.shape_cast %swap3A_1785 : vector<1x16xf32> to vector<16xf32>
        %swap3A_1787 = vector.shape_cast %mul3A_1782 : vector<16xf32> to vector<1x16xf32>
        tpu.vector_store %arg11[%swap3A_1783, %swap3A_1784], %swap3A_1787 {strides = array<i32>} : memref<200x64xf32, #tpu.memory_space<vmem>>, vector<1x16xf32>,
        %get3A_1788 = arith.index_cast %add3A_1768 : i32 to index
        %get3A_1789 = arith.constant 16 : index
        %get3A_1790 = tpu.vector_load %arg9[%get3A_1788, %get3A_1789] {strides = array<i32>} : memref<200x64xf32, #tpu.memory_space<vmem>>, vector<1x16xf32>,
        %get3A_1791 = vector.shape_cast %get3A_1790 : vector<1x16xf32> to vector<16xf32>
        %mul3A_1792 = arith.constant 8.000000e+00 : f32
        %mul3A_1793 = vector.broadcast %mul3A_1792 : f32 to vector<16xf32>
        %mul3A_1794 = arith.mulf %get3A_1791, %mul3A_1793 : vector<16xf32>
        %get3A_1795 = arith.index_cast %add3A_1768 : i32 to index
        %get3A_1796 = arith.constant 16 : index
        %get3A_1797 = tpu.vector_load %arg7[%get3A_1795, %get3A_1796] {strides = array<i32>} : memref<200x64xf32, #tpu.memory_space<vmem>>, vector<1x16xf32>,
        %get3A_1798 = vector.shape_cast %get3A_1797 : vector<1x16xf32> to vector<16xf32>
        %add3A_1799 = arith.addf %mul3A_1794, %get3A_1798 : vector<16xf32>
        %mul3A_1800 = vector.broadcast %squeeze3A_1766 : f32 to vector<16xf32>
        %mul3A_1801 = arith.mulf %add3A_1799, %mul3A_1800 : vector<16xf32>
        %swap3A_1802 = arith.index_cast %add3A_1768 : i32 to index
        %swap3A_1803 = arith.constant 16 : index
        %swap3A_1804 = tpu.vector_load %arg11[%swap3A_1802, %swap3A_1803] {strides = array<i32>} : memref<200x64xf32, #tpu.memory_space<vmem>>, vector<1x16xf32>,
        %swap3A_1805 = vector.shape_cast %swap3A_1804 : vector<1x16xf32> to vector<16xf32>
        %swap3A_1806 = vector.shape_cast %mul3A_1801 : vector<16xf32> to vector<1x16xf32>
        tpu.vector_store %arg11[%swap3A_1802, %swap3A_1803], %swap3A_1806 {strides = array<i32>} : memref<200x64xf32, #tpu.memory_space<vmem>>, vector<1x16xf32>,
        %get3A_1807 = arith.index_cast %add3A_1768 : i32 to index
        %get3A_1808 = arith.constant 32 : index
        %get3A_1809 = tpu.vector_load %arg9[%get3A_1807, %get3A_1808] {strides = array<i32>} : memref<200x64xf32, #tpu.memory_space<vmem>>, vector<1x16xf32>,
        %get3A_1810 = vector.shape_cast %get3A_1809 : vector<1x16xf32> to vector<16xf32>
        %mul3A_1811 = arith.constant 8.000000e+00 : f32
        %mul3A_1812 = vector.broadcast %mul3A_1811 : f32 to vector<16xf32>
        %mul3A_1813 = arith.mulf %get3A_1810, %mul3A_1812 : vector<16xf32>
        %get3A_1814 = arith.index_cast %add3A_1768 : i32 to index
        %get3A_1815 = arith.constant 32 : index
        %get3A_1816 = tpu.vector_load %arg7[%get3A_1814, %get3A_1815] {strides = array<i32>} : memref<200x64xf32, #tpu.memory_space<vmem>>, vector<1x16xf32>,
        %get3A_1817 = vector.shape_cast %get3A_1816 : vector<1x16xf32> to vector<16xf32>
        %add3A_1818 = arith.addf %mul3A_1813, %get3A_1817 : vector<16xf32>
        %mul3A_1819 = vector.broadcast %squeeze3A_1766 : f32 to vector<16xf32>
        %mul3A_1820 = arith.mulf %add3A_1818, %mul3A_1819 : vector<16xf32>
        %swap3A_1821 = arith.index_cast %add3A_1768 : i32 to index
        %swap3A_1822 = arith.constant 32 : index
        %swap3A_1823 = tpu.vector_load %arg11[%swap3A_1821, %swap3A_1822] {strides = array<i32>} : memref<200x64xf32, #tpu.memory_space<vmem>>, vector<1x16xf32>,
        %swap3A_1824 = vector.shape_cast %swap3A_1823 : vector<1x16xf32> to vector<16xf32>
        %swap3A_1825 = vector.shape_cast %mul3A_1820 : vector<16xf32> to vector<1x16xf32>
        tpu.vector_store %arg11[%swap3A_1821, %swap3A_1822], %swap3A_1825 {strides = array<i32>} : memref<200x64xf32, #tpu.memory_space<vmem>>, vector<1x16xf32>,
        %get3A_1826 = arith.index_cast %add3A_1768 : i32 to index
        %get3A_1827 = arith.constant 48 : index
        %get3A_1828 = tpu.vector_load %arg9[%get3A_1826, %get3A_1827] {strides = array<i32>} : memref<200x64xf32, #tpu.memory_space<vmem>>, vector<1x16xf32>,
        %get3A_1829 = vector.shape_cast %get3A_1828 : vector<1x16xf32> to vector<16xf32>
        %mul3A_1830 = arith.constant 8.000000e+00 : f32
        %mul3A_1831 = vector.broadcast %mul3A_1830 : f32 to vector<16xf32>
        %mul3A_1832 = arith.mulf %get3A_1829, %mul3A_1831 : vector<16xf32>
        %get3A_1833 = arith.index_cast %add3A_1768 : i32 to index
        %get3A_1834 = arith.constant 48 : index
        %get3A_1835 = tpu.vector_load %arg7[%get3A_1833, %get3A_1834] {strides = array<i32>} : memref<200x64xf32, #tpu.memory_space<vmem>>, vector<1x16xf32>,
        %get3A_1836 = vector.shape_cast %get3A_1835 : vector<1x16xf32> to vector<16xf32>
        %add3A_1837 = arith.addf %mul3A_1832, %get3A_1836 : vector<16xf32>
        %mul3A_1838 = vector.broadcast %squeeze3A_1766 : f32 to vector<16xf32>
        %mul3A_1839 = arith.mulf %add3A_1837, %mul3A_1838 : vector<16xf32>
        %swap3A_1840 = arith.index_cast %add3A_1768 : i32 to index
        %swap3A_1841 = arith.constant 48 : index
        %swap3A_1842 = tpu.vector_load %arg11[%swap3A_1840, %swap3A_1841] {strides = array<i32>} : memref<200x64xf32, #tpu.memory_space<vmem>>, vector<1x16xf32>,
        %swap3A_1843 = vector.shape_cast %swap3A_1842 : vector<1x16xf32> to vector<16xf32>
        %swap3A_1844 = vector.shape_cast %mul3A_1839 : vector<16xf32> to vector<1x16xf32>
        tpu.vector_store %arg11[%swap3A_1840, %swap3A_1841], %swap3A_1844 {strides = array<i32>} : memref<200x64xf32, #tpu.memory_space<vmem>>, vector<1x16xf32>,
        %slice3A_1845 = vector.extract_strided_slice %select_n3A_1604 {offsets = [3], sizes = [1], strides = [1]} : vector<16xf32> to vector<1xf32>
        %squeeze3A_1846 = vector.extract %slice3A_1845[0] : f32 from vector<1xf32>
        %add3A_1847 = arith.constant 3 : i32
        %add3A_1848 = arith.addi %mul3A_1590, %add3A_1847 : i32
        %get3A_1849 = arith.index_cast %add3A_1848 : i32 to index
        %get3A_1850 = arith.constant 0 : index
        %get3A_1851 = tpu.vector_load %arg9[%get3A_1849, %get3A_1850] {strides = array<i32>} : memref<200x64xf32, #tpu.memory_space<vmem>>, vector<1x16xf32>,
        %get3A_1852 = vector.shape_cast %get3A_1851 : vector<1x16xf32> to vector<16xf32>
        %mul3A_1853 = arith.constant 8.000000e+00 : f32
        %mul3A_1854 = vector.broadcast %mul3A_1853 : f32 to vector<16xf32>
        %mul3A_1855 = arith.mulf %get3A_1852, %mul3A_1854 : vector<16xf32>
        %get3A_1856 = arith.index_cast %add3A_1848 : i32 to index
        %get3A_1857 = arith.constant 0 : index
        %get3A_1858 = tpu.vector_load %arg7[%get3A_1856, %get3A_1857] {strides = array<i32>} : memref<200x64xf32, #tpu.memory_space<vmem>>, vector<1x16xf32>,
        %get3A_1859 = vector.shape_cast %get3A_1858 : vector<1x16xf32> to vector<16xf32>
        %add3A_1860 = arith.addf %mul3A_1855, %get3A_1859 : vector<16xf32>
        %mul3A_1861 = vector.broadcast %squeeze3A_1846 : f32 to vector<16xf32>
        %mul3A_1862 = arith.mulf %add3A_1860, %mul3A_1861 : vector<16xf32>
        %swap3A_1863 = arith.index_cast %add3A_1848 : i32 to index
        %swap3A_1864 = arith.constant 0 : index
        %swap3A_1865 = tpu.vector_load %arg11[%swap3A_1863, %swap3A_1864] {strides = array<i32>} : memref<200x64xf32, #tpu.memory_space<vmem>>, vector<1x16xf32>,
        %swap3A_1866 = vector.shape_cast %swap3A_1865 : vector<1x16xf32> to vector<16xf32>
        %swap3A_1867 = vector.shape_cast %mul3A_1862 : vector<16xf32> to vector<1x16xf32>
        tpu.vector_store %arg11[%swap3A_1863, %swap3A_1864], %swap3A_1867 {strides = array<i32>} : memref<200x64xf32, #tpu.memory_space<vmem>>, vector<1x16xf32>,
        %get3A_1868 = arith.index_cast %add3A_1848 : i32 to index
        %get3A_1869 = arith.constant 16 : index
        %get3A_1870 = tpu.vector_load %arg9[%get3A_1868, %get3A_1869] {strides = array<i32>} : memref<200x64xf32, #tpu.memory_space<vmem>>, vector<1x16xf32>,
        %get3A_1871 = vector.shape_cast %get3A_1870 : vector<1x16xf32> to vector<16xf32>
        %mul3A_1872 = arith.constant 8.000000e+00 : f32
        %mul3A_1873 = vector.broadcast %mul3A_1872 : f32 to vector<16xf32>
        %mul3A_1874 = arith.mulf %get3A_1871, %mul3A_1873 : vector<16xf32>
        %get3A_1875 = arith.index_cast %add3A_1848 : i32 to index
        %get3A_1876 = arith.constant 16 : index
        %get3A_1877 = tpu.vector_load %arg7[%get3A_1875, %get3A_1876] {strides = array<i32>} : memref<200x64xf32, #tpu.memory_space<vmem>>, vector<1x16xf32>,
        %get3A_1878 = vector.shape_cast %get3A_1877 : vector<1x16xf32> to vector<16xf32>
        %add3A_1879 = arith.addf %mul3A_1874, %get3A_1878 : vector<16xf32>
        %mul3A_1880 = vector.broadcast %squeeze3A_1846 : f32 to vector<16xf32>
        %mul3A_1881 = arith.mulf %add3A_1879, %mul3A_1880 : vector<16xf32>
        %swap3A_1882 = arith.index_cast %add3A_1848 : i32 to index
        %swap3A_1883 = arith.constant 16 : index
        %swap3A_1884 = tpu.vector_load %arg11[%swap3A_1882, %swap3A_1883] {strides = array<i32>} : memref<200x64xf32, #tpu.memory_space<vmem>>, vector<1x16xf32>,
        %swap3A_1885 = vector.shape_cast %swap3A_1884 : vector<1x16xf32> to vector<16xf32>
        %swap3A_1886 = vector.shape_cast %mul3A_1881 : vector<16xf32> to vector<1x16xf32>
        tpu.vector_store %arg11[%swap3A_1882, %swap3A_1883], %swap3A_1886 {strides = array<i32>} : memref<200x64xf32, #tpu.memory_space<vmem>>, vector<1x16xf32>,
        %get3A_1887 = arith.index_cast %add3A_1848 : i32 to index
        %get3A_1888 = arith.constant 32 : index
        %get3A_1889 = tpu.vector_load %arg9[%get3A_1887, %get3A_1888] {strides = array<i32>} : memref<200x64xf32, #tpu.memory_space<vmem>>, vector<1x16xf32>,
        %get3A_1890 = vector.shape_cast %get3A_1889 : vector<1x16xf32> to vector<16xf32>
        %mul3A_1891 = arith.constant 8.000000e+00 : f32
        %mul3A_1892 = vector.broadcast %mul3A_1891 : f32 to vector<16xf32>
        %mul3A_1893 = arith.mulf %get3A_1890, %mul3A_1892 : vector<16xf32>
        %get3A_1894 = arith.index_cast %add3A_1848 : i32 to index
        %get3A_1895 = arith.constant 32 : index
        %get3A_1896 = tpu.vector_load %arg7[%get3A_1894, %get3A_1895] {strides = array<i32>} : memref<200x64xf32, #tpu.memory_space<vmem>>, vector<1x16xf32>,
        %get3A_1897 = vector.shape_cast %get3A_1896 : vector<1x16xf32> to vector<16xf32>
        %add3A_1898 = arith.addf %mul3A_1893, %get3A_1897 : vector<16xf32>
        %mul3A_1899 = vector.broadcast %squeeze3A_1846 : f32 to vector<16xf32>
        %mul3A_1900 = arith.mulf %add3A_1898, %mul3A_1899 : vector<16xf32>
        %swap3A_1901 = arith.index_cast %add3A_1848 : i32 to index
        %swap3A_1902 = arith.constant 32 : index
        %swap3A_1903 = tpu.vector_load %arg11[%swap3A_1901, %swap3A_1902] {strides = array<i32>} : memref<200x64xf32, #tpu.memory_space<vmem>>, vector<1x16xf32>,
        %swap3A_1904 = vector.shape_cast %swap3A_1903 : vector<1x16xf32> to vector<16xf32>
        %swap3A_1905 = vector.shape_cast %mul3A_1900 : vector<16xf32> to vector<1x16xf32>
        tpu.vector_store %arg11[%swap3A_1901, %swap3A_1902], %swap3A_1905 {strides = array<i32>} : memref<200x64xf32, #tpu.memory_space<vmem>>, vector<1x16xf32>,
        %get3A_1906 = arith.index_cast %add3A_1848 : i32 to index
        %get3A_1907 = arith.constant 48 : index
        %get3A_1908 = tpu.vector_load %arg9[%get3A_1906, %get3A_1907] {strides = array<i32>} : memref<200x64xf32, #tpu.memory_space<vmem>>, vector<1x16xf32>,
        %get3A_1909 = vector.shape_cast %get3A_1908 : vector<1x16xf32> to vector<16xf32>
        %mul3A_1910 = arith.constant 8.000000e+00 : f32
        %mul3A_1911 = vector.broadcast %mul3A_1910 : f32 to vector<16xf32>
        %mul3A_1912 = arith.mulf %get3A_1909, %mul3A_1911 : vector<16xf32>
        %get3A_1913 = arith.index_cast %add3A_1848 : i32 to index
        %get3A_1914 = arith.constant 48 : index
        %get3A_1915 = tpu.vector_load %arg7[%get3A_1913, %get3A_1914] {strides = array<i32>} : memref<200x64xf32, #tpu.memory_space<vmem>>, vector<1x16xf32>,
        %get3A_1916 = vector.shape_cast %get3A_1915 : vector<1x16xf32> to vector<16xf32>
        %add3A_1917 = arith.addf %mul3A_1912, %get3A_1916 : vector<16xf32>
        %mul3A_1918 = vector.broadcast %squeeze3A_1846 : f32 to vector<16xf32>
        %mul3A_1919 = arith.mulf %add3A_1917, %mul3A_1918 : vector<16xf32>
        %swap3A_1920 = arith.index_cast %add3A_1848 : i32 to index
        %swap3A_1921 = arith.constant 48 : index
        %swap3A_1922 = tpu.vector_load %arg11[%swap3A_1920, %swap3A_1921] {strides = array<i32>} : memref<200x64xf32, #tpu.memory_space<vmem>>, vector<1x16xf32>,
        %swap3A_1923 = vector.shape_cast %swap3A_1922 : vector<1x16xf32> to vector<16xf32>
        %swap3A_1924 = vector.shape_cast %mul3A_1919 : vector<16xf32> to vector<1x16xf32>
        tpu.vector_store %arg11[%swap3A_1920, %swap3A_1921], %swap3A_1924 {strides = array<i32>} : memref<200x64xf32, #tpu.memory_space<vmem>>, vector<1x16xf32>,
        %slice3A_1925 = vector.extract_strided_slice %select_n3A_1604 {offsets = [4], sizes = [1], strides = [1]} : vector<16xf32> to vector<1xf32>
        %squeeze3A_1926 = vector.extract %slice3A_1925[0] : f32 from vector<1xf32>
        %add3A_1927 = arith.constant 4 : i32
        %add3A_1928 = arith.addi %mul3A_1590, %add3A_1927 : i32
        %get3A_1929 = arith.index_cast %add3A_1928 : i32 to index
        %get3A_1930 = arith.constant 0 : index
        %get3A_1931 = tpu.vector_load %arg9[%get3A_1929, %get3A_1930] {strides = array<i32>} : memref<200x64xf32, #tpu.memory_space<vmem>>, vector<1x16xf32>,
        %get3A_1932 = vector.shape_cast %get3A_1931 : vector<1x16xf32> to vector<16xf32>
        %mul3A_1933 = arith.constant 8.000000e+00 : f32
        %mul3A_1934 = vector.broadcast %mul3A_1933 : f32 to vector<16xf32>
        %mul3A_1935 = arith.mulf %get3A_1932, %mul3A_1934 : vector<16xf32>
        %get3A_1936 = arith.index_cast %add3A_1928 : i32 to index
        %get3A_1937 = arith.constant 0 : index
        %get3A_1938 = tpu.vector_load %arg7[%get3A_1936, %get3A_1937] {strides = array<i32>} : memref<200x64xf32, #tpu.memory_space<vmem>>, vector<1x16xf32>,
        %get3A_1939 = vector.shape_cast %get3A_1938 : vector<1x16xf32> to vector<16xf32>
        %add3A_1940 = arith.addf %mul3A_1935, %get3A_1939 : vector<16xf32>
        %mul3A_1941 = vector.broadcast %squeeze3A_1926 : f32 to vector<16xf32>
        %mul3A_1942 = arith.mulf %add3A_1940, %mul3A_1941 : vector<16xf32>
        %swap3A_1943 = arith.index_cast %add3A_1928 : i32 to index
        %swap3A_1944 = arith.constant 0 : index
        %swap3A_1945 = tpu.vector_load %arg11[%swap3A_1943, %swap3A_1944] {strides = array<i32>} : memref<200x64xf32, #tpu.memory_space<vmem>>, vector<1x16xf32>,
        %swap3A_1946 = vector.shape_cast %swap3A_1945 : vector<1x16xf32> to vector<16xf32>
        %swap3A_1947 = vector.shape_cast %mul3A_1942 : vector<16xf32> to vector<1x16xf32>
        tpu.vector_store %arg11[%swap3A_1943, %swap3A_1944], %swap3A_1947 {strides = array<i32>} : memref<200x64xf32, #tpu.memory_space<vmem>>, vector<1x16xf32>,
        %get3A_1948 = arith.index_cast %add3A_1928 : i32 to index
        %get3A_1949 = arith.constant 16 : index
        %get3A_1950 = tpu.vector_load %arg9[%get3A_1948, %get3A_1949] {strides = array<i32>} : memref<200x64xf32, #tpu.memory_space<vmem>>, vector<1x16xf32>,
        %get3A_1951 = vector.shape_cast %get3A_1950 : vector<1x16xf32> to vector<16xf32>
        %mul3A_1952 = arith.constant 8.000000e+00 : f32
        %mul3A_1953 = vector.broadcast %mul3A_1952 : f32 to vector<16xf32>
        %mul3A_1954 = arith.mulf %get3A_1951, %mul3A_1953 : vector<16xf32>
        %get3A_1955 = arith.index_cast %add3A_1928 : i32 to index
        %get3A_1956 = arith.constant 16 : index
        %get3A_1957 = tpu.vector_load %arg7[%get3A_1955, %get3A_1956] {strides = array<i32>} : memref<200x64xf32, #tpu.memory_space<vmem>>, vector<1x16xf32>,
        %get3A_1958 = vector.shape_cast %get3A_1957 : vector<1x16xf32> to vector<16xf32>
        %add3A_1959 = arith.addf %mul3A_1954, %get3A_1958 : vector<16xf32>
        %mul3A_1960 = vector.broadcast %squeeze3A_1926 : f32 to vector<16xf32>
        %mul3A_1961 = arith.mulf %add3A_1959, %mul3A_1960 : vector<16xf32>
        %swap3A_1962 = arith.index_cast %add3A_1928 : i32 to index
        %swap3A_1963 = arith.constant 16 : index
        %swap3A_1964 = tpu.vector_load %arg11[%swap3A_1962, %swap3A_1963] {strides = array<i32>} : memref<200x64xf32, #tpu.memory_space<vmem>>, vector<1x16xf32>,
        %swap3A_1965 = vector.shape_cast %swap3A_1964 : vector<1x16xf32> to vector<16xf32>
        %swap3A_1966 = vector.shape_cast %mul3A_1961 : vector<16xf32> to vector<1x16xf32>
        tpu.vector_store %arg11[%swap3A_1962, %swap3A_1963], %swap3A_1966 {strides = array<i32>} : memref<200x64xf32, #tpu.memory_space<vmem>>, vector<1x16xf32>,
        %get3A_1967 = arith.index_cast %add3A_1928 : i32 to index
        %get3A_1968 = arith.constant 32 : index
        %get3A_1969 = tpu.vector_load %arg9[%get3A_1967, %get3A_1968] {strides = array<i32>} : memref<200x64xf32, #tpu.memory_space<vmem>>, vector<1x16xf32>,
        %get3A_1970 = vector.shape_cast %get3A_1969 : vector<1x16xf32> to vector<16xf32>
        %mul3A_1971 = arith.constant 8.000000e+00 : f32
        %mul3A_1972 = vector.broadcast %mul3A_1971 : f32 to vector<16xf32>
        %mul3A_1973 = arith.mulf %get3A_1970, %mul3A_1972 : vector<16xf32>
        %get3A_1974 = arith.index_cast %add3A_1928 : i32 to index
        %get3A_1975 = arith.constant 32 : index
        %get3A_1976 = tpu.vector_load %arg7[%get3A_1974, %get3A_1975] {strides = array<i32>} : memref<200x64xf32, #tpu.memory_space<vmem>>, vector<1x16xf32>,
        %get3A_1977 = vector.shape_cast %get3A_1976 : vector<1x16xf32> to vector<16xf32>
        %add3A_1978 = arith.addf %mul3A_1973, %get3A_1977 : vector<16xf32>
        %mul3A_1979 = vector.broadcast %squeeze3A_1926 : f32 to vector<16xf32>
        %mul3A_1980 = arith.mulf %add3A_1978, %mul3A_1979 : vector<16xf32>
        %swap3A_1981 = arith.index_cast %add3A_1928 : i32 to index
        %swap3A_1982 = arith.constant 32 : index
        %swap3A_1983 = tpu.vector_load %arg11[%swap3A_1981, %swap3A_1982] {strides = array<i32>} : memref<200x64xf32, #tpu.memory_space<vmem>>, vector<1x16xf32>,
        %swap3A_1984 = vector.shape_cast %swap3A_1983 : vector<1x16xf32> to vector<16xf32>
        %swap3A_1985 = vector.shape_cast %mul3A_1980 : vector<16xf32> to vector<1x16xf32>
        tpu.vector_store %arg11[%swap3A_1981, %swap3A_1982], %swap3A_1985 {strides = array<i32>} : memref<200x64xf32, #tpu.memory_space<vmem>>, vector<1x16xf32>,
        %get3A_1986 = arith.index_cast %add3A_1928 : i32 to index
        %get3A_1987 = arith.constant 48 : index
        %get3A_1988 = tpu.vector_load %arg9[%get3A_1986, %get3A_1987] {strides = array<i32>} : memref<200x64xf32, #tpu.memory_space<vmem>>, vector<1x16xf32>,
        %get3A_1989 = vector.shape_cast %get3A_1988 : vector<1x16xf32> to vector<16xf32>
        %mul3A_1990 = arith.constant 8.000000e+00 : f32
        %mul3A_1991 = vector.broadcast %mul3A_1990 : f32 to vector<16xf32>
        %mul3A_1992 = arith.mulf %get3A_1989, %mul3A_1991 : vector<16xf32>
        %get3A_1993 = arith.index_cast %add3A_1928 : i32 to index
        %get3A_1994 = arith.constant 48 : index
        %get3A_1995 = tpu.vector_load %arg7[%get3A_1993, %get3A_1994] {strides = array<i32>} : memref<200x64xf32, #tpu.memory_space<vmem>>, vector<1x16xf32>,
        %get3A_1996 = vector.shape_cast %get3A_1995 : vector<1x16xf32> to vector<16xf32>
        %add3A_1997 = arith.addf %mul3A_1992, %get3A_1996 : vector<16xf32>
        %mul3A_1998 = vector.broadcast %squeeze3A_1926 : f32 to vector<16xf32>
        %mul3A_1999 = arith.mulf %add3A_1997, %mul3A_1998 : vector<16xf32>
        %swap3A_2000 = arith.index_cast %add3A_1928 : i32 to index
        %swap3A_2001 = arith.constant 48 : index
        %swap3A_2002 = tpu.vector_load %arg11[%swap3A_2000, %swap3A_2001] {strides = array<i32>} : memref<200x64xf32, #tpu.memory_space<vmem>>, vector<1x16xf32>,
        %swap3A_2003 = vector.shape_cast %swap3A_2002 : vector<1x16xf32> to vector<16xf32>
        %swap3A_2004 = vector.shape_cast %mul3A_1999 : vector<16xf32> to vector<1x16xf32>
        tpu.vector_store %arg11[%swap3A_2000, %swap3A_2001], %swap3A_2004 {strides = array<i32>} : memref<200x64xf32, #tpu.memory_space<vmem>>, vector<1x16xf32>,
        %slice3A_2005 = vector.extract_strided_slice %select_n3A_1604 {offsets = [5], sizes = [1], strides = [1]} : vector<16xf32> to vector<1xf32>
        %squeeze3A_2006 = vector.extract %slice3A_2005[0] : f32 from vector<1xf32>
        %add3A_2007 = arith.constant 5 : i32
        %add3A_2008 = arith.addi %mul3A_1590, %add3A_2007 : i32
        %get3A_2009 = arith.index_cast %add3A_2008 : i32 to index
        %get3A_2010 = arith.constant 0 : index
        %get3A_2011 = tpu.vector_load %arg9[%get3A_2009, %get3A_2010] {strides = array<i32>} : memref<200x64xf32, #tpu.memory_space<vmem>>, vector<1x16xf32>,
        %get3A_2012 = vector.shape_cast %get3A_2011 : vector<1x16xf32> to vector<16xf32>
        %mul3A_2013 = arith.constant 8.000000e+00 : f32
        %mul3A_2014 = vector.broadcast %mul3A_2013 : f32 to vector<16xf32>
        %mul3A_2015 = arith.mulf %get3A_2012, %mul3A_2014 : vector<16xf32>
        %get3A_2016 = arith.index_cast %add3A_2008 : i32 to index
        %get3A_2017 = arith.constant 0 : index
        %get3A_2018 = tpu.vector_load %arg7[%get3A_2016, %get3A_2017] {strides = array<i32>} : memref<200x64xf32, #tpu.memory_space<vmem>>, vector<1x16xf32>,
        %get3A_2019 = vector.shape_cast %get3A_2018 : vector<1x16xf32> to vector<16xf32>
        %add3A_2020 = arith.addf %mul3A_2015, %get3A_2019 : vector<16xf32>
        %mul3A_2021 = vector.broadcast %squeeze3A_2006 : f32 to vector<16xf32>
        %mul3A_2022 = arith.mulf %add3A_2020, %mul3A_2021 : vector<16xf32>
        %swap3A_2023 = arith.index_cast %add3A_2008 : i32 to index
        %swap3A_2024 = arith.constant 0 : index
        %swap3A_2025 = tpu.vector_load %arg11[%swap3A_2023, %swap3A_2024] {strides = array<i32>} : memref<200x64xf32, #tpu.memory_space<vmem>>, vector<1x16xf32>,
        %swap3A_2026 = vector.shape_cast %swap3A_2025 : vector<1x16xf32> to vector<16xf32>
        %swap3A_2027 = vector.shape_cast %mul3A_2022 : vector<16xf32> to vector<1x16xf32>
        tpu.vector_store %arg11[%swap3A_2023, %swap3A_2024], %swap3A_2027 {strides = array<i32>} : memref<200x64xf32, #tpu.memory_space<vmem>>, vector<1x16xf32>,
        %get3A_2028 = arith.index_cast %add3A_2008 : i32 to index
        %get3A_2029 = arith.constant 16 : index
        %get3A_2030 = tpu.vector_load %arg9[%get3A_2028, %get3A_2029] {strides = array<i32>} : memref<200x64xf32, #tpu.memory_space<vmem>>, vector<1x16xf32>,
        %get3A_2031 = vector.shape_cast %get3A_2030 : vector<1x16xf32> to vector<16xf32>
        %mul3A_2032 = arith.constant 8.000000e+00 : f32
        %mul3A_2033 = vector.broadcast %mul3A_2032 : f32 to vector<16xf32>
        %mul3A_2034 = arith.mulf %get3A_2031, %mul3A_2033 : vector<16xf32>
        %get3A_2035 = arith.index_cast %add3A_2008 : i32 to index
        %get3A_2036 = arith.constant 16 : index
        %get3A_2037 = tpu.vector_load %arg7[%get3A_2035, %get3A_2036] {strides = array<i32>} : memref<200x64xf32, #tpu.memory_space<vmem>>, vector<1x16xf32>,
        %get3A_2038 = vector.shape_cast %get3A_2037 : vector<1x16xf32> to vector<16xf32>
        %add3A_2039 = arith.addf %mul3A_2034, %get3A_2038 : vector<16xf32>
        %mul3A_2040 = vector.broadcast %squeeze3A_2006 : f32 to vector<16xf32>
        %mul3A_2041 = arith.mulf %add3A_2039, %mul3A_2040 : vector<16xf32>
        %swap3A_2042 = arith.index_cast %add3A_2008 : i32 to index
        %swap3A_2043 = arith.constant 16 : index
        %swap3A_2044 = tpu.vector_load %arg11[%swap3A_2042, %swap3A_2043] {strides = array<i32>} : memref<200x64xf32, #tpu.memory_space<vmem>>, vector<1x16xf32>,
        %swap3A_2045 = vector.shape_cast %swap3A_2044 : vector<1x16xf32> to vector<16xf32>
        %swap3A_2046 = vector.shape_cast %mul3A_2041 : vector<16xf32> to vector<1x16xf32>
        tpu.vector_store %arg11[%swap3A_2042, %swap3A_2043], %swap3A_2046 {strides = array<i32>} : memref<200x64xf32, #tpu.memory_space<vmem>>, vector<1x16xf32>,
        %get3A_2047 = arith.index_cast %add3A_2008 : i32 to index
        %get3A_2048 = arith.constant 32 : index
        %get3A_2049 = tpu.vector_load %arg9[%get3A_2047, %get3A_2048] {strides = array<i32>} : memref<200x64xf32, #tpu.memory_space<vmem>>, vector<1x16xf32>,
        %get3A_2050 = vector.shape_cast %get3A_2049 : vector<1x16xf32> to vector<16xf32>
        %mul3A_2051 = arith.constant 8.000000e+00 : f32
        %mul3A_2052 = vector.broadcast %mul3A_2051 : f32 to vector<16xf32>
        %mul3A_2053 = arith.mulf %get3A_2050, %mul3A_2052 : vector<16xf32>
        %get3A_2054 = arith.index_cast %add3A_2008 : i32 to index
        %get3A_2055 = arith.constant 32 : index
        %get3A_2056 = tpu.vector_load %arg7[%get3A_2054, %get3A_2055] {strides = array<i32>} : memref<200x64xf32, #tpu.memory_space<vmem>>, vector<1x16xf32>,
        %get3A_2057 = vector.shape_cast %get3A_2056 : vector<1x16xf32> to vector<16xf32>
        %add3A_2058 = arith.addf %mul3A_2053, %get3A_2057 : vector<16xf32>
        %mul3A_2059 = vector.broadcast %squeeze3A_2006 : f32 to vector<16xf32>
        %mul3A_2060 = arith.mulf %add3A_2058, %mul3A_2059 : vector<16xf32>
        %swap3A_2061 = arith.index_cast %add3A_2008 : i32 to index
        %swap3A_2062 = arith.constant 32 : index
        %swap3A_2063 = tpu.vector_load %arg11[%swap3A_2061, %swap3A_2062] {strides = array<i32>} : memref<200x64xf32, #tpu.memory_space<vmem>>, vector<1x16xf32>,
        %swap3A_2064 = vector.shape_cast %swap3A_2063 : vector<1x16xf32> to vector<16xf32>
        %swap3A_2065 = vector.shape_cast %mul3A_2060 : vector<16xf32> to vector<1x16xf32>
        tpu.vector_store %arg11[%swap3A_2061, %swap3A_2062], %swap3A_2065 {strides = array<i32>} : memref<200x64xf32, #tpu.memory_space<vmem>>, vector<1x16xf32>,
        %get3A_2066 = arith.index_cast %add3A_2008 : i32 to index
        %get3A_2067 = arith.constant 48 : index
        %get3A_2068 = tpu.vector_load %arg9[%get3A_2066, %get3A_2067] {strides = array<i32>} : memref<200x64xf32, #tpu.memory_space<vmem>>, vector<1x16xf32>,
        %get3A_2069 = vector.shape_cast %get3A_2068 : vector<1x16xf32> to vector<16xf32>
        %mul3A_2070 = arith.constant 8.000000e+00 : f32
        %mul3A_2071 = vector.broadcast %mul3A_2070 : f32 to vector<16xf32>
        %mul3A_2072 = arith.mulf %get3A_2069, %mul3A_2071 : vector<16xf32>
        %get3A_2073 = arith.index_cast %add3A_2008 : i32 to index
        %get3A_2074 = arith.constant 48 : index
        %get3A_2075 = tpu.vector_load %arg7[%get3A_2073, %get3A_2074] {strides = array<i32>} : memref<200x64xf32, #tpu.memory_space<vmem>>, vector<1x16xf32>,
        %get3A_2076 = vector.shape_cast %get3A_2075 : vector<1x16xf32> to vector<16xf32>
        %add3A_2077 = arith.addf %mul3A_2072, %get3A_2076 : vector<16xf32>
        %mul3A_2078 = vector.broadcast %squeeze3A_2006 : f32 to vector<16xf32>
        %mul3A_2079 = arith.mulf %add3A_2077, %mul3A_2078 : vector<16xf32>
        %swap3A_2080 = arith.index_cast %add3A_2008 : i32 to index
        %swap3A_2081 = arith.constant 48 : index
        %swap3A_2082 = tpu.vector_load %arg11[%swap3A_2080, %swap3A_2081] {strides = array<i32>} : memref<200x64xf32, #tpu.memory_space<vmem>>, vector<1x16xf32>,
        %swap3A_2083 = vector.shape_cast %swap3A_2082 : vector<1x16xf32> to vector<16xf32>
        %swap3A_2084 = vector.shape_cast %mul3A_2079 : vector<16xf32> to vector<1x16xf32>
        tpu.vector_store %arg11[%swap3A_2080, %swap3A_2081], %swap3A_2084 {strides = array<i32>} : memref<200x64xf32, #tpu.memory_space<vmem>>, vector<1x16xf32>,
        %slice3A_2085 = vector.extract_strided_slice %select_n3A_1604 {offsets = [6], sizes = [1], strides = [1]} : vector<16xf32> to vector<1xf32>
        %squeeze3A_2086 = vector.extract %slice3A_2085[0] : f32 from vector<1xf32>
        %add3A_2087 = arith.constant 6 : i32
        %add3A_2088 = arith.addi %mul3A_1590, %add3A_2087 : i32
        %get3A_2089 = arith.index_cast %add3A_2088 : i32 to index
        %get3A_2090 = arith.constant 0 : index
        %get3A_2091 = tpu.vector_load %arg9[%get3A_2089, %get3A_2090] {strides = array<i32>} : memref<200x64xf32, #tpu.memory_space<vmem>>, vector<1x16xf32>,
        %get3A_2092 = vector.shape_cast %get3A_2091 : vector<1x16xf32> to vector<16xf32>
        %mul3A_2093 = arith.constant 8.000000e+00 : f32
        %mul3A_2094 = vector.broadcast %mul3A_2093 : f32 to vector<16xf32>
        %mul3A_2095 = arith.mulf %get3A_2092, %mul3A_2094 : vector<16xf32>
        %get3A_2096 = arith.index_cast %add3A_2088 : i32 to index
        %get3A_2097 = arith.constant 0 : index
        %get3A_2098 = tpu.vector_load %arg7[%get3A_2096, %get3A_2097] {strides = array<i32>} : memref<200x64xf32, #tpu.memory_space<vmem>>, vector<1x16xf32>,
        %get3A_2099 = vector.shape_cast %get3A_2098 : vector<1x16xf32> to vector<16xf32>
        %add3A_2100 = arith.addf %mul3A_2095, %get3A_2099 : vector<16xf32>
        %mul3A_2101 = vector.broadcast %squeeze3A_2086 : f32 to vector<16xf32>
        %mul3A_2102 = arith.mulf %add3A_2100, %mul3A_2101 : vector<16xf32>
        %swap3A_2103 = arith.index_cast %add3A_2088 : i32 to index
        %swap3A_2104 = arith.constant 0 : index
        %swap3A_2105 = tpu.vector_load %arg11[%swap3A_2103, %swap3A_2104] {strides = array<i32>} : memref<200x64xf32, #tpu.memory_space<vmem>>, vector<1x16xf32>,
        %swap3A_2106 = vector.shape_cast %swap3A_2105 : vector<1x16xf32> to vector<16xf32>
        %swap3A_2107 = vector.shape_cast %mul3A_2102 : vector<16xf32> to vector<1x16xf32>
        tpu.vector_store %arg11[%swap3A_2103, %swap3A_2104], %swap3A_2107 {strides = array<i32>} : memref<200x64xf32, #tpu.memory_space<vmem>>, vector<1x16xf32>,
        %get3A_2108 = arith.index_cast %add3A_2088 : i32 to index
        %get3A_2109 = arith.constant 16 : index
        %get3A_2110 = tpu.vector_load %arg9[%get3A_2108, %get3A_2109] {strides = array<i32>} : memref<200x64xf32, #tpu.memory_space<vmem>>, vector<1x16xf32>,
        %get3A_2111 = vector.shape_cast %get3A_2110 : vector<1x16xf32> to vector<16xf32>
        %mul3A_2112 = arith.constant 8.000000e+00 : f32
        %mul3A_2113 = vector.broadcast %mul3A_2112 : f32 to vector<16xf32>
        %mul3A_2114 = arith.mulf %get3A_2111, %mul3A_2113 : vector<16xf32>
        %get3A_2115 = arith.index_cast %add3A_2088 : i32 to index
        %get3A_2116 = arith.constant 16 : index
        %get3A_2117 = tpu.vector_load %arg7[%get3A_2115, %get3A_2116] {strides = array<i32>} : memref<200x64xf32, #tpu.memory_space<vmem>>, vector<1x16xf32>,
        %get3A_2118 = vector.shape_cast %get3A_2117 : vector<1x16xf32> to vector<16xf32>
        %add3A_2119 = arith.addf %mul3A_2114, %get3A_2118 : vector<16xf32>
        %mul3A_2120 = vector.broadcast %squeeze3A_2086 : f32 to vector<16xf32>
        %mul3A_2121 = arith.mulf %add3A_2119, %mul3A_2120 : vector<16xf32>
        %swap3A_2122 = arith.index_cast %add3A_2088 : i32 to index
        %swap3A_2123 = arith.constant 16 : index
        %swap3A_2124 = tpu.vector_load %arg11[%swap3A_2122, %swap3A_2123] {strides = array<i32>} : memref<200x64xf32, #tpu.memory_space<vmem>>, vector<1x16xf32>,
        %swap3A_2125 = vector.shape_cast %swap3A_2124 : vector<1x16xf32> to vector<16xf32>
        %swap3A_2126 = vector.shape_cast %mul3A_2121 : vector<16xf32> to vector<1x16xf32>
        tpu.vector_store %arg11[%swap3A_2122, %swap3A_2123], %swap3A_2126 {strides = array<i32>} : memref<200x64xf32, #tpu.memory_space<vmem>>, vector<1x16xf32>,
        %get3A_2127 = arith.index_cast %add3A_2088 : i32 to index
        %get3A_2128 = arith.constant 32 : index
        %get3A_2129 = tpu.vector_load %arg9[%get3A_2127, %get3A_2128] {strides = array<i32>} : memref<200x64xf32, #tpu.memory_space<vmem>>, vector<1x16xf32>,
        %get3A_2130 = vector.shape_cast %get3A_2129 : vector<1x16xf32> to vector<16xf32>
        %mul3A_2131 = arith.constant 8.000000e+00 : f32
        %mul3A_2132 = vector.broadcast %mul3A_2131 : f32 to vector<16xf32>
        %mul3A_2133 = arith.mulf %get3A_2130, %mul3A_2132 : vector<16xf32>
        %get3A_2134 = arith.index_cast %add3A_2088 : i32 to index
        %get3A_2135 = arith.constant 32 : index
        %get3A_2136 = tpu.vector_load %arg7[%get3A_2134, %get3A_2135] {strides = array<i32>} : memref<200x64xf32, #tpu.memory_space<vmem>>, vector<1x16xf32>,
        %get3A_2137 = vector.shape_cast %get3A_2136 : vector<1x16xf32> to vector<16xf32>
        %add3A_2138 = arith.addf %mul3A_2133, %get3A_2137 : vector<16xf32>
        %mul3A_2139 = vector.broadcast %squeeze3A_2086 : f32 to vector<16xf32>
        %mul3A_2140 = arith.mulf %add3A_2138, %mul3A_2139 : vector<16xf32>
        %swap3A_2141 = arith.index_cast %add3A_2088 : i32 to index
        %swap3A_2142 = arith.constant 32 : index
        %swap3A_2143 = tpu.vector_load %arg11[%swap3A_2141, %swap3A_2142] {strides = array<i32>} : memref<200x64xf32, #tpu.memory_space<vmem>>, vector<1x16xf32>,
        %swap3A_2144 = vector.shape_cast %swap3A_2143 : vector<1x16xf32> to vector<16xf32>
        %swap3A_2145 = vector.shape_cast %mul3A_2140 : vector<16xf32> to vector<1x16xf32>
        tpu.vector_store %arg11[%swap3A_2141, %swap3A_2142], %swap3A_2145 {strides = array<i32>} : memref<200x64xf32, #tpu.memory_space<vmem>>, vector<1x16xf32>,
        %get3A_2146 = arith.index_cast %add3A_2088 : i32 to index
        %get3A_2147 = arith.constant 48 : index
        %get3A_2148 = tpu.vector_load %arg9[%get3A_2146, %get3A_2147] {strides = array<i32>} : memref<200x64xf32, #tpu.memory_space<vmem>>, vector<1x16xf32>,
        %get3A_2149 = vector.shape_cast %get3A_2148 : vector<1x16xf32> to vector<16xf32>
        %mul3A_2150 = arith.constant 8.000000e+00 : f32
        %mul3A_2151 = vector.broadcast %mul3A_2150 : f32 to vector<16xf32>
        %mul3A_2152 = arith.mulf %get3A_2149, %mul3A_2151 : vector<16xf32>
        %get3A_2153 = arith.index_cast %add3A_2088 : i32 to index
        %get3A_2154 = arith.constant 48 : index
        %get3A_2155 = tpu.vector_load %arg7[%get3A_2153, %get3A_2154] {strides = array<i32>} : memref<200x64xf32, #tpu.memory_space<vmem>>, vector<1x16xf32>,
        %get3A_2156 = vector.shape_cast %get3A_2155 : vector<1x16xf32> to vector<16xf32>
        %add3A_2157 = arith.addf %mul3A_2152, %get3A_2156 : vector<16xf32>
        %mul3A_2158 = vector.broadcast %squeeze3A_2086 : f32 to vector<16xf32>
        %mul3A_2159 = arith.mulf %add3A_2157, %mul3A_2158 : vector<16xf32>
        %swap3A_2160 = arith.index_cast %add3A_2088 : i32 to index
        %swap3A_2161 = arith.constant 48 : index
        %swap3A_2162 = tpu.vector_load %arg11[%swap3A_2160, %swap3A_2161] {strides = array<i32>} : memref<200x64xf32, #tpu.memory_space<vmem>>, vector<1x16xf32>,
        %swap3A_2163 = vector.shape_cast %swap3A_2162 : vector<1x16xf32> to vector<16xf32>
        %swap3A_2164 = vector.shape_cast %mul3A_2159 : vector<16xf32> to vector<1x16xf32>
        tpu.vector_store %arg11[%swap3A_2160, %swap3A_2161], %swap3A_2164 {strides = array<i32>} : memref<200x64xf32, #tpu.memory_space<vmem>>, vector<1x16xf32>,
        %slice3A_2165 = vector.extract_strided_slice %select_n3A_1604 {offsets = [7], sizes = [1], strides = [1]} : vector<16xf32> to vector<1xf32>
        %squeeze3A_2166 = vector.extract %slice3A_2165[0] : f32 from vector<1xf32>
        %add3A_2167 = arith.constant 7 : i32
        %add3A_2168 = arith.addi %mul3A_1590, %add3A_2167 : i32
        %get3A_2169 = arith.index_cast %add3A_2168 : i32 to index
        %get3A_2170 = arith.constant 0 : index
        %get3A_2171 = tpu.vector_load %arg9[%get3A_2169, %get3A_2170] {strides = array<i32>} : memref<200x64xf32, #tpu.memory_space<vmem>>, vector<1x16xf32>,
        %get3A_2172 = vector.shape_cast %get3A_2171 : vector<1x16xf32> to vector<16xf32>
        %mul3A_2173 = arith.constant 8.000000e+00 : f32
        %mul3A_2174 = vector.broadcast %mul3A_2173 : f32 to vector<16xf32>
        %mul3A_2175 = arith.mulf %get3A_2172, %mul3A_2174 : vector<16xf32>
        %get3A_2176 = arith.index_cast %add3A_2168 : i32 to index
        %get3A_2177 = arith.constant 0 : index
        %get3A_2178 = tpu.vector_load %arg7[%get3A_2176, %get3A_2177] {strides = array<i32>} : memref<200x64xf32, #tpu.memory_space<vmem>>, vector<1x16xf32>,
        %get3A_2179 = vector.shape_cast %get3A_2178 : vector<1x16xf32> to vector<16xf32>
        %add3A_2180 = arith.addf %mul3A_2175, %get3A_2179 : vector<16xf32>
        %mul3A_2181 = vector.broadcast %squeeze3A_2166 : f32 to vector<16xf32>
        %mul3A_2182 = arith.mulf %add3A_2180, %mul3A_2181 : vector<16xf32>
        %swap3A_2183 = arith.index_cast %add3A_2168 : i32 to index
        %swap3A_2184 = arith.constant 0 : index
        %swap3A_2185 = tpu.vector_load %arg11[%swap3A_2183, %swap3A_2184] {strides = array<i32>} : memref<200x64xf32, #tpu.memory_space<vmem>>, vector<1x16xf32>,
        %swap3A_2186 = vector.shape_cast %swap3A_2185 : vector<1x16xf32> to vector<16xf32>
        %swap3A_2187 = vector.shape_cast %mul3A_2182 : vector<16xf32> to vector<1x16xf32>
        tpu.vector_store %arg11[%swap3A_2183, %swap3A_2184], %swap3A_2187 {strides = array<i32>} : memref<200x64xf32, #tpu.memory_space<vmem>>, vector<1x16xf32>,
        %get3A_2188 = arith.index_cast %add3A_2168 : i32 to index
        %get3A_2189 = arith.constant 16 : index
        %get3A_2190 = tpu.vector_load %arg9[%get3A_2188, %get3A_2189] {strides = array<i32>} : memref<200x64xf32, #tpu.memory_space<vmem>>, vector<1x16xf32>,
        %get3A_2191 = vector.shape_cast %get3A_2190 : vector<1x16xf32> to vector<16xf32>
        %mul3A_2192 = arith.constant 8.000000e+00 : f32
        %mul3A_2193 = vector.broadcast %mul3A_2192 : f32 to vector<16xf32>
        %mul3A_2194 = arith.mulf %get3A_2191, %mul3A_2193 : vector<16xf32>
        %get3A_2195 = arith.index_cast %add3A_2168 : i32 to index
        %get3A_2196 = arith.constant 16 : index
        %get3A_2197 = tpu.vector_load %arg7[%get3A_2195, %get3A_2196] {strides = array<i32>} : memref<200x64xf32, #tpu.memory_space<vmem>>, vector<1x16xf32>,
        %get3A_2198 = vector.shape_cast %get3A_2197 : vector<1x16xf32> to vector<16xf32>
        %add3A_2199 = arith.addf %mul3A_2194, %get3A_2198 : vector<16xf32>
        %mul3A_2200 = vector.broadcast %squeeze3A_2166 : f32 to vector<16xf32>
        %mul3A_2201 = arith.mulf %add3A_2199, %mul3A_2200 : vector<16xf32>
        %swap3A_2202 = arith.index_cast %add3A_2168 : i32 to index
        %swap3A_2203 = arith.constant 16 : index
        %swap3A_2204 = tpu.vector_load %arg11[%swap3A_2202, %swap3A_2203] {strides = array<i32>} : memref<200x64xf32, #tpu.memory_space<vmem>>, vector<1x16xf32>,
        %swap3A_2205 = vector.shape_cast %swap3A_2204 : vector<1x16xf32> to vector<16xf32>
        %swap3A_2206 = vector.shape_cast %mul3A_2201 : vector<16xf32> to vector<1x16xf32>
        tpu.vector_store %arg11[%swap3A_2202, %swap3A_2203], %swap3A_2206 {strides = array<i32>} : memref<200x64xf32, #tpu.memory_space<vmem>>, vector<1x16xf32>,
        %get3A_2207 = arith.index_cast %add3A_2168 : i32 to index
        %get3A_2208 = arith.constant 32 : index
        %get3A_2209 = tpu.vector_load %arg9[%get3A_2207, %get3A_2208] {strides = array<i32>} : memref<200x64xf32, #tpu.memory_space<vmem>>, vector<1x16xf32>,
        %get3A_2210 = vector.shape_cast %get3A_2209 : vector<1x16xf32> to vector<16xf32>
        %mul3A_2211 = arith.constant 8.000000e+00 : f32
        %mul3A_2212 = vector.broadcast %mul3A_2211 : f32 to vector<16xf32>
        %mul3A_2213 = arith.mulf %get3A_2210, %mul3A_2212 : vector<16xf32>
        %get3A_2214 = arith.index_cast %add3A_2168 : i32 to index
        %get3A_2215 = arith.constant 32 : index
        %get3A_2216 = tpu.vector_load %arg7[%get3A_2214, %get3A_2215] {strides = array<i32>} : memref<200x64xf32, #tpu.memory_space<vmem>>, vector<1x16xf32>,
        %get3A_2217 = vector.shape_cast %get3A_2216 : vector<1x16xf32> to vector<16xf32>
        %add3A_2218 = arith.addf %mul3A_2213, %get3A_2217 : vector<16xf32>
        %mul3A_2219 = vector.broadcast %squeeze3A_2166 : f32 to vector<16xf32>
        %mul3A_2220 = arith.mulf %add3A_2218, %mul3A_2219 : vector<16xf32>
        %swap3A_2221 = arith.index_cast %add3A_2168 : i32 to index
        %swap3A_2222 = arith.constant 32 : index
        %swap3A_2223 = tpu.vector_load %arg11[%swap3A_2221, %swap3A_2222] {strides = array<i32>} : memref<200x64xf32, #tpu.memory_space<vmem>>, vector<1x16xf32>,
        %swap3A_2224 = vector.shape_cast %swap3A_2223 : vector<1x16xf32> to vector<16xf32>
        %swap3A_2225 = vector.shape_cast %mul3A_2220 : vector<16xf32> to vector<1x16xf32>
        tpu.vector_store %arg11[%swap3A_2221, %swap3A_2222], %swap3A_2225 {strides = array<i32>} : memref<200x64xf32, #tpu.memory_space<vmem>>, vector<1x16xf32>,
        %get3A_2226 = arith.index_cast %add3A_2168 : i32 to index
        %get3A_2227 = arith.constant 48 : index
        %get3A_2228 = tpu.vector_load %arg9[%get3A_2226, %get3A_2227] {strides = array<i32>} : memref<200x64xf32, #tpu.memory_space<vmem>>, vector<1x16xf32>,
        %get3A_2229 = vector.shape_cast %get3A_2228 : vector<1x16xf32> to vector<16xf32>
        %mul3A_2230 = arith.constant 8.000000e+00 : f32
        %mul3A_2231 = vector.broadcast %mul3A_2230 : f32 to vector<16xf32>
        %mul3A_2232 = arith.mulf %get3A_2229, %mul3A_2231 : vector<16xf32>
        %get3A_2233 = arith.index_cast %add3A_2168 : i32 to index
        %get3A_2234 = arith.constant 48 : index
        %get3A_2235 = tpu.vector_load %arg7[%get3A_2233, %get3A_2234] {strides = array<i32>} : memref<200x64xf32, #tpu.memory_space<vmem>>, vector<1x16xf32>,
        %get3A_2236 = vector.shape_cast %get3A_2235 : vector<1x16xf32> to vector<16xf32>
        %add3A_2237 = arith.addf %mul3A_2232, %get3A_2236 : vector<16xf32>
        %mul3A_2238 = vector.broadcast %squeeze3A_2166 : f32 to vector<16xf32>
        %mul3A_2239 = arith.mulf %add3A_2237, %mul3A_2238 : vector<16xf32>
        %swap3A_2240 = arith.index_cast %add3A_2168 : i32 to index
        %swap3A_2241 = arith.constant 48 : index
        %swap3A_2242 = tpu.vector_load %arg11[%swap3A_2240, %swap3A_2241] {strides = array<i32>} : memref<200x64xf32, #tpu.memory_space<vmem>>, vector<1x16xf32>,
        %swap3A_2243 = vector.shape_cast %swap3A_2242 : vector<1x16xf32> to vector<16xf32>
        %swap3A_2244 = vector.shape_cast %mul3A_2239 : vector<16xf32> to vector<1x16xf32>
        tpu.vector_store %arg11[%swap3A_2240, %swap3A_2241], %swap3A_2244 {strides = array<i32>} : memref<200x64xf32, #tpu.memory_space<vmem>>, vector<1x16xf32>,
        %slice3A_2245 = vector.extract_strided_slice %select_n3A_1604 {offsets = [8], sizes = [1], strides = [1]} : vector<16xf32> to vector<1xf32>
        %squeeze3A_2246 = vector.extract %slice3A_2245[0] : f32 from vector<1xf32>
        %add3A_2247 = arith.constant 8 : i32
        %add3A_2248 = arith.addi %mul3A_1590, %add3A_2247 : i32
        %get3A_2249 = arith.index_cast %add3A_2248 : i32 to index
        %get3A_2250 = arith.constant 0 : index
        %get3A_2251 = tpu.vector_load %arg9[%get3A_2249, %get3A_2250] {strides = array<i32>} : memref<200x64xf32, #tpu.memory_space<vmem>>, vector<1x16xf32>,
        %get3A_2252 = vector.shape_cast %get3A_2251 : vector<1x16xf32> to vector<16xf32>
        %mul3A_2253 = arith.constant 8.000000e+00 : f32
        %mul3A_2254 = vector.broadcast %mul3A_2253 : f32 to vector<16xf32>
        %mul3A_2255 = arith.mulf %get3A_2252, %mul3A_2254 : vector<16xf32>
        %get3A_2256 = arith.index_cast %add3A_2248 : i32 to index
        %get3A_2257 = arith.constant 0 : index
        %get3A_2258 = tpu.vector_load %arg7[%get3A_2256, %get3A_2257] {strides = array<i32>} : memref<200x64xf32, #tpu.memory_space<vmem>>, vector<1x16xf32>,
        %get3A_2259 = vector.shape_cast %get3A_2258 : vector<1x16xf32> to vector<16xf32>
        %add3A_2260 = arith.addf %mul3A_2255, %get3A_2259 : vector<16xf32>
        %mul3A_2261 = vector.broadcast %squeeze3A_2246 : f32 to vector<16xf32>
        %mul3A_2262 = arith.mulf %add3A_2260, %mul3A_2261 : vector<16xf32>
        %swap3A_2263 = arith.index_cast %add3A_2248 : i32 to index
        %swap3A_2264 = arith.constant 0 : index
        %swap3A_2265 = tpu.vector_load %arg11[%swap3A_2263, %swap3A_2264] {strides = array<i32>} : memref<200x64xf32, #tpu.memory_space<vmem>>, vector<1x16xf32>,
        %swap3A_2266 = vector.shape_cast %swap3A_2265 : vector<1x16xf32> to vector<16xf32>
        %swap3A_2267 = vector.shape_cast %mul3A_2262 : vector<16xf32> to vector<1x16xf32>
        tpu.vector_store %arg11[%swap3A_2263, %swap3A_2264], %swap3A_2267 {strides = array<i32>} : memref<200x64xf32, #tpu.memory_space<vmem>>, vector<1x16xf32>,
        %get3A_2268 = arith.index_cast %add3A_2248 : i32 to index
        %get3A_2269 = arith.constant 16 : index
        %get3A_2270 = tpu.vector_load %arg9[%get3A_2268, %get3A_2269] {strides = array<i32>} : memref<200x64xf32, #tpu.memory_space<vmem>>, vector<1x16xf32>,
        %get3A_2271 = vector.shape_cast %get3A_2270 : vector<1x16xf32> to vector<16xf32>
        %mul3A_2272 = arith.constant 8.000000e+00 : f32
        %mul3A_2273 = vector.broadcast %mul3A_2272 : f32 to vector<16xf32>
        %mul3A_2274 = arith.mulf %get3A_2271, %mul3A_2273 : vector<16xf32>
        %get3A_2275 = arith.index_cast %add3A_2248 : i32 to index
        %get3A_2276 = arith.constant 16 : index
        %get3A_2277 = tpu.vector_load %arg7[%get3A_2275, %get3A_2276] {strides = array<i32>} : memref<200x64xf32, #tpu.memory_space<vmem>>, vector<1x16xf32>,
        %get3A_2278 = vector.shape_cast %get3A_2277 : vector<1x16xf32> to vector<16xf32>
        %add3A_2279 = arith.addf %mul3A_2274, %get3A_2278 : vector<16xf32>
        %mul3A_2280 = vector.broadcast %squeeze3A_2246 : f32 to vector<16xf32>
        %mul3A_2281 = arith.mulf %add3A_2279, %mul3A_2280 : vector<16xf32>
        %swap3A_2282 = arith.index_cast %add3A_2248 : i32 to index
        %swap3A_2283 = arith.constant 16 : index
        %swap3A_2284 = tpu.vector_load %arg11[%swap3A_2282, %swap3A_2283] {strides = array<i32>} : memref<200x64xf32, #tpu.memory_space<vmem>>, vector<1x16xf32>,
        %swap3A_2285 = vector.shape_cast %swap3A_2284 : vector<1x16xf32> to vector<16xf32>
        %swap3A_2286 = vector.shape_cast %mul3A_2281 : vector<16xf32> to vector<1x16xf32>
        tpu.vector_store %arg11[%swap3A_2282, %swap3A_2283], %swap3A_2286 {strides = array<i32>} : memref<200x64xf32, #tpu.memory_space<vmem>>, vector<1x16xf32>,
        %get3A_2287 = arith.index_cast %add3A_2248 : i32 to index
        %get3A_2288 = arith.constant 32 : index
        %get3A_2289 = tpu.vector_load %arg9[%get3A_2287, %get3A_2288] {strides = array<i32>} : memref<200x64xf32, #tpu.memory_space<vmem>>, vector<1x16xf32>,
        %get3A_2290 = vector.shape_cast %get3A_2289 : vector<1x16xf32> to vector<16xf32>
        %mul3A_2291 = arith.constant 8.000000e+00 : f32
        %mul3A_2292 = vector.broadcast %mul3A_2291 : f32 to vector<16xf32>
        %mul3A_2293 = arith.mulf %get3A_2290, %mul3A_2292 : vector<16xf32>
        %get3A_2294 = arith.index_cast %add3A_2248 : i32 to index
        %get3A_2295 = arith.constant 32 : index
        %get3A_2296 = tpu.vector_load %arg7[%get3A_2294, %get3A_2295] {strides = array<i32>} : memref<200x64xf32, #tpu.memory_space<vmem>>, vector<1x16xf32>,
        %get3A_2297 = vector.shape_cast %get3A_2296 : vector<1x16xf32> to vector<16xf32>
        %add3A_2298 = arith.addf %mul3A_2293, %get3A_2297 : vector<16xf32>
        %mul3A_2299 = vector.broadcast %squeeze3A_2246 : f32 to vector<16xf32>
        %mul3A_2300 = arith.mulf %add3A_2298, %mul3A_2299 : vector<16xf32>
        %swap3A_2301 = arith.index_cast %add3A_2248 : i32 to index
        %swap3A_2302 = arith.constant 32 : index
        %swap3A_2303 = tpu.vector_load %arg11[%swap3A_2301, %swap3A_2302] {strides = array<i32>} : memref<200x64xf32, #tpu.memory_space<vmem>>, vector<1x16xf32>,
        %swap3A_2304 = vector.shape_cast %swap3A_2303 : vector<1x16xf32> to vector<16xf32>
        %swap3A_2305 = vector.shape_cast %mul3A_2300 : vector<16xf32> to vector<1x16xf32>
        tpu.vector_store %arg11[%swap3A_2301, %swap3A_2302], %swap3A_2305 {strides = array<i32>} : memref<200x64xf32, #tpu.memory_space<vmem>>, vector<1x16xf32>,
        %get3A_2306 = arith.index_cast %add3A_2248 : i32 to index
        %get3A_2307 = arith.constant 48 : index
        %get3A_2308 = tpu.vector_load %arg9[%get3A_2306, %get3A_2307] {strides = array<i32>} : memref<200x64xf32, #tpu.memory_space<vmem>>, vector<1x16xf32>,
        %get3A_2309 = vector.shape_cast %get3A_2308 : vector<1x16xf32> to vector<16xf32>
        %mul3A_2310 = arith.constant 8.000000e+00 : f32
        %mul3A_2311 = vector.broadcast %mul3A_2310 : f32 to vector<16xf32>
        %mul3A_2312 = arith.mulf %get3A_2309, %mul3A_2311 : vector<16xf32>
        %get3A_2313 = arith.index_cast %add3A_2248 : i32 to index
        %get3A_2314 = arith.constant 48 : index
        %get3A_2315 = tpu.vector_load %arg7[%get3A_2313, %get3A_2314] {strides = array<i32>} : memref<200x64xf32, #tpu.memory_space<vmem>>, vector<1x16xf32>,
        %get3A_2316 = vector.shape_cast %get3A_2315 : vector<1x16xf32> to vector<16xf32>
        %add3A_2317 = arith.addf %mul3A_2312, %get3A_2316 : vector<16xf32>
        %mul3A_2318 = vector.broadcast %squeeze3A_2246 : f32 to vector<16xf32>
        %mul3A_2319 = arith.mulf %add3A_2317, %mul3A_2318 : vector<16xf32>
        %swap3A_2320 = arith.index_cast %add3A_2248 : i32 to index
        %swap3A_2321 = arith.constant 48 : index
        %swap3A_2322 = tpu.vector_load %arg11[%swap3A_2320, %swap3A_2321] {strides = array<i32>} : memref<200x64xf32, #tpu.memory_space<vmem>>, vector<1x16xf32>,
        %swap3A_2323 = vector.shape_cast %swap3A_2322 : vector<1x16xf32> to vector<16xf32>
        %swap3A_2324 = vector.shape_cast %mul3A_2319 : vector<16xf32> to vector<1x16xf32>
        tpu.vector_store %arg11[%swap3A_2320, %swap3A_2321], %swap3A_2324 {strides = array<i32>} : memref<200x64xf32, #tpu.memory_space<vmem>>, vector<1x16xf32>,
        %slice3A_2325 = vector.extract_strided_slice %select_n3A_1604 {offsets = [9], sizes = [1], strides = [1]} : vector<16xf32> to vector<1xf32>
        %squeeze3A_2326 = vector.extract %slice3A_2325[0] : f32 from vector<1xf32>
        %add3A_2327 = arith.constant 9 : i32
        %add3A_2328 = arith.addi %mul3A_1590, %add3A_2327 : i32
        %get3A_2329 = arith.index_cast %add3A_2328 : i32 to index
        %get3A_2330 = arith.constant 0 : index
        %get3A_2331 = tpu.vector_load %arg9[%get3A_2329, %get3A_2330] {strides = array<i32>} : memref<200x64xf32, #tpu.memory_space<vmem>>, vector<1x16xf32>,
        %get3A_2332 = vector.shape_cast %get3A_2331 : vector<1x16xf32> to vector<16xf32>
        %mul3A_2333 = arith.constant 8.000000e+00 : f32
        %mul3A_2334 = vector.broadcast %mul3A_2333 : f32 to vector<16xf32>
        %mul3A_2335 = arith.mulf %get3A_2332, %mul3A_2334 : vector<16xf32>
        %get3A_2336 = arith.index_cast %add3A_2328 : i32 to index
        %get3A_2337 = arith.constant 0 : index
        %get3A_2338 = tpu.vector_load %arg7[%get3A_2336, %get3A_2337] {strides = array<i32>} : memref<200x64xf32, #tpu.memory_space<vmem>>, vector<1x16xf32>,
        %get3A_2339 = vector.shape_cast %get3A_2338 : vector<1x16xf32> to vector<16xf32>
        %add3A_2340 = arith.addf %mul3A_2335, %get3A_2339 : vector<16xf32>
        %mul3A_2341 = vector.broadcast %squeeze3A_2326 : f32 to vector<16xf32>
        %mul3A_2342 = arith.mulf %add3A_2340, %mul3A_2341 : vector<16xf32>
        %swap3A_2343 = arith.index_cast %add3A_2328 : i32 to index
        %swap3A_2344 = arith.constant 0 : index
        %swap3A_2345 = tpu.vector_load %arg11[%swap3A_2343, %swap3A_2344] {strides = array<i32>} : memref<200x64xf32, #tpu.memory_space<vmem>>, vector<1x16xf32>,
        %swap3A_2346 = vector.shape_cast %swap3A_2345 : vector<1x16xf32> to vector<16xf32>
        %swap3A_2347 = vector.shape_cast %mul3A_2342 : vector<16xf32> to vector<1x16xf32>
        tpu.vector_store %arg11[%swap3A_2343, %swap3A_2344], %swap3A_2347 {strides = array<i32>} : memref<200x64xf32, #tpu.memory_space<vmem>>, vector<1x16xf32>,
        %get3A_2348 = arith.index_cast %add3A_2328 : i32 to index
        %get3A_2349 = arith.constant 16 : index
        %get3A_2350 = tpu.vector_load %arg9[%get3A_2348, %get3A_2349] {strides = array<i32>} : memref<200x64xf32, #tpu.memory_space<vmem>>, vector<1x16xf32>,
        %get3A_2351 = vector.shape_cast %get3A_2350 : vector<1x16xf32> to vector<16xf32>
        %mul3A_2352 = arith.constant 8.000000e+00 : f32
        %mul3A_2353 = vector.broadcast %mul3A_2352 : f32 to vector<16xf32>
        %mul3A_2354 = arith.mulf %get3A_2351, %mul3A_2353 : vector<16xf32>
        %get3A_2355 = arith.index_cast %add3A_2328 : i32 to index
        %get3A_2356 = arith.constant 16 : index
        %get3A_2357 = tpu.vector_load %arg7[%get3A_2355, %get3A_2356] {strides = array<i32>} : memref<200x64xf32, #tpu.memory_space<vmem>>, vector<1x16xf32>,
        %get3A_2358 = vector.shape_cast %get3A_2357 : vector<1x16xf32> to vector<16xf32>
        %add3A_2359 = arith.addf %mul3A_2354, %get3A_2358 : vector<16xf32>
        %mul3A_2360 = vector.broadcast %squeeze3A_2326 : f32 to vector<16xf32>
        %mul3A_2361 = arith.mulf %add3A_2359, %mul3A_2360 : vector<16xf32>
        %swap3A_2362 = arith.index_cast %add3A_2328 : i32 to index
        %swap3A_2363 = arith.constant 16 : index
        %swap3A_2364 = tpu.vector_load %arg11[%swap3A_2362, %swap3A_2363] {strides = array<i32>} : memref<200x64xf32, #tpu.memory_space<vmem>>, vector<1x16xf32>,
        %swap3A_2365 = vector.shape_cast %swap3A_2364 : vector<1x16xf32> to vector<16xf32>
        %swap3A_2366 = vector.shape_cast %mul3A_2361 : vector<16xf32> to vector<1x16xf32>
        tpu.vector_store %arg11[%swap3A_2362, %swap3A_2363], %swap3A_2366 {strides = array<i32>} : memref<200x64xf32, #tpu.memory_space<vmem>>, vector<1x16xf32>,
        %get3A_2367 = arith.index_cast %add3A_2328 : i32 to index
        %get3A_2368 = arith.constant 32 : index
        %get3A_2369 = tpu.vector_load %arg9[%get3A_2367, %get3A_2368] {strides = array<i32>} : memref<200x64xf32, #tpu.memory_space<vmem>>, vector<1x16xf32>,
        %get3A_2370 = vector.shape_cast %get3A_2369 : vector<1x16xf32> to vector<16xf32>
        %mul3A_2371 = arith.constant 8.000000e+00 : f32
        %mul3A_2372 = vector.broadcast %mul3A_2371 : f32 to vector<16xf32>
        %mul3A_2373 = arith.mulf %get3A_2370, %mul3A_2372 : vector<16xf32>
        %get3A_2374 = arith.index_cast %add3A_2328 : i32 to index
        %get3A_2375 = arith.constant 32 : index
        %get3A_2376 = tpu.vector_load %arg7[%get3A_2374, %get3A_2375] {strides = array<i32>} : memref<200x64xf32, #tpu.memory_space<vmem>>, vector<1x16xf32>,
        %get3A_2377 = vector.shape_cast %get3A_2376 : vector<1x16xf32> to vector<16xf32>
        %add3A_2378 = arith.addf %mul3A_2373, %get3A_2377 : vector<16xf32>
        %mul3A_2379 = vector.broadcast %squeeze3A_2326 : f32 to vector<16xf32>
        %mul3A_2380 = arith.mulf %add3A_2378, %mul3A_2379 : vector<16xf32>
        %swap3A_2381 = arith.index_cast %add3A_2328 : i32 to index
        %swap3A_2382 = arith.constant 32 : index
        %swap3A_2383 = tpu.vector_load %arg11[%swap3A_2381, %swap3A_2382] {strides = array<i32>} : memref<200x64xf32, #tpu.memory_space<vmem>>, vector<1x16xf32>,
        %swap3A_2384 = vector.shape_cast %swap3A_2383 : vector<1x16xf32> to vector<16xf32>
        %swap3A_2385 = vector.shape_cast %mul3A_2380 : vector<16xf32> to vector<1x16xf32>
        tpu.vector_store %arg11[%swap3A_2381, %swap3A_2382], %swap3A_2385 {strides = array<i32>} : memref<200x64xf32, #tpu.memory_space<vmem>>, vector<1x16xf32>,
        %get3A_2386 = arith.index_cast %add3A_2328 : i32 to index
        %get3A_2387 = arith.constant 48 : index
        %get3A_2388 = tpu.vector_load %arg9[%get3A_2386, %get3A_2387] {strides = array<i32>} : memref<200x64xf32, #tpu.memory_space<vmem>>, vector<1x16xf32>,
        %get3A_2389 = vector.shape_cast %get3A_2388 : vector<1x16xf32> to vector<16xf32>
        %mul3A_2390 = arith.constant 8.000000e+00 : f32
        %mul3A_2391 = vector.broadcast %mul3A_2390 : f32 to vector<16xf32>
        %mul3A_2392 = arith.mulf %get3A_2389, %mul3A_2391 : vector<16xf32>
        %get3A_2393 = arith.index_cast %add3A_2328 : i32 to index
        %get3A_2394 = arith.constant 48 : index
        %get3A_2395 = tpu.vector_load %arg7[%get3A_2393, %get3A_2394] {strides = array<i32>} : memref<200x64xf32, #tpu.memory_space<vmem>>, vector<1x16xf32>,
        %get3A_2396 = vector.shape_cast %get3A_2395 : vector<1x16xf32> to vector<16xf32>
        %add3A_2397 = arith.addf %mul3A_2392, %get3A_2396 : vector<16xf32>
        %mul3A_2398 = vector.broadcast %squeeze3A_2326 : f32 to vector<16xf32>
        %mul3A_2399 = arith.mulf %add3A_2397, %mul3A_2398 : vector<16xf32>
        %swap3A_2400 = arith.index_cast %add3A_2328 : i32 to index
        %swap3A_2401 = arith.constant 48 : index
        %swap3A_2402 = tpu.vector_load %arg11[%swap3A_2400, %swap3A_2401] {strides = array<i32>} : memref<200x64xf32, #tpu.memory_space<vmem>>, vector<1x16xf32>,
        %swap3A_2403 = vector.shape_cast %swap3A_2402 : vector<1x16xf32> to vector<16xf32>
        %swap3A_2404 = vector.shape_cast %mul3A_2399 : vector<16xf32> to vector<1x16xf32>
        tpu.vector_store %arg11[%swap3A_2400, %swap3A_2401], %swap3A_2404 {strides = array<i32>} : memref<200x64xf32, #tpu.memory_space<vmem>>, vector<1x16xf32>,
        %slice3A_2405 = vector.extract_strided_slice %select_n3A_1604 {offsets = [10], sizes = [1], strides = [1]} : vector<16xf32> to vector<1xf32>
        %squeeze3A_2406 = vector.extract %slice3A_2405[0] : f32 from vector<1xf32>
        %add3A_2407 = arith.constant 10 : i32
        %add3A_2408 = arith.addi %mul3A_1590, %add3A_2407 : i32
        %get3A_2409 = arith.index_cast %add3A_2408 : i32 to index
        %get3A_2410 = arith.constant 0 : index
        %get3A_2411 = tpu.vector_load %arg9[%get3A_2409, %get3A_2410] {strides = array<i32>} : memref<200x64xf32, #tpu.memory_space<vmem>>, vector<1x16xf32>,
        %get3A_2412 = vector.shape_cast %get3A_2411 : vector<1x16xf32> to vector<16xf32>
        %mul3A_2413 = arith.constant 8.000000e+00 : f32
        %mul3A_2414 = vector.broadcast %mul3A_2413 : f32 to vector<16xf32>
        %mul3A_2415 = arith.mulf %get3A_2412, %mul3A_2414 : vector<16xf32>
        %get3A_2416 = arith.index_cast %add3A_2408 : i32 to index
        %get3A_2417 = arith.constant 0 : index
        %get3A_2418 = tpu.vector_load %arg7[%get3A_2416, %get3A_2417] {strides = array<i32>} : memref<200x64xf32, #tpu.memory_space<vmem>>, vector<1x16xf32>,
        %get3A_2419 = vector.shape_cast %get3A_2418 : vector<1x16xf32> to vector<16xf32>
        %add3A_2420 = arith.addf %mul3A_2415, %get3A_2419 : vector<16xf32>
        %mul3A_2421 = vector.broadcast %squeeze3A_2406 : f32 to vector<16xf32>
        %mul3A_2422 = arith.mulf %add3A_2420, %mul3A_2421 : vector<16xf32>
        %swap3A_2423 = arith.index_cast %add3A_2408 : i32 to index
        %swap3A_2424 = arith.constant 0 : index
        %swap3A_2425 = tpu.vector_load %arg11[%swap3A_2423, %swap3A_2424] {strides = array<i32>} : memref<200x64xf32, #tpu.memory_space<vmem>>, vector<1x16xf32>,
        %swap3A_2426 = vector.shape_cast %swap3A_2425 : vector<1x16xf32> to vector<16xf32>
        %swap3A_2427 = vector.shape_cast %mul3A_2422 : vector<16xf32> to vector<1x16xf32>
        tpu.vector_store %arg11[%swap3A_2423, %swap3A_2424], %swap3A_2427 {strides = array<i32>} : memref<200x64xf32, #tpu.memory_space<vmem>>, vector<1x16xf32>,
        %get3A_2428 = arith.index_cast %add3A_2408 : i32 to index
        %get3A_2429 = arith.constant 16 : index
        %get3A_2430 = tpu.vector_load %arg9[%get3A_2428, %get3A_2429] {strides = array<i32>} : memref<200x64xf32, #tpu.memory_space<vmem>>, vector<1x16xf32>,
        %get3A_2431 = vector.shape_cast %get3A_2430 : vector<1x16xf32> to vector<16xf32>
        %mul3A_2432 = arith.constant 8.000000e+00 : f32
        %mul3A_2433 = vector.broadcast %mul3A_2432 : f32 to vector<16xf32>
        %mul3A_2434 = arith.mulf %get3A_2431, %mul3A_2433 : vector<16xf32>
        %get3A_2435 = arith.index_cast %add3A_2408 : i32 to index
        %get3A_2436 = arith.constant 16 : index
        %get3A_2437 = tpu.vector_load %arg7[%get3A_2435, %get3A_2436] {strides = array<i32>} : memref<200x64xf32, #tpu.memory_space<vmem>>, vector<1x16xf32>,
        %get3A_2438 = vector.shape_cast %get3A_2437 : vector<1x16xf32> to vector<16xf32>
        %add3A_2439 = arith.addf %mul3A_2434, %get3A_2438 : vector<16xf32>
        %mul3A_2440 = vector.broadcast %squeeze3A_2406 : f32 to vector<16xf32>
        %mul3A_2441 = arith.mulf %add3A_2439, %mul3A_2440 : vector<16xf32>
        %swap3A_2442 = arith.index_cast %add3A_2408 : i32 to index
        %swap3A_2443 = arith.constant 16 : index
        %swap3A_2444 = tpu.vector_load %arg11[%swap3A_2442, %swap3A_2443] {strides = array<i32>} : memref<200x64xf32, #tpu.memory_space<vmem>>, vector<1x16xf32>,
        %swap3A_2445 = vector.shape_cast %swap3A_2444 : vector<1x16xf32> to vector<16xf32>
        %swap3A_2446 = vector.shape_cast %mul3A_2441 : vector<16xf32> to vector<1x16xf32>
        tpu.vector_store %arg11[%swap3A_2442, %swap3A_2443], %swap3A_2446 {strides = array<i32>} : memref<200x64xf32, #tpu.memory_space<vmem>>, vector<1x16xf32>,
        %get3A_2447 = arith.index_cast %add3A_2408 : i32 to index
        %get3A_2448 = arith.constant 32 : index
        %get3A_2449 = tpu.vector_load %arg9[%get3A_2447, %get3A_2448] {strides = array<i32>} : memref<200x64xf32, #tpu.memory_space<vmem>>, vector<1x16xf32>,
        %get3A_2450 = vector.shape_cast %get3A_2449 : vector<1x16xf32> to vector<16xf32>
        %mul3A_2451 = arith.constant 8.000000e+00 : f32
        %mul3A_2452 = vector.broadcast %mul3A_2451 : f32 to vector<16xf32>
        %mul3A_2453 = arith.mulf %get3A_2450, %mul3A_2452 : vector<16xf32>
        %get3A_2454 = arith.index_cast %add3A_2408 : i32 to index
        %get3A_2455 = arith.constant 32 : index
        %get3A_2456 = tpu.vector_load %arg7[%get3A_2454, %get3A_2455] {strides = array<i32>} : memref<200x64xf32, #tpu.memory_space<vmem>>, vector<1x16xf32>,
        %get3A_2457 = vector.shape_cast %get3A_2456 : vector<1x16xf32> to vector<16xf32>
        %add3A_2458 = arith.addf %mul3A_2453, %get3A_2457 : vector<16xf32>
        %mul3A_2459 = vector.broadcast %squeeze3A_2406 : f32 to vector<16xf32>
        %mul3A_2460 = arith.mulf %add3A_2458, %mul3A_2459 : vector<16xf32>
        %swap3A_2461 = arith.index_cast %add3A_2408 : i32 to index
        %swap3A_2462 = arith.constant 32 : index
        %swap3A_2463 = tpu.vector_load %arg11[%swap3A_2461, %swap3A_2462] {strides = array<i32>} : memref<200x64xf32, #tpu.memory_space<vmem>>, vector<1x16xf32>,
        %swap3A_2464 = vector.shape_cast %swap3A_2463 : vector<1x16xf32> to vector<16xf32>
        %swap3A_2465 = vector.shape_cast %mul3A_2460 : vector<16xf32> to vector<1x16xf32>
        tpu.vector_store %arg11[%swap3A_2461, %swap3A_2462], %swap3A_2465 {strides = array<i32>} : memref<200x64xf32, #tpu.memory_space<vmem>>, vector<1x16xf32>,
        %get3A_2466 = arith.index_cast %add3A_2408 : i32 to index
        %get3A_2467 = arith.constant 48 : index
        %get3A_2468 = tpu.vector_load %arg9[%get3A_2466, %get3A_2467] {strides = array<i32>} : memref<200x64xf32, #tpu.memory_space<vmem>>, vector<1x16xf32>,
        %get3A_2469 = vector.shape_cast %get3A_2468 : vector<1x16xf32> to vector<16xf32>
        %mul3A_2470 = arith.constant 8.000000e+00 : f32
        %mul3A_2471 = vector.broadcast %mul3A_2470 : f32 to vector<16xf32>
        %mul3A_2472 = arith.mulf %get3A_2469, %mul3A_2471 : vector<16xf32>
        %get3A_2473 = arith.index_cast %add3A_2408 : i32 to index
        %get3A_2474 = arith.constant 48 : index
        %get3A_2475 = tpu.vector_load %arg7[%get3A_2473, %get3A_2474] {strides = array<i32>} : memref<200x64xf32, #tpu.memory_space<vmem>>, vector<1x16xf32>,
        %get3A_2476 = vector.shape_cast %get3A_2475 : vector<1x16xf32> to vector<16xf32>
        %add3A_2477 = arith.addf %mul3A_2472, %get3A_2476 : vector<16xf32>
        %mul3A_2478 = vector.broadcast %squeeze3A_2406 : f32 to vector<16xf32>
        %mul3A_2479 = arith.mulf %add3A_2477, %mul3A_2478 : vector<16xf32>
        %swap3A_2480 = arith.index_cast %add3A_2408 : i32 to index
        %swap3A_2481 = arith.constant 48 : index
        %swap3A_2482 = tpu.vector_load %arg11[%swap3A_2480, %swap3A_2481] {strides = array<i32>} : memref<200x64xf32, #tpu.memory_space<vmem>>, vector<1x16xf32>,
        %swap3A_2483 = vector.shape_cast %swap3A_2482 : vector<1x16xf32> to vector<16xf32>
        %swap3A_2484 = vector.shape_cast %mul3A_2479 : vector<16xf32> to vector<1x16xf32>
        tpu.vector_store %arg11[%swap3A_2480, %swap3A_2481], %swap3A_2484 {strides = array<i32>} : memref<200x64xf32, #tpu.memory_space<vmem>>, vector<1x16xf32>,
        %slice3A_2485 = vector.extract_strided_slice %select_n3A_1604 {offsets = [11], sizes = [1], strides = [1]} : vector<16xf32> to vector<1xf32>
        %squeeze3A_2486 = vector.extract %slice3A_2485[0] : f32 from vector<1xf32>
        %add3A_2487 = arith.constant 11 : i32
        %add3A_2488 = arith.addi %mul3A_1590, %add3A_2487 : i32
        %get3A_2489 = arith.index_cast %add3A_2488 : i32 to index
        %get3A_2490 = arith.constant 0 : index
        %get3A_2491 = tpu.vector_load %arg9[%get3A_2489, %get3A_2490] {strides = array<i32>} : memref<200x64xf32, #tpu.memory_space<vmem>>, vector<1x16xf32>,
        %get3A_2492 = vector.shape_cast %get3A_2491 : vector<1x16xf32> to vector<16xf32>
        %mul3A_2493 = arith.constant 8.000000e+00 : f32
        %mul3A_2494 = vector.broadcast %mul3A_2493 : f32 to vector<16xf32>
        %mul3A_2495 = arith.mulf %get3A_2492, %mul3A_2494 : vector<16xf32>
        %get3A_2496 = arith.index_cast %add3A_2488 : i32 to index
        %get3A_2497 = arith.constant 0 : index
        %get3A_2498 = tpu.vector_load %arg7[%get3A_2496, %get3A_2497] {strides = array<i32>} : memref<200x64xf32, #tpu.memory_space<vmem>>, vector<1x16xf32>,
        %get3A_2499 = vector.shape_cast %get3A_2498 : vector<1x16xf32> to vector<16xf32>
        %add3A_2500 = arith.addf %mul3A_2495, %get3A_2499 : vector<16xf32>
        %mul3A_2501 = vector.broadcast %squeeze3A_2486 : f32 to vector<16xf32>
        %mul3A_2502 = arith.mulf %add3A_2500, %mul3A_2501 : vector<16xf32>
        %swap3A_2503 = arith.index_cast %add3A_2488 : i32 to index
        %swap3A_2504 = arith.constant 0 : index
        %swap3A_2505 = tpu.vector_load %arg11[%swap3A_2503, %swap3A_2504] {strides = array<i32>} : memref<200x64xf32, #tpu.memory_space<vmem>>, vector<1x16xf32>,
        %swap3A_2506 = vector.shape_cast %swap3A_2505 : vector<1x16xf32> to vector<16xf32>
        %swap3A_2507 = vector.shape_cast %mul3A_2502 : vector<16xf32> to vector<1x16xf32>
        tpu.vector_store %arg11[%swap3A_2503, %swap3A_2504], %swap3A_2507 {strides = array<i32>} : memref<200x64xf32, #tpu.memory_space<vmem>>, vector<1x16xf32>,
        %get3A_2508 = arith.index_cast %add3A_2488 : i32 to index
        %get3A_2509 = arith.constant 16 : index
        %get3A_2510 = tpu.vector_load %arg9[%get3A_2508, %get3A_2509] {strides = array<i32>} : memref<200x64xf32, #tpu.memory_space<vmem>>, vector<1x16xf32>,
        %get3A_2511 = vector.shape_cast %get3A_2510 : vector<1x16xf32> to vector<16xf32>
        %mul3A_2512 = arith.constant 8.000000e+00 : f32
        %mul3A_2513 = vector.broadcast %mul3A_2512 : f32 to vector<16xf32>
        %mul3A_2514 = arith.mulf %get3A_2511, %mul3A_2513 : vector<16xf32>
        %get3A_2515 = arith.index_cast %add3A_2488 : i32 to index
        %get3A_2516 = arith.constant 16 : index
        %get3A_2517 = tpu.vector_load %arg7[%get3A_2515, %get3A_2516] {strides = array<i32>} : memref<200x64xf32, #tpu.memory_space<vmem>>, vector<1x16xf32>,
        %get3A_2518 = vector.shape_cast %get3A_2517 : vector<1x16xf32> to vector<16xf32>
        %add3A_2519 = arith.addf %mul3A_2514, %get3A_2518 : vector<16xf32>
        %mul3A_2520 = vector.broadcast %squeeze3A_2486 : f32 to vector<16xf32>
        %mul3A_2521 = arith.mulf %add3A_2519, %mul3A_2520 : vector<16xf32>
        %swap3A_2522 = arith.index_cast %add3A_2488 : i32 to index
        %swap3A_2523 = arith.constant 16 : index
        %swap3A_2524 = tpu.vector_load %arg11[%swap3A_2522, %swap3A_2523] {strides = array<i32>} : memref<200x64xf32, #tpu.memory_space<vmem>>, vector<1x16xf32>,
        %swap3A_2525 = vector.shape_cast %swap3A_2524 : vector<1x16xf32> to vector<16xf32>
        %swap3A_2526 = vector.shape_cast %mul3A_2521 : vector<16xf32> to vector<1x16xf32>
        tpu.vector_store %arg11[%swap3A_2522, %swap3A_2523], %swap3A_2526 {strides = array<i32>} : memref<200x64xf32, #tpu.memory_space<vmem>>, vector<1x16xf32>,
        %get3A_2527 = arith.index_cast %add3A_2488 : i32 to index
        %get3A_2528 = arith.constant 32 : index
        %get3A_2529 = tpu.vector_load %arg9[%get3A_2527, %get3A_2528] {strides = array<i32>} : memref<200x64xf32, #tpu.memory_space<vmem>>, vector<1x16xf32>,
        %get3A_2530 = vector.shape_cast %get3A_2529 : vector<1x16xf32> to vector<16xf32>
        %mul3A_2531 = arith.constant 8.000000e+00 : f32
        %mul3A_2532 = vector.broadcast %mul3A_2531 : f32 to vector<16xf32>
        %mul3A_2533 = arith.mulf %get3A_2530, %mul3A_2532 : vector<16xf32>
        %get3A_2534 = arith.index_cast %add3A_2488 : i32 to index
        %get3A_2535 = arith.constant 32 : index
        %get3A_2536 = tpu.vector_load %arg7[%get3A_2534, %get3A_2535] {strides = array<i32>} : memref<200x64xf32, #tpu.memory_space<vmem>>, vector<1x16xf32>,
        %get3A_2537 = vector.shape_cast %get3A_2536 : vector<1x16xf32> to vector<16xf32>
        %add3A_2538 = arith.addf %mul3A_2533, %get3A_2537 : vector<16xf32>
        %mul3A_2539 = vector.broadcast %squeeze3A_2486 : f32 to vector<16xf32>
        %mul3A_2540 = arith.mulf %add3A_2538, %mul3A_2539 : vector<16xf32>
        %swap3A_2541 = arith.index_cast %add3A_2488 : i32 to index
        %swap3A_2542 = arith.constant 32 : index
        %swap3A_2543 = tpu.vector_load %arg11[%swap3A_2541, %swap3A_2542] {strides = array<i32>} : memref<200x64xf32, #tpu.memory_space<vmem>>, vector<1x16xf32>,
        %swap3A_2544 = vector.shape_cast %swap3A_2543 : vector<1x16xf32> to vector<16xf32>
        %swap3A_2545 = vector.shape_cast %mul3A_2540 : vector<16xf32> to vector<1x16xf32>
        tpu.vector_store %arg11[%swap3A_2541, %swap3A_2542], %swap3A_2545 {strides = array<i32>} : memref<200x64xf32, #tpu.memory_space<vmem>>, vector<1x16xf32>,
        %get3A_2546 = arith.index_cast %add3A_2488 : i32 to index
        %get3A_2547 = arith.constant 48 : index
        %get3A_2548 = tpu.vector_load %arg9[%get3A_2546, %get3A_2547] {strides = array<i32>} : memref<200x64xf32, #tpu.memory_space<vmem>>, vector<1x16xf32>,
        %get3A_2549 = vector.shape_cast %get3A_2548 : vector<1x16xf32> to vector<16xf32>
        %mul3A_2550 = arith.constant 8.000000e+00 : f32
        %mul3A_2551 = vector.broadcast %mul3A_2550 : f32 to vector<16xf32>
        %mul3A_2552 = arith.mulf %get3A_2549, %mul3A_2551 : vector<16xf32>
        %get3A_2553 = arith.index_cast %add3A_2488 : i32 to index
        %get3A_2554 = arith.constant 48 : index
        %get3A_2555 = tpu.vector_load %arg7[%get3A_2553, %get3A_2554] {strides = array<i32>} : memref<200x64xf32, #tpu.memory_space<vmem>>, vector<1x16xf32>,
        %get3A_2556 = vector.shape_cast %get3A_2555 : vector<1x16xf32> to vector<16xf32>
        %add3A_2557 = arith.addf %mul3A_2552, %get3A_2556 : vector<16xf32>
        %mul3A_2558 = vector.broadcast %squeeze3A_2486 : f32 to vector<16xf32>
        %mul3A_2559 = arith.mulf %add3A_2557, %mul3A_2558 : vector<16xf32>
        %swap3A_2560 = arith.index_cast %add3A_2488 : i32 to index
        %swap3A_2561 = arith.constant 48 : index
        %swap3A_2562 = tpu.vector_load %arg11[%swap3A_2560, %swap3A_2561] {strides = array<i32>} : memref<200x64xf32, #tpu.memory_space<vmem>>, vector<1x16xf32>,
        %swap3A_2563 = vector.shape_cast %swap3A_2562 : vector<1x16xf32> to vector<16xf32>
        %swap3A_2564 = vector.shape_cast %mul3A_2559 : vector<16xf32> to vector<1x16xf32>
        tpu.vector_store %arg11[%swap3A_2560, %swap3A_2561], %swap3A_2564 {strides = array<i32>} : memref<200x64xf32, #tpu.memory_space<vmem>>, vector<1x16xf32>,
        %slice3A_2565 = vector.extract_strided_slice %select_n3A_1604 {offsets = [12], sizes = [1], strides = [1]} : vector<16xf32> to vector<1xf32>
        %squeeze3A_2566 = vector.extract %slice3A_2565[0] : f32 from vector<1xf32>
        %add3A_2567 = arith.constant 12 : i32
        %add3A_2568 = arith.addi %mul3A_1590, %add3A_2567 : i32
        %get3A_2569 = arith.index_cast %add3A_2568 : i32 to index
        %get3A_2570 = arith.constant 0 : index
        %get3A_2571 = tpu.vector_load %arg9[%get3A_2569, %get3A_2570] {strides = array<i32>} : memref<200x64xf32, #tpu.memory_space<vmem>>, vector<1x16xf32>,
        %get3A_2572 = vector.shape_cast %get3A_2571 : vector<1x16xf32> to vector<16xf32>
        %mul3A_2573 = arith.constant 8.000000e+00 : f32
        %mul3A_2574 = vector.broadcast %mul3A_2573 : f32 to vector<16xf32>
        %mul3A_2575 = arith.mulf %get3A_2572, %mul3A_2574 : vector<16xf32>
        %get3A_2576 = arith.index_cast %add3A_2568 : i32 to index
        %get3A_2577 = arith.constant 0 : index
        %get3A_2578 = tpu.vector_load %arg7[%get3A_2576, %get3A_2577] {strides = array<i32>} : memref<200x64xf32, #tpu.memory_space<vmem>>, vector<1x16xf32>,
        %get3A_2579 = vector.shape_cast %get3A_2578 : vector<1x16xf32> to vector<16xf32>
        %add3A_2580 = arith.addf %mul3A_2575, %get3A_2579 : vector<16xf32>
        %mul3A_2581 = vector.broadcast %squeeze3A_2566 : f32 to vector<16xf32>
        %mul3A_2582 = arith.mulf %add3A_2580, %mul3A_2581 : vector<16xf32>
        %swap3A_2583 = arith.index_cast %add3A_2568 : i32 to index
        %swap3A_2584 = arith.constant 0 : index
        %swap3A_2585 = tpu.vector_load %arg11[%swap3A_2583, %swap3A_2584] {strides = array<i32>} : memref<200x64xf32, #tpu.memory_space<vmem>>, vector<1x16xf32>,
        %swap3A_2586 = vector.shape_cast %swap3A_2585 : vector<1x16xf32> to vector<16xf32>
        %swap3A_2587 = vector.shape_cast %mul3A_2582 : vector<16xf32> to vector<1x16xf32>
        tpu.vector_store %arg11[%swap3A_2583, %swap3A_2584], %swap3A_2587 {strides = array<i32>} : memref<200x64xf32, #tpu.memory_space<vmem>>, vector<1x16xf32>,
        %get3A_2588 = arith.index_cast %add3A_2568 : i32 to index
        %get3A_2589 = arith.constant 16 : index
        %get3A_2590 = tpu.vector_load %arg9[%get3A_2588, %get3A_2589] {strides = array<i32>} : memref<200x64xf32, #tpu.memory_space<vmem>>, vector<1x16xf32>,
        %get3A_2591 = vector.shape_cast %get3A_2590 : vector<1x16xf32> to vector<16xf32>
        %mul3A_2592 = arith.constant 8.000000e+00 : f32
        %mul3A_2593 = vector.broadcast %mul3A_2592 : f32 to vector<16xf32>
        %mul3A_2594 = arith.mulf %get3A_2591, %mul3A_2593 : vector<16xf32>
        %get3A_2595 = arith.index_cast %add3A_2568 : i32 to index
        %get3A_2596 = arith.constant 16 : index
        %get3A_2597 = tpu.vector_load %arg7[%get3A_2595, %get3A_2596] {strides = array<i32>} : memref<200x64xf32, #tpu.memory_space<vmem>>, vector<1x16xf32>,
        %get3A_2598 = vector.shape_cast %get3A_2597 : vector<1x16xf32> to vector<16xf32>
        %add3A_2599 = arith.addf %mul3A_2594, %get3A_2598 : vector<16xf32>
        %mul3A_2600 = vector.broadcast %squeeze3A_2566 : f32 to vector<16xf32>
        %mul3A_2601 = arith.mulf %add3A_2599, %mul3A_2600 : vector<16xf32>
        %swap3A_2602 = arith.index_cast %add3A_2568 : i32 to index
        %swap3A_2603 = arith.constant 16 : index
        %swap3A_2604 = tpu.vector_load %arg11[%swap3A_2602, %swap3A_2603] {strides = array<i32>} : memref<200x64xf32, #tpu.memory_space<vmem>>, vector<1x16xf32>,
        %swap3A_2605 = vector.shape_cast %swap3A_2604 : vector<1x16xf32> to vector<16xf32>
        %swap3A_2606 = vector.shape_cast %mul3A_2601 : vector<16xf32> to vector<1x16xf32>
        tpu.vector_store %arg11[%swap3A_2602, %swap3A_2603], %swap3A_2606 {strides = array<i32>} : memref<200x64xf32, #tpu.memory_space<vmem>>, vector<1x16xf32>,
        %get3A_2607 = arith.index_cast %add3A_2568 : i32 to index
        %get3A_2608 = arith.constant 32 : index
        %get3A_2609 = tpu.vector_load %arg9[%get3A_2607, %get3A_2608] {strides = array<i32>} : memref<200x64xf32, #tpu.memory_space<vmem>>, vector<1x16xf32>,
        %get3A_2610 = vector.shape_cast %get3A_2609 : vector<1x16xf32> to vector<16xf32>
        %mul3A_2611 = arith.constant 8.000000e+00 : f32
        %mul3A_2612 = vector.broadcast %mul3A_2611 : f32 to vector<16xf32>
        %mul3A_2613 = arith.mulf %get3A_2610, %mul3A_2612 : vector<16xf32>
        %get3A_2614 = arith.index_cast %add3A_2568 : i32 to index
        %get3A_2615 = arith.constant 32 : index
        %get3A_2616 = tpu.vector_load %arg7[%get3A_2614, %get3A_2615] {strides = array<i32>} : memref<200x64xf32, #tpu.memory_space<vmem>>, vector<1x16xf32>,
        %get3A_2617 = vector.shape_cast %get3A_2616 : vector<1x16xf32> to vector<16xf32>
        %add3A_2618 = arith.addf %mul3A_2613, %get3A_2617 : vector<16xf32>
        %mul3A_2619 = vector.broadcast %squeeze3A_2566 : f32 to vector<16xf32>
        %mul3A_2620 = arith.mulf %add3A_2618, %mul3A_2619 : vector<16xf32>
        %swap3A_2621 = arith.index_cast %add3A_2568 : i32 to index
        %swap3A_2622 = arith.constant 32 : index
        %swap3A_2623 = tpu.vector_load %arg11[%swap3A_2621, %swap3A_2622] {strides = array<i32>} : memref<200x64xf32, #tpu.memory_space<vmem>>, vector<1x16xf32>,
        %swap3A_2624 = vector.shape_cast %swap3A_2623 : vector<1x16xf32> to vector<16xf32>
        %swap3A_2625 = vector.shape_cast %mul3A_2620 : vector<16xf32> to vector<1x16xf32>
        tpu.vector_store %arg11[%swap3A_2621, %swap3A_2622], %swap3A_2625 {strides = array<i32>} : memref<200x64xf32, #tpu.memory_space<vmem>>, vector<1x16xf32>,
        %get3A_2626 = arith.index_cast %add3A_2568 : i32 to index
        %get3A_2627 = arith.constant 48 : index
        %get3A_2628 = tpu.vector_load %arg9[%get3A_2626, %get3A_2627] {strides = array<i32>} : memref<200x64xf32, #tpu.memory_space<vmem>>, vector<1x16xf32>,
        %get3A_2629 = vector.shape_cast %get3A_2628 : vector<1x16xf32> to vector<16xf32>
        %mul3A_2630 = arith.constant 8.000000e+00 : f32
        %mul3A_2631 = vector.broadcast %mul3A_2630 : f32 to vector<16xf32>
        %mul3A_2632 = arith.mulf %get3A_2629, %mul3A_2631 : vector<16xf32>
        %get3A_2633 = arith.index_cast %add3A_2568 : i32 to index
        %get3A_2634 = arith.constant 48 : index
        %get3A_2635 = tpu.vector_load %arg7[%get3A_2633, %get3A_2634] {strides = array<i32>} : memref<200x64xf32, #tpu.memory_space<vmem>>, vector<1x16xf32>,
        %get3A_2636 = vector.shape_cast %get3A_2635 : vector<1x16xf32> to vector<16xf32>
        %add3A_2637 = arith.addf %mul3A_2632, %get3A_2636 : vector<16xf32>
        %mul3A_2638 = vector.broadcast %squeeze3A_2566 : f32 to vector<16xf32>
        %mul3A_2639 = arith.mulf %add3A_2637, %mul3A_2638 : vector<16xf32>
        %swap3A_2640 = arith.index_cast %add3A_2568 : i32 to index
        %swap3A_2641 = arith.constant 48 : index
        %swap3A_2642 = tpu.vector_load %arg11[%swap3A_2640, %swap3A_2641] {strides = array<i32>} : memref<200x64xf32, #tpu.memory_space<vmem>>, vector<1x16xf32>,
        %swap3A_2643 = vector.shape_cast %swap3A_2642 : vector<1x16xf32> to vector<16xf32>
        %swap3A_2644 = vector.shape_cast %mul3A_2639 : vector<16xf32> to vector<1x16xf32>
        tpu.vector_store %arg11[%swap3A_2640, %swap3A_2641], %swap3A_2644 {strides = array<i32>} : memref<200x64xf32, #tpu.memory_space<vmem>>, vector<1x16xf32>,
        %slice3A_2645 = vector.extract_strided_slice %select_n3A_1604 {offsets = [13], sizes = [1], strides = [1]} : vector<16xf32> to vector<1xf32>
        %squeeze3A_2646 = vector.extract %slice3A_2645[0] : f32 from vector<1xf32>
        %add3A_2647 = arith.constant 13 : i32
        %add3A_2648 = arith.addi %mul3A_1590, %add3A_2647 : i32
        %get3A_2649 = arith.index_cast %add3A_2648 : i32 to index
        %get3A_2650 = arith.constant 0 : index
        %get3A_2651 = tpu.vector_load %arg9[%get3A_2649, %get3A_2650] {strides = array<i32>} : memref<200x64xf32, #tpu.memory_space<vmem>>, vector<1x16xf32>,
        %get3A_2652 = vector.shape_cast %get3A_2651 : vector<1x16xf32> to vector<16xf32>
        %mul3A_2653 = arith.constant 8.000000e+00 : f32
        %mul3A_2654 = vector.broadcast %mul3A_2653 : f32 to vector<16xf32>
        %mul3A_2655 = arith.mulf %get3A_2652, %mul3A_2654 : vector<16xf32>
        %get3A_2656 = arith.index_cast %add3A_2648 : i32 to index
        %get3A_2657 = arith.constant 0 : index
        %get3A_2658 = tpu.vector_load %arg7[%get3A_2656, %get3A_2657] {strides = array<i32>} : memref<200x64xf32, #tpu.memory_space<vmem>>, vector<1x16xf32>,
        %get3A_2659 = vector.shape_cast %get3A_2658 : vector<1x16xf32> to vector<16xf32>
        %add3A_2660 = arith.addf %mul3A_2655, %get3A_2659 : vector<16xf32>
        %mul3A_2661 = vector.broadcast %squeeze3A_2646 : f32 to vector<16xf32>
        %mul3A_2662 = arith.mulf %add3A_2660, %mul3A_2661 : vector<16xf32>
        %swap3A_2663 = arith.index_cast %add3A_2648 : i32 to index
        %swap3A_2664 = arith.constant 0 : index
        %swap3A_2665 = tpu.vector_load %arg11[%swap3A_2663, %swap3A_2664] {strides = array<i32>} : memref<200x64xf32, #tpu.memory_space<vmem>>, vector<1x16xf32>,
        %swap3A_2666 = vector.shape_cast %swap3A_2665 : vector<1x16xf32> to vector<16xf32>
        %swap3A_2667 = vector.shape_cast %mul3A_2662 : vector<16xf32> to vector<1x16xf32>
        tpu.vector_store %arg11[%swap3A_2663, %swap3A_2664], %swap3A_2667 {strides = array<i32>} : memref<200x64xf32, #tpu.memory_space<vmem>>, vector<1x16xf32>,
        %get3A_2668 = arith.index_cast %add3A_2648 : i32 to index
        %get3A_2669 = arith.constant 16 : index
        %get3A_2670 = tpu.vector_load %arg9[%get3A_2668, %get3A_2669] {strides = array<i32>} : memref<200x64xf32, #tpu.memory_space<vmem>>, vector<1x16xf32>,
        %get3A_2671 = vector.shape_cast %get3A_2670 : vector<1x16xf32> to vector<16xf32>
        %mul3A_2672 = arith.constant 8.000000e+00 : f32
        %mul3A_2673 = vector.broadcast %mul3A_2672 : f32 to vector<16xf32>
        %mul3A_2674 = arith.mulf %get3A_2671, %mul3A_2673 : vector<16xf32>
        %get3A_2675 = arith.index_cast %add3A_2648 : i32 to index
        %get3A_2676 = arith.constant 16 : index
        %get3A_2677 = tpu.vector_load %arg7[%get3A_2675, %get3A_2676] {strides = array<i32>} : memref<200x64xf32, #tpu.memory_space<vmem>>, vector<1x16xf32>,
        %get3A_2678 = vector.shape_cast %get3A_2677 : vector<1x16xf32> to vector<16xf32>
        %add3A_2679 = arith.addf %mul3A_2674, %get3A_2678 : vector<16xf32>
        %mul3A_2680 = vector.broadcast %squeeze3A_2646 : f32 to vector<16xf32>
        %mul3A_2681 = arith.mulf %add3A_2679, %mul3A_2680 : vector<16xf32>
        %swap3A_2682 = arith.index_cast %add3A_2648 : i32 to index
        %swap3A_2683 = arith.constant 16 : index
        %swap3A_2684 = tpu.vector_load %arg11[%swap3A_2682, %swap3A_2683] {strides = array<i32>} : memref<200x64xf32, #tpu.memory_space<vmem>>, vector<1x16xf32>,
        %swap3A_2685 = vector.shape_cast %swap3A_2684 : vector<1x16xf32> to vector<16xf32>
        %swap3A_2686 = vector.shape_cast %mul3A_2681 : vector<16xf32> to vector<1x16xf32>
        tpu.vector_store %arg11[%swap3A_2682, %swap3A_2683], %swap3A_2686 {strides = array<i32>} : memref<200x64xf32, #tpu.memory_space<vmem>>, vector<1x16xf32>,
        %get3A_2687 = arith.index_cast %add3A_2648 : i32 to index
        %get3A_2688 = arith.constant 32 : index
        %get3A_2689 = tpu.vector_load %arg9[%get3A_2687, %get3A_2688] {strides = array<i32>} : memref<200x64xf32, #tpu.memory_space<vmem>>, vector<1x16xf32>,
        %get3A_2690 = vector.shape_cast %get3A_2689 : vector<1x16xf32> to vector<16xf32>
        %mul3A_2691 = arith.constant 8.000000e+00 : f32
        %mul3A_2692 = vector.broadcast %mul3A_2691 : f32 to vector<16xf32>
        %mul3A_2693 = arith.mulf %get3A_2690, %mul3A_2692 : vector<16xf32>
        %get3A_2694 = arith.index_cast %add3A_2648 : i32 to index
        %get3A_2695 = arith.constant 32 : index
        %get3A_2696 = tpu.vector_load %arg7[%get3A_2694, %get3A_2695] {strides = array<i32>} : memref<200x64xf32, #tpu.memory_space<vmem>>, vector<1x16xf32>,
        %get3A_2697 = vector.shape_cast %get3A_2696 : vector<1x16xf32> to vector<16xf32>
        %add3A_2698 = arith.addf %mul3A_2693, %get3A_2697 : vector<16xf32>
        %mul3A_2699 = vector.broadcast %squeeze3A_2646 : f32 to vector<16xf32>
        %mul3A_2700 = arith.mulf %add3A_2698, %mul3A_2699 : vector<16xf32>
        %swap3A_2701 = arith.index_cast %add3A_2648 : i32 to index
        %swap3A_2702 = arith.constant 32 : index
        %swap3A_2703 = tpu.vector_load %arg11[%swap3A_2701, %swap3A_2702] {strides = array<i32>} : memref<200x64xf32, #tpu.memory_space<vmem>>, vector<1x16xf32>,
        %swap3A_2704 = vector.shape_cast %swap3A_2703 : vector<1x16xf32> to vector<16xf32>
        %swap3A_2705 = vector.shape_cast %mul3A_2700 : vector<16xf32> to vector<1x16xf32>
        tpu.vector_store %arg11[%swap3A_2701, %swap3A_2702], %swap3A_2705 {strides = array<i32>} : memref<200x64xf32, #tpu.memory_space<vmem>>, vector<1x16xf32>,
        %get3A_2706 = arith.index_cast %add3A_2648 : i32 to index
        %get3A_2707 = arith.constant 48 : index
        %get3A_2708 = tpu.vector_load %arg9[%get3A_2706, %get3A_2707] {strides = array<i32>} : memref<200x64xf32, #tpu.memory_space<vmem>>, vector<1x16xf32>,
        %get3A_2709 = vector.shape_cast %get3A_2708 : vector<1x16xf32> to vector<16xf32>
        %mul3A_2710 = arith.constant 8.000000e+00 : f32
        %mul3A_2711 = vector.broadcast %mul3A_2710 : f32 to vector<16xf32>
        %mul3A_2712 = arith.mulf %get3A_2709, %mul3A_2711 : vector<16xf32>
        %get3A_2713 = arith.index_cast %add3A_2648 : i32 to index
        %get3A_2714 = arith.constant 48 : index
        %get3A_2715 = tpu.vector_load %arg7[%get3A_2713, %get3A_2714] {strides = array<i32>} : memref<200x64xf32, #tpu.memory_space<vmem>>, vector<1x16xf32>,
        %get3A_2716 = vector.shape_cast %get3A_2715 : vector<1x16xf32> to vector<16xf32>
        %add3A_2717 = arith.addf %mul3A_2712, %get3A_2716 : vector<16xf32>
        %mul3A_2718 = vector.broadcast %squeeze3A_2646 : f32 to vector<16xf32>
        %mul3A_2719 = arith.mulf %add3A_2717, %mul3A_2718 : vector<16xf32>
        %swap3A_2720 = arith.index_cast %add3A_2648 : i32 to index
        %swap3A_2721 = arith.constant 48 : index
        %swap3A_2722 = tpu.vector_load %arg11[%swap3A_2720, %swap3A_2721] {strides = array<i32>} : memref<200x64xf32, #tpu.memory_space<vmem>>, vector<1x16xf32>,
        %swap3A_2723 = vector.shape_cast %swap3A_2722 : vector<1x16xf32> to vector<16xf32>
        %swap3A_2724 = vector.shape_cast %mul3A_2719 : vector<16xf32> to vector<1x16xf32>
        tpu.vector_store %arg11[%swap3A_2720, %swap3A_2721], %swap3A_2724 {strides = array<i32>} : memref<200x64xf32, #tpu.memory_space<vmem>>, vector<1x16xf32>,
        %slice3A_2725 = vector.extract_strided_slice %select_n3A_1604 {offsets = [14], sizes = [1], strides = [1]} : vector<16xf32> to vector<1xf32>
        %squeeze3A_2726 = vector.extract %slice3A_2725[0] : f32 from vector<1xf32>
        %add3A_2727 = arith.constant 14 : i32
        %add3A_2728 = arith.addi %mul3A_1590, %add3A_2727 : i32
        %get3A_2729 = arith.index_cast %add3A_2728 : i32 to index
        %get3A_2730 = arith.constant 0 : index
        %get3A_2731 = tpu.vector_load %arg9[%get3A_2729, %get3A_2730] {strides = array<i32>} : memref<200x64xf32, #tpu.memory_space<vmem>>, vector<1x16xf32>,
        %get3A_2732 = vector.shape_cast %get3A_2731 : vector<1x16xf32> to vector<16xf32>
        %mul3A_2733 = arith.constant 8.000000e+00 : f32
        %mul3A_2734 = vector.broadcast %mul3A_2733 : f32 to vector<16xf32>
        %mul3A_2735 = arith.mulf %get3A_2732, %mul3A_2734 : vector<16xf32>
        %get3A_2736 = arith.index_cast %add3A_2728 : i32 to index
        %get3A_2737 = arith.constant 0 : index
        %get3A_2738 = tpu.vector_load %arg7[%get3A_2736, %get3A_2737] {strides = array<i32>} : memref<200x64xf32, #tpu.memory_space<vmem>>, vector<1x16xf32>,
        %get3A_2739 = vector.shape_cast %get3A_2738 : vector<1x16xf32> to vector<16xf32>
        %add3A_2740 = arith.addf %mul3A_2735, %get3A_2739 : vector<16xf32>
        %mul3A_2741 = vector.broadcast %squeeze3A_2726 : f32 to vector<16xf32>
        %mul3A_2742 = arith.mulf %add3A_2740, %mul3A_2741 : vector<16xf32>
        %swap3A_2743 = arith.index_cast %add3A_2728 : i32 to index
        %swap3A_2744 = arith.constant 0 : index
        %swap3A_2745 = tpu.vector_load %arg11[%swap3A_2743, %swap3A_2744] {strides = array<i32>} : memref<200x64xf32, #tpu.memory_space<vmem>>, vector<1x16xf32>,
        %swap3A_2746 = vector.shape_cast %swap3A_2745 : vector<1x16xf32> to vector<16xf32>
        %swap3A_2747 = vector.shape_cast %mul3A_2742 : vector<16xf32> to vector<1x16xf32>
        tpu.vector_store %arg11[%swap3A_2743, %swap3A_2744], %swap3A_2747 {strides = array<i32>} : memref<200x64xf32, #tpu.memory_space<vmem>>, vector<1x16xf32>,
        %get3A_2748 = arith.index_cast %add3A_2728 : i32 to index
        %get3A_2749 = arith.constant 16 : index
        %get3A_2750 = tpu.vector_load %arg9[%get3A_2748, %get3A_2749] {strides = array<i32>} : memref<200x64xf32, #tpu.memory_space<vmem>>, vector<1x16xf32>,
        %get3A_2751 = vector.shape_cast %get3A_2750 : vector<1x16xf32> to vector<16xf32>
        %mul3A_2752 = arith.constant 8.000000e+00 : f32
        %mul3A_2753 = vector.broadcast %mul3A_2752 : f32 to vector<16xf32>
        %mul3A_2754 = arith.mulf %get3A_2751, %mul3A_2753 : vector<16xf32>
        %get3A_2755 = arith.index_cast %add3A_2728 : i32 to index
        %get3A_2756 = arith.constant 16 : index
        %get3A_2757 = tpu.vector_load %arg7[%get3A_2755, %get3A_2756] {strides = array<i32>} : memref<200x64xf32, #tpu.memory_space<vmem>>, vector<1x16xf32>,
        %get3A_2758 = vector.shape_cast %get3A_2757 : vector<1x16xf32> to vector<16xf32>
        %add3A_2759 = arith.addf %mul3A_2754, %get3A_2758 : vector<16xf32>
        %mul3A_2760 = vector.broadcast %squeeze3A_2726 : f32 to vector<16xf32>
        %mul3A_2761 = arith.mulf %add3A_2759, %mul3A_2760 : vector<16xf32>
        %swap3A_2762 = arith.index_cast %add3A_2728 : i32 to index
        %swap3A_2763 = arith.constant 16 : index
        %swap3A_2764 = tpu.vector_load %arg11[%swap3A_2762, %swap3A_2763] {strides = array<i32>} : memref<200x64xf32, #tpu.memory_space<vmem>>, vector<1x16xf32>,
        %swap3A_2765 = vector.shape_cast %swap3A_2764 : vector<1x16xf32> to vector<16xf32>
        %swap3A_2766 = vector.shape_cast %mul3A_2761 : vector<16xf32> to vector<1x16xf32>
        tpu.vector_store %arg11[%swap3A_2762, %swap3A_2763], %swap3A_2766 {strides = array<i32>} : memref<200x64xf32, #tpu.memory_space<vmem>>, vector<1x16xf32>,
        %get3A_2767 = arith.index_cast %add3A_2728 : i32 to index
        %get3A_2768 = arith.constant 32 : index
        %get3A_2769 = tpu.vector_load %arg9[%get3A_2767, %get3A_2768] {strides = array<i32>} : memref<200x64xf32, #tpu.memory_space<vmem>>, vector<1x16xf32>,
        %get3A_2770 = vector.shape_cast %get3A_2769 : vector<1x16xf32> to vector<16xf32>
        %mul3A_2771 = arith.constant 8.000000e+00 : f32
        %mul3A_2772 = vector.broadcast %mul3A_2771 : f32 to vector<16xf32>
        %mul3A_2773 = arith.mulf %get3A_2770, %mul3A_2772 : vector<16xf32>
        %get3A_2774 = arith.index_cast %add3A_2728 : i32 to index
        %get3A_2775 = arith.constant 32 : index
        %get3A_2776 = tpu.vector_load %arg7[%get3A_2774, %get3A_2775] {strides = array<i32>} : memref<200x64xf32, #tpu.memory_space<vmem>>, vector<1x16xf32>,
        %get3A_2777 = vector.shape_cast %get3A_2776 : vector<1x16xf32> to vector<16xf32>
        %add3A_2778 = arith.addf %mul3A_2773, %get3A_2777 : vector<16xf32>
        %mul3A_2779 = vector.broadcast %squeeze3A_2726 : f32 to vector<16xf32>
        %mul3A_2780 = arith.mulf %add3A_2778, %mul3A_2779 : vector<16xf32>
        %swap3A_2781 = arith.index_cast %add3A_2728 : i32 to index
        %swap3A_2782 = arith.constant 32 : index
        %swap3A_2783 = tpu.vector_load %arg11[%swap3A_2781, %swap3A_2782] {strides = array<i32>} : memref<200x64xf32, #tpu.memory_space<vmem>>, vector<1x16xf32>,
        %swap3A_2784 = vector.shape_cast %swap3A_2783 : vector<1x16xf32> to vector<16xf32>
        %swap3A_2785 = vector.shape_cast %mul3A_2780 : vector<16xf32> to vector<1x16xf32>
        tpu.vector_store %arg11[%swap3A_2781, %swap3A_2782], %swap3A_2785 {strides = array<i32>} : memref<200x64xf32, #tpu.memory_space<vmem>>, vector<1x16xf32>,
        %get3A_2786 = arith.index_cast %add3A_2728 : i32 to index
        %get3A_2787 = arith.constant 48 : index
        %get3A_2788 = tpu.vector_load %arg9[%get3A_2786, %get3A_2787] {strides = array<i32>} : memref<200x64xf32, #tpu.memory_space<vmem>>, vector<1x16xf32>,
        %get3A_2789 = vector.shape_cast %get3A_2788 : vector<1x16xf32> to vector<16xf32>
        %mul3A_2790 = arith.constant 8.000000e+00 : f32
        %mul3A_2791 = vector.broadcast %mul3A_2790 : f32 to vector<16xf32>
        %mul3A_2792 = arith.mulf %get3A_2789, %mul3A_2791 : vector<16xf32>
        %get3A_2793 = arith.index_cast %add3A_2728 : i32 to index
        %get3A_2794 = arith.constant 48 : index
        %get3A_2795 = tpu.vector_load %arg7[%get3A_2793, %get3A_2794] {strides = array<i32>} : memref<200x64xf32, #tpu.memory_space<vmem>>, vector<1x16xf32>,
        %get3A_2796 = vector.shape_cast %get3A_2795 : vector<1x16xf32> to vector<16xf32>
        %add3A_2797 = arith.addf %mul3A_2792, %get3A_2796 : vector<16xf32>
        %mul3A_2798 = vector.broadcast %squeeze3A_2726 : f32 to vector<16xf32>
        %mul3A_2799 = arith.mulf %add3A_2797, %mul3A_2798 : vector<16xf32>
        %swap3A_2800 = arith.index_cast %add3A_2728 : i32 to index
        %swap3A_2801 = arith.constant 48 : index
        %swap3A_2802 = tpu.vector_load %arg11[%swap3A_2800, %swap3A_2801] {strides = array<i32>} : memref<200x64xf32, #tpu.memory_space<vmem>>, vector<1x16xf32>,
        %swap3A_2803 = vector.shape_cast %swap3A_2802 : vector<1x16xf32> to vector<16xf32>
        %swap3A_2804 = vector.shape_cast %mul3A_2799 : vector<16xf32> to vector<1x16xf32>
        tpu.vector_store %arg11[%swap3A_2800, %swap3A_2801], %swap3A_2804 {strides = array<i32>} : memref<200x64xf32, #tpu.memory_space<vmem>>, vector<1x16xf32>,
        %slice3A_2805 = vector.extract_strided_slice %select_n3A_1604 {offsets = [15], sizes = [1], strides = [1]} : vector<16xf32> to vector<1xf32>
        %squeeze3A_2806 = vector.extract %slice3A_2805[0] : f32 from vector<1xf32>
        %add3A_2807 = arith.constant 15 : i32
        %add3A_2808 = arith.addi %mul3A_1590, %add3A_2807 : i32
        %get3A_2809 = arith.index_cast %add3A_2808 : i32 to index
        %get3A_2810 = arith.constant 0 : index
        %get3A_2811 = tpu.vector_load %arg9[%get3A_2809, %get3A_2810] {strides = array<i32>} : memref<200x64xf32, #tpu.memory_space<vmem>>, vector<1x16xf32>,
        %get3A_2812 = vector.shape_cast %get3A_2811 : vector<1x16xf32> to vector<16xf32>
        %mul3A_2813 = arith.constant 8.000000e+00 : f32
        %mul3A_2814 = vector.broadcast %mul3A_2813 : f32 to vector<16xf32>
        %mul3A_2815 = arith.mulf %get3A_2812, %mul3A_2814 : vector<16xf32>
        %get3A_2816 = arith.index_cast %add3A_2808 : i32 to index
        %get3A_2817 = arith.constant 0 : index
        %get3A_2818 = tpu.vector_load %arg7[%get3A_2816, %get3A_2817] {strides = array<i32>} : memref<200x64xf32, #tpu.memory_space<vmem>>, vector<1x16xf32>,
        %get3A_2819 = vector.shape_cast %get3A_2818 : vector<1x16xf32> to vector<16xf32>
        %add3A_2820 = arith.addf %mul3A_2815, %get3A_2819 : vector<16xf32>
        %mul3A_2821 = vector.broadcast %squeeze3A_2806 : f32 to vector<16xf32>
        %mul3A_2822 = arith.mulf %add3A_2820, %mul3A_2821 : vector<16xf32>
        %swap3A_2823 = arith.index_cast %add3A_2808 : i32 to index
        %swap3A_2824 = arith.constant 0 : index
        %swap3A_2825 = tpu.vector_load %arg11[%swap3A_2823, %swap3A_2824] {strides = array<i32>} : memref<200x64xf32, #tpu.memory_space<vmem>>, vector<1x16xf32>,
        %swap3A_2826 = vector.shape_cast %swap3A_2825 : vector<1x16xf32> to vector<16xf32>
        %swap3A_2827 = vector.shape_cast %mul3A_2822 : vector<16xf32> to vector<1x16xf32>
        tpu.vector_store %arg11[%swap3A_2823, %swap3A_2824], %swap3A_2827 {strides = array<i32>} : memref<200x64xf32, #tpu.memory_space<vmem>>, vector<1x16xf32>,
        %get3A_2828 = arith.index_cast %add3A_2808 : i32 to index
        %get3A_2829 = arith.constant 16 : index
        %get3A_2830 = tpu.vector_load %arg9[%get3A_2828, %get3A_2829] {strides = array<i32>} : memref<200x64xf32, #tpu.memory_space<vmem>>, vector<1x16xf32>,
        %get3A_2831 = vector.shape_cast %get3A_2830 : vector<1x16xf32> to vector<16xf32>
        %mul3A_2832 = arith.constant 8.000000e+00 : f32
        %mul3A_2833 = vector.broadcast %mul3A_2832 : f32 to vector<16xf32>
        %mul3A_2834 = arith.mulf %get3A_2831, %mul3A_2833 : vector<16xf32>
        %get3A_2835 = arith.index_cast %add3A_2808 : i32 to index
        %get3A_2836 = arith.constant 16 : index
        %get3A_2837 = tpu.vector_load %arg7[%get3A_2835, %get3A_2836] {strides = array<i32>} : memref<200x64xf32, #tpu.memory_space<vmem>>, vector<1x16xf32>,
        %get3A_2838 = vector.shape_cast %get3A_2837 : vector<1x16xf32> to vector<16xf32>
        %add3A_2839 = arith.addf %mul3A_2834, %get3A_2838 : vector<16xf32>
        %mul3A_2840 = vector.broadcast %squeeze3A_2806 : f32 to vector<16xf32>
        %mul3A_2841 = arith.mulf %add3A_2839, %mul3A_2840 : vector<16xf32>
        %swap3A_2842 = arith.index_cast %add3A_2808 : i32 to index
        %swap3A_2843 = arith.constant 16 : index
        %swap3A_2844 = tpu.vector_load %arg11[%swap3A_2842, %swap3A_2843] {strides = array<i32>} : memref<200x64xf32, #tpu.memory_space<vmem>>, vector<1x16xf32>,
        %swap3A_2845 = vector.shape_cast %swap3A_2844 : vector<1x16xf32> to vector<16xf32>
        %swap3A_2846 = vector.shape_cast %mul3A_2841 : vector<16xf32> to vector<1x16xf32>
        tpu.vector_store %arg11[%swap3A_2842, %swap3A_2843], %swap3A_2846 {strides = array<i32>} : memref<200x64xf32, #tpu.memory_space<vmem>>, vector<1x16xf32>,
        %get3A_2847 = arith.index_cast %add3A_2808 : i32 to index
        %get3A_2848 = arith.constant 32 : index
        %get3A_2849 = tpu.vector_load %arg9[%get3A_2847, %get3A_2848] {strides = array<i32>} : memref<200x64xf32, #tpu.memory_space<vmem>>, vector<1x16xf32>,
        %get3A_2850 = vector.shape_cast %get3A_2849 : vector<1x16xf32> to vector<16xf32>
        %mul3A_2851 = arith.constant 8.000000e+00 : f32
        %mul3A_2852 = vector.broadcast %mul3A_2851 : f32 to vector<16xf32>
        %mul3A_2853 = arith.mulf %get3A_2850, %mul3A_2852 : vector<16xf32>
        %get3A_2854 = arith.index_cast %add3A_2808 : i32 to index
        %get3A_2855 = arith.constant 32 : index
        %get3A_2856 = tpu.vector_load %arg7[%get3A_2854, %get3A_2855] {strides = array<i32>} : memref<200x64xf32, #tpu.memory_space<vmem>>, vector<1x16xf32>,
        %get3A_2857 = vector.shape_cast %get3A_2856 : vector<1x16xf32> to vector<16xf32>
        %add3A_2858 = arith.addf %mul3A_2853, %get3A_2857 : vector<16xf32>
        %mul3A_2859 = vector.broadcast %squeeze3A_2806 : f32 to vector<16xf32>
        %mul3A_2860 = arith.mulf %add3A_2858, %mul3A_2859 : vector<16xf32>
        %swap3A_2861 = arith.index_cast %add3A_2808 : i32 to index
        %swap3A_2862 = arith.constant 32 : index
        %swap3A_2863 = tpu.vector_load %arg11[%swap3A_2861, %swap3A_2862] {strides = array<i32>} : memref<200x64xf32, #tpu.memory_space<vmem>>, vector<1x16xf32>,
        %swap3A_2864 = vector.shape_cast %swap3A_2863 : vector<1x16xf32> to vector<16xf32>
        %swap3A_2865 = vector.shape_cast %mul3A_2860 : vector<16xf32> to vector<1x16xf32>
        tpu.vector_store %arg11[%swap3A_2861, %swap3A_2862], %swap3A_2865 {strides = array<i32>} : memref<200x64xf32, #tpu.memory_space<vmem>>, vector<1x16xf32>,
        %get3A_2866 = arith.index_cast %add3A_2808 : i32 to index
        %get3A_2867 = arith.constant 48 : index
        %get3A_2868 = tpu.vector_load %arg9[%get3A_2866, %get3A_2867] {strides = array<i32>} : memref<200x64xf32, #tpu.memory_space<vmem>>, vector<1x16xf32>,
        %get3A_2869 = vector.shape_cast %get3A_2868 : vector<1x16xf32> to vector<16xf32>
        %mul3A_2870 = arith.constant 8.000000e+00 : f32
        %mul3A_2871 = vector.broadcast %mul3A_2870 : f32 to vector<16xf32>
        %mul3A_2872 = arith.mulf %get3A_2869, %mul3A_2871 : vector<16xf32>
        %get3A_2873 = arith.index_cast %add3A_2808 : i32 to index
        %get3A_2874 = arith.constant 48 : index
        %get3A_2875 = tpu.vector_load %arg7[%get3A_2873, %get3A_2874] {strides = array<i32>} : memref<200x64xf32, #tpu.memory_space<vmem>>, vector<1x16xf32>,
        %get3A_2876 = vector.shape_cast %get3A_2875 : vector<1x16xf32> to vector<16xf32>
        %add3A_2877 = arith.addf %mul3A_2872, %get3A_2876 : vector<16xf32>
        %mul3A_2878 = vector.broadcast %squeeze3A_2806 : f32 to vector<16xf32>
        %mul3A_2879 = arith.mulf %add3A_2877, %mul3A_2878 : vector<16xf32>
        %swap3A_2880 = arith.index_cast %add3A_2808 : i32 to index
        %swap3A_2881 = arith.constant 48 : index
        %swap3A_2882 = tpu.vector_load %arg11[%swap3A_2880, %swap3A_2881] {strides = array<i32>} : memref<200x64xf32, #tpu.memory_space<vmem>>, vector<1x16xf32>,
        %swap3A_2883 = vector.shape_cast %swap3A_2882 : vector<1x16xf32> to vector<16xf32>
        %swap3A_2884 = vector.shape_cast %mul3A_2879 : vector<16xf32> to vector<1x16xf32>
        tpu.vector_store %arg11[%swap3A_2880, %swap3A_2881], %swap3A_2884 {strides = array<i32>} : memref<200x64xf32, #tpu.memory_space<vmem>>, vector<1x16xf32>,
      }
      %scan3A_841 = arith.constant 12 : i32
      %mul3A_842 = arith.constant 200 : i32
      %mul3A_843 = arith.muli %add3A_808, %mul3A_842 : i32
      %add3A_844 = arith.constant 184 : i32
      %add3A_845 = arith.addi %mul3A_843, %add3A_844 : i32
      %get3A_846 = arith.index_cast %add3A_845 : i32 to index
      %get3A_847 = tpu.vector_load %arg6[%get3A_846] {strides = array<i32>} : memref<25600xi32, #tpu.memory_space<vmem>>, vector<16xi32>,
      %get3A_848 = vector.shape_cast %get3A_847 : vector<16xi32> to vector<16xi32>
      %eq3A_849 = arith.constant 0 : i32
      %eq3A_850 = vector.broadcast %eq3A_849 : i32 to vector<16xi32>
      %eq3A_851 = arith.cmpi eq, %get3A_848, %eq3A_850 : vector<16xi32>
      %jit3A_852 = arith.constant 0.000000e+00 : f32
      %jit3A_853 = arith.constant 1.000000e+00 : f32
      %broadcast_in_dim3A_854 = vector.broadcast %jit3A_852 : f32 to vector<16xf32>
      %broadcast_in_dim3A_855 = vector.broadcast %jit3A_853 : f32 to vector<16xf32>
      %select_n3A_856 = arith.select %eq3A_851, %broadcast_in_dim3A_854, %broadcast_in_dim3A_855 : vector<16xi1>, vector<16xf32>
      %slice3A_857 = vector.extract_strided_slice %select_n3A_856 {offsets = [8], sizes = [1], strides = [1]} : vector<16xf32> to vector<1xf32>
      %squeeze3A_858 = vector.extract %slice3A_857[0] : f32 from vector<1xf32>
      %get3A_859 = arith.constant 192 : i32
      %get3A_860 = arith.index_cast %get3A_859 : i32 to index
      %get3A_861 = arith.constant 0 : index
      %get3A_862 = tpu.vector_load %arg9[%get3A_860, %get3A_861] {strides = array<i32>} : memref<200x64xf32, #tpu.memory_space<vmem>>, vector<1x16xf32>,
      %get3A_863 = vector.shape_cast %get3A_862 : vector<1x16xf32> to vector<16xf32>
      %mul3A_864 = arith.constant 8.000000e+00 : f32
      %mul3A_865 = vector.broadcast %mul3A_864 : f32 to vector<16xf32>
      %mul3A_866 = arith.mulf %get3A_863, %mul3A_865 : vector<16xf32>
      %get3A_867 = arith.constant 192 : i32
      %get3A_868 = arith.index_cast %get3A_867 : i32 to index
      %get3A_869 = arith.constant 0 : index
      %get3A_870 = tpu.vector_load %arg7[%get3A_868, %get3A_869] {strides = array<i32>} : memref<200x64xf32, #tpu.memory_space<vmem>>, vector<1x16xf32>,
      %get3A_871 = vector.shape_cast %get3A_870 : vector<1x16xf32> to vector<16xf32>
      %add3A_872 = arith.addf %mul3A_866, %get3A_871 : vector<16xf32>
      %mul3A_873 = vector.broadcast %squeeze3A_858 : f32 to vector<16xf32>
      %mul3A_874 = arith.mulf %add3A_872, %mul3A_873 : vector<16xf32>
      %swap3A_875 = arith.constant 192 : i32
      %swap3A_876 = arith.index_cast %swap3A_875 : i32 to index
      %swap3A_877 = arith.constant 0 : index
      %swap3A_878 = tpu.vector_load %arg11[%swap3A_876, %swap3A_877] {strides = array<i32>} : memref<200x64xf32, #tpu.memory_space<vmem>>, vector<1x16xf32>,
      %swap3A_879 = vector.shape_cast %swap3A_878 : vector<1x16xf32> to vector<16xf32>
      %swap3A_880 = vector.shape_cast %mul3A_874 : vector<16xf32> to vector<1x16xf32>
      tpu.vector_store %arg11[%swap3A_876, %swap3A_877], %swap3A_880 {strides = array<i32>} : memref<200x64xf32, #tpu.memory_space<vmem>>, vector<1x16xf32>,
      %get3A_881 = arith.constant 192 : i32
      %get3A_882 = arith.index_cast %get3A_881 : i32 to index
      %get3A_883 = arith.constant 16 : index
      %get3A_884 = tpu.vector_load %arg9[%get3A_882, %get3A_883] {strides = array<i32>} : memref<200x64xf32, #tpu.memory_space<vmem>>, vector<1x16xf32>,
      %get3A_885 = vector.shape_cast %get3A_884 : vector<1x16xf32> to vector<16xf32>
      %mul3A_886 = arith.constant 8.000000e+00 : f32
      %mul3A_887 = vector.broadcast %mul3A_886 : f32 to vector<16xf32>
      %mul3A_888 = arith.mulf %get3A_885, %mul3A_887 : vector<16xf32>
      %get3A_889 = arith.constant 192 : i32
      %get3A_890 = arith.index_cast %get3A_889 : i32 to index
      %get3A_891 = arith.constant 16 : index
      %get3A_892 = tpu.vector_load %arg7[%get3A_890, %get3A_891] {strides = array<i32>} : memref<200x64xf32, #tpu.memory_space<vmem>>, vector<1x16xf32>,
      %get3A_893 = vector.shape_cast %get3A_892 : vector<1x16xf32> to vector<16xf32>
      %add3A_894 = arith.addf %mul3A_888, %get3A_893 : vector<16xf32>
      %mul3A_895 = vector.broadcast %squeeze3A_858 : f32 to vector<16xf32>
      %mul3A_896 = arith.mulf %add3A_894, %mul3A_895 : vector<16xf32>
      %swap3A_897 = arith.constant 192 : i32
      %swap3A_898 = arith.index_cast %swap3A_897 : i32 to index
      %swap3A_899 = arith.constant 16 : index
      %swap3A_900 = tpu.vector_load %arg11[%swap3A_898, %swap3A_899] {strides = array<i32>} : memref<200x64xf32, #tpu.memory_space<vmem>>, vector<1x16xf32>,
      %swap3A_901 = vector.shape_cast %swap3A_900 : vector<1x16xf32> to vector<16xf32>
      %swap3A_902 = vector.shape_cast %mul3A_896 : vector<16xf32> to vector<1x16xf32>
      tpu.vector_store %arg11[%swap3A_898, %swap3A_899], %swap3A_902 {strides = array<i32>} : memref<200x64xf32, #tpu.memory_space<vmem>>, vector<1x16xf32>,
      %get3A_903 = arith.constant 192 : i32
      %get3A_904 = arith.index_cast %get3A_903 : i32 to index
      %get3A_905 = arith.constant 32 : index
      %get3A_906 = tpu.vector_load %arg9[%get3A_904, %get3A_905] {strides = array<i32>} : memref<200x64xf32, #tpu.memory_space<vmem>>, vector<1x16xf32>,
      %get3A_907 = vector.shape_cast %get3A_906 : vector<1x16xf32> to vector<16xf32>
      %mul3A_908 = arith.constant 8.000000e+00 : f32
      %mul3A_909 = vector.broadcast %mul3A_908 : f32 to vector<16xf32>
      %mul3A_910 = arith.mulf %get3A_907, %mul3A_909 : vector<16xf32>
      %get3A_911 = arith.constant 192 : i32
      %get3A_912 = arith.index_cast %get3A_911 : i32 to index
      %get3A_913 = arith.constant 32 : index
      %get3A_914 = tpu.vector_load %arg7[%get3A_912, %get3A_913] {strides = array<i32>} : memref<200x64xf32, #tpu.memory_space<vmem>>, vector<1x16xf32>,
      %get3A_915 = vector.shape_cast %get3A_914 : vector<1x16xf32> to vector<16xf32>
      %add3A_916 = arith.addf %mul3A_910, %get3A_915 : vector<16xf32>
      %mul3A_917 = vector.broadcast %squeeze3A_858 : f32 to vector<16xf32>
      %mul3A_918 = arith.mulf %add3A_916, %mul3A_917 : vector<16xf32>
      %swap3A_919 = arith.constant 192 : i32
      %swap3A_920 = arith.index_cast %swap3A_919 : i32 to index
      %swap3A_921 = arith.constant 32 : index
      %swap3A_922 = tpu.vector_load %arg11[%swap3A_920, %swap3A_921] {strides = array<i32>} : memref<200x64xf32, #tpu.memory_space<vmem>>, vector<1x16xf32>,
      %swap3A_923 = vector.shape_cast %swap3A_922 : vector<1x16xf32> to vector<16xf32>
      %swap3A_924 = vector.shape_cast %mul3A_918 : vector<16xf32> to vector<1x16xf32>
      tpu.vector_store %arg11[%swap3A_920, %swap3A_921], %swap3A_924 {strides = array<i32>} : memref<200x64xf32, #tpu.memory_space<vmem>>, vector<1x16xf32>,
      %get3A_925 = arith.constant 192 : i32
      %get3A_926 = arith.index_cast %get3A_925 : i32 to index
      %get3A_927 = arith.constant 48 : index
      %get3A_928 = tpu.vector_load %arg9[%get3A_926, %get3A_927] {strides = array<i32>} : memref<200x64xf32, #tpu.memory_space<vmem>>, vector<1x16xf32>,
      %get3A_929 = vector.shape_cast %get3A_928 : vector<1x16xf32> to vector<16xf32>
      %mul3A_930 = arith.constant 8.000000e+00 : f32
      %mul3A_931 = vector.broadcast %mul3A_930 : f32 to vector<16xf32>
      %mul3A_932 = arith.mulf %get3A_929, %mul3A_931 : vector<16xf32>
      %get3A_933 = arith.constant 192 : i32
      %get3A_934 = arith.index_cast %get3A_933 : i32 to index
      %get3A_935 = arith.constant 48 : index
      %get3A_936 = tpu.vector_load %arg7[%get3A_934, %get3A_935] {strides = array<i32>} : memref<200x64xf32, #tpu.memory_space<vmem>>, vector<1x16xf32>,
      %get3A_937 = vector.shape_cast %get3A_936 : vector<1x16xf32> to vector<16xf32>
      %add3A_938 = arith.addf %mul3A_932, %get3A_937 : vector<16xf32>
      %mul3A_939 = vector.broadcast %squeeze3A_858 : f32 to vector<16xf32>
      %mul3A_940 = arith.mulf %add3A_938, %mul3A_939 : vector<16xf32>
      %swap3A_941 = arith.constant 192 : i32
      %swap3A_942 = arith.index_cast %swap3A_941 : i32 to index
      %swap3A_943 = arith.constant 48 : index
      %swap3A_944 = tpu.vector_load %arg11[%swap3A_942, %swap3A_943] {strides = array<i32>} : memref<200x64xf32, #tpu.memory_space<vmem>>, vector<1x16xf32>,
      %swap3A_945 = vector.shape_cast %swap3A_944 : vector<1x16xf32> to vector<16xf32>
      %swap3A_946 = vector.shape_cast %mul3A_940 : vector<16xf32> to vector<1x16xf32>
      tpu.vector_store %arg11[%swap3A_942, %swap3A_943], %swap3A_946 {strides = array<i32>} : memref<200x64xf32, #tpu.memory_space<vmem>>, vector<1x16xf32>,
      %slice3A_947 = vector.extract_strided_slice %select_n3A_856 {offsets = [9], sizes = [1], strides = [1]} : vector<16xf32> to vector<1xf32>
      %squeeze3A_948 = vector.extract %slice3A_947[0] : f32 from vector<1xf32>
      %get3A_949 = arith.constant 193 : i32
      %get3A_950 = arith.index_cast %get3A_949 : i32 to index
      %get3A_951 = arith.constant 0 : index
      %get3A_952 = tpu.vector_load %arg9[%get3A_950, %get3A_951] {strides = array<i32>} : memref<200x64xf32, #tpu.memory_space<vmem>>, vector<1x16xf32>,
      %get3A_953 = vector.shape_cast %get3A_952 : vector<1x16xf32> to vector<16xf32>
      %mul3A_954 = arith.constant 8.000000e+00 : f32
      %mul3A_955 = vector.broadcast %mul3A_954 : f32 to vector<16xf32>
      %mul3A_956 = arith.mulf %get3A_953, %mul3A_955 : vector<16xf32>
      %get3A_957 = arith.constant 193 : i32
      %get3A_958 = arith.index_cast %get3A_957 : i32 to index
      %get3A_959 = arith.constant 0 : index
      %get3A_960 = tpu.vector_load %arg7[%get3A_958, %get3A_959] {strides = array<i32>} : memref<200x64xf32, #tpu.memory_space<vmem>>, vector<1x16xf32>,
      %get3A_961 = vector.shape_cast %get3A_960 : vector<1x16xf32> to vector<16xf32>
      %add3A_962 = arith.addf %mul3A_956, %get3A_961 : vector<16xf32>
      %mul3A_963 = vector.broadcast %squeeze3A_948 : f32 to vector<16xf32>
      %mul3A_964 = arith.mulf %add3A_962, %mul3A_963 : vector<16xf32>
      %swap3A_965 = arith.constant 193 : i32
      %swap3A_966 = arith.index_cast %swap3A_965 : i32 to index
      %swap3A_967 = arith.constant 0 : index
      %swap3A_968 = tpu.vector_load %arg11[%swap3A_966, %swap3A_967] {strides = array<i32>} : memref<200x64xf32, #tpu.memory_space<vmem>>, vector<1x16xf32>,
      %swap3A_969 = vector.shape_cast %swap3A_968 : vector<1x16xf32> to vector<16xf32>
      %swap3A_970 = vector.shape_cast %mul3A_964 : vector<16xf32> to vector<1x16xf32>
      tpu.vector_store %arg11[%swap3A_966, %swap3A_967], %swap3A_970 {strides = array<i32>} : memref<200x64xf32, #tpu.memory_space<vmem>>, vector<1x16xf32>,
      %get3A_971 = arith.constant 193 : i32
      %get3A_972 = arith.index_cast %get3A_971 : i32 to index
      %get3A_973 = arith.constant 16 : index
      %get3A_974 = tpu.vector_load %arg9[%get3A_972, %get3A_973] {strides = array<i32>} : memref<200x64xf32, #tpu.memory_space<vmem>>, vector<1x16xf32>,
      %get3A_975 = vector.shape_cast %get3A_974 : vector<1x16xf32> to vector<16xf32>
      %mul3A_976 = arith.constant 8.000000e+00 : f32
      %mul3A_977 = vector.broadcast %mul3A_976 : f32 to vector<16xf32>
      %mul3A_978 = arith.mulf %get3A_975, %mul3A_977 : vector<16xf32>
      %get3A_979 = arith.constant 193 : i32
      %get3A_980 = arith.index_cast %get3A_979 : i32 to index
      %get3A_981 = arith.constant 16 : index
      %get3A_982 = tpu.vector_load %arg7[%get3A_980, %get3A_981] {strides = array<i32>} : memref<200x64xf32, #tpu.memory_space<vmem>>, vector<1x16xf32>,
      %get3A_983 = vector.shape_cast %get3A_982 : vector<1x16xf32> to vector<16xf32>
      %add3A_984 = arith.addf %mul3A_978, %get3A_983 : vector<16xf32>
      %mul3A_985 = vector.broadcast %squeeze3A_948 : f32 to vector<16xf32>
      %mul3A_986 = arith.mulf %add3A_984, %mul3A_985 : vector<16xf32>
      %swap3A_987 = arith.constant 193 : i32
      %swap3A_988 = arith.index_cast %swap3A_987 : i32 to index
      %swap3A_989 = arith.constant 16 : index
      %swap3A_990 = tpu.vector_load %arg11[%swap3A_988, %swap3A_989] {strides = array<i32>} : memref<200x64xf32, #tpu.memory_space<vmem>>, vector<1x16xf32>,
      %swap3A_991 = vector.shape_cast %swap3A_990 : vector<1x16xf32> to vector<16xf32>
      %swap3A_992 = vector.shape_cast %mul3A_986 : vector<16xf32> to vector<1x16xf32>
      tpu.vector_store %arg11[%swap3A_988, %swap3A_989], %swap3A_992 {strides = array<i32>} : memref<200x64xf32, #tpu.memory_space<vmem>>, vector<1x16xf32>,
      %get3A_993 = arith.constant 193 : i32
      %get3A_994 = arith.index_cast %get3A_993 : i32 to index
      %get3A_995 = arith.constant 32 : index
      %get3A_996 = tpu.vector_load %arg9[%get3A_994, %get3A_995] {strides = array<i32>} : memref<200x64xf32, #tpu.memory_space<vmem>>, vector<1x16xf32>,
      %get3A_997 = vector.shape_cast %get3A_996 : vector<1x16xf32> to vector<16xf32>
      %mul3A_998 = arith.constant 8.000000e+00 : f32
      %mul3A_999 = vector.broadcast %mul3A_998 : f32 to vector<16xf32>
      %mul3A_1000 = arith.mulf %get3A_997, %mul3A_999 : vector<16xf32>
      %get3A_1001 = arith.constant 193 : i32
      %get3A_1002 = arith.index_cast %get3A_1001 : i32 to index
      %get3A_1003 = arith.constant 32 : index
      %get3A_1004 = tpu.vector_load %arg7[%get3A_1002, %get3A_1003] {strides = array<i32>} : memref<200x64xf32, #tpu.memory_space<vmem>>, vector<1x16xf32>,
      %get3A_1005 = vector.shape_cast %get3A_1004 : vector<1x16xf32> to vector<16xf32>
      %add3A_1006 = arith.addf %mul3A_1000, %get3A_1005 : vector<16xf32>
      %mul3A_1007 = vector.broadcast %squeeze3A_948 : f32 to vector<16xf32>
      %mul3A_1008 = arith.mulf %add3A_1006, %mul3A_1007 : vector<16xf32>
      %swap3A_1009 = arith.constant 193 : i32
      %swap3A_1010 = arith.index_cast %swap3A_1009 : i32 to index
      %swap3A_1011 = arith.constant 32 : index
      %swap3A_1012 = tpu.vector_load %arg11[%swap3A_1010, %swap3A_1011] {strides = array<i32>} : memref<200x64xf32, #tpu.memory_space<vmem>>, vector<1x16xf32>,
      %swap3A_1013 = vector.shape_cast %swap3A_1012 : vector<1x16xf32> to vector<16xf32>
      %swap3A_1014 = vector.shape_cast %mul3A_1008 : vector<16xf32> to vector<1x16xf32>
      tpu.vector_store %arg11[%swap3A_1010, %swap3A_1011], %swap3A_1014 {strides = array<i32>} : memref<200x64xf32, #tpu.memory_space<vmem>>, vector<1x16xf32>,
      %get3A_1015 = arith.constant 193 : i32
      %get3A_1016 = arith.index_cast %get3A_1015 : i32 to index
      %get3A_1017 = arith.constant 48 : index
      %get3A_1018 = tpu.vector_load %arg9[%get3A_1016, %get3A_1017] {strides = array<i32>} : memref<200x64xf32, #tpu.memory_space<vmem>>, vector<1x16xf32>,
      %get3A_1019 = vector.shape_cast %get3A_1018 : vector<1x16xf32> to vector<16xf32>
      %mul3A_1020 = arith.constant 8.000000e+00 : f32
      %mul3A_1021 = vector.broadcast %mul3A_1020 : f32 to vector<16xf32>
      %mul3A_1022 = arith.mulf %get3A_1019, %mul3A_1021 : vector<16xf32>
      %get3A_1023 = arith.constant 193 : i32
      %get3A_1024 = arith.index_cast %get3A_1023 : i32 to index
      %get3A_1025 = arith.constant 48 : index
      %get3A_1026 = tpu.vector_load %arg7[%get3A_1024, %get3A_1025] {strides = array<i32>} : memref<200x64xf32, #tpu.memory_space<vmem>>, vector<1x16xf32>,
      %get3A_1027 = vector.shape_cast %get3A_1026 : vector<1x16xf32> to vector<16xf32>
      %add3A_1028 = arith.addf %mul3A_1022, %get3A_1027 : vector<16xf32>
      %mul3A_1029 = vector.broadcast %squeeze3A_948 : f32 to vector<16xf32>
      %mul3A_1030 = arith.mulf %add3A_1028, %mul3A_1029 : vector<16xf32>
      %swap3A_1031 = arith.constant 193 : i32
      %swap3A_1032 = arith.index_cast %swap3A_1031 : i32 to index
      %swap3A_1033 = arith.constant 48 : index
      %swap3A_1034 = tpu.vector_load %arg11[%swap3A_1032, %swap3A_1033] {strides = array<i32>} : memref<200x64xf32, #tpu.memory_space<vmem>>, vector<1x16xf32>,
      %swap3A_1035 = vector.shape_cast %swap3A_1034 : vector<1x16xf32> to vector<16xf32>
      %swap3A_1036 = vector.shape_cast %mul3A_1030 : vector<16xf32> to vector<1x16xf32>
      tpu.vector_store %arg11[%swap3A_1032, %swap3A_1033], %swap3A_1036 {strides = array<i32>} : memref<200x64xf32, #tpu.memory_space<vmem>>, vector<1x16xf32>,
      %slice3A_1037 = vector.extract_strided_slice %select_n3A_856 {offsets = [10], sizes = [1], strides = [1]} : vector<16xf32> to vector<1xf32>
      %squeeze3A_1038 = vector.extract %slice3A_1037[0] : f32 from vector<1xf32>
      %get3A_1039 = arith.constant 194 : i32
      %get3A_1040 = arith.index_cast %get3A_1039 : i32 to index
      %get3A_1041 = arith.constant 0 : index
      %get3A_1042 = tpu.vector_load %arg9[%get3A_1040, %get3A_1041] {strides = array<i32>} : memref<200x64xf32, #tpu.memory_space<vmem>>, vector<1x16xf32>,
      %get3A_1043 = vector.shape_cast %get3A_1042 : vector<1x16xf32> to vector<16xf32>
      %mul3A_1044 = arith.constant 8.000000e+00 : f32
      %mul3A_1045 = vector.broadcast %mul3A_1044 : f32 to vector<16xf32>
      %mul3A_1046 = arith.mulf %get3A_1043, %mul3A_1045 : vector<16xf32>
      %get3A_1047 = arith.constant 194 : i32
      %get3A_1048 = arith.index_cast %get3A_1047 : i32 to index
      %get3A_1049 = arith.constant 0 : index
      %get3A_1050 = tpu.vector_load %arg7[%get3A_1048, %get3A_1049] {strides = array<i32>} : memref<200x64xf32, #tpu.memory_space<vmem>>, vector<1x16xf32>,
      %get3A_1051 = vector.shape_cast %get3A_1050 : vector<1x16xf32> to vector<16xf32>
      %add3A_1052 = arith.addf %mul3A_1046, %get3A_1051 : vector<16xf32>
      %mul3A_1053 = vector.broadcast %squeeze3A_1038 : f32 to vector<16xf32>
      %mul3A_1054 = arith.mulf %add3A_1052, %mul3A_1053 : vector<16xf32>
      %swap3A_1055 = arith.constant 194 : i32
      %swap3A_1056 = arith.index_cast %swap3A_1055 : i32 to index
      %swap3A_1057 = arith.constant 0 : index
      %swap3A_1058 = tpu.vector_load %arg11[%swap3A_1056, %swap3A_1057] {strides = array<i32>} : memref<200x64xf32, #tpu.memory_space<vmem>>, vector<1x16xf32>,
      %swap3A_1059 = vector.shape_cast %swap3A_1058 : vector<1x16xf32> to vector<16xf32>
      %swap3A_1060 = vector.shape_cast %mul3A_1054 : vector<16xf32> to vector<1x16xf32>
      tpu.vector_store %arg11[%swap3A_1056, %swap3A_1057], %swap3A_1060 {strides = array<i32>} : memref<200x64xf32, #tpu.memory_space<vmem>>, vector<1x16xf32>,
      %get3A_1061 = arith.constant 194 : i32
      %get3A_1062 = arith.index_cast %get3A_1061 : i32 to index
      %get3A_1063 = arith.constant 16 : index
      %get3A_1064 = tpu.vector_load %arg9[%get3A_1062, %get3A_1063] {strides = array<i32>} : memref<200x64xf32, #tpu.memory_space<vmem>>, vector<1x16xf32>,
      %get3A_1065 = vector.shape_cast %get3A_1064 : vector<1x16xf32> to vector<16xf32>
      %mul3A_1066 = arith.constant 8.000000e+00 : f32
      %mul3A_1067 = vector.broadcast %mul3A_1066 : f32 to vector<16xf32>
      %mul3A_1068 = arith.mulf %get3A_1065, %mul3A_1067 : vector<16xf32>
      %get3A_1069 = arith.constant 194 : i32
      %get3A_1070 = arith.index_cast %get3A_1069 : i32 to index
      %get3A_1071 = arith.constant 16 : index
      %get3A_1072 = tpu.vector_load %arg7[%get3A_1070, %get3A_1071] {strides = array<i32>} : memref<200x64xf32, #tpu.memory_space<vmem>>, vector<1x16xf32>,
      %get3A_1073 = vector.shape_cast %get3A_1072 : vector<1x16xf32> to vector<16xf32>
      %add3A_1074 = arith.addf %mul3A_1068, %get3A_1073 : vector<16xf32>
      %mul3A_1075 = vector.broadcast %squeeze3A_1038 : f32 to vector<16xf32>
      %mul3A_1076 = arith.mulf %add3A_1074, %mul3A_1075 : vector<16xf32>
      %swap3A_1077 = arith.constant 194 : i32
      %swap3A_1078 = arith.index_cast %swap3A_1077 : i32 to index
      %swap3A_1079 = arith.constant 16 : index
      %swap3A_1080 = tpu.vector_load %arg11[%swap3A_1078, %swap3A_1079] {strides = array<i32>} : memref<200x64xf32, #tpu.memory_space<vmem>>, vector<1x16xf32>,
      %swap3A_1081 = vector.shape_cast %swap3A_1080 : vector<1x16xf32> to vector<16xf32>
      %swap3A_1082 = vector.shape_cast %mul3A_1076 : vector<16xf32> to vector<1x16xf32>
      tpu.vector_store %arg11[%swap3A_1078, %swap3A_1079], %swap3A_1082 {strides = array<i32>} : memref<200x64xf32, #tpu.memory_space<vmem>>, vector<1x16xf32>,
      %get3A_1083 = arith.constant 194 : i32
      %get3A_1084 = arith.index_cast %get3A_1083 : i32 to index
      %get3A_1085 = arith.constant 32 : index
      %get3A_1086 = tpu.vector_load %arg9[%get3A_1084, %get3A_1085] {strides = array<i32>} : memref<200x64xf32, #tpu.memory_space<vmem>>, vector<1x16xf32>,
      %get3A_1087 = vector.shape_cast %get3A_1086 : vector<1x16xf32> to vector<16xf32>
      %mul3A_1088 = arith.constant 8.000000e+00 : f32
      %mul3A_1089 = vector.broadcast %mul3A_1088 : f32 to vector<16xf32>
      %mul3A_1090 = arith.mulf %get3A_1087, %mul3A_1089 : vector<16xf32>
      %get3A_1091 = arith.constant 194 : i32
      %get3A_1092 = arith.index_cast %get3A_1091 : i32 to index
      %get3A_1093 = arith.constant 32 : index
      %get3A_1094 = tpu.vector_load %arg7[%get3A_1092, %get3A_1093] {strides = array<i32>} : memref<200x64xf32, #tpu.memory_space<vmem>>, vector<1x16xf32>,
      %get3A_1095 = vector.shape_cast %get3A_1094 : vector<1x16xf32> to vector<16xf32>
      %add3A_1096 = arith.addf %mul3A_1090, %get3A_1095 : vector<16xf32>
      %mul3A_1097 = vector.broadcast %squeeze3A_1038 : f32 to vector<16xf32>
      %mul3A_1098 = arith.mulf %add3A_1096, %mul3A_1097 : vector<16xf32>
      %swap3A_1099 = arith.constant 194 : i32
      %swap3A_1100 = arith.index_cast %swap3A_1099 : i32 to index
      %swap3A_1101 = arith.constant 32 : index
      %swap3A_1102 = tpu.vector_load %arg11[%swap3A_1100, %swap3A_1101] {strides = array<i32>} : memref<200x64xf32, #tpu.memory_space<vmem>>, vector<1x16xf32>,
      %swap3A_1103 = vector.shape_cast %swap3A_1102 : vector<1x16xf32> to vector<16xf32>
      %swap3A_1104 = vector.shape_cast %mul3A_1098 : vector<16xf32> to vector<1x16xf32>
      tpu.vector_store %arg11[%swap3A_1100, %swap3A_1101], %swap3A_1104 {strides = array<i32>} : memref<200x64xf32, #tpu.memory_space<vmem>>, vector<1x16xf32>,
      %get3A_1105 = arith.constant 194 : i32
      %get3A_1106 = arith.index_cast %get3A_1105 : i32 to index
      %get3A_1107 = arith.constant 48 : index
      %get3A_1108 = tpu.vector_load %arg9[%get3A_1106, %get3A_1107] {strides = array<i32>} : memref<200x64xf32, #tpu.memory_space<vmem>>, vector<1x16xf32>,
      %get3A_1109 = vector.shape_cast %get3A_1108 : vector<1x16xf32> to vector<16xf32>
      %mul3A_1110 = arith.constant 8.000000e+00 : f32
      %mul3A_1111 = vector.broadcast %mul3A_1110 : f32 to vector<16xf32>
      %mul3A_1112 = arith.mulf %get3A_1109, %mul3A_1111 : vector<16xf32>
      %get3A_1113 = arith.constant 194 : i32
      %get3A_1114 = arith.index_cast %get3A_1113 : i32 to index
      %get3A_1115 = arith.constant 48 : index
      %get3A_1116 = tpu.vector_load %arg7[%get3A_1114, %get3A_1115] {strides = array<i32>} : memref<200x64xf32, #tpu.memory_space<vmem>>, vector<1x16xf32>,
      %get3A_1117 = vector.shape_cast %get3A_1116 : vector<1x16xf32> to vector<16xf32>
      %add3A_1118 = arith.addf %mul3A_1112, %get3A_1117 : vector<16xf32>
      %mul3A_1119 = vector.broadcast %squeeze3A_1038 : f32 to vector<16xf32>
      %mul3A_1120 = arith.mulf %add3A_1118, %mul3A_1119 : vector<16xf32>
      %swap3A_1121 = arith.constant 194 : i32
      %swap3A_1122 = arith.index_cast %swap3A_1121 : i32 to index
      %swap3A_1123 = arith.constant 48 : index
      %swap3A_1124 = tpu.vector_load %arg11[%swap3A_1122, %swap3A_1123] {strides = array<i32>} : memref<200x64xf32, #tpu.memory_space<vmem>>, vector<1x16xf32>,
      %swap3A_1125 = vector.shape_cast %swap3A_1124 : vector<1x16xf32> to vector<16xf32>
      %swap3A_1126 = vector.shape_cast %mul3A_1120 : vector<16xf32> to vector<1x16xf32>
      tpu.vector_store %arg11[%swap3A_1122, %swap3A_1123], %swap3A_1126 {strides = array<i32>} : memref<200x64xf32, #tpu.memory_space<vmem>>, vector<1x16xf32>,
      %slice3A_1127 = vector.extract_strided_slice %select_n3A_856 {offsets = [11], sizes = [1], strides = [1]} : vector<16xf32> to vector<1xf32>
      %squeeze3A_1128 = vector.extract %slice3A_1127[0] : f32 from vector<1xf32>
      %get3A_1129 = arith.constant 195 : i32
      %get3A_1130 = arith.index_cast %get3A_1129 : i32 to index
      %get3A_1131 = arith.constant 0 : index
      %get3A_1132 = tpu.vector_load %arg9[%get3A_1130, %get3A_1131] {strides = array<i32>} : memref<200x64xf32, #tpu.memory_space<vmem>>, vector<1x16xf32>,
      %get3A_1133 = vector.shape_cast %get3A_1132 : vector<1x16xf32> to vector<16xf32>
      %mul3A_1134 = arith.constant 8.000000e+00 : f32
      %mul3A_1135 = vector.broadcast %mul3A_1134 : f32 to vector<16xf32>
      %mul3A_1136 = arith.mulf %get3A_1133, %mul3A_1135 : vector<16xf32>
      %get3A_1137 = arith.constant 195 : i32
      %get3A_1138 = arith.index_cast %get3A_1137 : i32 to index
      %get3A_1139 = arith.constant 0 : index
      %get3A_1140 = tpu.vector_load %arg7[%get3A_1138, %get3A_1139] {strides = array<i32>} : memref<200x64xf32, #tpu.memory_space<vmem>>, vector<1x16xf32>,
      %get3A_1141 = vector.shape_cast %get3A_1140 : vector<1x16xf32> to vector<16xf32>
      %add3A_1142 = arith.addf %mul3A_1136, %get3A_1141 : vector<16xf32>
      %mul3A_1143 = vector.broadcast %squeeze3A_1128 : f32 to vector<16xf32>
      %mul3A_1144 = arith.mulf %add3A_1142, %mul3A_1143 : vector<16xf32>
      %swap3A_1145 = arith.constant 195 : i32
      %swap3A_1146 = arith.index_cast %swap3A_1145 : i32 to index
      %swap3A_1147 = arith.constant 0 : index
      %swap3A_1148 = tpu.vector_load %arg11[%swap3A_1146, %swap3A_1147] {strides = array<i32>} : memref<200x64xf32, #tpu.memory_space<vmem>>, vector<1x16xf32>,
      %swap3A_1149 = vector.shape_cast %swap3A_1148 : vector<1x16xf32> to vector<16xf32>
      %swap3A_1150 = vector.shape_cast %mul3A_1144 : vector<16xf32> to vector<1x16xf32>
      tpu.vector_store %arg11[%swap3A_1146, %swap3A_1147], %swap3A_1150 {strides = array<i32>} : memref<200x64xf32, #tpu.memory_space<vmem>>, vector<1x16xf32>,
      %get3A_1151 = arith.constant 195 : i32
      %get3A_1152 = arith.index_cast %get3A_1151 : i32 to index
      %get3A_1153 = arith.constant 16 : index
      %get3A_1154 = tpu.vector_load %arg9[%get3A_1152, %get3A_1153] {strides = array<i32>} : memref<200x64xf32, #tpu.memory_space<vmem>>, vector<1x16xf32>,
      %get3A_1155 = vector.shape_cast %get3A_1154 : vector<1x16xf32> to vector<16xf32>
      %mul3A_1156 = arith.constant 8.000000e+00 : f32
      %mul3A_1157 = vector.broadcast %mul3A_1156 : f32 to vector<16xf32>
      %mul3A_1158 = arith.mulf %get3A_1155, %mul3A_1157 : vector<16xf32>
      %get3A_1159 = arith.constant 195 : i32
      %get3A_1160 = arith.index_cast %get3A_1159 : i32 to index
      %get3A_1161 = arith.constant 16 : index
      %get3A_1162 = tpu.vector_load %arg7[%get3A_1160, %get3A_1161] {strides = array<i32>} : memref<200x64xf32, #tpu.memory_space<vmem>>, vector<1x16xf32>,
      %get3A_1163 = vector.shape_cast %get3A_1162 : vector<1x16xf32> to vector<16xf32>
      %add3A_1164 = arith.addf %mul3A_1158, %get3A_1163 : vector<16xf32>
      %mul3A_1165 = vector.broadcast %squeeze3A_1128 : f32 to vector<16xf32>
      %mul3A_1166 = arith.mulf %add3A_1164, %mul3A_1165 : vector<16xf32>
      %swap3A_1167 = arith.constant 195 : i32
      %swap3A_1168 = arith.index_cast %swap3A_1167 : i32 to index
      %swap3A_1169 = arith.constant 16 : index
      %swap3A_1170 = tpu.vector_load %arg11[%swap3A_1168, %swap3A_1169] {strides = array<i32>} : memref<200x64xf32, #tpu.memory_space<vmem>>, vector<1x16xf32>,
      %swap3A_1171 = vector.shape_cast %swap3A_1170 : vector<1x16xf32> to vector<16xf32>
      %swap3A_1172 = vector.shape_cast %mul3A_1166 : vector<16xf32> to vector<1x16xf32>
      tpu.vector_store %arg11[%swap3A_1168, %swap3A_1169], %swap3A_1172 {strides = array<i32>} : memref<200x64xf32, #tpu.memory_space<vmem>>, vector<1x16xf32>,
      %get3A_1173 = arith.constant 195 : i32
      %get3A_1174 = arith.index_cast %get3A_1173 : i32 to index
      %get3A_1175 = arith.constant 32 : index
      %get3A_1176 = tpu.vector_load %arg9[%get3A_1174, %get3A_1175] {strides = array<i32>} : memref<200x64xf32, #tpu.memory_space<vmem>>, vector<1x16xf32>,
      %get3A_1177 = vector.shape_cast %get3A_1176 : vector<1x16xf32> to vector<16xf32>
      %mul3A_1178 = arith.constant 8.000000e+00 : f32
      %mul3A_1179 = vector.broadcast %mul3A_1178 : f32 to vector<16xf32>
      %mul3A_1180 = arith.mulf %get3A_1177, %mul3A_1179 : vector<16xf32>
      %get3A_1181 = arith.constant 195 : i32
      %get3A_1182 = arith.index_cast %get3A_1181 : i32 to index
      %get3A_1183 = arith.constant 32 : index
      %get3A_1184 = tpu.vector_load %arg7[%get3A_1182, %get3A_1183] {strides = array<i32>} : memref<200x64xf32, #tpu.memory_space<vmem>>, vector<1x16xf32>,
      %get3A_1185 = vector.shape_cast %get3A_1184 : vector<1x16xf32> to vector<16xf32>
      %add3A_1186 = arith.addf %mul3A_1180, %get3A_1185 : vector<16xf32>
      %mul3A_1187 = vector.broadcast %squeeze3A_1128 : f32 to vector<16xf32>
      %mul3A_1188 = arith.mulf %add3A_1186, %mul3A_1187 : vector<16xf32>
      %swap3A_1189 = arith.constant 195 : i32
      %swap3A_1190 = arith.index_cast %swap3A_1189 : i32 to index
      %swap3A_1191 = arith.constant 32 : index
      %swap3A_1192 = tpu.vector_load %arg11[%swap3A_1190, %swap3A_1191] {strides = array<i32>} : memref<200x64xf32, #tpu.memory_space<vmem>>, vector<1x16xf32>,
      %swap3A_1193 = vector.shape_cast %swap3A_1192 : vector<1x16xf32> to vector<16xf32>
      %swap3A_1194 = vector.shape_cast %mul3A_1188 : vector<16xf32> to vector<1x16xf32>
      tpu.vector_store %arg11[%swap3A_1190, %swap3A_1191], %swap3A_1194 {strides = array<i32>} : memref<200x64xf32, #tpu.memory_space<vmem>>, vector<1x16xf32>,
      %get3A_1195 = arith.constant 195 : i32
      %get3A_1196 = arith.index_cast %get3A_1195 : i32 to index
      %get3A_1197 = arith.constant 48 : index
      %get3A_1198 = tpu.vector_load %arg9[%get3A_1196, %get3A_1197] {strides = array<i32>} : memref<200x64xf32, #tpu.memory_space<vmem>>, vector<1x16xf32>,
      %get3A_1199 = vector.shape_cast %get3A_1198 : vector<1x16xf32> to vector<16xf32>
      %mul3A_1200 = arith.constant 8.000000e+00 : f32
      %mul3A_1201 = vector.broadcast %mul3A_1200 : f32 to vector<16xf32>
      %mul3A_1202 = arith.mulf %get3A_1199, %mul3A_1201 : vector<16xf32>
      %get3A_1203 = arith.constant 195 : i32
      %get3A_1204 = arith.index_cast %get3A_1203 : i32 to index
      %get3A_1205 = arith.constant 48 : index
      %get3A_1206 = tpu.vector_load %arg7[%get3A_1204, %get3A_1205] {strides = array<i32>} : memref<200x64xf32, #tpu.memory_space<vmem>>, vector<1x16xf32>,
      %get3A_1207 = vector.shape_cast %get3A_1206 : vector<1x16xf32> to vector<16xf32>
      %add3A_1208 = arith.addf %mul3A_1202, %get3A_1207 : vector<16xf32>
      %mul3A_1209 = vector.broadcast %squeeze3A_1128 : f32 to vector<16xf32>
      %mul3A_1210 = arith.mulf %add3A_1208, %mul3A_1209 : vector<16xf32>
      %swap3A_1211 = arith.constant 195 : i32
      %swap3A_1212 = arith.index_cast %swap3A_1211 : i32 to index
      %swap3A_1213 = arith.constant 48 : index
      %swap3A_1214 = tpu.vector_load %arg11[%swap3A_1212, %swap3A_1213] {strides = array<i32>} : memref<200x64xf32, #tpu.memory_space<vmem>>, vector<1x16xf32>,
      %swap3A_1215 = vector.shape_cast %swap3A_1214 : vector<1x16xf32> to vector<16xf32>
      %swap3A_1216 = vector.shape_cast %mul3A_1210 : vector<16xf32> to vector<1x16xf32>
      tpu.vector_store %arg11[%swap3A_1212, %swap3A_1213], %swap3A_1216 {strides = array<i32>} : memref<200x64xf32, #tpu.memory_space<vmem>>, vector<1x16xf32>,
      %slice3A_1217 = vector.extract_strided_slice %select_n3A_856 {offsets = [12], sizes = [1], strides = [1]} : vector<16xf32> to vector<1xf32>
      %squeeze3A_1218 = vector.extract %slice3A_1217[0] : f32 from vector<1xf32>
      %get3A_1219 = arith.constant 196 : i32
      %get3A_1220 = arith.index_cast %get3A_1219 : i32 to index
      %get3A_1221 = arith.constant 0 : index
      %get3A_1222 = tpu.vector_load %arg9[%get3A_1220, %get3A_1221] {strides = array<i32>} : memref<200x64xf32, #tpu.memory_space<vmem>>, vector<1x16xf32>,
      %get3A_1223 = vector.shape_cast %get3A_1222 : vector<1x16xf32> to vector<16xf32>
      %mul3A_1224 = arith.constant 8.000000e+00 : f32
      %mul3A_1225 = vector.broadcast %mul3A_1224 : f32 to vector<16xf32>
      %mul3A_1226 = arith.mulf %get3A_1223, %mul3A_1225 : vector<16xf32>
      %get3A_1227 = arith.constant 196 : i32
      %get3A_1228 = arith.index_cast %get3A_1227 : i32 to index
      %get3A_1229 = arith.constant 0 : index
      %get3A_1230 = tpu.vector_load %arg7[%get3A_1228, %get3A_1229] {strides = array<i32>} : memref<200x64xf32, #tpu.memory_space<vmem>>, vector<1x16xf32>,
      %get3A_1231 = vector.shape_cast %get3A_1230 : vector<1x16xf32> to vector<16xf32>
      %add3A_1232 = arith.addf %mul3A_1226, %get3A_1231 : vector<16xf32>
      %mul3A_1233 = vector.broadcast %squeeze3A_1218 : f32 to vector<16xf32>
      %mul3A_1234 = arith.mulf %add3A_1232, %mul3A_1233 : vector<16xf32>
      %swap3A_1235 = arith.constant 196 : i32
      %swap3A_1236 = arith.index_cast %swap3A_1235 : i32 to index
      %swap3A_1237 = arith.constant 0 : index
      %swap3A_1238 = tpu.vector_load %arg11[%swap3A_1236, %swap3A_1237] {strides = array<i32>} : memref<200x64xf32, #tpu.memory_space<vmem>>, vector<1x16xf32>,
      %swap3A_1239 = vector.shape_cast %swap3A_1238 : vector<1x16xf32> to vector<16xf32>
      %swap3A_1240 = vector.shape_cast %mul3A_1234 : vector<16xf32> to vector<1x16xf32>
      tpu.vector_store %arg11[%swap3A_1236, %swap3A_1237], %swap3A_1240 {strides = array<i32>} : memref<200x64xf32, #tpu.memory_space<vmem>>, vector<1x16xf32>,
      %get3A_1241 = arith.constant 196 : i32
      %get3A_1242 = arith.index_cast %get3A_1241 : i32 to index
      %get3A_1243 = arith.constant 16 : index
      %get3A_1244 = tpu.vector_load %arg9[%get3A_1242, %get3A_1243] {strides = array<i32>} : memref<200x64xf32, #tpu.memory_space<vmem>>, vector<1x16xf32>,
      %get3A_1245 = vector.shape_cast %get3A_1244 : vector<1x16xf32> to vector<16xf32>
      %mul3A_1246 = arith.constant 8.000000e+00 : f32
      %mul3A_1247 = vector.broadcast %mul3A_1246 : f32 to vector<16xf32>
      %mul3A_1248 = arith.mulf %get3A_1245, %mul3A_1247 : vector<16xf32>
      %get3A_1249 = arith.constant 196 : i32
      %get3A_1250 = arith.index_cast %get3A_1249 : i32 to index
      %get3A_1251 = arith.constant 16 : index
      %get3A_1252 = tpu.vector_load %arg7[%get3A_1250, %get3A_1251] {strides = array<i32>} : memref<200x64xf32, #tpu.memory_space<vmem>>, vector<1x16xf32>,
      %get3A_1253 = vector.shape_cast %get3A_1252 : vector<1x16xf32> to vector<16xf32>
      %add3A_1254 = arith.addf %mul3A_1248, %get3A_1253 : vector<16xf32>
      %mul3A_1255 = vector.broadcast %squeeze3A_1218 : f32 to vector<16xf32>
      %mul3A_1256 = arith.mulf %add3A_1254, %mul3A_1255 : vector<16xf32>
      %swap3A_1257 = arith.constant 196 : i32
      %swap3A_1258 = arith.index_cast %swap3A_1257 : i32 to index
      %swap3A_1259 = arith.constant 16 : index
      %swap3A_1260 = tpu.vector_load %arg11[%swap3A_1258, %swap3A_1259] {strides = array<i32>} : memref<200x64xf32, #tpu.memory_space<vmem>>, vector<1x16xf32>,
      %swap3A_1261 = vector.shape_cast %swap3A_1260 : vector<1x16xf32> to vector<16xf32>
      %swap3A_1262 = vector.shape_cast %mul3A_1256 : vector<16xf32> to vector<1x16xf32>
      tpu.vector_store %arg11[%swap3A_1258, %swap3A_1259], %swap3A_1262 {strides = array<i32>} : memref<200x64xf32, #tpu.memory_space<vmem>>, vector<1x16xf32>,
      %get3A_1263 = arith.constant 196 : i32
      %get3A_1264 = arith.index_cast %get3A_1263 : i32 to index
      %get3A_1265 = arith.constant 32 : index
      %get3A_1266 = tpu.vector_load %arg9[%get3A_1264, %get3A_1265] {strides = array<i32>} : memref<200x64xf32, #tpu.memory_space<vmem>>, vector<1x16xf32>,
      %get3A_1267 = vector.shape_cast %get3A_1266 : vector<1x16xf32> to vector<16xf32>
      %mul3A_1268 = arith.constant 8.000000e+00 : f32
      %mul3A_1269 = vector.broadcast %mul3A_1268 : f32 to vector<16xf32>
      %mul3A_1270 = arith.mulf %get3A_1267, %mul3A_1269 : vector<16xf32>
      %get3A_1271 = arith.constant 196 : i32
      %get3A_1272 = arith.index_cast %get3A_1271 : i32 to index
      %get3A_1273 = arith.constant 32 : index
      %get3A_1274 = tpu.vector_load %arg7[%get3A_1272, %get3A_1273] {strides = array<i32>} : memref<200x64xf32, #tpu.memory_space<vmem>>, vector<1x16xf32>,
      %get3A_1275 = vector.shape_cast %get3A_1274 : vector<1x16xf32> to vector<16xf32>
      %add3A_1276 = arith.addf %mul3A_1270, %get3A_1275 : vector<16xf32>
      %mul3A_1277 = vector.broadcast %squeeze3A_1218 : f32 to vector<16xf32>
      %mul3A_1278 = arith.mulf %add3A_1276, %mul3A_1277 : vector<16xf32>
      %swap3A_1279 = arith.constant 196 : i32
      %swap3A_1280 = arith.index_cast %swap3A_1279 : i32 to index
      %swap3A_1281 = arith.constant 32 : index
      %swap3A_1282 = tpu.vector_load %arg11[%swap3A_1280, %swap3A_1281] {strides = array<i32>} : memref<200x64xf32, #tpu.memory_space<vmem>>, vector<1x16xf32>,
      %swap3A_1283 = vector.shape_cast %swap3A_1282 : vector<1x16xf32> to vector<16xf32>
      %swap3A_1284 = vector.shape_cast %mul3A_1278 : vector<16xf32> to vector<1x16xf32>
      tpu.vector_store %arg11[%swap3A_1280, %swap3A_1281], %swap3A_1284 {strides = array<i32>} : memref<200x64xf32, #tpu.memory_space<vmem>>, vector<1x16xf32>,
      %get3A_1285 = arith.constant 196 : i32
      %get3A_1286 = arith.index_cast %get3A_1285 : i32 to index
      %get3A_1287 = arith.constant 48 : index
      %get3A_1288 = tpu.vector_load %arg9[%get3A_1286, %get3A_1287] {strides = array<i32>} : memref<200x64xf32, #tpu.memory_space<vmem>>, vector<1x16xf32>,
      %get3A_1289 = vector.shape_cast %get3A_1288 : vector<1x16xf32> to vector<16xf32>
      %mul3A_1290 = arith.constant 8.000000e+00 : f32
      %mul3A_1291 = vector.broadcast %mul3A_1290 : f32 to vector<16xf32>
      %mul3A_1292 = arith.mulf %get3A_1289, %mul3A_1291 : vector<16xf32>
      %get3A_1293 = arith.constant 196 : i32
      %get3A_1294 = arith.index_cast %get3A_1293 : i32 to index
      %get3A_1295 = arith.constant 48 : index
      %get3A_1296 = tpu.vector_load %arg7[%get3A_1294, %get3A_1295] {strides = array<i32>} : memref<200x64xf32, #tpu.memory_space<vmem>>, vector<1x16xf32>,
      %get3A_1297 = vector.shape_cast %get3A_1296 : vector<1x16xf32> to vector<16xf32>
      %add3A_1298 = arith.addf %mul3A_1292, %get3A_1297 : vector<16xf32>
      %mul3A_1299 = vector.broadcast %squeeze3A_1218 : f32 to vector<16xf32>
      %mul3A_1300 = arith.mulf %add3A_1298, %mul3A_1299 : vector<16xf32>
      %swap3A_1301 = arith.constant 196 : i32
      %swap3A_1302 = arith.index_cast %swap3A_1301 : i32 to index
      %swap3A_1303 = arith.constant 48 : index
      %swap3A_1304 = tpu.vector_load %arg11[%swap3A_1302, %swap3A_1303] {strides = array<i32>} : memref<200x64xf32, #tpu.memory_space<vmem>>, vector<1x16xf32>,
      %swap3A_1305 = vector.shape_cast %swap3A_1304 : vector<1x16xf32> to vector<16xf32>
      %swap3A_1306 = vector.shape_cast %mul3A_1300 : vector<16xf32> to vector<1x16xf32>
      tpu.vector_store %arg11[%swap3A_1302, %swap3A_1303], %swap3A_1306 {strides = array<i32>} : memref<200x64xf32, #tpu.memory_space<vmem>>, vector<1x16xf32>,
      %slice3A_1307 = vector.extract_strided_slice %select_n3A_856 {offsets = [13], sizes = [1], strides = [1]} : vector<16xf32> to vector<1xf32>
      %squeeze3A_1308 = vector.extract %slice3A_1307[0] : f32 from vector<1xf32>
      %get3A_1309 = arith.constant 197 : i32
      %get3A_1310 = arith.index_cast %get3A_1309 : i32 to index
      %get3A_1311 = arith.constant 0 : index
      %get3A_1312 = tpu.vector_load %arg9[%get3A_1310, %get3A_1311] {strides = array<i32>} : memref<200x64xf32, #tpu.memory_space<vmem>>, vector<1x16xf32>,
      %get3A_1313 = vector.shape_cast %get3A_1312 : vector<1x16xf32> to vector<16xf32>
      %mul3A_1314 = arith.constant 8.000000e+00 : f32
      %mul3A_1315 = vector.broadcast %mul3A_1314 : f32 to vector<16xf32>
      %mul3A_1316 = arith.mulf %get3A_1313, %mul3A_1315 : vector<16xf32>
      %get3A_1317 = arith.constant 197 : i32
      %get3A_1318 = arith.index_cast %get3A_1317 : i32 to index
      %get3A_1319 = arith.constant 0 : index
      %get3A_1320 = tpu.vector_load %arg7[%get3A_1318, %get3A_1319] {strides = array<i32>} : memref<200x64xf32, #tpu.memory_space<vmem>>, vector<1x16xf32>,
      %get3A_1321 = vector.shape_cast %get3A_1320 : vector<1x16xf32> to vector<16xf32>
      %add3A_1322 = arith.addf %mul3A_1316, %get3A_1321 : vector<16xf32>
      %mul3A_1323 = vector.broadcast %squeeze3A_1308 : f32 to vector<16xf32>
      %mul3A_1324 = arith.mulf %add3A_1322, %mul3A_1323 : vector<16xf32>
      %swap3A_1325 = arith.constant 197 : i32
      %swap3A_1326 = arith.index_cast %swap3A_1325 : i32 to index
      %swap3A_1327 = arith.constant 0 : index
      %swap3A_1328 = tpu.vector_load %arg11[%swap3A_1326, %swap3A_1327] {strides = array<i32>} : memref<200x64xf32, #tpu.memory_space<vmem>>, vector<1x16xf32>,
      %swap3A_1329 = vector.shape_cast %swap3A_1328 : vector<1x16xf32> to vector<16xf32>
      %swap3A_1330 = vector.shape_cast %mul3A_1324 : vector<16xf32> to vector<1x16xf32>
      tpu.vector_store %arg11[%swap3A_1326, %swap3A_1327], %swap3A_1330 {strides = array<i32>} : memref<200x64xf32, #tpu.memory_space<vmem>>, vector<1x16xf32>,
      %get3A_1331 = arith.constant 197 : i32
      %get3A_1332 = arith.index_cast %get3A_1331 : i32 to index
      %get3A_1333 = arith.constant 16 : index
      %get3A_1334 = tpu.vector_load %arg9[%get3A_1332, %get3A_1333] {strides = array<i32>} : memref<200x64xf32, #tpu.memory_space<vmem>>, vector<1x16xf32>,
      %get3A_1335 = vector.shape_cast %get3A_1334 : vector<1x16xf32> to vector<16xf32>
      %mul3A_1336 = arith.constant 8.000000e+00 : f32
      %mul3A_1337 = vector.broadcast %mul3A_1336 : f32 to vector<16xf32>
      %mul3A_1338 = arith.mulf %get3A_1335, %mul3A_1337 : vector<16xf32>
      %get3A_1339 = arith.constant 197 : i32
      %get3A_1340 = arith.index_cast %get3A_1339 : i32 to index
      %get3A_1341 = arith.constant 16 : index
      %get3A_1342 = tpu.vector_load %arg7[%get3A_1340, %get3A_1341] {strides = array<i32>} : memref<200x64xf32, #tpu.memory_space<vmem>>, vector<1x16xf32>,
      %get3A_1343 = vector.shape_cast %get3A_1342 : vector<1x16xf32> to vector<16xf32>
      %add3A_1344 = arith.addf %mul3A_1338, %get3A_1343 : vector<16xf32>
      %mul3A_1345 = vector.broadcast %squeeze3A_1308 : f32 to vector<16xf32>
      %mul3A_1346 = arith.mulf %add3A_1344, %mul3A_1345 : vector<16xf32>
      %swap3A_1347 = arith.constant 197 : i32
      %swap3A_1348 = arith.index_cast %swap3A_1347 : i32 to index
      %swap3A_1349 = arith.constant 16 : index
      %swap3A_1350 = tpu.vector_load %arg11[%swap3A_1348, %swap3A_1349] {strides = array<i32>} : memref<200x64xf32, #tpu.memory_space<vmem>>, vector<1x16xf32>,
      %swap3A_1351 = vector.shape_cast %swap3A_1350 : vector<1x16xf32> to vector<16xf32>
      %swap3A_1352 = vector.shape_cast %mul3A_1346 : vector<16xf32> to vector<1x16xf32>
      tpu.vector_store %arg11[%swap3A_1348, %swap3A_1349], %swap3A_1352 {strides = array<i32>} : memref<200x64xf32, #tpu.memory_space<vmem>>, vector<1x16xf32>,
      %get3A_1353 = arith.constant 197 : i32
      %get3A_1354 = arith.index_cast %get3A_1353 : i32 to index
      %get3A_1355 = arith.constant 32 : index
      %get3A_1356 = tpu.vector_load %arg9[%get3A_1354, %get3A_1355] {strides = array<i32>} : memref<200x64xf32, #tpu.memory_space<vmem>>, vector<1x16xf32>,
      %get3A_1357 = vector.shape_cast %get3A_1356 : vector<1x16xf32> to vector<16xf32>
      %mul3A_1358 = arith.constant 8.000000e+00 : f32
      %mul3A_1359 = vector.broadcast %mul3A_1358 : f32 to vector<16xf32>
      %mul3A_1360 = arith.mulf %get3A_1357, %mul3A_1359 : vector<16xf32>
      %get3A_1361 = arith.constant 197 : i32
      %get3A_1362 = arith.index_cast %get3A_1361 : i32 to index
      %get3A_1363 = arith.constant 32 : index
      %get3A_1364 = tpu.vector_load %arg7[%get3A_1362, %get3A_1363] {strides = array<i32>} : memref<200x64xf32, #tpu.memory_space<vmem>>, vector<1x16xf32>,
      %get3A_1365 = vector.shape_cast %get3A_1364 : vector<1x16xf32> to vector<16xf32>
      %add3A_1366 = arith.addf %mul3A_1360, %get3A_1365 : vector<16xf32>
      %mul3A_1367 = vector.broadcast %squeeze3A_1308 : f32 to vector<16xf32>
      %mul3A_1368 = arith.mulf %add3A_1366, %mul3A_1367 : vector<16xf32>
      %swap3A_1369 = arith.constant 197 : i32
      %swap3A_1370 = arith.index_cast %swap3A_1369 : i32 to index
      %swap3A_1371 = arith.constant 32 : index
      %swap3A_1372 = tpu.vector_load %arg11[%swap3A_1370, %swap3A_1371] {strides = array<i32>} : memref<200x64xf32, #tpu.memory_space<vmem>>, vector<1x16xf32>,
      %swap3A_1373 = vector.shape_cast %swap3A_1372 : vector<1x16xf32> to vector<16xf32>
      %swap3A_1374 = vector.shape_cast %mul3A_1368 : vector<16xf32> to vector<1x16xf32>
      tpu.vector_store %arg11[%swap3A_1370, %swap3A_1371], %swap3A_1374 {strides = array<i32>} : memref<200x64xf32, #tpu.memory_space<vmem>>, vector<1x16xf32>,
      %get3A_1375 = arith.constant 197 : i32
      %get3A_1376 = arith.index_cast %get3A_1375 : i32 to index
      %get3A_1377 = arith.constant 48 : index
      %get3A_1378 = tpu.vector_load %arg9[%get3A_1376, %get3A_1377] {strides = array<i32>} : memref<200x64xf32, #tpu.memory_space<vmem>>, vector<1x16xf32>,
      %get3A_1379 = vector.shape_cast %get3A_1378 : vector<1x16xf32> to vector<16xf32>
      %mul3A_1380 = arith.constant 8.000000e+00 : f32
      %mul3A_1381 = vector.broadcast %mul3A_1380 : f32 to vector<16xf32>
      %mul3A_1382 = arith.mulf %get3A_1379, %mul3A_1381 : vector<16xf32>
      %get3A_1383 = arith.constant 197 : i32
      %get3A_1384 = arith.index_cast %get3A_1383 : i32 to index
      %get3A_1385 = arith.constant 48 : index
      %get3A_1386 = tpu.vector_load %arg7[%get3A_1384, %get3A_1385] {strides = array<i32>} : memref<200x64xf32, #tpu.memory_space<vmem>>, vector<1x16xf32>,
      %get3A_1387 = vector.shape_cast %get3A_1386 : vector<1x16xf32> to vector<16xf32>
      %add3A_1388 = arith.addf %mul3A_1382, %get3A_1387 : vector<16xf32>
      %mul3A_1389 = vector.broadcast %squeeze3A_1308 : f32 to vector<16xf32>
      %mul3A_1390 = arith.mulf %add3A_1388, %mul3A_1389 : vector<16xf32>
      %swap3A_1391 = arith.constant 197 : i32
      %swap3A_1392 = arith.index_cast %swap3A_1391 : i32 to index
      %swap3A_1393 = arith.constant 48 : index
      %swap3A_1394 = tpu.vector_load %arg11[%swap3A_1392, %swap3A_1393] {strides = array<i32>} : memref<200x64xf32, #tpu.memory_space<vmem>>, vector<1x16xf32>,
      %swap3A_1395 = vector.shape_cast %swap3A_1394 : vector<1x16xf32> to vector<16xf32>
      %swap3A_1396 = vector.shape_cast %mul3A_1390 : vector<16xf32> to vector<1x16xf32>
      tpu.vector_store %arg11[%swap3A_1392, %swap3A_1393], %swap3A_1396 {strides = array<i32>} : memref<200x64xf32, #tpu.memory_space<vmem>>, vector<1x16xf32>,
      %slice3A_1397 = vector.extract_strided_slice %select_n3A_856 {offsets = [14], sizes = [1], strides = [1]} : vector<16xf32> to vector<1xf32>
      %squeeze3A_1398 = vector.extract %slice3A_1397[0] : f32 from vector<1xf32>
      %get3A_1399 = arith.constant 198 : i32
      %get3A_1400 = arith.index_cast %get3A_1399 : i32 to index
      %get3A_1401 = arith.constant 0 : index
      %get3A_1402 = tpu.vector_load %arg9[%get3A_1400, %get3A_1401] {strides = array<i32>} : memref<200x64xf32, #tpu.memory_space<vmem>>, vector<1x16xf32>,
      %get3A_1403 = vector.shape_cast %get3A_1402 : vector<1x16xf32> to vector<16xf32>
      %mul3A_1404 = arith.constant 8.000000e+00 : f32
      %mul3A_1405 = vector.broadcast %mul3A_1404 : f32 to vector<16xf32>
      %mul3A_1406 = arith.mulf %get3A_1403, %mul3A_1405 : vector<16xf32>
      %get3A_1407 = arith.constant 198 : i32
      %get3A_1408 = arith.index_cast %get3A_1407 : i32 to index
      %get3A_1409 = arith.constant 0 : index
      %get3A_1410 = tpu.vector_load %arg7[%get3A_1408, %get3A_1409] {strides = array<i32>} : memref<200x64xf32, #tpu.memory_space<vmem>>, vector<1x16xf32>,
      %get3A_1411 = vector.shape_cast %get3A_1410 : vector<1x16xf32> to vector<16xf32>
      %add3A_1412 = arith.addf %mul3A_1406, %get3A_1411 : vector<16xf32>
      %mul3A_1413 = vector.broadcast %squeeze3A_1398 : f32 to vector<16xf32>
      %mul3A_1414 = arith.mulf %add3A_1412, %mul3A_1413 : vector<16xf32>
      %swap3A_1415 = arith.constant 198 : i32
      %swap3A_1416 = arith.index_cast %swap3A_1415 : i32 to index
      %swap3A_1417 = arith.constant 0 : index
      %swap3A_1418 = tpu.vector_load %arg11[%swap3A_1416, %swap3A_1417] {strides = array<i32>} : memref<200x64xf32, #tpu.memory_space<vmem>>, vector<1x16xf32>,
      %swap3A_1419 = vector.shape_cast %swap3A_1418 : vector<1x16xf32> to vector<16xf32>
      %swap3A_1420 = vector.shape_cast %mul3A_1414 : vector<16xf32> to vector<1x16xf32>
      tpu.vector_store %arg11[%swap3A_1416, %swap3A_1417], %swap3A_1420 {strides = array<i32>} : memref<200x64xf32, #tpu.memory_space<vmem>>, vector<1x16xf32>,
      %get3A_1421 = arith.constant 198 : i32
      %get3A_1422 = arith.index_cast %get3A_1421 : i32 to index
      %get3A_1423 = arith.constant 16 : index
      %get3A_1424 = tpu.vector_load %arg9[%get3A_1422, %get3A_1423] {strides = array<i32>} : memref<200x64xf32, #tpu.memory_space<vmem>>, vector<1x16xf32>,
      %get3A_1425 = vector.shape_cast %get3A_1424 : vector<1x16xf32> to vector<16xf32>
      %mul3A_1426 = arith.constant 8.000000e+00 : f32
      %mul3A_1427 = vector.broadcast %mul3A_1426 : f32 to vector<16xf32>
      %mul3A_1428 = arith.mulf %get3A_1425, %mul3A_1427 : vector<16xf32>
      %get3A_1429 = arith.constant 198 : i32
      %get3A_1430 = arith.index_cast %get3A_1429 : i32 to index
      %get3A_1431 = arith.constant 16 : index
      %get3A_1432 = tpu.vector_load %arg7[%get3A_1430, %get3A_1431] {strides = array<i32>} : memref<200x64xf32, #tpu.memory_space<vmem>>, vector<1x16xf32>,
      %get3A_1433 = vector.shape_cast %get3A_1432 : vector<1x16xf32> to vector<16xf32>
      %add3A_1434 = arith.addf %mul3A_1428, %get3A_1433 : vector<16xf32>
      %mul3A_1435 = vector.broadcast %squeeze3A_1398 : f32 to vector<16xf32>
      %mul3A_1436 = arith.mulf %add3A_1434, %mul3A_1435 : vector<16xf32>
      %swap3A_1437 = arith.constant 198 : i32
      %swap3A_1438 = arith.index_cast %swap3A_1437 : i32 to index
      %swap3A_1439 = arith.constant 16 : index
      %swap3A_1440 = tpu.vector_load %arg11[%swap3A_1438, %swap3A_1439] {strides = array<i32>} : memref<200x64xf32, #tpu.memory_space<vmem>>, vector<1x16xf32>,
      %swap3A_1441 = vector.shape_cast %swap3A_1440 : vector<1x16xf32> to vector<16xf32>
      %swap3A_1442 = vector.shape_cast %mul3A_1436 : vector<16xf32> to vector<1x16xf32>
      tpu.vector_store %arg11[%swap3A_1438, %swap3A_1439], %swap3A_1442 {strides = array<i32>} : memref<200x64xf32, #tpu.memory_space<vmem>>, vector<1x16xf32>,
      %get3A_1443 = arith.constant 198 : i32
      %get3A_1444 = arith.index_cast %get3A_1443 : i32 to index
      %get3A_1445 = arith.constant 32 : index
      %get3A_1446 = tpu.vector_load %arg9[%get3A_1444, %get3A_1445] {strides = array<i32>} : memref<200x64xf32, #tpu.memory_space<vmem>>, vector<1x16xf32>,
      %get3A_1447 = vector.shape_cast %get3A_1446 : vector<1x16xf32> to vector<16xf32>
      %mul3A_1448 = arith.constant 8.000000e+00 : f32
      %mul3A_1449 = vector.broadcast %mul3A_1448 : f32 to vector<16xf32>
      %mul3A_1450 = arith.mulf %get3A_1447, %mul3A_1449 : vector<16xf32>
      %get3A_1451 = arith.constant 198 : i32
      %get3A_1452 = arith.index_cast %get3A_1451 : i32 to index
      %get3A_1453 = arith.constant 32 : index
      %get3A_1454 = tpu.vector_load %arg7[%get3A_1452, %get3A_1453] {strides = array<i32>} : memref<200x64xf32, #tpu.memory_space<vmem>>, vector<1x16xf32>,
      %get3A_1455 = vector.shape_cast %get3A_1454 : vector<1x16xf32> to vector<16xf32>
      %add3A_1456 = arith.addf %mul3A_1450, %get3A_1455 : vector<16xf32>
      %mul3A_1457 = vector.broadcast %squeeze3A_1398 : f32 to vector<16xf32>
      %mul3A_1458 = arith.mulf %add3A_1456, %mul3A_1457 : vector<16xf32>
      %swap3A_1459 = arith.constant 198 : i32
      %swap3A_1460 = arith.index_cast %swap3A_1459 : i32 to index
      %swap3A_1461 = arith.constant 32 : index
      %swap3A_1462 = tpu.vector_load %arg11[%swap3A_1460, %swap3A_1461] {strides = array<i32>} : memref<200x64xf32, #tpu.memory_space<vmem>>, vector<1x16xf32>,
      %swap3A_1463 = vector.shape_cast %swap3A_1462 : vector<1x16xf32> to vector<16xf32>
      %swap3A_1464 = vector.shape_cast %mul3A_1458 : vector<16xf32> to vector<1x16xf32>
      tpu.vector_store %arg11[%swap3A_1460, %swap3A_1461], %swap3A_1464 {strides = array<i32>} : memref<200x64xf32, #tpu.memory_space<vmem>>, vector<1x16xf32>,
      %get3A_1465 = arith.constant 198 : i32
      %get3A_1466 = arith.index_cast %get3A_1465 : i32 to index
      %get3A_1467 = arith.constant 48 : index
      %get3A_1468 = tpu.vector_load %arg9[%get3A_1466, %get3A_1467] {strides = array<i32>} : memref<200x64xf32, #tpu.memory_space<vmem>>, vector<1x16xf32>,
      %get3A_1469 = vector.shape_cast %get3A_1468 : vector<1x16xf32> to vector<16xf32>
      %mul3A_1470 = arith.constant 8.000000e+00 : f32
      %mul3A_1471 = vector.broadcast %mul3A_1470 : f32 to vector<16xf32>
      %mul3A_1472 = arith.mulf %get3A_1469, %mul3A_1471 : vector<16xf32>
      %get3A_1473 = arith.constant 198 : i32
      %get3A_1474 = arith.index_cast %get3A_1473 : i32 to index
      %get3A_1475 = arith.constant 48 : index
      %get3A_1476 = tpu.vector_load %arg7[%get3A_1474, %get3A_1475] {strides = array<i32>} : memref<200x64xf32, #tpu.memory_space<vmem>>, vector<1x16xf32>,
      %get3A_1477 = vector.shape_cast %get3A_1476 : vector<1x16xf32> to vector<16xf32>
      %add3A_1478 = arith.addf %mul3A_1472, %get3A_1477 : vector<16xf32>
      %mul3A_1479 = vector.broadcast %squeeze3A_1398 : f32 to vector<16xf32>
      %mul3A_1480 = arith.mulf %add3A_1478, %mul3A_1479 : vector<16xf32>
      %swap3A_1481 = arith.constant 198 : i32
      %swap3A_1482 = arith.index_cast %swap3A_1481 : i32 to index
      %swap3A_1483 = arith.constant 48 : index
      %swap3A_1484 = tpu.vector_load %arg11[%swap3A_1482, %swap3A_1483] {strides = array<i32>} : memref<200x64xf32, #tpu.memory_space<vmem>>, vector<1x16xf32>,
      %swap3A_1485 = vector.shape_cast %swap3A_1484 : vector<1x16xf32> to vector<16xf32>
      %swap3A_1486 = vector.shape_cast %mul3A_1480 : vector<16xf32> to vector<1x16xf32>
      tpu.vector_store %arg11[%swap3A_1482, %swap3A_1483], %swap3A_1486 {strides = array<i32>} : memref<200x64xf32, #tpu.memory_space<vmem>>, vector<1x16xf32>,
      %slice3A_1487 = vector.extract_strided_slice %select_n3A_856 {offsets = [15], sizes = [1], strides = [1]} : vector<16xf32> to vector<1xf32>
      %squeeze3A_1488 = vector.extract %slice3A_1487[0] : f32 from vector<1xf32>
      %get3A_1489 = arith.constant 199 : i32
      %get3A_1490 = arith.index_cast %get3A_1489 : i32 to index
      %get3A_1491 = arith.constant 0 : index
      %get3A_1492 = tpu.vector_load %arg9[%get3A_1490, %get3A_1491] {strides = array<i32>} : memref<200x64xf32, #tpu.memory_space<vmem>>, vector<1x16xf32>,
      %get3A_1493 = vector.shape_cast %get3A_1492 : vector<1x16xf32> to vector<16xf32>
      %mul3A_1494 = arith.constant 8.000000e+00 : f32
      %mul3A_1495 = vector.broadcast %mul3A_1494 : f32 to vector<16xf32>
      %mul3A_1496 = arith.mulf %get3A_1493, %mul3A_1495 : vector<16xf32>
      %get3A_1497 = arith.constant 199 : i32
      %get3A_1498 = arith.index_cast %get3A_1497 : i32 to index
      %get3A_1499 = arith.constant 0 : index
      %get3A_1500 = tpu.vector_load %arg7[%get3A_1498, %get3A_1499] {strides = array<i32>} : memref<200x64xf32, #tpu.memory_space<vmem>>, vector<1x16xf32>,
      %get3A_1501 = vector.shape_cast %get3A_1500 : vector<1x16xf32> to vector<16xf32>
      %add3A_1502 = arith.addf %mul3A_1496, %get3A_1501 : vector<16xf32>
      %mul3A_1503 = vector.broadcast %squeeze3A_1488 : f32 to vector<16xf32>
      %mul3A_1504 = arith.mulf %add3A_1502, %mul3A_1503 : vector<16xf32>
      %swap3A_1505 = arith.constant 199 : i32
      %swap3A_1506 = arith.index_cast %swap3A_1505 : i32 to index
      %swap3A_1507 = arith.constant 0 : index
      %swap3A_1508 = tpu.vector_load %arg11[%swap3A_1506, %swap3A_1507] {strides = array<i32>} : memref<200x64xf32, #tpu.memory_space<vmem>>, vector<1x16xf32>,
      %swap3A_1509 = vector.shape_cast %swap3A_1508 : vector<1x16xf32> to vector<16xf32>
      %swap3A_1510 = vector.shape_cast %mul3A_1504 : vector<16xf32> to vector<1x16xf32>
      tpu.vector_store %arg11[%swap3A_1506, %swap3A_1507], %swap3A_1510 {strides = array<i32>} : memref<200x64xf32, #tpu.memory_space<vmem>>, vector<1x16xf32>,
      %get3A_1511 = arith.constant 199 : i32
      %get3A_1512 = arith.index_cast %get3A_1511 : i32 to index
      %get3A_1513 = arith.constant 16 : index
      %get3A_1514 = tpu.vector_load %arg9[%get3A_1512, %get3A_1513] {strides = array<i32>} : memref<200x64xf32, #tpu.memory_space<vmem>>, vector<1x16xf32>,
      %get3A_1515 = vector.shape_cast %get3A_1514 : vector<1x16xf32> to vector<16xf32>
      %mul3A_1516 = arith.constant 8.000000e+00 : f32
      %mul3A_1517 = vector.broadcast %mul3A_1516 : f32 to vector<16xf32>
      %mul3A_1518 = arith.mulf %get3A_1515, %mul3A_1517 : vector<16xf32>
      %get3A_1519 = arith.constant 199 : i32
      %get3A_1520 = arith.index_cast %get3A_1519 : i32 to index
      %get3A_1521 = arith.constant 16 : index
      %get3A_1522 = tpu.vector_load %arg7[%get3A_1520, %get3A_1521] {strides = array<i32>} : memref<200x64xf32, #tpu.memory_space<vmem>>, vector<1x16xf32>,
      %get3A_1523 = vector.shape_cast %get3A_1522 : vector<1x16xf32> to vector<16xf32>
      %add3A_1524 = arith.addf %mul3A_1518, %get3A_1523 : vector<16xf32>
      %mul3A_1525 = vector.broadcast %squeeze3A_1488 : f32 to vector<16xf32>
      %mul3A_1526 = arith.mulf %add3A_1524, %mul3A_1525 : vector<16xf32>
      %swap3A_1527 = arith.constant 199 : i32
      %swap3A_1528 = arith.index_cast %swap3A_1527 : i32 to index
      %swap3A_1529 = arith.constant 16 : index
      %swap3A_1530 = tpu.vector_load %arg11[%swap3A_1528, %swap3A_1529] {strides = array<i32>} : memref<200x64xf32, #tpu.memory_space<vmem>>, vector<1x16xf32>,
      %swap3A_1531 = vector.shape_cast %swap3A_1530 : vector<1x16xf32> to vector<16xf32>
      %swap3A_1532 = vector.shape_cast %mul3A_1526 : vector<16xf32> to vector<1x16xf32>
      tpu.vector_store %arg11[%swap3A_1528, %swap3A_1529], %swap3A_1532 {strides = array<i32>} : memref<200x64xf32, #tpu.memory_space<vmem>>, vector<1x16xf32>,
      %get3A_1533 = arith.constant 199 : i32
      %get3A_1534 = arith.index_cast %get3A_1533 : i32 to index
      %get3A_1535 = arith.constant 32 : index
      %get3A_1536 = tpu.vector_load %arg9[%get3A_1534, %get3A_1535] {strides = array<i32>} : memref<200x64xf32, #tpu.memory_space<vmem>>, vector<1x16xf32>,
      %get3A_1537 = vector.shape_cast %get3A_1536 : vector<1x16xf32> to vector<16xf32>
      %mul3A_1538 = arith.constant 8.000000e+00 : f32
      %mul3A_1539 = vector.broadcast %mul3A_1538 : f32 to vector<16xf32>
      %mul3A_1540 = arith.mulf %get3A_1537, %mul3A_1539 : vector<16xf32>
      %get3A_1541 = arith.constant 199 : i32
      %get3A_1542 = arith.index_cast %get3A_1541 : i32 to index
      %get3A_1543 = arith.constant 32 : index
      %get3A_1544 = tpu.vector_load %arg7[%get3A_1542, %get3A_1543] {strides = array<i32>} : memref<200x64xf32, #tpu.memory_space<vmem>>, vector<1x16xf32>,
      %get3A_1545 = vector.shape_cast %get3A_1544 : vector<1x16xf32> to vector<16xf32>
      %add3A_1546 = arith.addf %mul3A_1540, %get3A_1545 : vector<16xf32>
      %mul3A_1547 = vector.broadcast %squeeze3A_1488 : f32 to vector<16xf32>
      %mul3A_1548 = arith.mulf %add3A_1546, %mul3A_1547 : vector<16xf32>
      %swap3A_1549 = arith.constant 199 : i32
      %swap3A_1550 = arith.index_cast %swap3A_1549 : i32 to index
      %swap3A_1551 = arith.constant 32 : index
      %swap3A_1552 = tpu.vector_load %arg11[%swap3A_1550, %swap3A_1551] {strides = array<i32>} : memref<200x64xf32, #tpu.memory_space<vmem>>, vector<1x16xf32>,
      %swap3A_1553 = vector.shape_cast %swap3A_1552 : vector<1x16xf32> to vector<16xf32>
      %swap3A_1554 = vector.shape_cast %mul3A_1548 : vector<16xf32> to vector<1x16xf32>
      tpu.vector_store %arg11[%swap3A_1550, %swap3A_1551], %swap3A_1554 {strides = array<i32>} : memref<200x64xf32, #tpu.memory_space<vmem>>, vector<1x16xf32>,
      %get3A_1555 = arith.constant 199 : i32
      %get3A_1556 = arith.index_cast %get3A_1555 : i32 to index
      %get3A_1557 = arith.constant 48 : index
      %get3A_1558 = tpu.vector_load %arg9[%get3A_1556, %get3A_1557] {strides = array<i32>} : memref<200x64xf32, #tpu.memory_space<vmem>>, vector<1x16xf32>,
      %get3A_1559 = vector.shape_cast %get3A_1558 : vector<1x16xf32> to vector<16xf32>
      %mul3A_1560 = arith.constant 8.000000e+00 : f32
      %mul3A_1561 = vector.broadcast %mul3A_1560 : f32 to vector<16xf32>
      %mul3A_1562 = arith.mulf %get3A_1559, %mul3A_1561 : vector<16xf32>
      %get3A_1563 = arith.constant 199 : i32
      %get3A_1564 = arith.index_cast %get3A_1563 : i32 to index
      %get3A_1565 = arith.constant 48 : index
      %get3A_1566 = tpu.vector_load %arg7[%get3A_1564, %get3A_1565] {strides = array<i32>} : memref<200x64xf32, #tpu.memory_space<vmem>>, vector<1x16xf32>,
      %get3A_1567 = vector.shape_cast %get3A_1566 : vector<1x16xf32> to vector<16xf32>
      %add3A_1568 = arith.addf %mul3A_1562, %get3A_1567 : vector<16xf32>
      %mul3A_1569 = vector.broadcast %squeeze3A_1488 : f32 to vector<16xf32>
      %mul3A_1570 = arith.mulf %add3A_1568, %mul3A_1569 : vector<16xf32>
      %swap3A_1571 = arith.constant 199 : i32
      %swap3A_1572 = arith.index_cast %swap3A_1571 : i32 to index
      %swap3A_1573 = arith.constant 48 : index
      %swap3A_1574 = tpu.vector_load %arg11[%swap3A_1572, %swap3A_1573] {strides = array<i32>} : memref<200x64xf32, #tpu.memory_space<vmem>>, vector<1x16xf32>,
      %swap3A_1575 = vector.shape_cast %swap3A_1574 : vector<1x16xf32> to vector<16xf32>
      %swap3A_1576 = vector.shape_cast %mul3A_1570 : vector<16xf32> to vector<1x16xf32>
      tpu.vector_store %arg11[%swap3A_1572, %swap3A_1573], %swap3A_1576 {strides = array<i32>} : memref<200x64xf32, #tpu.memory_space<vmem>>, vector<1x16xf32>,
      %mul3A_1577 = arith.constant 200 : i32
      %mul3A_1578 = arith.muli %add3A_808, %mul3A_1577 : i32
      %add3A_1579 = arith.addi %mul3A_2, %mul3A_1578 : i32
      %dma_start3A_1580 = arith.constant 0 : i32
      %dma_start3A_1581 = tpu.memref_slice %arg5[%add3A_1579, %dma_start3A_1580] : memref<819200x128xf32, #tpu.memory_space<hbm>> -> memref<200x64xf32, #tpu.memory_space<hbm>>
      %dma_start3A_1582 = arith.constant 0 : i32
      %dma_start3A_1583 = tpu.memref_slice %arg5[%add3A_1579, %dma_start3A_1582] : memref<819200x128xf32, #tpu.memory_space<hbm>> -> memref<200x64xf32, #tpu.memory_space<hbm>>
      tpu.enqueue_dma source(%arg11 : memref<200x64xf32, #tpu.memory_space<vmem>>) target(%dma_start3A_1583 : memref<200x64xf32, #tpu.memory_space<hbm>>) target_semaphore(%arg15 : memref<!tpu.dma_semaphore, #tpu.memory_space<semaphore_mem>>)
    }
    %scan3A_21 = arith.constant 64 : i32
    %dma_wait3A = arith.constant 0 : i32
    %dma_wait3A_22 = arith.constant 0 : i32
    %dma_wait3A_23 = tpu.memref_slice %arg5[%dma_wait3A, %dma_wait3A_22] : memref<819200x128xf32, #tpu.memory_space<hbm>> -> memref<200x64xf32, #tpu.memory_space<hbm>>
    %dma_wait3A_24 = arith.constant 0 : i32
    %dma_wait3A_25 = arith.constant 0 : i32
    %dma_wait3A_26 = tpu.memref_slice %arg5[%dma_wait3A_24, %dma_wait3A_25] : memref<819200x128xf32, #tpu.memory_space<hbm>> -> memref<200x64xf32, #tpu.memory_space<hbm>>
    tpu.wait_dma2 semaphore(%arg14 : memref<!tpu.dma_semaphore, #tpu.memory_space<semaphore_mem>>) src(%arg10 : memref<200x64xf32, #tpu.memory_space<vmem>>) dst(%dma_wait3A_26 : memref<200x64xf32, #tpu.memory_space<hbm>>)
    %dma_wait3A_27 = arith.constant 0 : i32
    %dma_wait3A_28 = arith.constant 0 : i32
    %dma_wait3A_29 = tpu.memref_slice %arg5[%dma_wait3A_27, %dma_wait3A_28] : memref<819200x128xf32, #tpu.memory_space<hbm>> -> memref<200x64xf32, #tpu.memory_space<hbm>>
    %dma_wait3A_30 = arith.constant 0 : i32
    %dma_wait3A_31 = arith.constant 0 : i32
    %dma_wait3A_32 = tpu.memref_slice %arg5[%dma_wait3A_30, %dma_wait3A_31] : memref<819200x128xf32, #tpu.memory_space<hbm>> -> memref<200x64xf32, #tpu.memory_space<hbm>>
    tpu.wait_dma2 semaphore(%arg15 : memref<!tpu.dma_semaphore, #tpu.memory_space<semaphore_mem>>) src(%arg11 : memref<200x64xf32, #tpu.memory_space<vmem>>) dst(%dma_wait3A_32 : memref<200x64xf32, #tpu.memory_space<hbm>>)
    return
  }
}

</mosaic_0001>

<sc_bundles>
// kernel: _sc_embed.3.cloned.1.call-start
scs
__scs_entry_jumppad:
0x0: {  	(pc) =	sbr.rel $0x88, $3  }
0x1: {  	(tag) =	ssettag $0x0;
	lr =	simm.s32 $0x1  }
0x2: {  	[smem:$0x3F9E] =	sst lr;
	_ =	strace $0xD0000000  }
0x3: {  	_ = 	snop  }
0x4: {  	_ = 	snop  }
0x5: {  	_ = 	snop  }
0x6: {  	_ = 	snop  }
0x7: {  	_ = 	snop  }
__scs_overlays_trampoline_lowered:
0x8: {  	[smem:$0x3FAD] =	sst s0  }
0x9: {  	[smem:$0x3FAE] =	sst s1  }
0xa: {  	[smem:$0x3FAF] =	sst s2  }
0xb: {  	[smem:$0x3FB0] =	sst s3  }
0xc: {  	[smem:$0x3FB1] =	sst s4  }
0xd: {  	[smem:$0x3FB2] =	sst s5  }
0xe: {  	[smem:$0x3FB3] =	sst s6  }
0xf: {  	[smem:$0x3FB4] =	sst s7  }
0x10: {  	[smem:$0x3FB5] =	sst s8  }
0x11: {  	[smem:$0x3FB6] =	sst s9;
	s0 =	simm.s32 @!p0 $0x0  }
0x12: {  	s1 =	sld [smem:$0x3F9C];
	s0 =	simm.s32 @p0 $0x1  }
0x13: {  	[smem:$0x3FB7] =	sst s0;
	s0 =	simm.s32 @!p1 $0x0  }
0x14: {  	s2 =	sld [smem:$0x3F9B];
	s0 =	simm.s32 @p1 $0x1  }
0x15: {  	[smem:$0x3FB8] =	sst s0;
	s0 =	simm.s32 @!p2 $0x0  }
0x16: {  	s3 =	sld [smem:$0x3FDB];
	s0 =	simm.s32 @p2 $0x1  }
0x17: {  	s4 =	simm.s32 $0x1BF5;
	[smem:$0x3FBA] =	sst s0  }
0x18: {  	s0 =	sld [smem:$0x3F9D];
	_ =	swait.ge [sflag:s4], $0x0  }
0x19: {  	s7 =	sld [smem:$0x3F9E]  }
0x1a: {  	s8 =	sadd.s32 $0xFFFFE003, lr  }
0x1b: {  	s9 =	sadd.s32 $0xFFFFFEF7, lr;
	s5 =	simm.s32 $0xFFFFFFFF;
	p2 =	slt.u32 s8, $0xFFFFF086  }
0x1c: {  	p1 =	slt.u32 s9, $0xF7A;
	s5 =	simm.s32 @!p2 $0x0  }
0x1d: {  	s5 =	simm.s32 @p1 $0x1;
	p0 =	seq.s32 s7, s2  }
0x1e: {  	s7 =	smul.u32 @!p0 $0xF7A, s2;
	p2 =	seq.s32 @!p0 s5, $0x0  }
0x1f: {  	s9 =	smul.u32 $0xF7A, s1;
	s8 =	simm.s32 @!p0 $0x1BF5;
	p2 =	por !p2, p0  }
0x20: {  	[sflag:s8] =	ssyncset.s32 @!p0 $0xFFFFF086;
	s6 =	sadd.s32 @!p0 s3, s7;
	s7 =	simm.s32 @!p0 $0x108  }
0x21: {  	s3 =	sadd.s32 s3, s9;
	s6 =	sadd.s32 @!p0 $0x88, s6;
	s7 =	simm.s32 @p2 $0x1082  }
0x22: {  	[simem:s7], [sflag:s8] =	dma.local @!p0 [hbm:s6], $0xF7A  }
0x23: {  	s9 =	sor.u32 $0xD0000000, s2;
	s6 =	simm.s32 $0x108;
	_ =	swait.ge @!p0 [sflag:s8], $0x0  }
0x24: {  	s3 =	sadd.s32 $0x88, s3;
	s6 =	simm.s32 @!p1 $0x1082;
	[sflag:s4] =	ssyncset.s32 $0xFFFFF086  }
0x25: {  	[simem:s6], [sflag:s4] =	dma.local [hbm:s3], $0xF7A  }
0x26: {  	[smem:$0x3F9E] =	sst s1;
	(tag) =	ssettag s2;
	_ =	strace s9  }
0x27: {  	s1 =	sld [smem:$0x3FAE]  }
0x28: {  	s2 =	sld [smem:$0x3FAF]  }
0x29: {  	s4 =	sld [smem:$0x3FB1]  }
0x2a: {  	p0 =	seq.s32 s5, $0x0;
	s5 =	sld [smem:$0x3FB2]  }
0x2b: {  	s6 =	sld [smem:$0x3FB3]  }
0x2c: {  	s7 =	sld [smem:$0x3FB4]  }
0x2d: {  	s3 =	simm.s32 $0x108;
	s8 =	sld [smem:$0x3FB5]  }
0x2e: {  	s3 =	simm.s32 @!p0 $0x1082;
	s9 =	sld [smem:$0x3FB6]  }
0x2f: {  	lr =	sadd.s32 s0, s3;
	s0 =	sld [smem:$0x3FAD]  }
0x30: {  	s3 =	sld [smem:$0x3FB0]  }
0x31: {  	[smem:$0x3FB9] =	sst s10  }
0x32: {  	s10 =	sld [smem:$0x3FB7];
	_ =	sdelay $0x3  }
0x33: {  	p0 =	seq.s32 s10, $0x1;
	s10 =	sld [smem:$0x3FB9];
	_ =	sdelay $0x3  }
0x34: {  	[smem:$0x3FB9] =	sst s10  }
0x35: {  	s10 =	sld [smem:$0x3FB8];
	_ =	sdelay $0x3  }
0x36: {  	p1 =	seq.s32 s10, $0x1;
	s10 =	sld [smem:$0x3FB9];
	_ =	sdelay $0x3  }
0x37: {  	[smem:$0x3FB9] =	sst s10  }
0x38: {  	s10 =	sld [smem:$0x3FBA]  }
0x39: {  	_ = 	snop;
	(pc) =	sbr.ind lr, $3  }
0x3a: {  	_ = 	snop  }
0x3b: {  	_ = 	snop  }
0x3c: {  	p2 =	seq.s32 s10, $0x1;
	s10 =	sld [smem:$0x3FB9]  }
0x3d: {  	_ =	shalt  }
0x3e: {  	_ =	shalt  }
0x3f: {  	_ =	shalt  }
0x40: {  	_ =	shalt  }
0x41: {  	_ =	shalt  }
0x42: {  	_ =	shalt  }
0x43: {  	_ =	shalt  }
0x44: {  	_ =	shalt  }
0x45: {  	_ =	shalt  }
0x46: {  	_ =	shalt  }
0x47: {  	_ =	shalt  }
0x48: {  	_ =	shalt  }
0x49: {  	_ =	shalt  }
0x4a: {  	_ =	shalt  }
0x4b: {  	_ =	shalt  }
0x4c: {  	_ =	shalt  }
0x4d: {  	_ =	shalt  }
0x4e: {  	_ =	shalt  }
0x4f: {  	_ =	shalt  }
0x50: {  	_ =	shalt  }
0x51: {  	_ =	shalt  }
0x52: {  	_ =	shalt  }
0x53: {  	_ =	shalt  }
0x54: {  	_ =	shalt  }
0x55: {  	_ =	shalt  }
0x56: {  	_ =	shalt  }
0x57: {  	_ =	shalt  }
0x58: {  	_ =	shalt  }
0x59: {  	_ =	shalt  }
0x5a: {  	_ =	shalt  }
0x5b: {  	_ =	shalt  }
0x5c: {  	_ =	shalt  }
0x5d: {  	_ =	shalt  }
0x5e: {  	_ =	shalt  }
0x5f: {  	_ =	shalt  }
0x60: {  	_ =	shalt  }
0x61: {  	_ =	shalt  }
0x62: {  	_ =	shalt  }
0x63: {  	_ =	shalt  }
0x64: {  	_ =	shalt  }
0x65: {  	_ =	shalt  }
0x66: {  	_ =	shalt  }
0x67: {  	_ =	shalt  }
0x68: {  	_ =	shalt  }
0x69: {  	_ =	shalt  }
0x6a: {  	_ =	shalt  }
0x6b: {  	_ =	shalt  }
0x6c: {  	_ =	shalt  }
0x6d: {  	_ =	shalt  }
0x6e: {  	_ =	shalt  }
0x6f: {  	_ =	shalt  }
0x70: {  	_ =	shalt  }
0x71: {  	_ =	shalt  }
0x72: {  	_ =	shalt  }
0x73: {  	_ =	shalt  }
0x74: {  	_ =	shalt  }
0x75: {  	_ =	shalt  }
0x76: {  	_ =	shalt  }
0x77: {  	_ =	shalt  }
0x78: {  	_ =	shalt  }
0x79: {  	_ =	shalt  }
0x7a: {  	_ =	shalt  }
0x7b: {  	_ =	shalt  }
0x7c: {  	_ =	shalt  }
0x7d: {  	_ =	shalt  }
0x7e: {  	_ =	shalt  }
0x7f: {  	_ =	shalt  }
0x80: {  	_ =	shalt  }
0x81: {  	_ =	shalt  }
0x82: {  	_ =	shalt  }
0x83: {  	_ =	shalt  }
0x84: {  	_ =	shalt  }
0x85: {  	_ =	shalt  }
0x86: {  	_ =	shalt  }
0x87: {  	_ =	shalt  }
.Lfunc_end0:
.L_simem_size_0:
called_computation_lowered:
.L_overlay_start_0:
0x88: {  	s2 =	sld [smem:$0x3FD9]  }
0x89: {  	s3 =	sld [smem:$0x3FFE];
	_ =	sdelay $0x1  }
0x8a: {  	s1 =	srdreg.scid  }
0x8b: {  	s0 =	sand.u32 $0x1, s1  }
0x8c: {  	s17 =	sshll.u32 s0, $0xA;
	s2 =	sadd.s32 s3, s2  }
0x8d: {  	s2 =	sadd.s32 s2, s17  }
0x8e: {  	[smem:$0x3FC5] =	sst s2  }
0x8f: {  	_ = 	snop  }
0x90: {  	s2 =	sld [smem:$0x3FC9]  }
0x91: {  	s18 =	sld [smem:$0x3FD0];
	(tm) =	ssettm $0x1  }
0x92: {  	s4 =	sld [smem:$0x3FFB];
	_ =	sdelay $0x3  }
0x93: {  	_ =	strace s4  }
0x94: {  	s4 =	sld [smem:$0x3FFC];
	_ =	sdelay $0x3  }
0x95: {  	_ =	strace s4  }
0x96: {  	s4 =	sld [smem:$0x3FFD];
	_ =	sdelay $0x3  }
0x97: {  	_ =	strace s4  }
0x98: {  	_ =	strace $0x8FFFFFFF  }
0x99: {  	s19 =	sld [smem:$0x3FDB];
	_ =	sdelay $0x1  }
0x9a: {  	s5 =	simm.s32 $_scs_section_size  }
0x9b: {  	s6 =	simm.s32 $_size__tile_overlayer_lowered;
	s7 =	simm.s32 $_tile_overlayer_lowered  }
0x9c: {  	s22 =	simm.s32 $0x1BFF;
	s21 =	sshll.u32 s7, $0x1;
	s4 =	sadd.s32 s5, s19  }
0x9d: {  	s8 =	simm.s32 $0x0;
	s20 =	sshll.u32 s6, $0x1;
	s6 =	sadd.s32 s21, s4  }
0x9e: {  	[timem:s8], [sflag:s22] =	dma.local [hbm:s6], s20  }
0x9f: {  	_ =	swait.ge [sflag:s22], s20  }
0xa0: {  	s5 =	ssub.s32 $0x0, s20;
	[sflag:s22] =	ssyncset.done $0x0  }
0xa1: {  	[sflag:s22] =	ssyncadd.s32 s5;
	_ =	sdelay $0x1  }
0xa2: {  	s23 =	simm.s32 $0x1B8B  }
0xa3: {  	_ =	swait.ge [sflag:s23], $0x1  }
0xa4: {  	[sflag:s23] =	ssyncset.done $0x0  }
0xa5: {  	s25 =	simm.s32 $0x1B8E;
	s24 =	sld [smem:$0x3FFE];
	[sflag:s23] =	ssyncadd.s32 $0xFFFFFFFF  }
0xa6: {  	s26 =	simm.s32 $execute0_lowered;
	[smem:$0x3FD2] =	sst s25  }
0xa7: {  	s6 =	sshll.u32 s26, $0x1;
	_ =	strace $0x80000046;
	[dreg:$0x1] =	wrdreg $0xFFFFFFFF  }
0xa8: {  	s28 =	simm.s32 $_size_execute0_lowered;
	s4 =	sadd.s32 s4, s6;
	[dreg:$0x0] =	wrdreg $0x0  }
0xa9: {  	s6 =	sshll.u32 s28, $0x1;
	[dreg:$0x2] =	wrdreg s4  }
0xaa: {  	[dreg:$0x3] =	wrdreg s6  }
0xab: {  	[dreg:$0x4] =	wrdreg $0xC0  }
0xac: {  	_ =	task [dreg:s8], $0x5FFFF  }
0xad: {  	[dreg:$0x1] =	wrdreg $0xFFFFFFFF  }
0xae: {  	[dreg:$0x0] =	wrdreg $0x60  }
0xaf: {  	[dreg:$0x2] =	wrdreg s24  }
0xb0: {  	[dreg:$0x3] =	wrdreg s2  }
0xb1: {  	[dreg:$0x4] =	wrdreg s18  }
0xb2: {  	[dreg:$0x5] =	wrdreg $0x9  }
0xb3: {  	_ =	task.clear_ibuf [dreg:s8], $0x6FFFF;
	_ =	strace $0x90000046  }
0xb4: {  	s29 =	simm.s32 $0x9;
	_ =	strace $0x80000048  }
0xb5: {  	_ =	swait.ge [sflag:s29], $0x1  }
0xb6: {  	[sflag:s29] =	ssyncadd.s32 $0xFFFFFFFF  }
0xb7: {  	_ =	strace $0x90000048  }
0xb8: {  	_ =	sfence  }
0xb9: {  	s30 =	sld [smem:$0x0];
	_ =	sdelay $0x2  }
0xba: {  	s31 =	sshll.u32 s1, $0xD;
	s1 =	sshrl.u32 s1, $0x2  }
0xbb: {  	s3 =	sand.u32 $0x4000, s31;
	s1 =	sadd.s32 s1, s30  }
0xbc: {  	s0 =	sor.u32 s3, s0;
	s1 =	sshll.u32 s1, $0x11  }
0xbd: {  	s0 =	sor.u32 s1, s0  }
0xbe: {  	s0 =	sadd.s32 $0x8F2B, s0  }
0xbf: {  	[sflag:s0] =	ssyncadd.remote.s32 $0x1  }
0xc0: {  	_ =	sfence.sel $0xFFFF  }
0xc1: {  	[dreg:$0x0] =	wrdreg $0xFFFFFFFF;
	(pc) =	sbr.abs _section_cstart, $3  }
0xc2: {  	[dreg:$0x1] =	wrdreg $0xFFFFFFFF  }
0xc3: {  	_ =	task.clear_ibuf [dreg:s8], $0x2FFFF;
	_ =	strace $0x9FFFFFFF  }
0xc4: {  	(tm) =	ssettm $0x7FFFFFFF  }
0xc5: {  	_ =	shalt  }
tec
execute0_lowered:
.L_overlay_start_1:
0x0: {  	(tag) =	ssettag $0x1  }
0x1: {  	s0 =	rddreg [dreg:$0x0]  }
0x2: {  	s1 =	rddreg [dreg:$0x1];
	s3 =	srdreg.scid  }
0x3: {  	s5 =	stileid.u32;
	s2 =	rddreg [dreg:$0x2];
	s9 =	simm.s32 $0x6400  }
0x4: {  	s10 =	simm.s32 $0x5;
	s11 =	simm.s32 $0x80;
	s12 =	simm.s32 $0x9600  }
0x5: {  	s13 =	simm.s32 $0x48;
	s14 =	simm.s32 $0xB600;
	s15 =	simm.s32 $0xC800  }
0x6: {  	s16 =	simm.s32 $0xE800;
	s17 =	simm.s32 $0x1;
	s18 =	simm.s32 $0x40  }
0x7: {  	s19 =	simm.s32 $0xFA00;
	s20 =	simm.s32 $0x2;
	s21 =	simm.s32 $0x12C00  }
0x8: {  	s22 =	simm.s32 $0x3;
	s4 =	sand.u32 $0x1, s3;
	s5 =	sshll.u32 s5, $0x1  }
0x9: {  	s23 =	simm.s32 $0x4;
	s24 =	simm.s32 $0x0;
	s5 =	sor.u32 s4, s5  }
0xa: {  	s3 =	simm.s32 $0x0;
	s7 =	ssub.s32 $0x2, s4;
	s4 =	smul.u32 $0x6400, s5  }
0xb: {  	s6 =	sadd.s32 $0x600, s0;
	[smem:$0x7FF] =	sst s3;
	s8 =	sshrl.u32 s7, $0x1  }
0xc: {  	_ =	strace $0x80000047;
	s30 =	ssub.s32 s7, s8;
	s31 =	sshrl.u32 s4, $0x3  }
0xd: {  	s5 =	sadd.s32 $0xF42A00, s0;
	s8 =	smax.u32 s30, $0x1;
	s7 =	sadd.s32 s1, s31  }
.LBB2_1:
0xe: {  	[tilespmem:s9], [sflag:$0x5] =	stream.linear.gather [hbm4b:s6+s3], $0x3200, $0x38;
	[tilespmem:$0x15E00] =	vst v63  }
0xf: {  	_ =	swait.ge [sflag:s10], $0x3200  }
0x10: {  	[sflag:s10] =	ssyncset.done $0x0  }
0x11: {  	[sflag:s10] =	ssyncadd.s32 $0xFFFFCE00  }
0x12: {  	[tilespmem:s3], [sflag:$0x5] =	stream.linear.gather [hbm4b:s7+s3], $0x6400, $0x38;
	[tilespmem:$0x15E00] =	vst v63  }
0x13: {  	_ =	swait.ge [sflag:s10], $0x6400  }
0x14: {  	[sflag:s10] =	ssyncset.done $0x0  }
0x15: {  	[sflag:s10] =	ssyncadd.s32 $0xFFFF9C00  }
0x16: {  	[tilespmem:s12], [sflag:$0x1] =	stream.indirect.gather [hbm4b:s5+s11], $0x40, s3, s11, $0xb8;
	[tilespmem:$0x15E00] =	vst v63  }
0x17: {  	s25 =	simm.s32 $0xC8;
	s26 =	simm.s32 $0x0;
	s28 =	simm.s32 $0x0  }
0x18: {  	[tilespmem:s14], [sflag:$0x1] =	stream.indirect.gather [hbm4b:s5+s13], $0x40, s11, s13, $0xb8;
	[tilespmem:$0x15E00] =	vst v63  }
.LBB2_2:
0x19: {  	s0 =	sshllo.u32 s28, $0x1  }
0x1a: {  	s29 =	smul.u32 $0xC8, s0;
	_ =	sdelay $0x1  }
0x1b: {  	[tilespmem:s15], [sflag:$0x2] =	stream.indirect.gather [hbm4b:s5+s11], $0x40, s29, s11, $0xb8;
	[tilespmem:$0x15E00] =	vst v63  }
0x1c: {  	s0 =	sadd.s32 $0x80, s29  }
0x1d: {  	[tilespmem:s16], [sflag:$0x2] =	stream.indirect.gather [hbm4b:s5+s13], $0x40, s0, s13, $0xb8;
	[tilespmem:$0x15E00] =	vst v63  }
0x1e: {  	_ =	swait.ge [sflag:s17], $0x2000  }
0x1f: {  	[sflag:s17] =	ssyncset.done $0x0  }
0x20: {  	[sflag:s17] =	ssyncadd.s32 $0xFFFFE000  }
0x21: {  	_ =	swait.ge [sflag:s17], $0x1200  }
0x22: {  	p0 =	seq.s32 s28, $0x0;
	[sflag:s17] =	ssyncset.done $0x0  }
0x23: {  	s0 =	simm.s32 @!p0 $0x3;
	[sflag:s17] =	ssyncadd.s32 $0xFFFFEE00  }
0x24: {  	_ =	swait.ge @!p0 [sflag:s0], $0x3200  }
0x25: {  	[sflag:s0] =	ssyncset.done @!p0 $0x0  }
0x26: {  	s30 =	simm.s32 $0x3F0;
	[sflag:s0] =	ssyncadd.s32 @!p0 $0xFFFFCE00  }
0x27: {  	v0 =	vld [tilespmem:s30+$0x6010];
	_ =	sdelay $0x4  }
0x28: {  	[tilespmem:$0x1FDD0] =	vst v0;
	v0 =	vld [tilespmem:s30+$0x6020];
	_ =	sdelay $0x4  }
0x29: {  	[tilespmem:$0x1FDE0] =	vst v0;
	v0 =	vld [tilespmem:s30+$0x6030];
	_ =	sdelay $0x4  }
0x2a: {  	[tilespmem:$0x1FDF0] =	vst v0;
	v0 =	vld [tilespmem:s30+$0x6040];
	_ =	sdelay $0x4  }
0x2b: {  	[tilespmem:$0x1FE20] =	vst v0;
	v0 =	vld [tilespmem:s30+$0x6050];
	_ =	sdelay $0x4  }
0x2c: {  	[tilespmem:$0x1FE50] =	vst v0;
	v0 =	vld [tilespmem:s30+$0x6060];
	_ =	sdelay $0x4  }
0x2d: {  	[tilespmem:$0x1FE80] =	vst v0;
	v0 =	vld [tilespmem:s30+$0x6070];
	_ =	sdelay $0x4  }
0x2e: {  	[tilespmem:$0x1FEB0] =	vst v0;
	v0 =	vld [tilespmem:s30+$0x6080];
	_ =	sdelay $0x4  }
0x2f: {  	[tilespmem:$0x1FEE0] =	vst v0;
	v0 =	vld [tilespmem:s30+$0x6090];
	_ =	sdelay $0x4  }
0x30: {  	[tilespmem:$0x1FF10] =	vst v0;
	v0 =	vld [tilespmem:s30+$0x60A0];
	_ =	sdelay $0x4  }
0x31: {  	[tilespmem:$0x1FF40] =	vst v0;
	v0 =	vld [tilespmem:s30+$0x60B0];
	_ =	sdelay $0x4  }
0x32: {  	[tilespmem:$0x1FF80] =	vst v0;
	v0 =	vld [tilespmem:s30+$0x60C0];
	_ =	sdelay $0x4  }
0x33: {  	[tilespmem:$0x1FFC0] =	vst v0;
	v0 =	vld [tilespmem:s30+$0x60D0];
	_ =	sdelay $0x1  }
0x34: {  	v44 =	vld [tilespmem:s30+$0x6160]  }
0x35: {  	v1 =	vld [tilespmem:s30+$0x9210]  }
0x36: {  	v10 =	vld [tilespmem:s30+$0x9220]  }
0x37: {  	[tilespmem:$0x1FD10] =	vst v0;
	v0 =	vld [tilespmem:s30+$0x60E0]  }
0x38: {  	v13 =	vld [tilespmem:s30+$0x9230]  }
0x39: {  	v14 =	vld [tilespmem:s30+$0x9240]  }
0x3a: {  	v16 =	vld [tilespmem:s30+$0x9250]  }
0x3b: {  	v17 =	vld [tilespmem:s30+$0x9260]  }
0x3c: {  	[tilespmem:$0x1FD20] =	vst v0;
	v0 =	vld [tilespmem:s30+$0x60F0]  }
0x3d: {  	v18 =	vld [tilespmem:s30+$0x9270]  }
0x3e: {  	v19 =	vld [tilespmem:s30+$0x9280]  }
0x3f: {  	v20 =	vld [tilespmem:s30+$0x9290]  }
0x40: {  	v21 =	vld [tilespmem:s30+$0x92A0]  }
0x41: {  	[tilespmem:$0x1FD30] =	vst v0;
	v0 =	vld [tilespmem:s30+$0x6100]  }
0x42: {  	v22 =	vld [tilespmem:s30+$0x92B0]  }
0x43: {  	v23 =	vld [tilespmem:s30+$0x92C0]  }
0x44: {  	v24 =	vld [tilespmem:s30+$0x92D0]  }
0x45: {  	v25 =	vld [tilespmem:s30+$0x92E0]  }
0x46: {  	[tilespmem:$0x1FD40] =	vst v0;
	v0 =	vld [tilespmem:s30+$0x6110]  }
0x47: {  	v26 =	vld [tilespmem:s30+$0x92F0]  }
0x48: {  	v27 =	vld [tilespmem:s30+$0x9300]  }
0x49: {  	v28 =	vld [tilespmem:s30+$0x9310]  }
0x4a: {  	v29 =	vld [tilespmem:s30+$0x9320]  }
0x4b: {  	[tilespmem:$0x1FD50] =	vst v0;
	v0 =	vld [tilespmem:s30+$0x6120]  }
0x4c: {  	v30 =	vld [tilespmem:s30+$0x9330]  }
0x4d: {  	v31 =	vld [tilespmem:s30+$0x9340]  }
0x4e: {  	v32 =	vld [tilespmem:s30+$0x9350]  }
0x4f: {  	v33 =	vld [tilespmem:s30+$0x9360]  }
0x50: {  	[tilespmem:$0x1FD60] =	vst v0;
	v0 =	vld [tilespmem:s30+$0x6130]  }
0x51: {  	v34 =	vld [tilespmem:s30+$0x9370]  }
0x52: {  	v35 =	vld [tilespmem:s30+$0x9380]  }
0x53: {  	v36 =	vld [tilespmem:s30+$0x9390]  }
0x54: {  	v37 =	vld [tilespmem:s30+$0x93A0]  }
0x55: {  	[tilespmem:$0x1FD70] =	vst v0;
	v0 =	vld [tilespmem:s30+$0x6140]  }
0x56: {  	v38 =	vld [tilespmem:s30+$0x93B0]  }
0x57: {  	v39 =	vld [tilespmem:s30+$0x93C0]  }
0x58: {  	v40 =	vld [tilespmem:s30+$0x93D0]  }
0x59: {  	v41 =	vld [tilespmem:s30+$0x93E0]  }
0x5a: {  	[tilespmem:$0x1FD80] =	vst v0;
	v0 =	vld [tilespmem:s30+$0x6150]  }
0x5b: {  	v42 =	vld [tilespmem:s30+$0x93F0]  }
0x5c: {  	v2 =	vld [tilespmem:s30+$0x9510]  }
0x5d: {  	v60 =	vld [tilespmem:s30+$0x9400]  }
0x5e: {  	v61 =	vld [tilespmem:s30+$0x9410]  }
0x5f: {  	[tilespmem:$0x1FD90] =	vst v0;
	v0 =	vld [tilespmem:s30+$0x6170]  }
0x60: {  	v3 =	vld [tilespmem:s30+$0x9430]  }
0x61: {  	v12 =	vmul.f32 $8.000000000e+00, v13;
	v13 =	vld [tilespmem:s30+$0x94E0];
	v2 =	vmul.f32 $8.000000000e+00, v2  }
0x62: {  	v5 =	vld [tilespmem:s30+$0x9470]  }
0x63: {  	[tilespmem:$0x1FED0] =	vst v2;
	v2 =	vld [tilespmem:$0x1FEE0]  }
0x64: {  	[tilespmem:$0x1FDA0] =	vst v0;
	v0 =	vld [tilespmem:s30+$0x6180]  }
0x65: {  	v46 =	vmul.f32 $8.000000000e+00, v38;
	v38 =	vmul.f32 $8.000000000e+00, v3;
	v3 =	vld [tilespmem:$0x1FDD0]  }
0x66: {  	v9 =	vld [tilespmem:s30+$0x9500];
	v19 =	vmul.f32 $8.000000000e+00, v19;
	v13 =	vmul.f32 $8.000000000e+00, v13  }
0x67: {  	v55 =	vmul.f32 $8.000000000e+00, v29;
	v29 =	vmul.f32 $8.000000000e+00, v40;
	v40 =	vld [tilespmem:s30+$0x9540]  }
0x68: {  	v11 =	vmul.f32 $8.000000000e+00, v1;
	[tilespmem:$0x1FE90] =	vst v13;
	v13 =	vadd.f32 v2, v19;
	v2 =	vld [tilespmem:$0x1FF10]  }
0x69: {  	[tilespmem:$0x1FDB0] =	vst v0;
	v0 =	vld [tilespmem:s30+$0x6190]  }
0x6a: {  	v3 =	vadd.f32 v3, v11;
	v11 =	vld [tilespmem:s30+$0x9550]  }
0x6b: {  	v4 =	vld [tilespmem:s30+$0x9450];
	v20 =	vmul.f32 $8.000000000e+00, v20;
	v9 =	vmul.f32 $8.000000000e+00, v9  }
0x6c: {  	v6 =	vld [tilespmem:s30+$0x9460];
	v56 =	vmul.f32 $8.000000000e+00, v28  }
0x6d: {  	v28 =	vmul.f32 $8.000000000e+00, v41;
	v41 =	vld [tilespmem:s30+$0x9560];
	[tilespmem:$0x1FEC0] =	vst v9;
	v9 =	vadd.f32 v2, v20;
	v2 =	vmul.f32 $8.000000000e+00, v40  }
0x6e: {  	v49 =	vmul.f32 $8.000000000e+00, v34;
	[tilespmem:$0x1FDC0] =	vst v0;
	v0 =	vmul.f32 $8.000000000e+00, v21;
	v21 =	vld [tilespmem:s30+$0x9480]  }
0x6f: {  	v34 =	vmul.f32 $8.000000000e+00, v5;
	v5 =	vld [tilespmem:$0x1FDF0];
	[tilespmem:$0x1FF20] =	vst v2;
	v2 =	vmul.f32 $8.000000000e+00, v11  }
0x70: {  	[tilespmem:$0x1FF50] =	vst v0;
	v0 =	vmul.f32 $8.000000000e+00, v22;
	v22 =	vld [tilespmem:s30+$0x9490]  }
0x71: {  	[tilespmem:$0x1FF30] =	vst v2;
	v2 =	vld [tilespmem:$0x1FF40]  }
0x72: {  	v50 =	vmul.f32 $8.000000000e+00, v35;
	v11 =	vld [tilespmem:$0x1FF50]  }
0x73: {  	v62 =	vld [tilespmem:s30+$0x9420];
	v35 =	vmul.f32 $8.000000000e+00, v6;
	v6 =	vmul.f32 $8.000000000e+00, v21  }
0x74: {  	v5 =	vadd.f32 v5, v12;
	v12 =	vld [tilespmem:s30+$0x9570]  }
0x75: {  	v7 =	vld [tilespmem:s30+$0x9440];
	[tilespmem:$0x1FE00] =	vst v6;
	v6 =	vmul.f32 $8.000000000e+00, v22  }
0x76: {  	v48 =	vmul.f32 $8.000000000e+00, v36;
	v36 =	vmul.f32 $8.000000000e+00, v4;
	v4 =	vld [tilespmem:$0x1FDE0]  }
0x77: {  	v11 =	vadd.f32 v2, v11;
	v2 =	vmul.f32 $8.000000000e+00, v41;
	[tilespmem:$0x1FE10] =	vst v6;
	v6 =	vld [tilespmem:$0x1FE20]  }
0x78: {  	v43 =	vld [tilespmem:s30+$0x94B0];
	[tilespmem:$0x1FF90] =	vst v0  }
0x79: {  	v15 =	vld [tilespmem:s30+$0x94C0];
	[tilespmem:$0x1FF60] =	vst v2;
	v2 =	vmul.f32 $8.000000000e+00, v12  }
0x7a: {  	v10 =	vmul.f32 $8.000000000e+00, v10;
	v14 =	vmul.f32 $8.000000000e+00, v14;
	v12 =	vld [tilespmem:$0x1FF90]  }
0x7b: {  	[tilespmem:$0x1FF70] =	vst v2;
	v2 =	vld [tilespmem:$0x1FF80]  }
0x7c: {  	v4 =	vadd.f32 v4, v10;
	v10 =	vadd.f32 v6, v14;
	v14 =	vld [tilespmem:s30+$0x9580]  }
0x7d: {  	v57 =	vld [tilespmem:s30+$0x94D0]  }
0x7e: {  	v59 =	vmul.f32 $8.000000000e+00, v27;
	v27 =	vmul.f32 $8.000000000e+00, v42;
	v42 =	vld [tilespmem:s30+$0x9590]  }
0x7f: {  	v8 =	vld [tilespmem:s30+$0x94F0];
	v58 =	vmul.f32 $8.000000000e+00, v26  }
0x80: {  	v47 =	vmul.f32 $8.000000000e+00, v37;
	v0 =	vmul.f32 $8.000000000e+00, v23;
	v23 =	vld [tilespmem:s30+$0x94A0]  }
0x81: {  	v26 =	vmul.f32 $8.000000000e+00, v60;
	v60 =	vld [tilespmem:s30+$0x9530];
	v12 =	vadd.f32 v2, v12;
	v2 =	vmul.f32 $8.000000000e+00, v14  }
0x82: {  	v37 =	vmul.f32 $8.000000000e+00, v7;
	v7 =	vmul.f32 $8.000000000e+00, v15;
	v15 =	vld [tilespmem:s30+$0x95A0];
	[tilespmem:$0x1FFD0] =	vst v0  }
0x83: {  	v0 =	vld [tilespmem:s30+$0x9520];
	[tilespmem:$0x1FFA0] =	vst v2;
	v2 =	vmul.f32 $8.000000000e+00, v42  }
0x84: {  	[tilespmem:$0x1FE60] =	vst v7;
	v7 =	vmul.f32 $8.000000000e+00, v57;
	v14 =	vld [tilespmem:$0x1FFD0]  }
0x85: {  	v16 =	vmul.f32 $8.000000000e+00, v16;
	v6 =	vmul.f32 $8.000000000e+00, v23;
	[tilespmem:$0x1FFB0] =	vst v2;
	v2 =	vld [tilespmem:$0x1FFC0]  }
0x86: {  	v17 =	vmul.f32 $8.000000000e+00, v17;
	v8 =	vmul.f32 $8.000000000e+00, v8;
	[tilespmem:$0x1FE70] =	vst v7;
	v7 =	vld [tilespmem:$0x1FE80]  }
0x87: {  	v18 =	vmul.f32 $8.000000000e+00, v18;
	[tilespmem:$0x1FE30] =	vst v6;
	v6 =	vmul.f32 $8.000000000e+00, v43;
	v43 =	vld [tilespmem:s30+$0x95B0]  }
0x88: {  	v1 =	vmul.f32 $8.000000000e+00, v24;
	v63 =	vmul.f32 $8.000000000e+00, v25;
	[tilespmem:$0x1FEA0] =	vst v8;
	v8 =	vld [tilespmem:$0x1FEB0]  }
0x89: {  	v53 =	vmul.f32 $8.000000000e+00, v30;
	v0 =	vmul.f32 $8.000000000e+00, v0;
	[tilespmem:$0x1FE40] =	vst v6;
	v6 =	vld [tilespmem:$0x1FE50]  }
0x8a: {  	v25 =	vmul.f32 $8.000000000e+00, v61;
	v61 =	vld [tilespmem:s30+$0x95E0];
	v14 =	vadd.f32 v2, v14;
	v2 =	vmul.f32 $8.000000000e+00, v15  }
0x8b: {  	v24 =	vmul.f32 $8.000000000e+00, v62;
	v62 =	vld [tilespmem:s30+$0x95F0];
	[tilespmem:$0x1FEF0] =	vst v0;
	v0 =	vmul.f32 $8.000000000e+00, v60  }
0x8c: {  	v54 =	vmul.f32 $8.000000000e+00, v31;
	v57 =	vld [tilespmem:s30+$0x9600];
	[tilespmem:$0x1FFE0] =	vst v2;
	v2 =	vmul.f32 $8.000000000e+00, v43  }
0x8d: {  	v52 =	vmul.f32 $8.000000000e+00, v32;
	v51 =	vmul.f32 $8.000000000e+00, v33;
	v7 =	vadd.f32 v7, v17;
	v60 =	vld [tilespmem:s30+$0x95D0];
	[tilespmem:$0x1FF00] =	vst v0  }
0x8e: {  	s1 =	simm.s32 $0x1FC0;
	s31 =	smov.u32 s26;
	v45 =	vmul.f32 $8.000000000e+00, v39;
	v8 =	vadd.f32 v8, v18;
	v0 =	vld [tilespmem:s30+$0x95C0];
	v6 =	vadd.f32 v6, v16;
	[tilespmem:$0x1FFF0] =	vst v2  }
.LBB2_3:
0x8f: {  	v2 =	vld [tilespmem:s31+$0x0]  }
0x90: {  	v15 =	vld [tilespmem:$0x1FD10]  }
0x91: {  	v16 =	vld [tilespmem:$0x1FD40]  }
0x92: {  	v32 =	vld [tilespmem:s30+$0x61A0]  }
0x93: {  	v41 =	vld [tilespmem:$0x1FD50]  }
0x94: {  	v42 =	vld [tilespmem:$0x1FD60]  }
0x95: {  	v43 =	vld [tilespmem:s30+$0x61B0]  }
0x96: {  	v17 =	vld [tilespmem:$0x1FD70]  }
0x97: {  	v33 =	vld [tilespmem:$0x1FD80]  }
0x98: {  	vm0 =	veq.s32 v2, $0x0;
	v2 =	vld [tilespmem:$0x1FDA0]  }
0x99: {  	v39 =	vld [tilespmem:s30+$0x61C0]  }
0x9a: {  	v18 =	vld [tilespmem:$0x1FD90]  }
0x9b: {  	v40 =	vld [tilespmem:s30+$0x61D0]  }
0x9c: {  	v19 =	vld [tilespmem:s30+$0x61E0]  }
0x9d: {  	v49 =	vadd.f32 v2, v49;
	v2 =	vld [tilespmem:$0x1FDB0]  }
0x9e: {  	v1 =	vadd.f32 v15, v1;
	v15 =	vld [tilespmem:$0x1FD20]  }
0x9f: {  	v20 =	vld [tilespmem:$0x1FDC0]  }
0xa0: {  	v51 =	vadd.f32 v44, v51;
	v44 =	vld [tilespmem:s30+$0x6220];
	v59 =	vadd.f32 v16, v59  }
0xa1: {  	v56 =	vadd.f32 v41, v56;
	v53 =	vadd.f32 v17, v53;
	v41 =	vld [tilespmem:s30+$0x61F0]  }
0xa2: {  	v54 =	vadd.f32 v33, v54;
	v33 =	vld [tilespmem:s30+$0x6200];
	v50 =	vadd.f32 v2, v50;
	v2 =	vimm.f32 $1.000000000e+00  }
0xa3: {  	v15 =	vadd.f32 v15, v63;
	v63 =	vmul.f32 $8.000000000e+00, v0;
	v0 =	vld [tilespmem:$0x1FD30];
	v2 =	vsel vm0, $0x0, v2  }
0xa4: {  	v47 =	vadd.f32 v32, v47;
	v17 =	vadd.f32 v39, v45;
	v39 =	vld [tilespmem:s30+$0x6210];
	v32 =	vbroadcast v2, $0x0  }
0xa5: {  	v55 =	vadd.f32 v42, v55;
	v52 =	vadd.f32 v18, v52;
	v42 =	vld [tilespmem:s30+$0x6240]  }
0xa6: {  	v18 =	vadd.f32 v40, v29;
	v40 =	vld [tilespmem:s30+$0x6260];
	v21 =	vbroadcast v2, $0x1;
	v3 =	vmul.f32 v32, v3  }
0xa7: {  	v16 =	vadd.f32 v43, v46;
	v45 =	vld [tilespmem:s30+$0x6290];
	v23 =	vbroadcast v2, $0x3;
	v4 =	vmul.f32 v4, v32  }
0xa8: {  	v46 =	vld [tilespmem:s30+$0x62A0];
	v0 =	vadd.f32 v0, v58;
	v22 =	vbroadcast v2, $0x2;
	v5 =	vmul.f32 v5, v32;
	[tilespmem:s30+$0xF610] =	vst v3  }
0xa9: {  	v19 =	vadd.f32 v19, v28;
	v28 =	vld [tilespmem:s30+$0x6320];
	v10 =	vmul.f32 v10, v32;
	v1 =	vmul.f32 v1, v23;
	[tilespmem:s30+$0xF620] =	vst v4  }
0xaa: {  	v58 =	vld [tilespmem:s30+$0x62B0];
	v0 =	vmul.f32 v0, v23;
	v3 =	vmul.f32 v6, v21;
	[tilespmem:s30+$0xF630] =	vst v5  }
0xab: {  	v32 =	vld [tilespmem:s30+$0x6230];
	v4 =	vmul.f32 v8, v21;
	v8 =	vmul.f32 v13, v21;
	[tilespmem:s30+$0xF640] =	vst v10  }
0xac: {  	v13 =	vadd.f32 v33, v26;
	v33 =	vld [tilespmem:s30+$0x6250];
	v5 =	vmul.f32 v9, v22;
	v9 =	vmul.f32 v11, v22;
	[tilespmem:s30+$0xF6D0] =	vst v1  }
0xad: {  	v10 =	vmul.f32 v12, v22;
	v12 =	vmul.f32 v14, v22;
	v22 =	vld [tilespmem:s30+$0x6270];
	[tilespmem:s30+$0xF6F0] =	vst v0  }
0xae: {  	v6 =	vmul.f32 v7, v21;
	v14 =	vadd.f32 v44, v24;
	v44 =	vld [tilespmem:s30+$0x6280];
	[tilespmem:s30+$0xF650] =	vst v3  }
0xaf: {  	v48 =	vadd.f32 v20, v48;
	v7 =	vadd.f32 v41, v27;
	v24 =	vld [tilespmem:$0x1FE00];
	[tilespmem:s30+$0xF680] =	vst v8;
	v8 =	vbroadcast v2, $0x6  }
0xb0: {  	v11 =	vadd.f32 v39, v25;
	v39 =	vbroadcast v2, $0x7;
	[tilespmem:s30+$0xF660] =	vst v6;
	v6 =	vmul.f32 v59, v23;
	v59 =	vld [tilespmem:s30+$0x62C0]  }
0xb1: {  	[tilespmem:s30+$0xF670] =	vst v4;
	v4 =	vbroadcast v2, $0x4;
	v1 =	vmul.f32 v48, v8;
	v48 =	vld [tilespmem:s30+$0x6300]  }
0xb2: {  	[tilespmem:s30+$0xF700] =	vst v6;
	v6 =	vmul.f32 v7, v39;
	v7 =	vmul.f32 v13, v39;
	v13 =	vld [tilespmem:$0x1FE90]  }
0xb3: {  	[tilespmem:s30+$0xF690] =	vst v5;
	v41 =	vmul.f32 v55, v4;
	v55 =	vld [tilespmem:s30+$0x6350]  }
0xb4: {  	[tilespmem:s30+$0xF6A0] =	vst v9;
	v20 =	vadd.f32 v44, v24;
	v24 =	vld [tilespmem:$0x1FE10]  }
0xb5: {  	[tilespmem:s30+$0xF6B0] =	vst v10;
	v0 =	vmul.f32 v18, v39;
	v5 =	vmul.f32 v56, v4;
	v56 =	vld [tilespmem:s30+$0x6360]  }
0xb6: {  	v3 =	vmul.f32 v15, v23;
	[tilespmem:s30+$0xF6C0] =	vst v12;
	v43 =	vmul.f32 v47, v8;
	v47 =	vld [tilespmem:s30+$0x63D0]  }
0xb7: {  	v15 =	vadd.f32 v32, v38;
	v38 =	vbroadcast v2, $0x5;
	[tilespmem:s30+$0xF7D0] =	vst v0;
	v0 =	vld [tilespmem:$0x1FFF0]  }
0xb8: {  	v9 =	vmul.f32 v53, v4;
	[tilespmem:s30+$0xF6E0] =	vst v3;
	v21 =	vadd.f32 v33, v36;
	v33 =	vld [tilespmem:s30+$0x62D0]  }
0xb9: {  	v4 =	vmul.f32 v54, v4;
	v10 =	vmul.f32 v52, v38;
	[tilespmem:s30+$0xF710] =	vst v5;
	v32 =	vadd.f32 v45, v24;
	v24 =	vld [tilespmem:$0x1FE30]  }
0xba: {  	v23 =	vadd.f32 v42, v37;
	v42 =	vmul.f32 v51, v38;
	v12 =	vmul.f32 v49, v38;
	v49 =	vld [tilespmem:$0x1FE60];
	[tilespmem:s30+$0xF720] =	vst v41  }
0xbb: {  	v38 =	vmul.f32 v50, v38;
	v50 =	vld [tilespmem:s30+$0x6310];
	v5 =	vbroadcast v2, $0x8;
	[tilespmem:s30+$0xF730] =	vst v9  }
0xbc: {  	v51 =	vld [tilespmem:$0x1FE70];
	[tilespmem:s30+$0xF740] =	vst v4  }
0xbd: {  	v3 =	vmul.f32 v16, v8;
	[tilespmem:s30+$0xF790] =	vst v1;
	v4 =	vmul.f32 v15, v5;
	v15 =	vld [tilespmem:$0x1FEF0]  }
0xbe: {  	[tilespmem:s30+$0xF7A0] =	vst v43;
	v31 =	vadd.f32 v46, v24;
	v24 =	vld [tilespmem:$0x1FE40]  }
0xbf: {  	v8 =	vmul.f32 v17, v8;
	v52 =	vld [tilespmem:s30+$0x6340];
	[tilespmem:s30+$0xF7B0] =	vst v3  }
0xc0: {  	[tilespmem:s30+$0xF760] =	vst v42;
	v42 =	vld [tilespmem:s30+$0x63B0]  }
0xc1: {  	v53 =	vbroadcast v2, $0xA;
	v41 =	vld [tilespmem:$0x1FF60];
	[tilespmem:s30+$0xF7C0] =	vst v8  }
0xc2: {  	v3 =	vbroadcast v2, $0xC;
	[tilespmem:s30+$0xF750] =	vst v10;
	v16 =	vadd.f32 v59, v49;
	v46 =	vld [tilespmem:s30+$0x62F0]  }
0xc3: {  	[tilespmem:s30+$0xF770] =	vst v12;
	v32 =	vmul.f32 v32, v53;
	v15 =	vadd.f32 v28, v15;
	v30 =	vadd.f32 v58, v24;
	v24 =	vld [tilespmem:$0x1FEA0]  }
0xc4: {  	s0 =	sshra.s32 s1, $0x2;
	v22 =	vadd.f32 v22, v34;
	v12 =	vld [tilespmem:$0x1FF30];
	[tilespmem:s30+$0xF780] =	vst v38;
	v34 =	vmul.f32 v16, v53;
	v31 =	vmul.f32 v31, v53  }
0xc5: {  	v30 =	vmul.f32 v30, v53;
	v53 =	vmul.f32 v15, v3;
	v15 =	vadd.f32 v42, v0;
	v0 =	vld [tilespmem:s0+$0x6010]  }
0xc6: {  	v9 =	vmul.f32 v11, v5;
	v11 =	vmul.f32 v14, v5;
	v14 =	vld [tilespmem:$0x1FED0]  }
0xc7: {  	v18 =	vmul.f32 v19, v39;
	v45 =	vld [tilespmem:s30+$0x62E0]  }
0xc8: {  	v29 =	vbroadcast v2, $0x9;
	v26 =	vadd.f32 v46, v24;
	v24 =	vld [tilespmem:$0x1FEC0]  }
0xc9: {  	v35 =	vadd.f32 v40, v35;
	v28 =	vld [tilespmem:$0x1FF20];
	[tilespmem:s30+$0xF7E0] =	vst v18  }
0xca: {  	v10 =	vmul.f32 v21, v29;
	v22 =	vmul.f32 v22, v29;
	[tilespmem:$0x1FCE0] =	vst v0;
	v0 =	vld [tilespmem:s0+$0x6020]  }
0xcb: {  	v20 =	vmul.f32 v20, v29;
	v59 =	vmul.f32 v35, v29;
	v29 =	vld [tilespmem:s30+$0x6390]  }
0xcc: {  	v54 =	vbroadcast v2, $0xB;
	v19 =	vadd.f32 v33, v51;
	v49 =	vld [tilespmem:$0x1FFB0];
	v13 =	vadd.f32 v45, v13  }
0xcd: {  	v14 =	vadd.f32 v50, v14;
	v50 =	vld [tilespmem:s30+$0x63E0];
	v25 =	vadd.f32 v48, v24  }
0xce: {  	v1 =	vmul.f32 v19, v54;
	v13 =	vmul.f32 v13, v54;
	v28 =	vadd.f32 v52, v28;
	v52 =	vld [tilespmem:s30+$0x63F0];
	[tilespmem:s30+$0xF7F0] =	vst v6  }
0xcf: {  	v26 =	vmul.f32 v26, v54;
	v25 =	vmul.f32 v25, v54;
	v54 =	vld [tilespmem:s30+$0x6400];
	[tilespmem:$0x1FCF0] =	vst v0  }
0xd0: {  	v60 =	vmul.f32 $8.000000000e+00, v60;
	v0 =	vld [tilespmem:s0+$0x6030];
	[tilespmem:s30+$0xF800] =	vst v7  }
0xd1: {  	v61 =	vmul.f32 $8.000000000e+00, v61;
	v12 =	vadd.f32 v55, v12;
	v48 =	vbroadcast v2, $0xD;
	v19 =	vld [tilespmem:s0+$0x6040];
	[tilespmem:s30+$0xF810] =	vst v9  }
0xd2: {  	v62 =	vmul.f32 $8.000000000e+00, v62;
	v5 =	vmul.f32 v23, v5;
	v18 =	vld [tilespmem:s0+$0x6050];
	[tilespmem:s30+$0xF820] =	vst v11  }
0xd3: {  	v16 =	vadd.f32 v56, v41;
	v6 =	vmul.f32 v12, v48;
	v12 =	vadd.f32 v47, v60;
	v60 =	vld [tilespmem:s0+$0x6060];
	[tilespmem:s30+$0xF830] =	vst v4  }
0xd4: {  	v8 =	vbroadcast v2, $0xE;
	v29 =	vadd.f32 v29, v49;
	v37 =	vadd.f32 v50, v61;
	v61 =	vld [tilespmem:s0+$0x6070];
	[tilespmem:s30+$0xF840] =	vst v5  }
0xd5: {  	v2 =	vbroadcast v2, $0xF;
	v55 =	vmul.f32 v16, v48;
	v16 =	vld [tilespmem:s0+$0x6080];
	[tilespmem:s30+$0xF850] =	vst v10  }
0xd6: {  	v9 =	vmul.f32 v29, v8;
	v29 =	vadd.f32 v52, v62;
	v62 =	vld [tilespmem:s0+$0x6090];
	[tilespmem:s30+$0xF860] =	vst v59  }
0xd7: {  	v57 =	vmul.f32 $8.000000000e+00, v57;
	v4 =	vmul.f32 v12, v2;
	v12 =	vld [tilespmem:s0+$0x60A0];
	[tilespmem:s30+$0xF870] =	vst v22  }
0xd8: {  	v17 =	vld [tilespmem:s0+$0x60B0];
	[tilespmem:s30+$0xF880] =	vst v20  }
0xd9: {  	v11 =	vmul.f32 v15, v8;
	v15 =	vadd.f32 v54, v57;
	v57 =	vld [tilespmem:s0+$0x60C0];
	[tilespmem:s30+$0xF890] =	vst v32  }
0xda: {  	[tilespmem:$0x1FD00] =	vst v0;
	v0 =	vld [tilespmem:s0+$0x60D0];
	_ =	sdelay $0x3  }
0xdb: {  	[tilespmem:s30+$0xF8A0] =	vst v31  }
0xdc: {  	[tilespmem:$0x1FD10] =	vst v0;
	v0 =	vld [tilespmem:s0+$0x60E0];
	_ =	sdelay $0x3  }
0xdd: {  	[tilespmem:s30+$0xF8B0] =	vst v30  }
0xde: {  	[tilespmem:$0x1FD20] =	vst v0;
	v0 =	vld [tilespmem:s0+$0x60F0];
	_ =	sdelay $0x3  }
0xdf: {  	[tilespmem:s30+$0xF8C0] =	vst v34  }
0xe0: {  	[tilespmem:$0x1FD30] =	vst v0;
	v0 =	vld [tilespmem:s0+$0x6100];
	_ =	sdelay $0x3  }
0xe1: {  	[tilespmem:s30+$0xF8D0] =	vst v1  }
0xe2: {  	[tilespmem:$0x1FD40] =	vst v0;
	v0 =	vld [tilespmem:s0+$0x6110];
	_ =	sdelay $0x3  }
0xe3: {  	[tilespmem:s30+$0xF8E0] =	vst v13  }
0xe4: {  	[tilespmem:$0x1FD50] =	vst v0;
	v0 =	vld [tilespmem:s0+$0x6120];
	_ =	sdelay $0x2  }
0xe5: {  	v27 =	vld [tilespmem:s30+$0x6330]  }
0xe6: {  	v24 =	vld [tilespmem:$0x1FF00];
	[tilespmem:s30+$0xF8F0] =	vst v26  }
0xe7: {  	[tilespmem:$0x1FD60] =	vst v0;
	v0 =	vld [tilespmem:s0+$0x6130]  }
0xe8: {  	v40 =	vld [tilespmem:s30+$0x63A0]  }
0xe9: {  	v51 =	vld [tilespmem:$0x1FFE0]  }
0xea: {  	v46 =	vld [tilespmem:$0x1FFA0]  }
0xeb: {  	v24 =	vadd.f32 v27, v24;
	v27 =	vld [tilespmem:s30+$0x6380];
	[tilespmem:s30+$0xF900] =	vst v25  }
0xec: {  	[tilespmem:$0x1FD70] =	vst v0;
	v0 =	vld [tilespmem:s0+$0x6140]  }
0xed: {  	v45 =	vld [tilespmem:s30+$0x63C0]  }
0xee: {  	v14 =	vmul.f32 v14, v3;
	_ =	sdelay $0x1  }
0xef: {  	[tilespmem:s30+$0xF910] =	vst v14  }
0xf0: {  	v33 =	vadd.f32 v40, v51;
	v27 =	vadd.f32 v27, v46;
	[tilespmem:$0x1FD80] =	vst v0;
	v0 =	vld [tilespmem:s0+$0x6150]  }
0xf1: {  	v24 =	vmul.f32 v24, v3;
	v3 =	vmul.f32 v28, v3;
	v28 =	vadd.f32 v45, v63  }
0xf2: {  	v5 =	vmul.f32 v29, v2;
	v36 =	vmul.f32 v27, v48  }
0xf3: {  	v27 =	vmul.f32 v33, v8;
	v8 =	vmul.f32 v28, v8;
	[tilespmem:s30+$0xF920] =	vst v53  }
0xf4: {  	v28 =	vmul.f32 v37, v2;
	v2 =	vmul.f32 v15, v2;
	v15 =	vld [tilespmem:s0+$0x6160];
	[tilespmem:s30+$0xF930] =	vst v24  }
0xf5: {  	[tilespmem:$0x1FD90] =	vst v0;
	v0 =	vld [tilespmem:s0+$0x6170];
	_ =	sdelay $0x1  }
0xf6: {  	v44 =	vld [tilespmem:$0x1FF70]  }
0xf7: {  	v58 =	vld [tilespmem:s30+$0x6370]  }
0xf8: {  	[tilespmem:s30+$0xF940] =	vst v3  }
0xf9: {  	[tilespmem:$0x1FDA0] =	vst v0;
	v0 =	vld [tilespmem:s0+$0x6180];
	_ =	sdelay $0x2  }
0xfa: {  	v23 =	vadd.f32 v58, v44  }
0xfb: {  	[tilespmem:s30+$0xF950] =	vst v6  }
0xfc: {  	v7 =	vmul.f32 v23, v48;
	[tilespmem:$0x1FDB0] =	vst v0  }
0xfd: {  	v0 =	vld [tilespmem:s0+$0x6190];
	[tilespmem:s30+$0xF960] =	vst v55  }
0xfe: {  	v1 =	vld [tilespmem:s0+$0x9210];
	[tilespmem:s30+$0xF970] =	vst v7  }
0xff: {  	v3 =	vld [tilespmem:s0+$0x9220];
	[tilespmem:s30+$0xF980] =	vst v36  }
0x100: {  	v6 =	vld [tilespmem:s0+$0x9230];
	[tilespmem:s30+$0xF990] =	vst v9  }
0x101: {  	v7 =	vld [tilespmem:s0+$0x9240];
	[tilespmem:s30+$0xF9A0] =	vst v27  }
0x102: {  	v9 =	vld [tilespmem:s0+$0x9250];
	[tilespmem:s30+$0xF9B0] =	vst v11  }
0x103: {  	v10 =	vld [tilespmem:s0+$0x9260];
	[tilespmem:s30+$0xF9C0] =	vst v8  }
0x104: {  	v8 =	vld [tilespmem:s0+$0x9270];
	[tilespmem:s30+$0xF9D0] =	vst v4  }
0x105: {  	v4 =	vld [tilespmem:s0+$0x9280];
	[tilespmem:s30+$0xF9E0] =	vst v28  }
0x106: {  	v11 =	vld [tilespmem:s0+$0x9290];
	[tilespmem:s30+$0xF9F0] =	vst v5  }
0x107: {  	v5 =	vld [tilespmem:s0+$0x92A0];
	[tilespmem:s30+$0xFA00] =	vst v2;
	s30 =	smov.u32 s0  }
0x108: {  	v13 =	vld [tilespmem:s30+$0x92C0]  }
0x109: {  	v14 =	vld [tilespmem:s30+$0x92D0]  }
0x10a: {  	v20 =	vld [tilespmem:s30+$0x92E0]  }
0x10b: {  	v21 =	vld [tilespmem:s30+$0x92F0]  }
0x10c: {  	v22 =	vld [tilespmem:s30+$0x9300]  }
0x10d: {  	v23 =	vld [tilespmem:s30+$0x9310]  }
0x10e: {  	v25 =	vld [tilespmem:s30+$0x9330]  }
0x10f: {  	v26 =	vld [tilespmem:s30+$0x9340]  }
0x110: {  	v27 =	vld [tilespmem:s30+$0x9350]  }
0x111: {  	v28 =	vld [tilespmem:s30+$0x9360]  }
0x112: {  	v29 =	vld [tilespmem:s30+$0x9370]  }
0x113: {  	v34 =	vld [tilespmem:s30+$0x93C0]  }
0x114: {  	v35 =	vld [tilespmem:s30+$0x93D0]  }
0x115: {  	v36 =	vld [tilespmem:s30+$0x93E0]  }
0x116: {  	v37 =	vld [tilespmem:s30+$0x93F0]  }
0x117: {  	[tilespmem:$0x1FDC0] =	vst v0;
	v0 =	vmul.f32 $8.000000000e+00, v1;
	v38 =	vld [tilespmem:s30+$0x9400]  }
0x118: {  	v39 =	vmul.f32 $8.000000000e+00, v3;
	v3 =	vld [tilespmem:s30+$0x9410];
	v41 =	vmul.f32 $8.000000000e+00, v10  }
0x119: {  	v10 =	vld [tilespmem:s30+$0x9430];
	v42 =	vmul.f32 $8.000000000e+00, v4;
	v43 =	vmul.f32 $8.000000000e+00, v5  }
0x11a: {  	v4 =	vld [tilespmem:s30+$0x9440];
	v44 =	vmul.f32 $8.000000000e+00, v13;
	v1 =	vmul.f32 $8.000000000e+00, v14  }
0x11b: {  	v5 =	vld [tilespmem:s30+$0x9450];
	v63 =	vmul.f32 $8.000000000e+00, v20;
	v58 =	vmul.f32 $8.000000000e+00, v21  }
0x11c: {  	v13 =	vld [tilespmem:s30+$0x9460];
	v59 =	vmul.f32 $8.000000000e+00, v22;
	v56 =	vmul.f32 $8.000000000e+00, v23  }
0x11d: {  	v14 =	vld [tilespmem:s30+$0x9470];
	v53 =	vmul.f32 $8.000000000e+00, v25;
	v54 =	vmul.f32 $8.000000000e+00, v26  }
0x11e: {  	v20 =	vld [tilespmem:s30+$0x9480];
	v52 =	vmul.f32 $8.000000000e+00, v27;
	v51 =	vmul.f32 $8.000000000e+00, v28  }
0x11f: {  	v22 =	vld [tilespmem:s30+$0x94A0];
	v49 =	vmul.f32 $8.000000000e+00, v29;
	v45 =	vmul.f32 $8.000000000e+00, v34  }
0x120: {  	v29 =	vmul.f32 $8.000000000e+00, v35;
	v25 =	vmul.f32 $8.000000000e+00, v3;
	v3 =	vld [tilespmem:s30+$0x9500]  }
0x121: {  	v21 =	vld [tilespmem:s30+$0x9490];
	v27 =	vmul.f32 $8.000000000e+00, v37;
	v26 =	vmul.f32 $8.000000000e+00, v38  }
0x122: {  	v38 =	vmul.f32 $8.000000000e+00, v10;
	v10 =	vld [tilespmem:s30+$0x9510];
	v37 =	vmul.f32 $8.000000000e+00, v4  }
0x123: {  	v23 =	vld [tilespmem:s30+$0x94B0];
	v35 =	vmul.f32 $8.000000000e+00, v13;
	v13 =	vmul.f32 $8.000000000e+00, v20  }
0x124: {  	v4 =	vld [tilespmem:s30+$0x9520];
	v34 =	vmul.f32 $8.000000000e+00, v14;
	v14 =	vmul.f32 $8.000000000e+00, v22  }
0x125: {  	v28 =	vmul.f32 $8.000000000e+00, v36;
	v3 =	vmul.f32 $8.000000000e+00, v3;
	[tilespmem:$0x1FE00] =	vst v13  }
0x126: {  	v36 =	vmul.f32 $8.000000000e+00, v5;
	v5 =	vld [tilespmem:s30+$0x9530];
	v13 =	vmul.f32 $8.000000000e+00, v21;
	[tilespmem:$0x1FE30] =	vst v14  }
0x127: {  	[tilespmem:$0x1FEC0] =	vst v3;
	v3 =	vmul.f32 $8.000000000e+00, v10  }
0x128: {  	v14 =	vmul.f32 $8.000000000e+00, v23;
	[tilespmem:$0x1FE10] =	vst v13;
	v13 =	vld [tilespmem:s30+$0x9540]  }
0x129: {  	[tilespmem:$0x1FED0] =	vst v3;
	v3 =	vmul.f32 $8.000000000e+00, v4  }
0x12a: {  	[tilespmem:$0x1FE40] =	vst v14;
	v14 =	vld [tilespmem:s30+$0x9550]  }
0x12b: {  	[tilespmem:$0x1FEF0] =	vst v3;
	v3 =	vmul.f32 $8.000000000e+00, v5  }
0x12c: {  	v24 =	vld [tilespmem:s30+$0x9320]  }
0x12d: {  	v30 =	vld [tilespmem:s30+$0x9380];
	[tilespmem:$0x1FF00] =	vst v3;
	v3 =	vmul.f32 $8.000000000e+00, v13  }
0x12e: {  	v31 =	vld [tilespmem:s30+$0x9390]  }
0x12f: {  	v32 =	vld [tilespmem:s30+$0x93A0];
	[tilespmem:$0x1FF20] =	vst v3;
	v3 =	vmul.f32 $8.000000000e+00, v14  }
0x130: {  	v33 =	vld [tilespmem:s30+$0x93B0]  }
0x131: {  	[tilespmem:$0x1FF30] =	vst v3;
	v3 =	vld [tilespmem:$0x1FCE0]  }
0x132: {  	v40 =	vld [tilespmem:s30+$0x9420]  }
0x133: {  	v50 =	vmul.f32 $8.000000000e+00, v30;
	v30 =	vld [tilespmem:s30+$0x94C0]  }
0x134: {  	v47 =	vmul.f32 $8.000000000e+00, v32;
	v32 =	vld [tilespmem:s30+$0x94E0]  }
0x135: {  	v20 =	vld [tilespmem:s30+$0x9560]  }
0x136: {  	v3 =	vadd.f32 v3, v0;
	v0 =	vld [tilespmem:$0x1FCF0];
	_ =	sdelay $0x1  }
0x137: {  	v55 =	vmul.f32 $8.000000000e+00, v24;
	v48 =	vmul.f32 $8.000000000e+00, v31;
	v31 =	vld [tilespmem:s30+$0x94D0]  }
0x138: {  	v24 =	vmul.f32 $8.000000000e+00, v40;
	v40 =	vmul.f32 $8.000000000e+00, v30  }
0x139: {  	v46 =	vmul.f32 $8.000000000e+00, v33;
	v33 =	vld [tilespmem:s30+$0x94F0];
	v32 =	vmul.f32 $8.000000000e+00, v32  }
0x13a: {  	[tilespmem:$0x1FE60] =	vst v40;
	v4 =	vadd.f32 v0, v39;
	v0 =	vmul.f32 $8.000000000e+00, v20  }
0x13b: {  	[tilespmem:$0x1FE90] =	vst v32;
	v32 =	vld [tilespmem:s30+$0x9580]  }
0x13c: {  	v40 =	vmul.f32 $8.000000000e+00, v31;
	[tilespmem:$0x1FF60] =	vst v0;
	v0 =	vld [tilespmem:$0x1FD00]  }
0x13d: {  	v2 =	vld [tilespmem:s30+$0x92B0]  }
0x13e: {  	[tilespmem:$0x1FE70] =	vst v40;
	v40 =	vmul.f32 $8.000000000e+00, v33;
	v33 =	vld [tilespmem:s30+$0x9590]  }
0x13f: {  	v6 =	vmul.f32 $8.000000000e+00, v6;
	v9 =	vmul.f32 $8.000000000e+00, v9;
	v21 =	vld [tilespmem:s30+$0x9570]  }
0x140: {  	v14 =	vld [tilespmem:s30+$0x95A0]  }
0x141: {  	v5 =	vadd.f32 v0, v6;
	v6 =	vadd.f32 v18, v9;
	v9 =	vmul.f32 $8.000000000e+00, v32  }
0x142: {  	v7 =	vmul.f32 $8.000000000e+00, v7;
	v8 =	vmul.f32 $8.000000000e+00, v8;
	[tilespmem:$0x1FEA0] =	vst v40;
	v40 =	vld [tilespmem:s30+$0x95B0]  }
0x143: {  	v11 =	vmul.f32 $8.000000000e+00, v11;
	[tilespmem:$0x1FFA0] =	vst v9;
	v9 =	vmul.f32 $8.000000000e+00, v33  }
0x144: {  	p1 =	sne.s32 s1, $0xBFC0;
	v8 =	vadd.f32 v61, v8;
	v2 =	vmul.f32 $8.000000000e+00, v2;
	v0 =	vmul.f32 $8.000000000e+00, v21  }
.Ltmp0:
0x145: {  	v61 =	vld [tilespmem:s30+$0x95E0];
	[tilespmem:$0x1FFB0] =	vst v9;
	v9 =	vadd.f32 v62, v11;
	v11 =	vadd.f32 v12, v43;
	v12 =	vmul.f32 $8.000000000e+00, v14;
	(pc) =	sbr.rel @p1 .LBB2_3-.Ltmp0, $4  }
0x146: {  	v10 =	vadd.f32 v19, v7;
	v7 =	vadd.f32 v60, v41;
	v60 =	vld [tilespmem:s30+$0x95D0];
	[tilespmem:$0x1FF70] =	vst v0  }
0x147: {  	v0 =	vld [tilespmem:s30+$0x95C0];
	[tilespmem:$0x1FFE0] =	vst v12;
	v12 =	vadd.f32 v17, v2;
	v2 =	vmul.f32 $8.000000000e+00, v40  }
0x148: {  	v62 =	vld [tilespmem:s30+$0x95F0]  }
0x149: {  	s1 =	sadd.s32 $0x1000, s1;
	s31 =	sadd.s32 $0x10, s31;
	v13 =	vadd.f32 v16, v42;
	v14 =	vadd.f32 v57, v44;
	v44 =	vmov v15;
	v57 =	vld [tilespmem:s30+$0x9600];
	[tilespmem:$0x1FFF0] =	vst v2  }
0x14a: {  	v2 =	vld [tilespmem:s31+$0x0];
	_ =	sdelay $0x4  }
0x14b: {  	v19 =	vimm.f32 $1.000000000e+00;
	vm0 =	veq.s32 v2, $0x0  }
0x14c: {  	v15 =	vsel vm0, $0x0, v19  }
0x14d: {  	v20 =	vbroadcast v15, $0x0;
	_ =	sdelay $0x1  }
0x14e: {  	v3 =	vmul.f32 v20, v3;
	_ =	sdelay $0x1  }
0x14f: {  	[tilespmem:s30+$0xF610] =	vst v3;
	v3 =	vmul.f32 v4, v20;
	_ =	sdelay $0x1  }
0x150: {  	[tilespmem:s30+$0xF620] =	vst v3;
	v3 =	vmul.f32 v5, v20;
	_ =	sdelay $0x1  }
0x151: {  	[tilespmem:s30+$0xF630] =	vst v3;
	v3 =	vbroadcast v15, $0x1;
	_ =	sdelay $0x1  }
0x152: {  	v31 =	vld [tilespmem:s30+$0x6230];
	v6 =	vmul.f32 v6, v3;
	_ =	sdelay $0x1  }
0x153: {  	[tilespmem:s30+$0xF650] =	vst v6;
	v6 =	vmul.f32 v7, v3;
	_ =	sdelay $0x1  }
0x154: {  	[tilespmem:s30+$0xF660] =	vst v6;
	v6 =	vmul.f32 v8, v3  }
0x155: {  	[tilespmem:$0x1F9D0] =	vst v31  }
0x156: {  	v31 =	vld [tilespmem:$0x1FD10];
	v3 =	vmul.f32 v13, v3;
	[tilespmem:s30+$0xF670] =	vst v6;
	v6 =	vbroadcast v15, $0x2;
	_ =	sdelay $0x1  }
0x157: {  	[tilespmem:s30+$0xF680] =	vst v3;
	v3 =	vmul.f32 v9, v6;
	_ =	sdelay $0x1  }
0x158: {  	[tilespmem:s30+$0xF690] =	vst v3;
	v3 =	vmul.f32 v11, v6  }
0x159: {  	v1 =	vadd.f32 v31, v1;
	v31 =	vld [tilespmem:$0x1FD20]  }
0x15a: {  	[tilespmem:s30+$0xF6A0] =	vst v3;
	v3 =	vmul.f32 v12, v6  }
0x15b: {  	v32 =	vld [tilespmem:$0x1FD30]  }
0x15c: {  	[tilespmem:s30+$0xF6B0] =	vst v3;
	v3 =	vbroadcast v15, $0x3  }
0x15d: {  	v33 =	vld [tilespmem:$0x1FD40]  }
0x15e: {  	v31 =	vadd.f32 v31, v63;
	v1 =	vmul.f32 v1, v3  }
0x15f: {  	v39 =	vld [tilespmem:$0x1FD50]  }
0x160: {  	v32 =	vadd.f32 v32, v58;
	[tilespmem:s30+$0xF6D0] =	vst v1;
	v1 =	vmul.f32 v31, v3  }
0x161: {  	v40 =	vld [tilespmem:$0x1FD60]  }
0x162: {  	v33 =	vadd.f32 v33, v59;
	[tilespmem:s30+$0xF6E0] =	vst v1;
	v1 =	vmul.f32 v32, v3  }
0x163: {  	v41 =	vld [tilespmem:$0x1FD70]  }
0x164: {  	v39 =	vadd.f32 v39, v56;
	v3 =	vmul.f32 v33, v3;
	[tilespmem:s30+$0xF6F0] =	vst v1;
	v1 =	vbroadcast v15, $0x4  }
0x165: {  	v42 =	vld [tilespmem:$0x1FD80]  }
0x166: {  	v40 =	vadd.f32 v40, v55;
	[tilespmem:s30+$0xF700] =	vst v3;
	v3 =	vmul.f32 v39, v1  }
0x167: {  	v43 =	vld [tilespmem:$0x1FD90]  }
0x168: {  	v41 =	vadd.f32 v41, v53;
	[tilespmem:s30+$0xF710] =	vst v3;
	v3 =	vmul.f32 v40, v1;
	_ =	sdelay $0x1  }
0x169: {  	v42 =	vadd.f32 v42, v54;
	[tilespmem:s30+$0xF720] =	vst v3;
	v3 =	vmul.f32 v41, v1  }
0x16a: {  	v56 =	vld [tilespmem:$0x1FDA0]  }
0x16b: {  	v43 =	vadd.f32 v43, v52;
	v1 =	vmul.f32 v42, v1;
	[tilespmem:s30+$0xF730] =	vst v3;
	v3 =	vbroadcast v15, $0x5  }
0x16c: {  	v58 =	vld [tilespmem:$0x1FDB0]  }
0x16d: {  	v44 =	vadd.f32 v44, v51;
	[tilespmem:s30+$0xF740] =	vst v1;
	v1 =	vmul.f32 v43, v3  }
0x16e: {  	v59 =	vld [tilespmem:$0x1FDC0]  }
0x16f: {  	v49 =	vadd.f32 v56, v49;
	[tilespmem:s30+$0xF750] =	vst v1;
	v1 =	vmul.f32 v44, v3  }
0x170: {  	v16 =	vld [tilespmem:s30+$0x61A0]  }
0x171: {  	v50 =	vadd.f32 v58, v50;
	[tilespmem:s30+$0xF760] =	vst v1;
	v1 =	vmul.f32 v49, v3  }
0x172: {  	v17 =	vld [tilespmem:s30+$0x61B0]  }
0x173: {  	v48 =	vadd.f32 v59, v48;
	v3 =	vmul.f32 v50, v3;
	[tilespmem:s30+$0xF770] =	vst v1;
	v1 =	vbroadcast v15, $0x6  }
0x174: {  	v18 =	vld [tilespmem:s30+$0x61C0]  }
0x175: {  	v63 =	vadd.f32 v16, v47;
	[tilespmem:s30+$0xF780] =	vst v3;
	v3 =	vmul.f32 v48, v1  }
0x176: {  	v21 =	vld [tilespmem:s30+$0x61D0]  }
0x177: {  	v52 =	vadd.f32 v17, v46;
	[tilespmem:s30+$0xF790] =	vst v3;
	v3 =	vmul.f32 v63, v1  }
0x178: {  	v2 =	vld [tilespmem:s30+$0x61E0]  }
0x179: {  	v22 =	vld [tilespmem:s30+$0x6200];
	v54 =	vadd.f32 v18, v45;
	[tilespmem:s30+$0xF7A0] =	vst v3;
	v3 =	vmul.f32 v52, v1  }
0x17a: {  	v4 =	vld [tilespmem:s30+$0x6240]  }
0x17b: {  	v23 =	vld [tilespmem:s30+$0x6210];
	v56 =	vadd.f32 v21, v29;
	v1 =	vmul.f32 v54, v1;
	[tilespmem:s30+$0xF7B0] =	vst v3;
	v3 =	vbroadcast v15, $0x7  }
0x17c: {  	v30 =	vld [tilespmem:s30+$0x6220];
	v10 =	vmul.f32 v10, v20  }
0x17d: {  	v19 =	vld [tilespmem:s30+$0x61F0];
	v2 =	vadd.f32 v2, v28;
	[tilespmem:s30+$0xF7C0] =	vst v1;
	v1 =	vmul.f32 v56, v3  }
0x17e: {  	v21 =	vadd.f32 v22, v26;
	[tilespmem:s30+$0xF640] =	vst v10;
	v10 =	vld [tilespmem:s30+$0x6270]  }
0x17f: {  	v22 =	vbroadcast v15, $0x8;
	v5 =	vld [tilespmem:s30+$0x6250];
	v4 =	vadd.f32 v4, v37;
	[tilespmem:s30+$0xF7D0] =	vst v1;
	v1 =	vmul.f32 v2, v3  }
0x180: {  	v20 =	vld [tilespmem:s30+$0x6260]  }
0x181: {  	v4 =	vmul.f32 v4, v22;
	[tilespmem:s30+$0xF7E0] =	vst v1;
	v1 =	vld [tilespmem:$0x1F9D0]  }
0x182: {  	v7 =	vld [tilespmem:s30+$0x6280]  }
0x183: {  	[tilespmem:s30+$0xF840] =	vst v4;
	v4 =	vld [tilespmem:$0x1FE10]  }
0x184: {  	v59 =	vadd.f32 v19, v27;
	v8 =	vld [tilespmem:s30+$0x6290]  }
0x185: {  	v13 =	vld [tilespmem:s30+$0x62A0]  }
0x186: {  	v9 =	vld [tilespmem:s30+$0x62B0];
	v18 =	vmul.f32 v59, v3;
	v3 =	vmul.f32 v21, v3;
	v1 =	vadd.f32 v1, v38  }
0x187: {  	v11 =	vld [tilespmem:s30+$0x62C0]  }
0x188: {  	v12 =	vld [tilespmem:s30+$0x62D0];
	[tilespmem:s30+$0xF800] =	vst v3;
	v3 =	vadd.f32 v5, v36;
	v5 =	vbroadcast v15, $0x9;
	v1 =	vmul.f32 v1, v22  }
0x189: {  	v6 =	vmul.f32 v14, v6;
	v14 =	vld [tilespmem:s30+$0x62E0];
	v2 =	vadd.f32 v23, v25  }
0x18a: {  	v3 =	vmul.f32 v3, v5;
	[tilespmem:s30+$0xF830] =	vst v1;
	v1 =	vld [tilespmem:$0x1FE00]  }
0x18b: {  	[tilespmem:s30+$0xF6C0] =	vst v6;
	v6 =	vld [tilespmem:s30+$0x62F0];
	v2 =	vmul.f32 v2, v22  }
0x18c: {  	[tilespmem:s30+$0xF850] =	vst v3;
	v3 =	vld [tilespmem:$0x1FE30]  }
0x18d: {  	v31 =	vld [tilespmem:s30+$0x6300];
	[tilespmem:s30+$0xF810] =	vst v2;
	v2 =	vadd.f32 v20, v35  }
0x18e: {  	v32 =	vld [tilespmem:s30+$0x6310]  }
0x18f: {  	v33 =	vld [tilespmem:s30+$0x6320];
	v2 =	vmul.f32 v2, v5;
	v1 =	vadd.f32 v7, v1  }
0x190: {  	v10 =	vadd.f32 v10, v34;
	v4 =	vadd.f32 v8, v4;
	v39 =	vld [tilespmem:s30+$0x6330];
	v7 =	vbroadcast v15, $0xA  }
0x191: {  	[tilespmem:s30+$0xF860] =	vst v2;
	v2 =	vld [tilespmem:$0x1FE40];
	v3 =	vadd.f32 v13, v3;
	v1 =	vmul.f32 v1, v5  }
0x192: {  	v8 =	vmul.f32 v10, v5;
	v4 =	vmul.f32 v4, v7;
	v5 =	vld [tilespmem:$0x1FE60]  }
0x193: {  	v3 =	vmul.f32 v3, v7;
	[tilespmem:s30+$0xF880] =	vst v1;
	v1 =	vld [tilespmem:$0x1FE70]  }
0x194: {  	[tilespmem:s30+$0xF890] =	vst v4;
	v4 =	vld [tilespmem:$0x1FE90]  }
0x195: {  	[tilespmem:s30+$0xF8A0] =	vst v3;
	v3 =	vld [tilespmem:$0x1FEA0]  }
0x196: {  	v40 =	vld [tilespmem:s30+$0x6340];
	v2 =	vadd.f32 v9, v2  }
0x197: {  	v41 =	vld [tilespmem:s30+$0x6350];
	v5 =	vadd.f32 v11, v5  }
0x198: {  	v42 =	vld [tilespmem:s30+$0x6360];
	[tilespmem:s30+$0xF870] =	vst v8;
	v8 =	vbroadcast v15, $0xB;
	v2 =	vmul.f32 v2, v7;
	v1 =	vadd.f32 v12, v1  }
0x199: {  	v43 =	vld [tilespmem:s30+$0x6370];
	v4 =	vadd.f32 v14, v4;
	v5 =	vmul.f32 v5, v7  }
0x19a: {  	[tilespmem:s30+$0xF8B0] =	vst v2;
	v2 =	vld [tilespmem:$0x1FEC0];
	v3 =	vadd.f32 v6, v3;
	v1 =	vmul.f32 v1, v8  }
0x19b: {  	v4 =	vmul.f32 v4, v8;
	[tilespmem:s30+$0xF8C0] =	vst v5;
	v5 =	vld [tilespmem:$0x1FED0]  }
0x19c: {  	v3 =	vmul.f32 v3, v8;
	[tilespmem:s30+$0xF8D0] =	vst v1;
	v1 =	vld [tilespmem:$0x1FEF0]  }
0x19d: {  	[tilespmem:s30+$0xF8E0] =	vst v4;
	v4 =	vld [tilespmem:$0x1FF00]  }
0x19e: {  	[tilespmem:s30+$0xF8F0] =	vst v3;
	v3 =	vld [tilespmem:$0x1FF20]  }
0x19f: {  	v44 =	vld [tilespmem:s30+$0x6380];
	v2 =	vadd.f32 v31, v2  }
0x1a0: {  	v49 =	vld [tilespmem:s30+$0x6390];
	v6 =	vbroadcast v15, $0xC;
	v5 =	vadd.f32 v32, v5  }
0x1a1: {  	v50 =	vld [tilespmem:s30+$0x63A0];
	v2 =	vmul.f32 v2, v8;
	v1 =	vadd.f32 v33, v1  }
0x1a2: {  	v8 =	vld [tilespmem:$0x1FFE0];
	v4 =	vadd.f32 v39, v4;
	v5 =	vmul.f32 v5, v6  }
0x1a3: {  	[tilespmem:s30+$0xF900] =	vst v2;
	v2 =	vld [tilespmem:$0x1FF30];
	v3 =	vadd.f32 v40, v3;
	v1 =	vmul.f32 v1, v6  }
0x1a4: {  	v4 =	vmul.f32 v4, v6;
	[tilespmem:s30+$0xF910] =	vst v5;
	v5 =	vld [tilespmem:$0x1FF60]  }
0x1a5: {  	v3 =	vmul.f32 v3, v6;
	[tilespmem:s30+$0xF920] =	vst v1;
	v1 =	vld [tilespmem:$0x1FF70]  }
0x1a6: {  	[tilespmem:s30+$0xF930] =	vst v4;
	v4 =	vld [tilespmem:$0x1FFA0]  }
0x1a7: {  	v23 =	vadd.f32 v30, v24;
	[tilespmem:s30+$0xF940] =	vst v3;
	v3 =	vld [tilespmem:$0x1FFB0]  }
0x1a8: {  	v53 =	vld [tilespmem:s30+$0x63C0];
	v7 =	vbroadcast v15, $0xD;
	v2 =	vadd.f32 v41, v2  }
0x1a9: {  	v0 =	vmul.f32 $8.000000000e+00, v0;
	v55 =	vld [tilespmem:s30+$0x63D0];
	v38 =	vmul.f32 v23, v22;
	v5 =	vadd.f32 v42, v5  }
0x1aa: {  	v58 =	vld [tilespmem:s30+$0x63E0];
	[tilespmem:s30+$0xF7F0] =	vst v18;
	v8 =	vadd.f32 v50, v8;
	v2 =	vmul.f32 v2, v7;
	v1 =	vadd.f32 v43, v1  }
0x1ab: {  	v48 =	vld [tilespmem:s30+$0x63B0];
	[tilespmem:s30+$0xF820] =	vst v38;
	v6 =	vbroadcast v15, $0xE;
	v4 =	vadd.f32 v44, v4;
	v5 =	vmul.f32 v5, v7  }
0x1ac: {  	v63 =	vld [tilespmem:s30+$0x63F0];
	[tilespmem:s30+$0xF950] =	vst v2;
	v2 =	vmul.f32 $8.000000000e+00, v60;
	v3 =	vadd.f32 v49, v3;
	v1 =	vmul.f32 v1, v7  }
0x1ad: {  	v25 =	vld [tilespmem:s30+$0x6400];
	v8 =	vmul.f32 v8, v6;
	v4 =	vmul.f32 v4, v7;
	[tilespmem:s30+$0xF960] =	vst v5  }
0x1ae: {  	v0 =	vadd.f32 v53, v0;
	v5 =	vmul.f32 $8.000000000e+00, v61;
	v7 =	vld [tilespmem:$0x1FFF0];
	v3 =	vmul.f32 v3, v6;
	[tilespmem:s30+$0xF970] =	vst v1  }
0x1af: {  	v2 =	vadd.f32 v55, v2;
	v1 =	vmul.f32 $8.000000000e+00, v62;
	[tilespmem:s30+$0xF980] =	vst v4;
	v4 =	vbroadcast v15, $0xF  }
0x1b0: {  	v0 =	vmul.f32 v0, v6;
	[tilespmem:s30+$0xF990] =	vst v3;
	v3 =	vmul.f32 $8.000000000e+00, v57;
	v5 =	vadd.f32 v58, v5  }
0x1b1: {  	[tilespmem:s30+$0xF9A0] =	vst v8;
	v1 =	vadd.f32 v63, v1;
	v2 =	vmul.f32 v2, v4  }
0x1b2: {  	[tilespmem:s30+$0xF9C0] =	vst v0;
	v3 =	vadd.f32 v25, v3;
	v5 =	vmul.f32 v5, v4  }
0x1b3: {  	v7 =	vadd.f32 v48, v7;
	v0 =	vmul.f32 v1, v4;
	[tilespmem:s30+$0xF9D0] =	vst v2  }
0x1b4: {  	v1 =	vmul.f32 v3, v4;
	[tilespmem:s30+$0xF9E0] =	vst v5  }
0x1b5: {  	v7 =	vmul.f32 v7, v6;
	[tilespmem:s30+$0xF9F0] =	vst v0  }
0x1b6: {  	s1 =	smul.u32 $0x190, s28;
	[tilespmem:s30+$0xFA00] =	vst v1  }
0x1b7: {  	[tilespmem:s30+$0xF9B0] =	vst v7  }
0x1b8: {  	v0 =	vld [tilespmem:s1+$0xB8]  }
0x1b9: {  	v1 =	vld [tilespmem:$0xC600]  }
0x1ba: {  	v2 =	vld [tilespmem:$0x9400]  }
0x1bb: {  	v3 =	vld [tilespmem:$0xC610]  }
0x1bc: {  	v4 =	vld [tilespmem:$0x9410]  }
0x1bd: {  	v5 =	vld [tilespmem:$0xC620]  }
0x1be: {  	v6 =	vld [tilespmem:$0x9420]  }
0x1bf: {  	v7 =	vld [tilespmem:$0xC630]  }
0x1c0: {  	v8 =	vld [tilespmem:$0x9430]  }
0x1c1: {  	v9 =	vld [tilespmem:$0xC640]  }
0x1c2: {  	v10 =	vld [tilespmem:$0x9440]  }
0x1c3: {  	v11 =	vld [tilespmem:$0xC650]  }
0x1c4: {  	v12 =	vld [tilespmem:$0x9450]  }
0x1c5: {  	v13 =	vld [tilespmem:$0xC660]  }
0x1c6: {  	v14 =	vld [tilespmem:$0x9460]  }
0x1c7: {  	v15 =	vld [tilespmem:$0xC670]  }
0x1c8: {  	v42 =	vld [tilespmem:$0x9470]  }
0x1c9: {  	v43 =	vld [tilespmem:$0xC680]  }
0x1ca: {  	v18 =	vld [tilespmem:$0x9480]  }
0x1cb: {  	v44 =	vld [tilespmem:$0xC690]  }
0x1cc: {  	v20 =	vld [tilespmem:$0x9490]  }
0x1cd: {  	v21 =	vld [tilespmem:$0xC6A0]  }
0x1ce: {  	v22 =	vld [tilespmem:$0x94A0]  }
0x1cf: {  	v23 =	vld [tilespmem:$0xC6B0]  }
0x1d0: {  	v24 =	vld [tilespmem:$0x94B0]  }
0x1d1: {  	v25 =	vld [tilespmem:$0xC6C0]  }
0x1d2: {  	v26 =	vld [tilespmem:$0x94C0]  }
0x1d3: {  	v27 =	vld [tilespmem:$0xC6D0]  }
0x1d4: {  	v28 =	vld [tilespmem:$0x94D0]  }
0x1d5: {  	v29 =	vld [tilespmem:$0xC6E0]  }
0x1d6: {  	v30 =	vld [tilespmem:$0x94E0]  }
0x1d7: {  	v31 =	vld [tilespmem:$0xC6F0];
	v1 =	vmul.f32 $8.000000000e+00, v1  }
0x1d8: {  	v45 =	vld [tilespmem:$0x94F0];
	v3 =	vmul.f32 $8.000000000e+00, v3;
	v7 =	vmul.f32 $8.000000000e+00, v7  }
0x1d9: {  	v46 =	vld [tilespmem:$0x9500];
	vm15 =	veq.s32 v0, $0x0;
	v11 =	vmul.f32 $8.000000000e+00, v11;
	v49 =	vmul.f32 $8.000000000e+00, v44  }
0x1da: {  	v47 =	vld [tilespmem:$0x9510];
	v0 =	vimm.f32 $1.000000000e+00;
	v51 =	vmul.f32 $8.000000000e+00, v23;
	v52 =	vmul.f32 $8.000000000e+00, v25  }
0x1db: {  	v48 =	vld [tilespmem:$0x9530];
	v53 =	vmul.f32 $8.000000000e+00, v27;
	v23 =	vmul.f32 $8.000000000e+00, v29;
	v0 =	vsel vm15, $0x0, v0  }
0x1dc: {  	v50 =	vld [tilespmem:$0x9540];
	v1 =	vadd.f32 v2, v1;
	v3 =	vadd.f32 v4, v3;
	v4 =	vmul.f32 $8.000000000e+00, v5  }
0x1dd: {  	v2 =	vbroadcast v0, $0x8;
	v5 =	vld [tilespmem:$0xC700];
	v7 =	vadd.f32 v8, v7;
	v8 =	vbroadcast v0, $0x9  }
0x1de: {  	v55 =	vld [tilespmem:$0xC770];
	v54 =	vbroadcast v0, $0xB;
	v4 =	vadd.f32 v6, v4;
	v6 =	vmul.f32 $8.000000000e+00, v9  }
0x1df: {  	v56 =	vld [tilespmem:$0xC7B0];
	v1 =	vmul.f32 v2, v1;
	v3 =	vmul.f32 v3, v2  }
0x1e0: {  	v57 =	vld [tilespmem:$0x95C0];
	v6 =	vadd.f32 v10, v6;
	v10 =	vmul.f32 $8.000000000e+00, v13;
	v13 =	vmul.f32 $8.000000000e+00, v15  }
0x1e1: {  	v9 =	vld [tilespmem:$0xC710];
	v4 =	vmul.f32 v4, v2;
	v2 =	vmul.f32 v7, v2  }
0x1e2: {  	v58 =	vld [tilespmem:$0xC7D0];
	v7 =	vadd.f32 v12, v11;
	[tilespmem:$0x12A10] =	vst v3;
	v3 =	vmul.f32 $8.000000000e+00, v21;
	v5 =	vmul.f32 $8.000000000e+00, v5  }
0x1e3: {  	v25 =	vld [tilespmem:$0xC790];
	[tilespmem:$0x12A00] =	vst v1;
	v6 =	vmul.f32 v6, v8;
	v10 =	vadd.f32 v14, v10;
	v14 =	vmul.f32 $8.000000000e+00, v43  }
0x1e4: {  	v15 =	vld [tilespmem:$0xC720];
	v12 =	vadd.f32 v42, v13;
	v7 =	vmul.f32 v7, v8;
	[tilespmem:$0x12A20] =	vst v4;
	v4 =	vadd.f32 v20, v49  }
0x1e5: {  	v11 =	vld [tilespmem:$0x9520];
	[tilespmem:$0x12A30] =	vst v2;
	v2 =	vadd.f32 v22, v3;
	v1 =	vadd.f32 v18, v14;
	v14 =	vbroadcast v0, $0xA  }
0x1e6: {  	v13 =	vld [tilespmem:$0xC730];
	v3 =	vadd.f32 v24, v51;
	v9 =	vmul.f32 $8.000000000e+00, v9;
	v10 =	vmul.f32 v10, v8;
	[tilespmem:$0x12A40] =	vst v6  }
0x1e7: {  	v21 =	vld [tilespmem:$0xC750];
	v8 =	vmul.f32 v12, v8;
	v6 =	vadd.f32 v26, v52;
	[tilespmem:$0x12A50] =	vst v7;
	v1 =	vmul.f32 v1, v14  }
0x1e8: {  	v12 =	vld [tilespmem:$0xC740];
	v7 =	vadd.f32 v28, v53;
	v4 =	vmul.f32 v4, v14;
	v2 =	vmul.f32 v2, v14;
	[tilespmem:$0x12A60] =	vst v10  }
0x1e9: {  	v20 =	vld [tilespmem:$0x9550];
	v3 =	vmul.f32 v3, v14;
	v10 =	vadd.f32 v30, v23;
	[tilespmem:$0x12A70] =	vst v8;
	v8 =	vmul.f32 $8.000000000e+00, v31  }
0x1ea: {  	v22 =	vld [tilespmem:$0xC760];
	v6 =	vmul.f32 v6, v54;
	v7 =	vmul.f32 v7, v54;
	[tilespmem:$0x12A80] =	vst v1  }
0x1eb: {  	v24 =	vld [tilespmem:$0x9560];
	v13 =	vmul.f32 $8.000000000e+00, v13;
	v1 =	vmul.f32 v10, v54;
	[tilespmem:$0x12A90] =	vst v4;
	v4 =	vadd.f32 v45, v8  }
0x1ec: {  	v14 =	vld [tilespmem:$0x9570];
	v8 =	vbroadcast v0, $0xC;
	[tilespmem:$0x12AA0] =	vst v2;
	v2 =	vadd.f32 v46, v5;
	v5 =	vmul.f32 $8.000000000e+00, v15  }
0x1ed: {  	v23 =	vld [tilespmem:$0xC780];
	[tilespmem:$0x12AB0] =	vst v3;
	v3 =	vmul.f32 v4, v54;
	v4 =	vadd.f32 v47, v9;
	v9 =	vmul.f32 $8.000000000e+00, v12  }
0x1ee: {  	v10 =	vld [tilespmem:$0x9580];
	[tilespmem:$0x12AC0] =	vst v6;
	v6 =	vadd.f32 v48, v13;
	v13 =	vmul.f32 $8.000000000e+00, v21;
	v5 =	vadd.f32 v11, v5  }
0x1ef: {  	v15 =	vld [tilespmem:$0x9590];
	[tilespmem:$0x12AD0] =	vst v7;
	v2 =	vmul.f32 v2, v8;
	v7 =	vadd.f32 v50, v9;
	v9 =	vbroadcast v0, $0xD  }
0x1f0: {  	v12 =	vld [tilespmem:$0xC7A0];
	[tilespmem:$0x12AE0] =	vst v1;
	v1 =	vmul.f32 v4, v8;
	v4 =	vmul.f32 v5, v8  }
0x1f1: {  	v11 =	vld [tilespmem:$0x95A0];
	[tilespmem:$0x12AF0] =	vst v3;
	v3 =	vmul.f32 v6, v8;
	v6 =	vmul.f32 v7, v9;
	v7 =	vadd.f32 v20, v13  }
0x1f2: {  	v5 =	vld [tilespmem:$0x95B0];
	[tilespmem:$0x12B00] =	vst v2;
	v2 =	vmul.f32 $8.000000000e+00, v22;
	v13 =	vmul.f32 $8.000000000e+00, v55  }
0x1f3: {  	v8 =	vld [tilespmem:$0xC7C0];
	[tilespmem:$0x12B10] =	vst v1;
	v1 =	vmul.f32 v7, v9;
	v7 =	vmul.f32 $8.000000000e+00, v23  }
0x1f4: {  	[tilespmem:$0x12B20] =	vst v4;
	v2 =	vadd.f32 v24, v2;
	v4 =	vadd.f32 v14, v13;
	v13 =	vmul.f32 $8.000000000e+00, v25;
	v14 =	vld [tilespmem:$0x95D0]  }
0x1f5: {  	[tilespmem:$0x12B30] =	vst v3;
	v3 =	vadd.f32 v10, v7;
	v7 =	vbroadcast v0, $0xE;
	v10 =	vmul.f32 $8.000000000e+00, v12;
	v12 =	vld [tilespmem:$0xC7E0]  }
0x1f6: {  	[tilespmem:$0x12B40] =	vst v6;
	v2 =	vmul.f32 v2, v9;
	v4 =	vmul.f32 v4, v9;
	v6 =	vadd.f32 v15, v13;
	v9 =	vld [tilespmem:$0xC7F0]  }
0x1f7: {  	[tilespmem:$0x12B50] =	vst v1;
	v1 =	vmul.f32 v3, v7;
	v3 =	vadd.f32 v11, v10;
	v10 =	vmul.f32 $8.000000000e+00, v56;
	v11 =	vld [tilespmem:$0x95E0]  }
0x1f8: {  	[tilespmem:$0x12B60] =	vst v2;
	v2 =	vmul.f32 v6, v7;
	v6 =	vmul.f32 $8.000000000e+00, v8;
	v8 =	vld [tilespmem:$0x95F0]  }
0x1f9: {  	v0 =	vbroadcast v0, $0xF;
	[tilespmem:$0x12B70] =	vst v4;
	v4 =	vadd.f32 v5, v10;
	v5 =	vmul.f32 $8.000000000e+00, v58  }
0x1fa: {  	v3 =	vmul.f32 v3, v7;
	[tilespmem:$0x12B80] =	vst v1;
	v1 =	vadd.f32 v57, v6;
	v6 =	vmul.f32 $8.000000000e+00, v12  }
0x1fb: {  	[tilespmem:$0x12B90] =	vst v2;
	v2 =	vmul.f32 v4, v7;
	v4 =	vadd.f32 v14, v5;
	v5 =	vmul.f32 $8.000000000e+00, v9  }
0x1fc: {  	[tilespmem:$0x12BA0] =	vst v3;
	v1 =	vmul.f32 v1, v0;
	v3 =	vadd.f32 v11, v6  }
0x1fd: {  	[tilespmem:$0x12BB0] =	vst v2;
	v2 =	vmul.f32 v4, v0;
	v4 =	vadd.f32 v8, v5  }
0x1fe: {  	[tilespmem:$0x12BC0] =	vst v1;
	v1 =	vmul.f32 v3, v0  }
0x1ff: {  	s0 =	sadd.s32 s4, s1;
	[tilespmem:$0x12BD0] =	vst v2;
	v0 =	vmul.f32 v4, v0  }
0x200: {  	s0 =	sshll.u32 s0, $0x4;
	[tilespmem:$0x12BE0] =	vst v1  }
0x201: {  	p1 =	seq.s32 s28, $0x3F;
	s0 =	sadd.s32 s2, s0;
	[tilespmem:$0x12BF0] =	vst v0  }
0x202: {  	[hbm4b:s0+s18] =	stream.strided.scatter [tilespmem:s19], [sflag:$0x3], $0x3200, s11, s18, $0x38;
	[tilespmem:$0x15E00] =	vst v63  }
0x203: {  	s31 =	simm.s32 @!p1 $0x9600;
	s30 =	simm.s32 @!p1 $0x80;
	s0 =	sadd.s32 @!p1 $0x190, s1  }
0x204: {  	[tilespmem:s31], [sflag:$0x1] =	stream.indirect.gather @!p1 [hbm4b:s5+s30], $0x40, s0, s30, $0xb8;
	[tilespmem:$0x15E00] =	vst v63  }
0x205: {  	s0 =	sadd.s32 @!p1 $0x210, s1;
	s1 =	simm.s32 @!p1 $0x48;
	s30 =	simm.s32 @!p1 $0xB600  }
0x206: {  	[tilespmem:s30], [sflag:$0x1] =	stream.indirect.gather @!p1 [hbm4b:s5+s1], $0x40, s0, s1, $0xb8;
	[tilespmem:$0x15E00] =	vst v63  }
0x207: {  	_ =	swait.ge [sflag:s20], $0x2000  }
0x208: {  	[sflag:s20] =	ssyncset.done $0x0  }
0x209: {  	[sflag:s20] =	ssyncadd.s32 $0xFFFFE000  }
0x20a: {  	_ =	swait.ge [sflag:s20], $0x1200  }
0x20b: {  	[sflag:s20] =	ssyncset.done $0x0  }
0x20c: {  	s0 =	simm.s32 @!p0 $0x4;
	[sflag:s20] =	ssyncadd.s32 $0xFFFFEE00  }
0x20d: {  	_ =	swait.ge @!p0 [sflag:s0], $0x3200  }
0x20e: {  	[sflag:s0] =	ssyncset.done @!p0 $0x0  }
0x20f: {  	s30 =	simm.s32 $0x3F0;
	[sflag:s0] =	ssyncadd.s32 @!p0 $0xFFFFCE00  }
0x210: {  	v0 =	vld [tilespmem:s30+$0x6010];
	_ =	sdelay $0x4  }
0x211: {  	[tilespmem:$0x1FAA0] =	vst v0;
	v0 =	vld [tilespmem:s30+$0x6020];
	_ =	sdelay $0x4  }
0x212: {  	[tilespmem:$0x1FAB0] =	vst v0;
	v0 =	vld [tilespmem:s30+$0x6030];
	_ =	sdelay $0x4  }
0x213: {  	[tilespmem:$0x1FAD0] =	vst v0;
	v0 =	vld [tilespmem:s30+$0x6040];
	_ =	sdelay $0x4  }
0x214: {  	[tilespmem:$0x1FB00] =	vst v0;
	v0 =	vld [tilespmem:s30+$0x6050];
	_ =	sdelay $0x4  }
0x215: {  	[tilespmem:$0x1FB30] =	vst v0;
	v0 =	vld [tilespmem:s30+$0x6060];
	_ =	sdelay $0x4  }
0x216: {  	[tilespmem:$0x1FB60] =	vst v0;
	v0 =	vld [tilespmem:s30+$0x6070];
	_ =	sdelay $0x4  }
0x217: {  	[tilespmem:$0x1FB90] =	vst v0;
	v0 =	vld [tilespmem:s30+$0x6080];
	_ =	sdelay $0x4  }
0x218: {  	[tilespmem:$0x1FBC0] =	vst v0;
	v0 =	vld [tilespmem:s30+$0x6090];
	_ =	sdelay $0x4  }
0x219: {  	[tilespmem:$0x1FBF0] =	vst v0;
	v0 =	vld [tilespmem:s30+$0x60A0];
	_ =	sdelay $0x4  }
0x21a: {  	[tilespmem:$0x1FC20] =	vst v0;
	v0 =	vld [tilespmem:s30+$0x60B0];
	_ =	sdelay $0x4  }
0x21b: {  	[tilespmem:$0x1FC60] =	vst v0;
	v0 =	vld [tilespmem:s30+$0x60C0];
	_ =	sdelay $0x4  }
0x21c: {  	[tilespmem:$0x1FCA0] =	vst v0;
	v0 =	vld [tilespmem:s30+$0x60D0];
	_ =	sdelay $0x4  }
0x21d: {  	[tilespmem:$0x1F9E0] =	vst v0;
	v0 =	vld [tilespmem:s30+$0x60E0];
	_ =	sdelay $0x2  }
0x21e: {  	v46 =	vld [tilespmem:s30+$0x6180]  }
0x21f: {  	v1 =	vld [tilespmem:s30+$0xC420]  }
0x220: {  	[tilespmem:$0x1F9F0] =	vst v0;
	v0 =	vld [tilespmem:s30+$0x60F0]  }
0x221: {  	v10 =	vld [tilespmem:s30+$0xC430]  }
0x222: {  	v14 =	vld [tilespmem:s30+$0xC440]  }
0x223: {  	v59 =	vld [tilespmem:s30+$0xC450]  }
0x224: {  	v45 =	vld [tilespmem:s30+$0xC460]  }
0x225: {  	[tilespmem:$0x1FA00] =	vst v0;
	v0 =	vld [tilespmem:s30+$0x6100]  }
0x226: {  	v47 =	vld [tilespmem:s30+$0xC470]  }
0x227: {  	v48 =	vld [tilespmem:s30+$0xC480]  }
0x228: {  	v20 =	vld [tilespmem:s30+$0xC490]  }
0x229: {  	v21 =	vld [tilespmem:s30+$0xC4A0]  }
0x22a: {  	[tilespmem:$0x1FA10] =	vst v0;
	v0 =	vld [tilespmem:s30+$0x6110]  }
0x22b: {  	v22 =	vld [tilespmem:s30+$0xC4B0]  }
0x22c: {  	v23 =	vld [tilespmem:s30+$0xC4C0]  }
0x22d: {  	v24 =	vld [tilespmem:s30+$0xC4D0]  }
0x22e: {  	v25 =	vld [tilespmem:s30+$0xC4E0]  }
0x22f: {  	[tilespmem:$0x1FA20] =	vst v0;
	v0 =	vld [tilespmem:s30+$0x6120]  }
0x230: {  	v26 =	vld [tilespmem:s30+$0xC4F0]  }
0x231: {  	v27 =	vld [tilespmem:s30+$0xC500]  }
0x232: {  	v28 =	vld [tilespmem:s30+$0xC510]  }
0x233: {  	v29 =	vld [tilespmem:s30+$0xC520]  }
0x234: {  	[tilespmem:$0x1FA30] =	vst v0;
	v0 =	vld [tilespmem:s30+$0x6130]  }
0x235: {  	v30 =	vld [tilespmem:s30+$0xC530]  }
0x236: {  	v31 =	vld [tilespmem:s30+$0xC540]  }
0x237: {  	v49 =	vld [tilespmem:s30+$0xC550]  }
0x238: {  	v50 =	vld [tilespmem:s30+$0xC560]  }
0x239: {  	[tilespmem:$0x1FA40] =	vst v0;
	v0 =	vld [tilespmem:s30+$0x6140]  }
0x23a: {  	v34 =	vld [tilespmem:s30+$0xC570]  }
0x23b: {  	v35 =	vld [tilespmem:s30+$0xC580]  }
0x23c: {  	v36 =	vld [tilespmem:s30+$0xC590]  }
0x23d: {  	v2 =	vld [tilespmem:s30+$0xC710]  }
0x23e: {  	[tilespmem:$0x1FA50] =	vst v0;
	v0 =	vld [tilespmem:s30+$0x6150]  }
0x23f: {  	v37 =	vld [tilespmem:s30+$0xC5A0]  }
0x240: {  	v38 =	vld [tilespmem:s30+$0xC5B0]  }
0x241: {  	v60 =	vld [tilespmem:s30+$0xC600]  }
0x242: {  	v13 =	vld [tilespmem:s30+$0xC6E0]  }
0x243: {  	v2 =	vmul.f32 $8.000000000e+00, v2;
	[tilespmem:$0x1FA60] =	vst v0;
	v0 =	vld [tilespmem:s30+$0x6160]  }
0x244: {  	v9 =	vld [tilespmem:s30+$0xC720]  }
0x245: {  	[tilespmem:$0x1FBB0] =	vst v2;
	v2 =	vld [tilespmem:$0x1FBC0]  }
0x246: {  	v40 =	vld [tilespmem:s30+$0xC5D0]  }
0x247: {  	v58 =	vmul.f32 $8.000000000e+00, v26;
	v26 =	vmul.f32 $8.000000000e+00, v60;
	v60 =	vld [tilespmem:s30+$0xC730]  }
0x248: {  	v19 =	vmul.f32 $8.000000000e+00, v48;
	v13 =	vmul.f32 $8.000000000e+00, v13;
	[tilespmem:$0x1FA70] =	vst v0;
	v0 =	vld [tilespmem:s30+$0x6170]  }
0x249: {  	v61 =	vld [tilespmem:s30+$0xC610]  }
0x24a: {  	v41 =	vld [tilespmem:s30+$0xC5E0];
	[tilespmem:$0x1FB70] =	vst v13;
	v13 =	vadd.f32 v2, v19;
	v2 =	vmul.f32 $8.000000000e+00, v9  }
0x24b: {  	v42 =	vld [tilespmem:s30+$0xC5F0]  }
0x24c: {  	v7 =	vld [tilespmem:s30+$0xC640];
	[tilespmem:$0x1FBD0] =	vst v2  }
0x24d: {  	v55 =	vmul.f32 $8.000000000e+00, v29;
	v2 =	vmul.f32 $8.000000000e+00, v60;
	[tilespmem:$0x1FA80] =	vst v0;
	v0 =	vld [tilespmem:s30+$0x6190]  }
0x24e: {  	v29 =	vmul.f32 $8.000000000e+00, v40;
	v40 =	vmul.f32 $8.000000000e+00, v61;
	v61 =	vld [tilespmem:s30+$0xC740]  }
0x24f: {  	[tilespmem:$0x1FBE0] =	vst v2;
	v2 =	vld [tilespmem:$0x1FBF0]  }
0x250: {  	v4 =	vld [tilespmem:s30+$0xC650]  }
0x251: {  	v56 =	vmul.f32 $8.000000000e+00, v28;
	v28 =	vmul.f32 $8.000000000e+00, v41;
	v41 =	vld [tilespmem:s30+$0xC750]  }
0x252: {  	v20 =	vmul.f32 $8.000000000e+00, v20;
	[tilespmem:$0x1FA90] =	vst v0;
	v0 =	vld [tilespmem:s30+$0xC410]  }
0x253: {  	v6 =	vld [tilespmem:s30+$0xC660]  }
0x254: {  	v11 =	vld [tilespmem:s30+$0xC700];
	v9 =	vadd.f32 v2, v20;
	v2 =	vmul.f32 $8.000000000e+00, v61  }
0x255: {  	v5 =	vld [tilespmem:s30+$0xC670];
	v16 =	vmul.f32 $8.000000000e+00, v59;
	v15 =	vmul.f32 $8.000000000e+00, v45  }
0x256: {  	v45 =	vld [tilespmem:s30+$0xC690];
	v59 =	vmul.f32 $8.000000000e+00, v27;
	[tilespmem:$0x1FC00] =	vst v2;
	v2 =	vmul.f32 $8.000000000e+00, v41  }
0x257: {  	v63 =	vmul.f32 $8.000000000e+00, v0;
	v0 =	vmul.f32 $8.000000000e+00, v21;
	v21 =	vld [tilespmem:s30+$0xC680]  }
0x258: {  	v48 =	vmul.f32 $8.000000000e+00, v36;
	v36 =	vmul.f32 $8.000000000e+00, v4;
	v4 =	vld [tilespmem:$0x1FAB0]  }
0x259: {  	v27 =	vmul.f32 $8.000000000e+00, v42;
	v42 =	vld [tilespmem:s30+$0xC760];
	v11 =	vmul.f32 $8.000000000e+00, v11;
	[tilespmem:$0x1FC10] =	vst v2  }
0x25a: {  	v12 =	vmul.f32 $8.000000000e+00, v1;
	v2 =	vld [tilespmem:$0x1FC20];
	[tilespmem:$0x1FC30] =	vst v0  }
0x25b: {  	v51 =	vmul.f32 $8.000000000e+00, v50;
	v50 =	vmul.f32 $8.000000000e+00, v35;
	[tilespmem:$0x1FBA0] =	vst v11;
	v11 =	vld [tilespmem:$0x1FC30]  }
0x25c: {  	v44 =	vld [tilespmem:s30+$0xC6C0];
	v35 =	vmul.f32 $8.000000000e+00, v6;
	v6 =	vmul.f32 $8.000000000e+00, v21  }
0x25d: {  	v5 =	vmul.f32 $8.000000000e+00, v5;
	v4 =	vadd.f32 v4, v12;
	v12 =	vld [tilespmem:s30+$0xC770]  }
0x25e: {  	v57 =	vld [tilespmem:s30+$0xC6D0];
	[tilespmem:$0x1FAE0] =	vst v6;
	v6 =	vmul.f32 $8.000000000e+00, v45  }
0x25f: {  	[tilespmem:$0x1FAC0] =	vst v5;
	v5 =	vld [tilespmem:$0x1FAD0];
	v0 =	vmul.f32 $8.000000000e+00, v22  }
0x260: {  	v11 =	vadd.f32 v2, v11;
	v2 =	vmul.f32 $8.000000000e+00, v42;
	[tilespmem:$0x1FAF0] =	vst v6;
	v6 =	vld [tilespmem:$0x1FB00]  }
0x261: {  	v39 =	vld [tilespmem:s30+$0xC5C0];
	v10 =	vmul.f32 $8.000000000e+00, v10;
	v14 =	vmul.f32 $8.000000000e+00, v14;
	[tilespmem:$0x1FC70] =	vst v0  }
0x262: {  	v62 =	vld [tilespmem:s30+$0xC620];
	v1 =	vmul.f32 $8.000000000e+00, v24;
	[tilespmem:$0x1FC40] =	vst v2;
	v2 =	vmul.f32 $8.000000000e+00, v12  }
0x263: {  	v24 =	vmul.f32 $8.000000000e+00, v7;
	v7 =	vmul.f32 $8.000000000e+00, v44;
	v12 =	vld [tilespmem:$0x1FC70]  }
0x264: {  	[tilespmem:$0x1FC50] =	vst v2;
	v2 =	vld [tilespmem:$0x1FC60]  }
0x265: {  	[tilespmem:$0x1FB40] =	vst v7;
	v7 =	vmul.f32 $8.000000000e+00, v57;
	v5 =	vadd.f32 v5, v10;
	v10 =	vadd.f32 v6, v14;
	v14 =	vld [tilespmem:s30+$0xC780]  }
0x266: {  	v44 =	vld [tilespmem:s30+$0xC790]  }
0x267: {  	[tilespmem:$0x1FB50] =	vst v7;
	v7 =	vld [tilespmem:$0x1FB60]  }
0x268: {  	v8 =	vld [tilespmem:s30+$0xC6F0]  }
0x269: {  	v0 =	vmul.f32 $8.000000000e+00, v23;
	v23 =	vld [tilespmem:s30+$0xC6A0]  }
0x26a: {  	v3 =	vld [tilespmem:s30+$0xC630];
	v12 =	vadd.f32 v2, v12;
	v2 =	vmul.f32 $8.000000000e+00, v14  }
0x26b: {  	v43 =	vld [tilespmem:s30+$0xC6B0];
	[tilespmem:$0x1FCB0] =	vst v0  }
0x26c: {  	v7 =	vadd.f32 v7, v15;
	v15 =	vld [tilespmem:s30+$0xC7A0];
	[tilespmem:$0x1FC80] =	vst v2;
	v2 =	vmul.f32 $8.000000000e+00, v44  }
0x26d: {  	v8 =	vmul.f32 $8.000000000e+00, v8;
	v14 =	vld [tilespmem:$0x1FCB0]  }
0x26e: {  	v6 =	vmul.f32 $8.000000000e+00, v23;
	[tilespmem:$0x1FC90] =	vst v2;
	v2 =	vld [tilespmem:$0x1FCA0]  }
0x26f: {  	[tilespmem:$0x1FB80] =	vst v8;
	v8 =	vld [tilespmem:$0x1FB90]  }
0x270: {  	v45 =	vld [tilespmem:s30+$0xC7B0];
	[tilespmem:$0x1FB10] =	vst v6;
	v6 =	vmul.f32 $8.000000000e+00, v43  }
0x271: {  	v22 =	vmul.f32 $8.000000000e+00, v38;
	v38 =	vmul.f32 $8.000000000e+00, v3;
	v3 =	vld [tilespmem:$0x1FAA0]  }
0x272: {  	v18 =	vmul.f32 $8.000000000e+00, v47;
	v53 =	vmul.f32 $8.000000000e+00, v30;
	[tilespmem:$0x1FB20] =	vst v6;
	v6 =	vld [tilespmem:$0x1FB30]  }
0x273: {  	v54 =	vmul.f32 $8.000000000e+00, v31;
	v57 =	vld [tilespmem:s30+$0xC800];
	v14 =	vadd.f32 v2, v14;
	v2 =	vmul.f32 $8.000000000e+00, v15  }
0x274: {  	v52 =	vmul.f32 $8.000000000e+00, v49;
	v49 =	vmul.f32 $8.000000000e+00, v34;
	v60 =	vld [tilespmem:s30+$0xC7D0]  }
0x275: {  	v47 =	vmul.f32 $8.000000000e+00, v37;
	v61 =	vld [tilespmem:s30+$0xC7E0];
	[tilespmem:$0x1FCC0] =	vst v2;
	v2 =	vmul.f32 $8.000000000e+00, v45  }
0x276: {  	v8 =	vadd.f32 v8, v18;
	v0 =	vmul.f32 $8.000000000e+00, v25;
	v25 =	vmul.f32 $8.000000000e+00, v62;
	v62 =	vld [tilespmem:s30+$0xC7F0]  }
0x277: {  	s31 =	smov.u32 s25;
	s1 =	simm.s32 $0x1FC0;
	v30 =	vmul.f32 $8.000000000e+00, v39;
	v3 =	vadd.f32 v3, v63;
	v63 =	vld [tilespmem:s30+$0xC7C0];
	v6 =	vadd.f32 v6, v16;
	[tilespmem:$0x1FCD0] =	vst v2  }
.LBB2_5:
0x278: {  	v2 =	vld [tilespmem:s31+$0x0]  }
0x279: {  	v15 =	vld [tilespmem:$0x1F9E0]  }
0x27a: {  	v16 =	vld [tilespmem:$0x1FA20]  }
0x27b: {  	v42 =	vld [tilespmem:$0x1FA30]  }
0x27c: {  	v43 =	vld [tilespmem:s30+$0x61B0]  }
0x27d: {  	v17 =	vld [tilespmem:$0x1FA40]  }
0x27e: {  	v45 =	vld [tilespmem:$0x1FA50]  }
0x27f: {  	v32 =	vld [tilespmem:s30+$0x61C0]  }
0x280: {  	v18 =	vld [tilespmem:$0x1FA60]  }
0x281: {  	v33 =	vld [tilespmem:$0x1FA70]  }
0x282: {  	v34 =	vld [tilespmem:s30+$0x61D0]  }
0x283: {  	v19 =	vld [tilespmem:s30+$0x61E0]  }
0x284: {  	v20 =	vld [tilespmem:$0x1FA90]  }
0x285: {  	vm0 =	veq.s32 v2, $0x0;
	v2 =	vld [tilespmem:$0x1FA80]  }
0x286: {  	v37 =	vld [tilespmem:s30+$0x61F0]  }
0x287: {  	v1 =	vadd.f32 v15, v1;
	v15 =	vld [tilespmem:$0x1F9F0]  }
0x288: {  	v39 =	vld [tilespmem:s30+$0x6200]  }
0x289: {  	v44 =	vld [tilespmem:s30+$0x6220];
	v56 =	vadd.f32 v16, v56;
	v55 =	vadd.f32 v42, v55  }
0x28a: {  	v54 =	vadd.f32 v45, v54;
	v45 =	vld [tilespmem:s30+$0x6210];
	v49 =	vadd.f32 v2, v49;
	v2 =	vimm.f32 $1.000000000e+00  }
0x28b: {  	v52 =	vadd.f32 v18, v52;
	v48 =	vadd.f32 v20, v48;
	v42 =	vld [tilespmem:s30+$0x6240];
	v2 =	vsel vm0, $0x0, v2  }
0x28c: {  	v16 =	vadd.f32 v43, v22;
	v0 =	vadd.f32 v15, v0;
	v15 =	vld [tilespmem:$0x1FA00];
	v20 =	vbroadcast v2, $0x0  }
0x28d: {  	v18 =	vadd.f32 v34, v29;
	v34 =	vld [tilespmem:s30+$0x62C0];
	v21 =	vbroadcast v2, $0x1;
	v22 =	vbroadcast v2, $0x2  }
0x28e: {  	v51 =	vadd.f32 v33, v51;
	v33 =	vld [tilespmem:s30+$0x62D0];
	v3 =	vmul.f32 v20, v3;
	v4 =	vmul.f32 v4, v20  }
0x28f: {  	v19 =	vadd.f32 v19, v28;
	v28 =	vld [tilespmem:s30+$0x6320];
	v5 =	vmul.f32 v5, v20;
	v10 =	vmul.f32 v10, v20  }
0x290: {  	v20 =	vld [tilespmem:s30+$0x6230];
	[tilespmem:s30+$0x12810] =	vst v3;
	v3 =	vmul.f32 v6, v21;
	v6 =	vmul.f32 v7, v21  }
0x291: {  	v58 =	vadd.f32 v15, v58;
	v15 =	vld [tilespmem:$0x1FA10];
	[tilespmem:s30+$0x12820] =	vst v4;
	v4 =	vmul.f32 v8, v21;
	v8 =	vmul.f32 v13, v21  }
0x292: {  	v21 =	vld [tilespmem:s30+$0x6250];
	[tilespmem:s30+$0x12830] =	vst v5;
	v5 =	vmul.f32 v9, v22;
	v9 =	vmul.f32 v11, v22  }
0x293: {  	[tilespmem:s30+$0x12840] =	vst v10;
	v10 =	vmul.f32 v12, v22;
	v12 =	vmul.f32 v14, v22;
	v22 =	vld [tilespmem:s30+$0x6270]  }
0x294: {  	v11 =	vadd.f32 v45, v40;
	v45 =	vld [tilespmem:s30+$0x62B0]  }
0x295: {  	v7 =	vadd.f32 v37, v27;
	v37 =	vadd.f32 v42, v24;
	v24 =	vld [tilespmem:$0x1FAC0]  }
0x296: {  	v27 =	vld [tilespmem:s30+$0x6330]  }
0x297: {  	v23 =	vbroadcast v2, $0x3;
	v40 =	vld [tilespmem:s30+$0x6350]  }
0x298: {  	v13 =	vadd.f32 v39, v26;
	v14 =	vadd.f32 v44, v25;
	v39 =	vbroadcast v2, $0x5;
	v44 =	vld [tilespmem:$0x1FC40]  }
0x299: {  	[tilespmem:s30+$0x12860] =	vst v6;
	v6 =	vmul.f32 v58, v23;
	v58 =	vld [tilespmem:s30+$0x6290]  }
0x29a: {  	v50 =	vadd.f32 v46, v50;
	v43 =	vmul.f32 v51, v39;
	v51 =	vld [tilespmem:s30+$0x62F0]  }
0x29b: {  	[tilespmem:s30+$0x128B0] =	vst v10;
	v10 =	vmul.f32 v52, v39;
	v52 =	vld [tilespmem:s30+$0x6300]  }
0x29c: {  	[tilespmem:s30+$0x128C0] =	vst v12;
	v12 =	vmul.f32 v49, v39;
	v39 =	vmul.f32 v50, v39;
	v50 =	vld [tilespmem:s30+$0x63E0]  }
0x29d: {  	[tilespmem:s30+$0x12850] =	vst v3;
	v3 =	vadd.f32 v20, v38;
	v20 =	vld [tilespmem:s30+$0x6280]  }
0x29e: {  	v53 =	vadd.f32 v17, v53;
	[tilespmem:s30+$0x12870] =	vst v4;
	v4 =	vbroadcast v2, $0x4;
	v22 =	vadd.f32 v22, v24;
	v24 =	vld [tilespmem:$0x1FAE0]  }
0x29f: {  	[tilespmem:s30+$0x12890] =	vst v5;
	v59 =	vadd.f32 v15, v59;
	v15 =	vld [tilespmem:s30+$0x61A0]  }
0x2a0: {  	[tilespmem:s30+$0x128A0] =	vst v9;
	v5 =	vmul.f32 v56, v4;
	v9 =	vmul.f32 v53, v4;
	v53 =	vld [tilespmem:$0x1FB40]  }
0x2a1: {  	v46 =	vmul.f32 v55, v4;
	v4 =	vmul.f32 v54, v4;
	v54 =	vld [tilespmem:s30+$0x6310]  }
0x2a2: {  	v41 =	vbroadcast v2, $0x7;
	v1 =	vmul.f32 v1, v23;
	v55 =	vld [tilespmem:$0x1FB50]  }
0x2a3: {  	v20 =	vadd.f32 v20, v24;
	v24 =	vld [tilespmem:$0x1FAF0]  }
0x2a4: {  	[tilespmem:s30+$0x128D0] =	vst v1;
	v7 =	vmul.f32 v7, v41;
	v13 =	vmul.f32 v13, v41;
	v56 =	vld [tilespmem:s30+$0x6340]  }
0x2a5: {  	[tilespmem:s30+$0x128F0] =	vst v6;
	v6 =	vmul.f32 v18, v41;
	v18 =	vmul.f32 v19, v41;
	v41 =	vld [tilespmem:s30+$0x6360]  }
0x2a6: {  	[tilespmem:s30+$0x12970] =	vst v12;
	v12 =	vld [tilespmem:$0x1FC10]  }
0x2a7: {  	v0 =	vmul.f32 v0, v23;
	[tilespmem:s30+$0x12880] =	vst v8;
	v23 =	vmul.f32 v59, v23;
	v59 =	vld [tilespmem:s30+$0x62A0]  }
0x2a8: {  	v17 =	vadd.f32 v32, v30;
	[tilespmem:s30+$0x12910] =	vst v5;
	v32 =	vadd.f32 v58, v24;
	v24 =	vld [tilespmem:$0x1FB10]  }
0x2a9: {  	v5 =	vbroadcast v2, $0x8;
	[tilespmem:s30+$0x12920] =	vst v46;
	v46 =	vld [tilespmem:$0x1FC50]  }
0x2aa: {  	v8 =	vbroadcast v2, $0x6;
	[tilespmem:s30+$0x12900] =	vst v23;
	v23 =	vld [tilespmem:$0x1FB70]  }
0x2ab: {  	[tilespmem:s30+$0x12930] =	vst v9;
	v9 =	vmul.f32 v11, v5;
	v11 =	vmul.f32 v14, v5;
	v15 =	vadd.f32 v15, v47;
	v47 =	vld [tilespmem:s30+$0x6260]  }
0x2ac: {  	[tilespmem:s30+$0x12940] =	vst v4;
	v3 =	vmul.f32 v3, v5;
	v4 =	vmul.f32 v37, v5;
	v5 =	vld [tilespmem:$0x1FBD0]  }
0x2ad: {  	[tilespmem:s30+$0x128E0] =	vst v0;
	v31 =	vadd.f32 v59, v24;
	v24 =	vld [tilespmem:$0x1FB20]  }
0x2ae: {  	v29 =	vbroadcast v2, $0x9;
	v1 =	vmul.f32 v48, v8;
	[tilespmem:s30+$0x12950] =	vst v10;
	v14 =	vld [tilespmem:$0x1FBB0]  }
0x2af: {  	v0 =	vmul.f32 v16, v8;
	[tilespmem:s30+$0x12960] =	vst v43;
	v21 =	vadd.f32 v21, v36;
	v16 =	vadd.f32 v34, v53;
	v53 =	vld [tilespmem:s30+$0x6400]  }
0x2b0: {  	[tilespmem:s30+$0x12980] =	vst v39;
	v35 =	vadd.f32 v47, v35;
	v47 =	vld [tilespmem:s30+$0x62E0]  }
0x2b1: {  	[tilespmem:s30+$0x12990] =	vst v1;
	v10 =	vmul.f32 v21, v29;
	v22 =	vmul.f32 v22, v29;
	v5 =	vadd.f32 v28, v5;
	v28 =	vld [tilespmem:$0x1FBE0]  }
0x2b2: {  	[tilespmem:s30+$0x129B0] =	vst v0;
	v15 =	vmul.f32 v15, v8;
	v8 =	vmul.f32 v17, v8;
	v30 =	vadd.f32 v45, v24;
	v24 =	vld [tilespmem:$0x1FB80]  }
0x2b3: {  	[tilespmem:s30+$0x129D0] =	vst v6;
	v20 =	vmul.f32 v20, v29;
	v21 =	vmul.f32 v35, v29;
	v29 =	vld [tilespmem:$0x1FC00]  }
0x2b4: {  	[tilespmem:s30+$0x129A0] =	vst v15;
	v15 =	vld [tilespmem:$0x1FC80]  }
0x2b5: {  	s0 =	sshra.s32 s1, $0x2;
	[tilespmem:s30+$0x129C0] =	vst v8;
	v23 =	vadd.f32 v47, v23;
	v47 =	vld [tilespmem:s30+$0x63C0]  }
0x2b6: {  	v63 =	vmul.f32 $8.000000000e+00, v63;
	v0 =	vbroadcast v2, $0xC;
	v14 =	vadd.f32 v54, v14;
	v54 =	vld [tilespmem:s0+$0x6010]  }
0x2b7: {  	v19 =	vadd.f32 v33, v55;
	v59 =	vbroadcast v2, $0xB;
	v26 =	vadd.f32 v51, v24;
	v24 =	vld [tilespmem:$0x1FBA0]  }
0x2b8: {  	[tilespmem:s30+$0x129E0] =	vst v18;
	v6 =	vmul.f32 v14, v0;
	v27 =	vadd.f32 v27, v28;
	v28 =	vld [tilespmem:s30+$0x6380];
	v29 =	vadd.f32 v56, v29  }
0x2b9: {  	v5 =	vmul.f32 v5, v0;
	v1 =	vmul.f32 v19, v59;
	v19 =	vld [tilespmem:s0+$0x6020];
	[tilespmem:s30+$0x129F0] =	vst v7  }
0x2ba: {  	v27 =	vmul.f32 v27, v0;
	v0 =	vmul.f32 v29, v0;
	v29 =	vadd.f32 v47, v63;
	v63 =	vld [tilespmem:s0+$0x6030]  }
0x2bb: {  	v14 =	vld [tilespmem:$0x1FCD0]  }
0x2bc: {  	v25 =	vadd.f32 v52, v24;
	v24 =	vld [tilespmem:s30+$0x6370]  }
0x2bd: {  	v15 =	vadd.f32 v28, v15;
	v28 =	vld [tilespmem:s30+$0x63D0]  }
0x2be: {  	v60 =	vmul.f32 $8.000000000e+00, v60;
	[tilespmem:s30+$0x12A00] =	vst v13;
	v45 =	vld [tilespmem:s30+$0x63B0]  }
0x2bf: {  	v61 =	vmul.f32 $8.000000000e+00, v61;
	v58 =	vbroadcast v2, $0xA;
	[tilespmem:$0x1F9C0] =	vst v63;
	v63 =	vld [tilespmem:s0+$0x6040]  }
0x2c0: {  	v62 =	vmul.f32 $8.000000000e+00, v62;
	v48 =	vbroadcast v2, $0xD;
	v12 =	vadd.f32 v40, v12;
	[tilespmem:s30+$0x12A10] =	vst v9;
	v52 =	vld [tilespmem:s30+$0x63F0]  }
0x2c1: {  	v8 =	vbroadcast v2, $0xE;
	v34 =	vmul.f32 v16, v58;
	v18 =	vld [tilespmem:s0+$0x6050];
	[tilespmem:s30+$0x12A20] =	vst v11;
	v24 =	vadd.f32 v24, v46  }
0x2c2: {  	v16 =	vadd.f32 v41, v44;
	v7 =	vmul.f32 v12, v48;
	v12 =	vadd.f32 v28, v60;
	v60 =	vld [tilespmem:s0+$0x6060];
	[tilespmem:s30+$0x12A30] =	vst v3  }
0x2c3: {  	v13 =	vmul.f32 v24, v48;
	v24 =	vmul.f32 v15, v48;
	v15 =	vadd.f32 v50, v61;
	v61 =	vld [tilespmem:s0+$0x6070];
	[tilespmem:s30+$0x12A40] =	vst v4  }
0x2c4: {  	v55 =	vmul.f32 v16, v48;
	v2 =	vbroadcast v2, $0xF;
	v16 =	vld [tilespmem:s0+$0x6080];
	[tilespmem:s30+$0x12A50] =	vst v10  }
0x2c5: {  	v57 =	vmul.f32 $8.000000000e+00, v57;
	v41 =	vadd.f32 v52, v62;
	v62 =	vld [tilespmem:s0+$0x6090];
	[tilespmem:s30+$0x12A60] =	vst v21  }
0x2c6: {  	v32 =	vmul.f32 v32, v58;
	v14 =	vadd.f32 v45, v14;
	v3 =	vmul.f32 v12, v2;
	v12 =	vld [tilespmem:s0+$0x60A0];
	[tilespmem:s30+$0x12A70] =	vst v22  }
0x2c7: {  	v17 =	vld [tilespmem:s0+$0x60B0];
	[tilespmem:s30+$0x12A80] =	vst v20  }
0x2c8: {  	v11 =	vmul.f32 v14, v8;
	v14 =	vadd.f32 v53, v57;
	v57 =	vld [tilespmem:s0+$0x60C0];
	[tilespmem:s30+$0x12A90] =	vst v32  }
0x2c9: {  	v10 =	vld [tilespmem:s0+$0x60D0];
	_ =	sdelay $0x1  }
0x2ca: {  	v31 =	vmul.f32 v31, v58;
	_ =	sdelay $0x1  }
0x2cb: {  	[tilespmem:s30+$0x12AA0] =	vst v31  }
0x2cc: {  	[tilespmem:$0x1F9E0] =	vst v10;
	v10 =	vld [tilespmem:s0+$0x60E0];
	_ =	sdelay $0x1  }
0x2cd: {  	v30 =	vmul.f32 v30, v58;
	_ =	sdelay $0x1  }
0x2ce: {  	[tilespmem:s30+$0x12AB0] =	vst v30  }
0x2cf: {  	[tilespmem:$0x1F9F0] =	vst v10;
	v10 =	vld [tilespmem:s0+$0x60F0];
	_ =	sdelay $0x3  }
0x2d0: {  	[tilespmem:s30+$0x12AC0] =	vst v34  }
0x2d1: {  	[tilespmem:$0x1FA00] =	vst v10  }
0x2d2: {  	v10 =	vld [tilespmem:s0+$0x6100];
	[tilespmem:s30+$0x12AD0] =	vst v1  }
0x2d3: {  	v1 =	vld [tilespmem:s0+$0x6110];
	_ =	sdelay $0x1  }
0x2d4: {  	v23 =	vmul.f32 v23, v59;
	_ =	sdelay $0x1  }
0x2d5: {  	[tilespmem:s30+$0x12AE0] =	vst v23  }
0x2d6: {  	[tilespmem:$0x1FA20] =	vst v1;
	v1 =	vld [tilespmem:s0+$0x6120];
	_ =	sdelay $0x1  }
0x2d7: {  	v26 =	vmul.f32 v26, v59;
	_ =	sdelay $0x1  }
0x2d8: {  	[tilespmem:s30+$0x12AF0] =	vst v26  }
0x2d9: {  	[tilespmem:$0x1FA30] =	vst v1;
	v1 =	vld [tilespmem:s0+$0x6130];
	_ =	sdelay $0x1  }
0x2da: {  	v25 =	vmul.f32 v25, v59;
	_ =	sdelay $0x1  }
0x2db: {  	[tilespmem:s30+$0x12B00] =	vst v25  }
0x2dc: {  	[tilespmem:$0x1FA40] =	vst v1;
	v1 =	vld [tilespmem:s0+$0x6140];
	_ =	sdelay $0x3  }
0x2dd: {  	[tilespmem:s30+$0x12B10] =	vst v6  }
0x2de: {  	[tilespmem:$0x1FA50] =	vst v1;
	v1 =	vld [tilespmem:s0+$0x6150]  }
0x2df: {  	v42 =	vld [tilespmem:s30+$0x6390]  }
0x2e0: {  	v49 =	vld [tilespmem:$0x1FC90]  }
0x2e1: {  	v43 =	vld [tilespmem:s30+$0x63A0]  }
0x2e2: {  	v51 =	vld [tilespmem:$0x1FCC0];
	[tilespmem:s30+$0x12B20] =	vst v5  }
0x2e3: {  	[tilespmem:$0x1FA60] =	vst v1;
	v1 =	vld [tilespmem:s0+$0x6160];
	_ =	sdelay $0x3  }
0x2e4: {  	v33 =	vadd.f32 v42, v49;
	v35 =	vadd.f32 v43, v51;
	[tilespmem:s30+$0x12B30] =	vst v27  }
0x2e5: {  	[tilespmem:$0x1FA70] =	vst v1  }
0x2e6: {  	v9 =	vmul.f32 v33, v8;
	v28 =	vmul.f32 v35, v8;
	v1 =	vld [tilespmem:s0+$0x6170];
	[tilespmem:s30+$0x12B40] =	vst v0  }
0x2e7: {  	v8 =	vmul.f32 v29, v8;
	v29 =	vmul.f32 v15, v2;
	v15 =	vld [tilespmem:s0+$0x6180];
	[tilespmem:s30+$0x12B50] =	vst v7  }
0x2e8: {  	v0 =	vld [tilespmem:s0+$0x6190];
	_ =	sdelay $0x1  }
0x2e9: {  	[tilespmem:$0x1FA10] =	vst v10  }
0x2ea: {  	[tilespmem:s30+$0x12B60] =	vst v55  }
0x2eb: {  	[tilespmem:$0x1FA80] =	vst v1  }
0x2ec: {  	[tilespmem:$0x1FA90] =	vst v0  }
0x2ed: {  	v0 =	vld [tilespmem:s0+$0xC410];
	[tilespmem:s30+$0x12B70] =	vst v13  }
0x2ee: {  	v1 =	vld [tilespmem:s0+$0xC420];
	[tilespmem:s30+$0x12B80] =	vst v24  }
0x2ef: {  	v5 =	vld [tilespmem:s0+$0xC430];
	[tilespmem:s30+$0x12B90] =	vst v9  }
0x2f0: {  	v6 =	vld [tilespmem:s0+$0xC440];
	[tilespmem:s30+$0x12BA0] =	vst v28  }
0x2f1: {  	v7 =	vld [tilespmem:s0+$0xC450];
	[tilespmem:s30+$0x12BB0] =	vst v11  }
0x2f2: {  	v9 =	vld [tilespmem:s0+$0xC460];
	[tilespmem:s30+$0x12BC0] =	vst v8  }
0x2f3: {  	v4 =	vmul.f32 v41, v2;
	v8 =	vld [tilespmem:s0+$0xC470];
	[tilespmem:s30+$0x12BD0] =	vst v3  }
0x2f4: {  	v2 =	vmul.f32 v14, v2;
	v3 =	vld [tilespmem:s0+$0xC480];
	[tilespmem:s30+$0x12BE0] =	vst v29  }
0x2f5: {  	v10 =	vld [tilespmem:s0+$0xC490];
	[tilespmem:s30+$0x12BF0] =	vst v4  }
0x2f6: {  	v4 =	vld [tilespmem:s0+$0xC4A0];
	[tilespmem:s30+$0x12C00] =	vst v2;
	s30 =	smov.u32 s0  }
0x2f7: {  	v2 =	vld [tilespmem:s30+$0xC4B0]  }
0x2f8: {  	v11 =	vld [tilespmem:s30+$0xC4C0]  }
0x2f9: {  	v13 =	vld [tilespmem:s30+$0xC4D0]  }
0x2fa: {  	v14 =	vld [tilespmem:s30+$0xC4E0]  }
0x2fb: {  	v20 =	vld [tilespmem:s30+$0xC4F0]  }
0x2fc: {  	v21 =	vld [tilespmem:s30+$0xC500]  }
0x2fd: {  	v22 =	vld [tilespmem:s30+$0xC510]  }
0x2fe: {  	v23 =	vld [tilespmem:s30+$0xC520]  }
0x2ff: {  	v24 =	vld [tilespmem:s30+$0xC530]  }
0x300: {  	v25 =	vld [tilespmem:s30+$0xC540]  }
0x301: {  	v27 =	vld [tilespmem:s30+$0xC560]  }
0x302: {  	v28 =	vld [tilespmem:s30+$0xC570]  }
0x303: {  	v29 =	vld [tilespmem:s30+$0xC580]  }
0x304: {  	v30 =	vld [tilespmem:s30+$0xC590]  }
0x305: {  	v31 =	vld [tilespmem:s30+$0xC5A0]  }
0x306: {  	v32 =	vld [tilespmem:s30+$0xC5B0]  }
0x307: {  	v33 =	vld [tilespmem:s30+$0xC5C0]  }
0x308: {  	v34 =	vld [tilespmem:s30+$0xC5D0]  }
0x309: {  	v35 =	vld [tilespmem:s30+$0xC5E0]  }
0x30a: {  	v37 =	vmul.f32 $8.000000000e+00, v0;
	v36 =	vld [tilespmem:s30+$0xC5F0]  }
0x30b: {  	v39 =	vmul.f32 $8.000000000e+00, v1;
	v41 =	vld [tilespmem:s30+$0xC620];
	v43 =	vmul.f32 $8.000000000e+00, v3  }
0x30c: {  	v3 =	vld [tilespmem:s30+$0xC640];
	v44 =	vmul.f32 $8.000000000e+00, v10;
	v45 =	vmul.f32 $8.000000000e+00, v4  }
0x30d: {  	v10 =	vld [tilespmem:s30+$0xC660];
	v46 =	vmul.f32 $8.000000000e+00, v11;
	v1 =	vmul.f32 $8.000000000e+00, v13  }
0x30e: {  	v4 =	vld [tilespmem:s30+$0xC650];
	v0 =	vmul.f32 $8.000000000e+00, v14;
	v58 =	vmul.f32 $8.000000000e+00, v20  }
0x30f: {  	v11 =	vld [tilespmem:s30+$0xC670];
	v59 =	vmul.f32 $8.000000000e+00, v21;
	v56 =	vmul.f32 $8.000000000e+00, v22  }
0x310: {  	v13 =	vld [tilespmem:s30+$0xC680];
	v55 =	vmul.f32 $8.000000000e+00, v23;
	v53 =	vmul.f32 $8.000000000e+00, v24  }
0x311: {  	v14 =	vld [tilespmem:s30+$0xC690];
	v51 =	vmul.f32 $8.000000000e+00, v27;
	v49 =	vmul.f32 $8.000000000e+00, v28  }
0x312: {  	v20 =	vld [tilespmem:s30+$0xC6A0];
	v50 =	vmul.f32 $8.000000000e+00, v29;
	v48 =	vmul.f32 $8.000000000e+00, v30  }
0x313: {  	v23 =	vld [tilespmem:s30+$0xC6C0];
	v47 =	vmul.f32 $8.000000000e+00, v31;
	v29 =	vmul.f32 $8.000000000e+00, v34  }
0x314: {  	v21 =	vld [tilespmem:s30+$0xC6B0];
	v28 =	vmul.f32 $8.000000000e+00, v35;
	v27 =	vmul.f32 $8.000000000e+00, v36  }
0x315: {  	v31 =	vld [tilespmem:s30+$0xC6D0];
	v36 =	vmul.f32 $8.000000000e+00, v4;
	v4 =	vmul.f32 $8.000000000e+00, v11  }
0x316: {  	[tilespmem:$0x1F9B0] =	vst v54;
	v34 =	vld [tilespmem:s30+$0xC700];
	v35 =	vmul.f32 $8.000000000e+00, v10;
	v10 =	vmul.f32 $8.000000000e+00, v13  }
0x317: {  	v22 =	vmul.f32 $8.000000000e+00, v32;
	v32 =	vld [tilespmem:s30+$0xC6E0];
	v11 =	vmul.f32 $8.000000000e+00, v20;
	[tilespmem:$0x1FAC0] =	vst v4  }
0x318: {  	v24 =	vmul.f32 $8.000000000e+00, v3;
	v3 =	vld [tilespmem:s30+$0xC720];
	v13 =	vmul.f32 $8.000000000e+00, v23;
	[tilespmem:$0x1FAE0] =	vst v10  }
0x319: {  	v30 =	vmul.f32 $8.000000000e+00, v33;
	v33 =	vld [tilespmem:s30+$0xC6F0];
	v10 =	vmul.f32 $8.000000000e+00, v14;
	[tilespmem:$0x1FB10] =	vst v11  }
0x31a: {  	v4 =	vld [tilespmem:s30+$0xC730];
	[tilespmem:$0x1FB40] =	vst v13;
	v13 =	vmul.f32 $8.000000000e+00, v31  }
0x31b: {  	v20 =	vmul.f32 $8.000000000e+00, v34;
	[tilespmem:$0x1FAF0] =	vst v10;
	v10 =	vld [tilespmem:s30+$0xC740]  }
0x31c: {  	v11 =	vmul.f32 $8.000000000e+00, v21;
	[tilespmem:$0x1FB50] =	vst v13;
	v13 =	vld [tilespmem:s30+$0xC760]  }
0x31d: {  	v26 =	vld [tilespmem:s30+$0xC550];
	v54 =	vmul.f32 $8.000000000e+00, v25;
	[tilespmem:$0x1FBA0] =	vst v20;
	v3 =	vmul.f32 $8.000000000e+00, v3  }
0x31e: {  	v25 =	vmul.f32 $8.000000000e+00, v41;
	v41 =	vld [tilespmem:s30+$0xC710];
	v14 =	vmul.f32 $8.000000000e+00, v32;
	[tilespmem:$0x1FB20] =	vst v11  }
0x31f: {  	v38 =	vld [tilespmem:s30+$0xC600];
	[tilespmem:$0x1FBD0] =	vst v3;
	v3 =	vmul.f32 $8.000000000e+00, v4  }
0x320: {  	v42 =	vld [tilespmem:s30+$0xC630];
	[tilespmem:$0x1FB70] =	vst v14;
	v14 =	vmul.f32 $8.000000000e+00, v33  }
0x321: {  	v11 =	vld [tilespmem:s30+$0xC750];
	[tilespmem:$0x1FBE0] =	vst v3;
	v3 =	vmul.f32 $8.000000000e+00, v10;
	v10 =	vmul.f32 $8.000000000e+00, v13  }
0x322: {  	[tilespmem:$0x1FB80] =	vst v14;
	v14 =	vld [tilespmem:s30+$0xC770]  }
0x323: {  	v5 =	vmul.f32 $8.000000000e+00, v5;
	v20 =	vmul.f32 $8.000000000e+00, v41;
	[tilespmem:$0x1FC40] =	vst v10;
	v10 =	vld [tilespmem:$0x1F9C0]  }
0x324: {  	v6 =	vmul.f32 $8.000000000e+00, v6;
	v7 =	vmul.f32 $8.000000000e+00, v7;
	v23 =	vld [tilespmem:s30+$0xC7A0]  }
0x325: {  	v8 =	vmul.f32 $8.000000000e+00, v8;
	v52 =	vmul.f32 $8.000000000e+00, v26;
	[tilespmem:$0x1FBB0] =	vst v20;
	v20 =	vld [tilespmem:s30+$0xC780]  }
0x326: {  	v26 =	vmul.f32 $8.000000000e+00, v38;
	v38 =	vmul.f32 $8.000000000e+00, v42;
	v42 =	vld [tilespmem:s30+$0xC7B0]  }
0x327: {  	v9 =	vmul.f32 $8.000000000e+00, v9;
	v8 =	vadd.f32 v61, v8;
	v21 =	vld [tilespmem:s30+$0xC790];
	[tilespmem:$0x1FC00] =	vst v3;
	v3 =	vmul.f32 $8.000000000e+00, v11  }
0x328: {  	v40 =	vld [tilespmem:s30+$0xC610];
	v5 =	vadd.f32 v10, v5;
	v10 =	vadd.f32 v63, v6;
	v6 =	vmul.f32 $8.000000000e+00, v14  }
0x329: {  	p0 =	sne.s32 s1, $0xBFC0;
	v2 =	vmul.f32 $8.000000000e+00, v2;
	v11 =	vadd.f32 v12, v45;
	v12 =	vmul.f32 $8.000000000e+00, v23;
	[tilespmem:$0x1FC10] =	vst v3;
	v3 =	vld [tilespmem:$0x1F9B0]  }
.Ltmp1:
0x32a: {  	v61 =	vld [tilespmem:s30+$0xC7E0];
	[tilespmem:$0x1FC50] =	vst v6;
	v6 =	vadd.f32 v18, v7;
	v7 =	vadd.f32 v60, v9;
	v9 =	vmul.f32 $8.000000000e+00, v20;
	(pc) =	sbr.rel @p0 .LBB2_5-.Ltmp1, $4  }
0x32b: {  	[tilespmem:$0x1FCC0] =	vst v12;
	v12 =	vadd.f32 v17, v2;
	v2 =	vmul.f32 $8.000000000e+00, v42;
	v63 =	vld [tilespmem:s30+$0xC7C0]  }
0x32c: {  	v14 =	vadd.f32 v57, v46;
	v57 =	vld [tilespmem:s30+$0xC800];
	[tilespmem:$0x1FC80] =	vst v9;
	v9 =	vmul.f32 $8.000000000e+00, v21  }
0x32d: {  	v4 =	vadd.f32 v19, v39;
	v13 =	vadd.f32 v16, v43;
	[tilespmem:$0x1FCD0] =	vst v2;
	v60 =	vld [tilespmem:s30+$0xC7D0]  }
0x32e: {  	s1 =	sadd.s32 $0x1000, s1;
	s31 =	sadd.s32 $0x10, s31;
	v40 =	vmul.f32 $8.000000000e+00, v40;
	v46 =	vmovc v15;
	v3 =	vadd.f32 v3, v37;
	[tilespmem:$0x1FC90] =	vst v9;
	v9 =	vadd.f32 v62, v44;
	v62 =	vld [tilespmem:s30+$0xC7F0]  }
0x32f: {  	v2 =	vld [tilespmem:s31+$0x0]  }
0x330: {  	v16 =	vld [tilespmem:s30+$0x61A0]  }
0x331: {  	v17 =	vld [tilespmem:s30+$0x61B0]  }
0x332: {  	v18 =	vld [tilespmem:s30+$0x61C0]  }
0x333: {  	v21 =	vld [tilespmem:s30+$0x61D0]  }
0x334: {  	v23 =	vld [tilespmem:s30+$0x6200]  }
0x335: {  	v31 =	vld [tilespmem:s30+$0x6210]  }
0x336: {  	v19 =	vimm.f32 $1.000000000e+00;
	v32 =	vld [tilespmem:s30+$0x6220];
	vm0 =	veq.s32 v2, $0x0  }
0x337: {  	v33 =	vld [tilespmem:s30+$0x6230];
	v15 =	vsel vm0, $0x0, v19  }
0x338: {  	v2 =	vld [tilespmem:s30+$0x61E0];
	v20 =	vbroadcast v15, $0x0  }
0x339: {  	v19 =	vld [tilespmem:s30+$0x61F0]  }
0x33a: {  	v39 =	vmul.f32 v4, v20;
	v4 =	vld [tilespmem:s30+$0x6240]  }
0x33b: {  	v42 =	vbroadcast v15, $0x1;
	v41 =	vmul.f32 v5, v20;
	v5 =	vld [tilespmem:s30+$0x6250]  }
0x33c: {  	v3 =	vmul.f32 v20, v3;
	v10 =	vmul.f32 v10, v20;
	v20 =	vld [tilespmem:s30+$0x6260]  }
0x33d: {  	v45 =	vbroadcast v15, $0x2;
	v43 =	vmul.f32 v7, v42;
	v7 =	vld [tilespmem:s30+$0x6280]  }
0x33e: {  	v44 =	vmul.f32 v8, v42;
	v8 =	vld [tilespmem:s30+$0x6290]  }
0x33f: {  	[tilespmem:$0x1F9A0] =	vst v33;
	v33 =	vmul.f32 v9, v45;
	v9 =	vld [tilespmem:s30+$0x62B0]  }
0x340: {  	v34 =	vmul.f32 v11, v45;
	v11 =	vld [tilespmem:s30+$0x62C0]  }
0x341: {  	v37 =	vmul.f32 v12, v45;
	v12 =	vld [tilespmem:s30+$0x62D0]  }
0x342: {  	[tilespmem:s30+$0x12840] =	vst v10;
	v10 =	vld [tilespmem:s30+$0x6270]  }
0x343: {  	[tilespmem:s30+$0x12820] =	vst v39;
	v39 =	vld [tilespmem:$0x1F9E0]  }
0x344: {  	v6 =	vmul.f32 v6, v42;
	[tilespmem:s30+$0x12810] =	vst v3;
	v3 =	vmul.f32 v13, v42;
	v42 =	vld [tilespmem:$0x1F9F0]  }
0x345: {  	[tilespmem:s30+$0x12860] =	vst v43;
	v43 =	vld [tilespmem:$0x1FA00]  }
0x346: {  	[tilespmem:s30+$0x128A0] =	vst v34;
	v34 =	vld [tilespmem:$0x1FA10]  }
0x347: {  	[tilespmem:s30+$0x12830] =	vst v41;
	v13 =	vld [tilespmem:s30+$0x62A0]  }
0x348: {  	[tilespmem:s30+$0x12850] =	vst v6;
	v6 =	vmul.f32 v14, v45;
	v14 =	vld [tilespmem:s30+$0x62E0]  }
0x349: {  	[tilespmem:s30+$0x128B0] =	vst v37;
	v37 =	vld [tilespmem:$0x1FA20]  }
0x34a: {  	[tilespmem:s30+$0x12870] =	vst v44;
	v41 =	vbroadcast v15, $0x3;
	v1 =	vadd.f32 v39, v1;
	v0 =	vadd.f32 v42, v0;
	v39 =	vld [tilespmem:$0x1FA30]  }
0x34b: {  	[tilespmem:s30+$0x12890] =	vst v33;
	v33 =	vadd.f32 v43, v58;
	v34 =	vadd.f32 v34, v59;
	v42 =	vld [tilespmem:$0x1FA50]  }
0x34c: {  	[tilespmem:s30+$0x128C0] =	vst v6;
	v6 =	vld [tilespmem:s30+$0x62F0];
	v1 =	vmul.f32 v1, v41;
	v0 =	vmul.f32 v0, v41  }
0x34d: {  	[tilespmem:s30+$0x12880] =	vst v3;
	v44 =	vmul.f32 v33, v41;
	v3 =	vmul.f32 v34, v41;
	v41 =	vld [tilespmem:$0x1FA40]  }
0x34e: {  	v46 =	vadd.f32 v46, v50;
	v43 =	vld [tilespmem:$0x1FA60];
	v59 =	vbroadcast v15, $0x5;
	[tilespmem:s30+$0x128D0] =	vst v1  }
0x34f: {  	v45 =	vbroadcast v15, $0x4;
	v37 =	vadd.f32 v37, v56;
	[tilespmem:s30+$0x128F0] =	vst v44;
	v44 =	vld [tilespmem:$0x1FA70]  }
0x350: {  	[tilespmem:s30+$0x12900] =	vst v3;
	v3 =	vmul.f32 v46, v59;
	v39 =	vadd.f32 v39, v55;
	v42 =	vadd.f32 v42, v54;
	v54 =	vld [tilespmem:$0x1FA90]  }
0x351: {  	v2 =	vadd.f32 v2, v28;
	v28 =	vadd.f32 v20, v35;
	v35 =	vld [tilespmem:$0x1FAF0];
	[tilespmem:s30+$0x128E0] =	vst v0;
	v55 =	vmul.f32 v37, v45  }
0x352: {  	v20 =	vld [tilespmem:$0x1FC10];
	[tilespmem:s30+$0x12980] =	vst v3;
	v41 =	vadd.f32 v41, v53;
	v56 =	vmul.f32 v39, v45  }
0x353: {  	v4 =	vadd.f32 v4, v24;
	v24 =	vld [tilespmem:$0x1FC50];
	v43 =	vadd.f32 v43, v52;
	[tilespmem:s30+$0x12910] =	vst v55;
	v0 =	vmul.f32 v42, v45  }
0x354: {  	[tilespmem:s30+$0x12920] =	vst v56;
	v58 =	vmul.f32 v41, v45;
	v44 =	vadd.f32 v44, v51;
	v45 =	vld [tilespmem:$0x1FA80]  }
0x355: {  	v33 =	vld [tilespmem:s30+$0x6310];
	v55 =	vbroadcast v15, $0x6;
	[tilespmem:s30+$0x12940] =	vst v0;
	v51 =	vmul.f32 v43, v59;
	v48 =	vadd.f32 v54, v48  }
0x356: {  	v34 =	vld [tilespmem:s30+$0x6320];
	v54 =	vadd.f32 v19, v27;
	v27 =	vbroadcast v15, $0x9;
	[tilespmem:s30+$0x12930] =	vst v58;
	v52 =	vmul.f32 v44, v59  }
0x357: {  	v5 =	vadd.f32 v5, v36;
	v1 =	vld [tilespmem:s30+$0x6300];
	[tilespmem:s30+$0x12950] =	vst v51;
	v58 =	vmul.f32 v48, v55  }
0x358: {  	v25 =	vadd.f32 v32, v25;
	v46 =	vld [tilespmem:s30+$0x63A0];
	v32 =	vmul.f32 v28, v27;
	[tilespmem:s30+$0x12960] =	vst v52;
	v52 =	vbroadcast v15, $0x7  }
0x359: {  	v37 =	vld [tilespmem:s30+$0x6330];
	v45 =	vadd.f32 v45, v49;
	[tilespmem:s30+$0x12990] =	vst v58;
	v49 =	vadd.f32 v18, v30;
	v30 =	vmul.f32 v5, v27  }
0x35a: {  	v39 =	vld [tilespmem:s30+$0x6340];
	v56 =	vadd.f32 v16, v47;
	[tilespmem:s30+$0x12A60] =	vst v32;
	v18 =	vmul.f32 v54, v52  }
0x35b: {  	v42 =	vld [tilespmem:s30+$0x6360];
	v53 =	vmul.f32 v45, v59;
	[tilespmem:s30+$0x12A50] =	vst v30  }
0x35c: {  	v41 =	vld [tilespmem:s30+$0x6350];
	v59 =	vadd.f32 v17, v22;
	v22 =	vmul.f32 v56, v55;
	[tilespmem:s30+$0x129F0] =	vst v18  }
0x35d: {  	v51 =	vadd.f32 v21, v29;
	v21 =	vld [tilespmem:$0x1F9A0];
	v0 =	vmul.f32 v49, v55;
	[tilespmem:s30+$0x12970] =	vst v53  }
0x35e: {  	v43 =	vld [tilespmem:s30+$0x6370];
	v56 =	vmul.f32 v2, v52;
	[tilespmem:s30+$0x129A0] =	vst v22  }
0x35f: {  	v58 =	vadd.f32 v31, v40;
	v31 =	vld [tilespmem:$0x1FAE0];
	v50 =	vmul.f32 v59, v55;
	[tilespmem:s30+$0x129C0] =	vst v0;
	v55 =	vadd.f32 v23, v26  }
0x360: {  	v47 =	vld [tilespmem:s30+$0x63B0];
	v53 =	vmul.f32 v51, v52;
	v59 =	vbroadcast v15, $0x8;
	[tilespmem:s30+$0x129E0] =	vst v56  }
0x361: {  	v29 =	vld [tilespmem:$0x1FAC0];
	[tilespmem:s30+$0x129B0] =	vst v50;
	v3 =	vmul.f32 v55, v52  }
0x362: {  	v40 =	vld [tilespmem:$0x1FB20];
	v0 =	vadd.f32 v21, v38;
	[tilespmem:s30+$0x129D0] =	vst v53;
	v2 =	vmul.f32 v58, v59  }
0x363: {  	v36 =	vbroadcast v15, $0xA;
	v38 =	vld [tilespmem:$0x1FB10];
	v26 =	vmul.f32 v25, v59;
	[tilespmem:s30+$0x12A00] =	vst v3  }
0x364: {  	v5 =	vadd.f32 v7, v31;
	v7 =	vadd.f32 v8, v35;
	v0 =	vmul.f32 v0, v59;
	v50 =	vld [tilespmem:$0x1FB40];
	[tilespmem:s30+$0x12A10] =	vst v2  }
0x365: {  	v4 =	vmul.f32 v4, v59;
	v52 =	vld [tilespmem:$0x1FB50];
	[tilespmem:s30+$0x12A20] =	vst v26  }
0x366: {  	v54 =	vld [tilespmem:$0x1FB70];
	v49 =	vmul.f32 v7, v36;
	v3 =	vadd.f32 v10, v29;
	[tilespmem:s30+$0x12A30] =	vst v0  }
0x367: {  	v55 =	vld [tilespmem:$0x1FB80];
	[tilespmem:s30+$0x12A40] =	vst v4;
	v2 =	vmul.f32 v5, v27;
	v4 =	vadd.f32 v9, v40  }
0x368: {  	v58 =	vld [tilespmem:$0x1FBA0];
	v8 =	vadd.f32 v13, v38;
	[tilespmem:s30+$0x12A90] =	vst v49;
	v3 =	vmul.f32 v3, v27  }
0x369: {  	v22 =	vld [tilespmem:$0x1FC40];
	[tilespmem:s30+$0x12A80] =	vst v2;
	v4 =	vmul.f32 v4, v36;
	v5 =	vadd.f32 v11, v50  }
0x36a: {  	v19 =	vld [tilespmem:s30+$0x63F0];
	v53 =	vbroadcast v15, $0xB;
	v51 =	vmul.f32 v8, v36;
	v7 =	vadd.f32 v12, v52;
	[tilespmem:s30+$0x12A70] =	vst v3  }
0x36b: {  	v9 =	vld [tilespmem:$0x1FBB0];
	v8 =	vadd.f32 v14, v54;
	[tilespmem:s30+$0x12AB0] =	vst v4;
	v0 =	vmul.f32 v5, v36  }
0x36c: {  	v30 =	vld [tilespmem:$0x1FCC0];
	v2 =	vadd.f32 v6, v55;
	[tilespmem:s30+$0x12AA0] =	vst v51;
	v56 =	vmul.f32 v7, v53  }
0x36d: {  	v44 =	vld [tilespmem:s30+$0x6380];
	v1 =	vadd.f32 v1, v58;
	v59 =	vmul.f32 v8, v53;
	[tilespmem:s30+$0x12AC0] =	vst v0  }
0x36e: {  	v21 =	vbroadcast v15, $0xD;
	v26 =	vld [tilespmem:$0x1FC80];
	v3 =	vadd.f32 v42, v22;
	v2 =	vmul.f32 v2, v53;
	[tilespmem:s30+$0x12AD0] =	vst v56  }
0x36f: {  	v11 =	vld [tilespmem:$0x1FBD0];
	v4 =	vadd.f32 v43, v24;
	v1 =	vmul.f32 v1, v53;
	[tilespmem:s30+$0x12AE0] =	vst v59  }
0x370: {  	v10 =	vbroadcast v15, $0xC;
	v14 =	vld [tilespmem:$0x1FC00];
	v5 =	vadd.f32 v33, v9;
	v3 =	vmul.f32 v3, v21;
	[tilespmem:s30+$0x12AF0] =	vst v2  }
0x371: {  	v28 =	vbroadcast v15, $0xE;
	v12 =	vld [tilespmem:$0x1FBE0];
	v8 =	vadd.f32 v46, v30;
	v4 =	vmul.f32 v4, v21;
	[tilespmem:s30+$0x12B00] =	vst v1  }
0x372: {  	v17 =	vld [tilespmem:s30+$0x63E0];
	v13 =	vmul.f32 v5, v10;
	v1 =	vadd.f32 v41, v20;
	[tilespmem:s30+$0x12B60] =	vst v3  }
0x373: {  	v45 =	vld [tilespmem:s30+$0x6390];
	v5 =	vadd.f32 v44, v26;
	v8 =	vmul.f32 v8, v28;
	[tilespmem:s30+$0x12B70] =	vst v4  }
0x374: {  	v27 =	vld [tilespmem:$0x1FC90];
	v6 =	vadd.f32 v34, v11;
	[tilespmem:s30+$0x12B10] =	vst v13;
	v1 =	vmul.f32 v1, v21  }
0x375: {  	v32 =	vld [tilespmem:$0x1FCD0];
	v31 =	vmul.f32 $8.000000000e+00, v61;
	v2 =	vadd.f32 v39, v14;
	v5 =	vmul.f32 v5, v21;
	[tilespmem:s30+$0x12BA0] =	vst v8  }
0x376: {  	v16 =	vld [tilespmem:s30+$0x63D0];
	v33 =	vmul.f32 $8.000000000e+00, v62;
	v0 =	vadd.f32 v37, v12;
	v18 =	vmul.f32 v6, v10;
	[tilespmem:s30+$0x12B50] =	vst v1  }
0x377: {  	v48 =	vld [tilespmem:s30+$0x63C0];
	v34 =	vbroadcast v15, $0xF;
	v3 =	vadd.f32 v17, v31;
	v2 =	vmul.f32 v2, v10;
	[tilespmem:s30+$0x12B80] =	vst v5  }
0x378: {  	v23 =	vld [tilespmem:s30+$0x6400];
	v4 =	vadd.f32 v19, v33;
	v0 =	vmul.f32 v0, v10;
	[tilespmem:s30+$0x12B20] =	vst v18  }
0x379: {  	v29 =	vmul.f32 $8.000000000e+00, v60;
	v3 =	vmul.f32 v3, v34;
	[tilespmem:s30+$0x12B40] =	vst v2;
	v2 =	vadd.f32 v45, v27  }
0x37a: {  	v25 =	vmul.f32 $8.000000000e+00, v63;
	v6 =	vadd.f32 v47, v32;
	v36 =	vmul.f32 v4, v34;
	[tilespmem:s30+$0x12B30] =	vst v0  }
0x37b: {  	v35 =	vmul.f32 $8.000000000e+00, v57;
	v1 =	vadd.f32 v16, v29;
	[tilespmem:s30+$0x12BE0] =	vst v3;
	v2 =	vmul.f32 v2, v28  }
0x37c: {  	v0 =	vadd.f32 v48, v25;
	v6 =	vmul.f32 v6, v28;
	[tilespmem:s30+$0x12BF0] =	vst v36  }
0x37d: {  	v1 =	vmul.f32 v1, v34;
	[tilespmem:s30+$0x12B90] =	vst v2;
	v2 =	vadd.f32 v23, v35  }
0x37e: {  	v0 =	vmul.f32 v0, v28;
	[tilespmem:s30+$0x12BB0] =	vst v6  }
0x37f: {  	[tilespmem:s30+$0x12BD0] =	vst v1;
	v37 =	vmul.f32 v2, v34  }
0x380: {  	[tilespmem:s30+$0x12BC0] =	vst v0  }
0x381: {  	[tilespmem:s30+$0x12C00] =	vst v37  }
0x382: {  	v0 =	vld [tilespmem:s29+$0xB8]  }
0x383: {  	v1 =	vld [tilespmem:$0xF800]  }
0x384: {  	v38 =	vld [tilespmem:$0x9400]  }
0x385: {  	v3 =	vld [tilespmem:$0xF810]  }
0x386: {  	v39 =	vld [tilespmem:$0x9410]  }
0x387: {  	v47 =	vld [tilespmem:$0xF820]  }
0x388: {  	v6 =	vld [tilespmem:$0x9420]  }
0x389: {  	v48 =	vld [tilespmem:$0xF830]  }
0x38a: {  	v8 =	vld [tilespmem:$0x9430]  }
0x38b: {  	v49 =	vld [tilespmem:$0xF840]  }
0x38c: {  	v50 =	vld [tilespmem:$0x9440]  }
0x38d: {  	v51 =	vld [tilespmem:$0xF850]  }
0x38e: {  	v52 =	vld [tilespmem:$0x9450]  }
0x38f: {  	v53 =	vld [tilespmem:$0xF860]  }
0x390: {  	v54 =	vld [tilespmem:$0x9460]  }
0x391: {  	v55 =	vld [tilespmem:$0xF870]  }
0x392: {  	v56 =	vld [tilespmem:$0x9470]  }
0x393: {  	v57 =	vld [tilespmem:$0xF880]  }
0x394: {  	v58 =	vld [tilespmem:$0x9480]  }
0x395: {  	v59 =	vld [tilespmem:$0xF890]  }
0x396: {  	v60 =	vld [tilespmem:$0x9490]  }
0x397: {  	v61 =	vld [tilespmem:$0xF8A0]  }
0x398: {  	v62 =	vld [tilespmem:$0x94A0]  }
0x399: {  	v63 =	vld [tilespmem:$0xF8B0]  }
0x39a: {  	v40 =	vld [tilespmem:$0x94B0]  }
0x39b: {  	v41 =	vld [tilespmem:$0xF8C0]  }
0x39c: {  	v42 =	vld [tilespmem:$0x94C0]  }
0x39d: {  	v43 =	vld [tilespmem:$0xF8D0]  }
0x39e: {  	v28 =	vld [tilespmem:$0x94D0]  }
0x39f: {  	v44 =	vld [tilespmem:$0xF8E0]  }
0x3a0: {  	v30 =	vld [tilespmem:$0x94E0]  }
0x3a1: {  	v31 =	vld [tilespmem:$0xF8F0]  }
0x3a2: {  	v4 =	vld [tilespmem:$0xF910]  }
0x3a3: {  	v18 =	vld [tilespmem:$0xF950];
	v1 =	vmul.f32 $8.000000000e+00, v1;
	v3 =	vmul.f32 $8.000000000e+00, v3  }
0x3a4: {  	v32 =	vld [tilespmem:$0x94F0];
	v5 =	vmul.f32 $8.000000000e+00, v47;
	v47 =	vmul.f32 $8.000000000e+00, v48  }
0x3a5: {  	v45 =	vimm.f32 $1.000000000e+00;
	v33 =	vld [tilespmem:$0xF900];
	v9 =	vmul.f32 $8.000000000e+00, v49;
	v48 =	vmul.f32 $8.000000000e+00, v51  }
0x3a6: {  	v34 =	vld [tilespmem:$0x9500];
	vm15 =	veq.s32 v0, $0x0;
	v13 =	vmul.f32 $8.000000000e+00, v53;
	v51 =	vmul.f32 $8.000000000e+00, v55  }
0x3a7: {  	v7 =	vld [tilespmem:$0x9510];
	v55 =	vmul.f32 $8.000000000e+00, v59;
	v4 =	vmul.f32 $8.000000000e+00, v4;
	v0 =	vsel vm15, $0x0, v45  }
0x3a8: {  	v35 =	vld [tilespmem:$0xF920];
	v27 =	vmul.f32 $8.000000000e+00, v18;
	v1 =	vadd.f32 v38, v1;
	v46 =	vbroadcast v0, $0x8  }
0x3a9: {  	v11 =	vld [tilespmem:$0x9520];
	v45 =	vmul.f32 $8.000000000e+00, v31;
	v3 =	vadd.f32 v39, v3;
	v5 =	vadd.f32 v6, v5  }
0x3aa: {  	v36 =	vld [tilespmem:$0xF930];
	v6 =	vadd.f32 v8, v47;
	v9 =	vadd.f32 v50, v9;
	v1 =	vmul.f32 v46, v1  }
0x3ab: {  	v12 =	vld [tilespmem:$0x9530];
	v49 =	vbroadcast v0, $0x9;
	v50 =	vadd.f32 v52, v48;
	v3 =	vmul.f32 v3, v46  }
0x3ac: {  	v15 =	vld [tilespmem:$0xF940];
	v13 =	vadd.f32 v54, v13;
	v52 =	vmul.f32 $8.000000000e+00, v57;
	v5 =	vmul.f32 v5, v46;
	[tilespmem:$0x15C00] =	vst v1  }
0x3ad: {  	v16 =	vld [tilespmem:$0x9540];
	v54 =	vadd.f32 v56, v51;
	v57 =	vbroadcast v0, $0xA;
	v2 =	vmul.f32 v6, v46;
	[tilespmem:$0x15C10] =	vst v3  }
0x3ae: {  	v10 =	vld [tilespmem:$0x9550];
	v8 =	vadd.f32 v60, v55;
	v38 =	vmul.f32 $8.000000000e+00, v43;
	v9 =	vmul.f32 v9, v49;
	[tilespmem:$0x15C20] =	vst v5  }
0x3af: {  	v17 =	vld [tilespmem:$0xF960];
	v53 =	vmul.f32 v50, v49;
	v56 =	vadd.f32 v58, v52;
	v58 =	vmul.f32 $8.000000000e+00, v61;
	[tilespmem:$0x15C30] =	vst v2  }
0x3b0: {  	v19 =	vld [tilespmem:$0x9560];
	v59 =	vmul.f32 v13, v49;
	v6 =	vmul.f32 v54, v49;
	[tilespmem:$0x15C40] =	vst v9  }
0x3b1: {  	v24 =	vld [tilespmem:$0xF9B0];
	v8 =	vmul.f32 v8, v57;
	v49 =	vmul.f32 $8.000000000e+00, v33;
	[tilespmem:$0x15C50] =	vst v53  }
0x3b2: {  	v39 =	vld [tilespmem:$0xF970];
	v4 =	vadd.f32 v7, v4;
	v54 =	vbroadcast v0, $0xC;
	v60 =	vmul.f32 v56, v57;
	[tilespmem:$0x15C60] =	vst v59  }
0x3b3: {  	v43 =	vld [tilespmem:$0x9570];
	v61 =	vadd.f32 v62, v58;
	v62 =	vmul.f32 $8.000000000e+00, v63;
	v63 =	vmul.f32 $8.000000000e+00, v41;
	[tilespmem:$0x15C70] =	vst v6  }
0x3b4: {  	v51 =	vadd.f32 v32, v45;
	v32 =	vld [tilespmem:$0xF9C0];
	v41 =	vbroadcast v0, $0xB;
	[tilespmem:$0x15C90] =	vst v8;
	v4 =	vmul.f32 v4, v54  }
0x3b5: {  	v31 =	vmul.f32 $8.000000000e+00, v17;
	v46 =	vld [tilespmem:$0xF980];
	v53 =	vadd.f32 v34, v49;
	v25 =	vmul.f32 v61, v57;
	[tilespmem:$0x15C80] =	vst v60  }
0x3b6: {  	v55 =	vmul.f32 $8.000000000e+00, v35;
	v50 =	vld [tilespmem:$0x9580];
	v37 =	vadd.f32 v40, v62;
	v58 =	vmul.f32 v51, v41;
	[tilespmem:$0x15D10] =	vst v4  }
0x3b7: {  	v45 =	vbroadcast v0, $0xE;
	v52 =	vld [tilespmem:$0xF990];
	v40 =	vadd.f32 v42, v63;
	v1 =	vmul.f32 v53, v54;
	[tilespmem:$0x15CA0] =	vst v25  }
0x3b8: {  	v56 =	vld [tilespmem:$0x9590];
	v42 =	vmul.f32 $8.000000000e+00, v44;
	v44 =	vadd.f32 v28, v38;
	v3 =	vmul.f32 v37, v57;
	[tilespmem:$0x15CF0] =	vst v58  }
0x3b9: {  	v59 =	vld [tilespmem:$0xF9A0];
	v60 =	vadd.f32 v11, v55;
	v61 =	vmul.f32 $8.000000000e+00, v36;
	v47 =	vmul.f32 v40, v41;
	[tilespmem:$0x15D00] =	vst v1  }
0x3ba: {  	v49 =	vld [tilespmem:$0xF9F0];
	v63 =	vmul.f32 $8.000000000e+00, v15;
	v48 =	vadd.f32 v30, v42;
	v6 =	vmul.f32 v44, v41;
	[tilespmem:$0x15CB0] =	vst v3  }
0x3bb: {  	v35 =	vmul.f32 $8.000000000e+00, v39;
	v39 =	vld [tilespmem:$0xF9D0];
	v2 =	vmul.f32 v60, v54;
	v26 =	vadd.f32 v12, v61;
	[tilespmem:$0x15CC0] =	vst v47  }
0x3bc: {  	v62 =	vld [tilespmem:$0x95A0];
	v29 =	vadd.f32 v16, v63;
	v30 =	vbroadcast v0, $0xD;
	v57 =	vmul.f32 v48, v41;
	[tilespmem:$0x15CD0] =	vst v6  }
0x3bd: {  	v34 =	vadd.f32 v10, v27;
	v28 =	vld [tilespmem:$0x95B0];
	v14 =	vmul.f32 $8.000000000e+00, v46;
	v33 =	vmul.f32 v26, v54;
	[tilespmem:$0x15D20] =	vst v2  }
0x3be: {  	v38 =	vadd.f32 v19, v31;
	v51 =	vmul.f32 $8.000000000e+00, v24;
	v46 =	vld [tilespmem:$0xF9E0];
	v37 =	vmul.f32 v29, v30;
	[tilespmem:$0x15CE0] =	vst v57  }
0x3bf: {  	v36 =	vld [tilespmem:$0x95C0];
	v42 =	vmul.f32 $8.000000000e+00, v52;
	v44 =	vadd.f32 v50, v14;
	v40 =	vmul.f32 v34, v30;
	[tilespmem:$0x15D30] =	vst v33  }
0x3c0: {  	v52 =	vld [tilespmem:$0x95E0];
	v7 =	vmul.f32 $8.000000000e+00, v59;
	v41 =	vadd.f32 v43, v35;
	v47 =	vmul.f32 v38, v30;
	[tilespmem:$0x15D40] =	vst v37  }
0x3c1: {  	v0 =	vbroadcast v0, $0xF;
	v43 =	vld [tilespmem:$0x95D0];
	v48 =	vadd.f32 v56, v42;
	v1 =	vmul.f32 v44, v45;
	[tilespmem:$0x15D50] =	vst v40  }
0x3c2: {  	v55 =	vld [tilespmem:$0x95F0];
	v54 =	vmul.f32 $8.000000000e+00, v32;
	v50 =	vadd.f32 v62, v7;
	v3 =	vmul.f32 v41, v30;
	[tilespmem:$0x15D60] =	vst v47  }
0x3c3: {  	v56 =	vadd.f32 v28, v51;
	v53 =	vmul.f32 v48, v45;
	v59 =	vmul.f32 $8.000000000e+00, v46;
	[tilespmem:$0x15D80] =	vst v1  }
0x3c4: {  	v57 =	vmul.f32 $8.000000000e+00, v39;
	v58 =	vadd.f32 v36, v54;
	v2 =	vmul.f32 v50, v45;
	[tilespmem:$0x15D70] =	vst v3  }
0x3c5: {  	v6 =	vmul.f32 $8.000000000e+00, v49;
	[tilespmem:$0x15D90] =	vst v53;
	v3 =	vmul.f32 v56, v45;
	v61 =	vadd.f32 v52, v59  }
0x3c6: {  	s28 =	sadd.s32 $0x1, s28;
	v1 =	vmul.f32 v58, v0;
	v60 =	vadd.f32 v43, v57;
	[tilespmem:$0x15DA0] =	vst v2  }
0x3c7: {  	p0 =	sne.s32 s28, $0x40;
	v62 =	vadd.f32 v55, v6;
	[tilespmem:$0x15DB0] =	vst v3;
	v63 =	vmul.f32 v61, v0  }
.Ltmp2:
0x3c8: {  	s0 =	sadd.s32 s4, s29;
	[tilespmem:$0x15DC0] =	vst v1;
	v4 =	vmul.f32 v60, v0;
	(pc) =	sbr.rel @p0 .LBB2_2-.Ltmp2, $4  }
0x3c9: {  	s0 =	sshll.u32 s0, $0x4;
	v0 =	vmul.f32 v62, v0;
	[tilespmem:$0x15DE0] =	vst v63  }
0x3ca: {  	s0 =	sand.u32 $0x1FFFFF80, s0;
	[tilespmem:$0x15DD0] =	vst v4  }
0x3cb: {  	s26 =	sadd.s32 $0x190, s26;
	s25 =	sadd.s32 $0x190, s25;
	s0 =	sadd.s32 s2, s0;
	[tilespmem:$0x15DF0] =	vst v0  }
0x3cc: {  	[hbm4b:s0+s18] =	stream.strided.scatter [tilespmem:s21], [sflag:$0x4], $0x3200, s11, s18, $0x38;
	[tilespmem:$0x15E00] =	vst v63  }
0x3cd: {  	s24 =	sadd.s32 $0x1, s24  }
0x3ce: {  	_ =	swait.ge [sflag:s22], $0x3200;
	p0 =	sne.s32 s24, s8  }
.Ltmp3:
0x3cf: {  	[sflag:s22] =	ssyncset.done $0x0;
	(pc) =	sbr.rel @p0 .LBB2_1-.Ltmp3, $4  }
0x3d0: {  	[sflag:s22] =	ssyncadd.s32 $0xFFFFCE00  }
0x3d1: {  	_ =	swait.ge [sflag:s23], $0x3200  }
0x3d2: {  	[sflag:s23] =	ssyncset.done $0x0  }
0x3d3: {  	[sflag:s23] =	ssyncadd.s32 $0xFFFFCE00  }
0x3d4: {  	_ =	sfence.sel $0x180000  }
0x3d5: {  	[bflag:$0x0] =	sbarrier.arrive $0xFFFF  }
0x3d6: {  	_ =	strace $0x90000047  }
0x3d7: {  	s0 =	stileid.u32;
	[bflag:$0x2] =	sbarrier.arrive $0xFFFF  }
0x3d8: {  	p0 =	sne.s32 s0, $0x0;
	s0 =	rddreg [dreg:$0x3]  }
0x3d9: {  	s0 =	sadd.s32 @!p0 $0x100000, s0  }
0x3da: {  	[sflag:s0] =	ssyncadd.tile.s32 @!p0 $0x1;
	_ =	shalt  }
.Lfunc_end2:
_tile_overlayer_lowered:
.L_overlay_start_2:
0x3db: {  	(tag) =	ssettag $0x2  }
0x3dc: {  	s0 =	rddreg [dreg:$0x0];
	s2 =	stileid.u32  }
0x3dd: {  	s1 =	rddreg [dreg:$0x1];
	p0 =	sne.s32 s2, $0x0  }
0x3de: {  	s3 =	rddreg [dreg:$0x2];
	[bflag:$0x3] =	sbarrier.arrive $0xFFFF;
	s2 =	simm.s32 @!p0 $0x1C05  }
0x3df: {  	[timem:s3], [sflag:s2] =	dma.local @!p0 [hbm:s0], s1  }
0x3e0: {  	s0 =	simm.s32 @!p0 $0x5  }
0x3e1: {  	_ =	swait.ge @!p0 [sflag:s0], s1  }
0x3e2: {  	s1 =	ssub.s32 @!p0 $0x0, s1;
	[sflag:s0] =	ssyncset.done @!p0 $0x0  }
0x3e3: {  	[sflag:s0] =	ssyncadd.s32 @!p0 s1  }
0x3e4: {  	[bflag:$0x3] =	sbarrier.arrive $0xFFFF  }
0x3e5: {  	_ =	shalt  }

</sc_bundles>
